<compile_context>
chip_gen: v7x
topology: tpu7x:2x2x1
jax: 0.10.2.dev20260603
libtpu: 0.0.44.dev20260713+nightly
codegen_flags: <defaults>
</compile_context>

<pallas_src>
import functools
import math

import jax
import jax.numpy as jnp
from jax import lax
from jax.experimental import pallas as pl
from jax.experimental.pallas import tpu as pltpu
from jax.experimental.pallas import tpu_sc as plsc

NCORES = 2
NSUB = 16
NW = NCORES * NSUB
LANES = 16
EPS = 1e-16

H = 8
KEY_DIM = 32
T1 = 40
GRP = 16
T2 = 128


def _mesh():
    return plsc.VectorSubcoreMesh(
        core_axis_name="c", subcore_axis_name="s",
        num_cores=NCORES, num_subcores=NSUB)


_CPARAMS = pltpu.CompilerParams(use_tc_tiling_on_sc=False,
                                needs_layout_passes=False)


@functools.partial(jax.jit, static_argnums=(4, 5))
def _sc_logits(q, k, er, rr, n_nodes, n_edges):
    N = n_nodes
    M = n_edges
    WPR = H * KEY_DIM // 2
    WPH = KEY_DIM // 2
    EPW = M // NW
    NCH = EPW // T1
    NPAIR = NCH // 2
    NGRP = NCH // GRP
    GTAIL = NCH - NGRP * GRP
    ZRA = (N // NSUB) & ~7
    ZLAST = N - ZRA * (NSUB - 1)
    scale = 1.0 / math.sqrt(float(KEY_DIM))

    def body(q_hbm, k_hbm, er_hbm, rr_hbm,
             p_hbm, part0_hbm, part1_hbm,
             e0a, e1a, ra, qbA, kbA, qbB, kbB, pb, denom,
             semA, semB, semf, semp):
        cid = lax.axis_index("c")
        sid = lax.axis_index("s")
        w = cid * NSUB + sid
        q0_hbm, q1_hbm = q_hbm.at[0], q_hbm.at[1]
        k0_hbm, k1_hbm = k_hbm.at[0], k_hbm.at[1]
        lane = lax.iota(jnp.int32, LANES)
        crow = (lane >> 3) * T1
        cols = [(lane & 7) * WPH + ((lane + j) & (WPH - 1))
                for j in range(WPH)]
        himask = jnp.full((LANES,), -65536, jnp.int32)

        pltpu.sync_copy(er_hbm.at[0, w], e0a)
        pltpu.sync_copy(er_hbm.at[1, w], e1a)
        pltpu.sync_copy(rr_hbm.at[w], ra)

        def zrow(i, carry):
            pb[i, :] = jnp.zeros((LANES,), jnp.float32)
            return carry
        lax.fori_loop(0, ZLAST, zrow, 0)

        @pl.when(sid < NSUB - 1)
        def _():
            pltpu.sync_copy(pb.at[pl.ds(0, ZRA)], denom.at[pl.ds(sid * ZRA, ZRA)])

        @pl.when(sid == NSUB - 1)
        def _():
            pltpu.sync_copy(pb, denom.at[pl.ds((NSUB - 1) * ZRA, ZLAST)])

        plsc.subcore_barrier()

        def g4(c, qbx, kbx, sem):
            i0 = e0a.at[c]
            i1 = e1a.at[c]
            return [
                pltpu.make_async_copy(q0_hbm.at[i0], qbx.at[pl.ds(0, T1)], sem),
                pltpu.make_async_copy(q1_hbm.at[i0], qbx.at[pl.ds(T1, T1)], sem),
                pltpu.make_async_copy(k0_hbm.at[i1], kbx.at[pl.ds(0, T1)], sem),
                pltpu.make_async_copy(k1_hbm.at[i1], kbx.at[pl.ds(T1, T1)], sem),
            ]

        def issue(c, qbx, kbx, sem):
            for d in g4(c, qbx, kbx, sem):
                d.start()

        def wait(c, qbx, kbx, sem):
            for d in g4(c, qbx, kbx, sem):
                d.wait()

        def compute(c, qbx, kbx):
            slot = lax.rem(c, GRP) * T1

            def edge(m, carry):
                rowv = crow + m
                acc = jnp.zeros((LANES,), jnp.float32)
                for j in range(WPH):
                    qw = plsc.load_gather(qbx, [rowv, cols[j]])
                    kw = plsc.load_gather(kbx, [rowv, cols[j]])
                    qe = plsc.bitcast(qw << 16, jnp.float32)
                    ke = plsc.bitcast(kw << 16, jnp.float32)
                    qo = plsc.bitcast(qw & himask, jnp.float32)
                    ko = plsc.bitcast(kw & himask, jnp.float32)
                    acc = acc + qe * ke + qo * ko
                pb[slot + m, :] = jnp.exp(acc * scale)
                return carry
            lax.fori_loop(0, T1, edge, 0)

        def flush(c_last, nch):
            gbase = w * EPW + (c_last - (nch - 1)) * T1
            ds = [pltpu.make_async_copy(
                pb.at[pl.ds(0, nch * T1)],
                p_hbm.at[pl.ds(gbase, nch * T1)], semp)]
            ds[0].start()
            for cc in range(nch):
                d = pltpu.async_copy(
                    pb.at[pl.ds(cc * T1, T1)],
                    denom.at[ra.at[c_last - (nch - 1) + cc]],
                    semf, add=True)
                ds.append(d)
            for d in ds:
                d.wait()

        issue(0, qbA, kbA, semA)

        def pair(i, carry):
            cA = i * 2
            wait(cA, qbA, kbA, semA)
            issue(cA + 1, qbB, kbB, semB)
            compute(cA, qbA, kbA)

            cB = cA + 1
            wait(cB, qbB, kbB, semB)

            @pl.when(cB + 1 < NCH)
            def _():
                issue(cB + 1, qbA, kbA, semA)
            compute(cB, qbB, kbB)

            @pl.when(lax.rem(cB, GRP) == GRP - 1)
            def _():
                flush(cB, GRP)
            return carry
        lax.fori_loop(0, NPAIR, pair, 0)

        cE = NCH - 1
        wait(cE, qbA, kbA, semA)
        compute(cE, qbA, kbA)
        flush(cE, GTAIL)

        plsc.subcore_barrier()

        def copy_out(off, rows):
            pltpu.sync_copy(denom.at[pl.ds(off, rows)], pb.at[pl.ds(0, rows)])

            @pl.when(cid == 0)
            def _():
                pltpu.sync_copy(pb.at[pl.ds(0, rows)],
                                part0_hbm.at[pl.ds(off, rows)])

            @pl.when(cid == 1)
            def _():
                pltpu.sync_copy(pb.at[pl.ds(0, rows)],
                                part1_hbm.at[pl.ds(off, rows)])

        @pl.when(sid < NSUB - 1)
        def _():
            copy_out(sid * ZRA, ZRA)

        @pl.when(sid == NSUB - 1)
        def _():
            copy_out((NSUB - 1) * ZRA, ZLAST)

    f = pl.kernel(
        body,
        out_type=[
            jax.ShapeDtypeStruct((M, LANES), jnp.float32),
            jax.ShapeDtypeStruct((N, LANES), jnp.float32),
            jax.ShapeDtypeStruct((N, LANES), jnp.float32),
        ],
        mesh=_mesh(),
        compiler_params=_CPARAMS,
        scratch_types=[
            pltpu.VMEM((NCH, T1), jnp.int32),
            pltpu.VMEM((NCH, T1), jnp.int32),
            pltpu.VMEM((NCH, T1), jnp.int32),
            pltpu.VMEM((2 * T1, WPR), jnp.int32),
            pltpu.VMEM((2 * T1, WPR), jnp.int32),
            pltpu.VMEM((2 * T1, WPR), jnp.int32),
            pltpu.VMEM((2 * T1, WPR), jnp.int32),
            pltpu.VMEM((GRP * T1, LANES), jnp.float32),
            pltpu.VMEM_SHARED((N, LANES), jnp.float32),
            pltpu.SemaphoreType.DMA,
            pltpu.SemaphoreType.DMA,
            pltpu.SemaphoreType.DMA,
            pltpu.SemaphoreType.DMA,
        ],
    )
    return f(q, k, er, rr)


@functools.partial(jax.jit, static_argnums=(5, 6))
def _sc_normalize(p2d, part0, part1, rfull, rtail, n_nodes, n_edges):
    M = n_edges
    EPW = M // NW
    NFULL = EPW // T2
    TAIL = EPW - NFULL * T2
    NPAIR = NFULL // 2

    def body(p_hbm, d0_hbm, d1_hbm, rf_hbm, rt_hbm, o_hbm,
             ra, rat, pbA, g0A, g1A, pbB, g0B, g1B, obx,
             semA, semB, sempA, sempB, semw):
        cid = lax.axis_index("c")
        sid = lax.axis_index("s")
        w = cid * NSUB + sid
        lane = lax.iota(jnp.int32, LANES)
        cb = lane >> 3
        cpos = lane & 7

        pltpu.sync_copy(rf_hbm.at[w], ra)
        pltpu.sync_copy(rt_hbm.at[w], rat)

        def g3(c, tc, rx, pbx, g0x, g1x, sem, semp):
            base = w * EPW + c * T2
            return [
                pltpu.make_async_copy(
                    p_hbm.at[pl.ds(base, tc)], pbx.at[pl.ds(0, tc)], semp),
                pltpu.make_async_copy(d0_hbm.at[rx], g0x.at[pl.ds(0, tc)], sem),
                pltpu.make_async_copy(d1_hbm.at[rx], g1x.at[pl.ds(0, tc)], sem),
            ]

        def issue(*a):
            for d in g3(*a):
                d.start()

        def wait(*a):
            for d in g3(*a):
                d.wait()

        def compute(c, tc, pbx, g0x, g1x):
            def row(t, carry):
                v = pbx[t, :] / (g0x[t, :] + g1x[t, :] + EPS)
                rowi = jnp.full((LANES,), c * T2 + t, jnp.int32)
                plsc.store_scatter(obx, [cb, rowi, cpos], v)
                return carry
            lax.fori_loop(0, tc, row, 0)

        argsA = (pbA, g0A, g1A, semA, sempA)
        argsB = (pbB, g0B, g1B, semB, sempB)

        issue(0, T2, ra.at[0], *argsA)

        def pair(i, carry):
            cA = i * 2
            wait(cA, T2, ra.at[cA], *argsA)
            issue(cA + 1, T2, ra.at[cA + 1], *argsB)
            compute(cA, T2, pbA, g0A, g1A)

            cB = cA + 1
            wait(cB, T2, ra.at[cB], *argsB)

            @pl.when(cB + 1 < NFULL)
            def _():
                issue(cB + 1, T2, ra.at[cB + 1], *argsA)
            compute(cB, T2, pbB, g0B, g1B)
            return carry
        lax.fori_loop(0, NPAIR, pair, 0)

        cE = NFULL - 1
        wait(cE, T2, ra.at[cE], *argsA)
        compute(cE, T2, pbA, g0A, g1A)
        if TAIL:
            issue(NFULL, TAIL, rat, *argsB)
            wait(NFULL, TAIL, rat, *argsB)
            compute(NFULL, TAIL, pbB, g0B, g1B)

        obase = w * EPW
        ds = [
            pltpu.make_async_copy(obx.at[0], o_hbm.at[0].at[pl.ds(obase, EPW)], semw),
            pltpu.make_async_copy(obx.at[1], o_hbm.at[1].at[pl.ds(obase, EPW)], semw),
        ]
        for d in ds:
            d.start()
        for d in ds:
            d.wait()

    f = pl.kernel(
        body,
        out_type=jax.ShapeDtypeStruct((2, M, H), jnp.float32),
        mesh=_mesh(),
        compiler_params=_CPARAMS,
        scratch_types=[
            pltpu.VMEM((NFULL, T2), jnp.int32),
            pltpu.VMEM((max(TAIL, 8),), jnp.int32),
            pltpu.VMEM((T2, LANES), jnp.float32),
            pltpu.VMEM((T2, LANES), jnp.float32),
            pltpu.VMEM((T2, LANES), jnp.float32),
            pltpu.VMEM((T2, LANES), jnp.float32),
            pltpu.VMEM((T2, LANES), jnp.float32),
            pltpu.VMEM((T2, LANES), jnp.float32),
            pltpu.VMEM((2, M // NW, H), jnp.float32),
            pltpu.SemaphoreType.DMA,
            pltpu.SemaphoreType.DMA,
            pltpu.SemaphoreType.DMA,
            pltpu.SemaphoreType.DMA,
            pltpu.SemaphoreType.DMA,
        ],
    )
    return f(p2d, part0, part1, rfull, rtail)



def kernel(q, k, e, r):
    B, N, D = q.shape
    M = e.shape[1]
    EPW = M // NW
    assert B == 2 and D == H * KEY_DIM
    assert M % NW == 0 and EPW % T1 == 0

    er = e.reshape(2, NW, EPW // T1, T1)
    rr = r.reshape(NW, EPW // T1, T1)
    rw = r.reshape(NW, EPW)
    nfull = EPW // T2
    rfull = rw[:, :nfull * T2].reshape(NW, nfull, T2)
    rtail = rw[:, nfull * T2:]

    def pack(x):
        xb = x.astype(jnp.bfloat16).reshape(B, N, H, KEY_DIM)
        lo = lax.bitcast_convert_type(xb[..., : KEY_DIM // 2], jnp.uint16)
        hi = lax.bitcast_convert_type(xb[..., KEY_DIM // 2 :], jnp.uint16)
        w = lo.astype(jnp.uint32) | (hi.astype(jnp.uint32) << 16)
        return lax.bitcast_convert_type(w, jnp.int32).reshape(B, N, D // 2)

    p2d, part0, part1 = _sc_logits(pack(q), pack(k), er, rr, N, M)
    return _sc_normalize(p2d, part0, part1, rfull, rtail, N, M)

# --- scband reference (transcript-rebuilt; emitter-appended) ---
"""Pipeline reference for scband-sparse-multihead-attention-70944269795742 (READ-ONLY COPY).

The authoritative reference and input builder live on the scoring server;
editing this copy changes nothing except your own understanding.
"""

import jax, jax.numpy as jnp
import numpy as np

B, N, M, D, H = 2, 10000, 160000, 256, 8
KEY_DIM = 32
EPS = 1e-16


def setup_inputs(seed: int = 0) -> dict:
    key = jax.random.key(seed)
    k1, k2, k3, k4 = jax.random.split(key, 4)
    q = jax.random.normal(k1, (B, N, D), dtype=jnp.float32)
    k = jax.random.normal(k2, (B, N, D), dtype=jnp.float32)
    e = jax.random.randint(k3, (2, M), 0, N, dtype=jnp.int32)
    r = jnp.sort(jax.random.randint(k4, (M,), 0, N, dtype=jnp.int32))
    return {"q": q, "k": k, "e": e, "r": r}


def reference(q, k, e, r):
    # head-assignment buffer h: dim index -> head index
    h = jnp.arange(D, dtype=jnp.int32) // (D // H)

    # sparse_multihead_attention
    src_q = q[:, e[0, :], :]            # (B, M, D) gather
    dst_k = k[:, e[1, :], :]            # (B, M, D) gather
    a_e = src_q * dst_k                 # (B, M, D)
    # scatter_sum over dim=2 with index h -> (B, M, H)
    a_t = jnp.moveaxis(a_e, 2, 0)       # (D, B, M)
    a_sum = jax.ops.segment_sum(a_t, h, num_segments=H)  # (H, B, M)
    a_values = jnp.moveaxis(a_sum, 0, 2) / float(np.sqrt(KEY_DIM))  # (B, M, H)

    # sparse_multihead_softmax over segments defined by r
    values = a_values - a_values.max()
    exp_logits = jnp.exp(values)        # (B, M, H)
    ex_t = jnp.moveaxis(exp_logits, 1, 0)  # (M, B, H)
    seg = jax.ops.segment_sum(ex_t, r, num_segments=N)  # (N, B, H)
    exp_logits_sum = jnp.moveaxis(seg[r], 0, 1)  # (B, M, H) gather back
    return exp_logits / (exp_logits_sum + EPS)

if __name__ == "__main__":
    import jax
    _d = setup_inputs()
    print(jax.jit(kernel)(*tuple(_d.values())))

</pallas_src>

<mosaic_0001>
#map = affine_map<(d0, d1) -> (0, 0, 0)>
#map1 = affine_map<(d0, d1) -> (0, 0, 0, 0)>
#map2 = affine_map<(d0, d1) -> (0, 0)>
module attributes {stable_mosaic.version = 14 : i64} {
  func.func @body(%arg0: i32, %arg1: i32, %arg2: memref<2x10000x128xi32, #tpu.memory_space<hbm>>, %arg3: memref<2x10000x128xi32, #tpu.memory_space<hbm>>, %arg4: memref<2x32x125x40xi32, #tpu.memory_space<hbm>>, %arg5: memref<32x125x40xi32, #tpu.memory_space<hbm>>, %arg6: memref<160000x16xf32, #tpu.memory_space<hbm>>, %arg7: memref<10000x16xf32, #tpu.memory_space<hbm>>, %arg8: memref<10000x16xf32, #tpu.memory_space<hbm>>, %arg9: memref<125x40xi32, #tpu.memory_space<vmem>>, %arg10: memref<125x40xi32, #tpu.memory_space<vmem>>, %arg11: memref<125x40xi32, #tpu.memory_space<vmem>>, %arg12: memref<80x128xi32, #tpu.memory_space<vmem>>, %arg13: memref<80x128xi32, #tpu.memory_space<vmem>>, %arg14: memref<80x128xi32, #tpu.memory_space<vmem>>, %arg15: memref<80x128xi32, #tpu.memory_space<vmem>>, %arg16: memref<640x16xf32, #tpu.memory_space<vmem>>, %arg17: memref<10000x16xf32, #tpu.memory_space<vmem_shared>>, %arg18: memref<!tpu.dma_semaphore, #tpu.memory_space<semaphore_mem>>, %arg19: memref<!tpu.dma_semaphore, #tpu.memory_space<semaphore_mem>>, %arg20: memref<!tpu.dma_semaphore, #tpu.memory_space<semaphore_mem>>, %arg21: memref<!tpu.dma_semaphore, #tpu.memory_space<semaphore_mem>>) attributes {dimension_semantics = [#tpu.dimension_semantics<core_parallel>, #tpu.dimension_semantics<subcore_parallel>], iteration_bounds = array<i64: 2, 16>, scalar_prefetch = 0 : i64, scratch_operands = 13 : i64, tpu.core_type = #tpu.core_type<sc_vector_subcore>, window_params = [{transform_indices = #map}, {transform_indices = #map}, {transform_indices = #map1}, {transform_indices = #map}, {transform_indices = #map2}, {transform_indices = #map2}, {transform_indices = #map2}]} {
    %mul3A = arith.constant 16 : i32
    %mul3A_0 = arith.muli %arg0, %mul3A : i32
    %add3A = arith.addi %mul3A_0, %arg1 : i32
    %iota3A = tpu.iota {dimensions = array<i32: 0>} : vector<16xi32>
    %shift_right_arithmetic3A = arith.constant 3 : i32
    %shift_right_arithmetic3A_1 = vector.broadcast %shift_right_arithmetic3A : i32 to vector<16xi32>
    %shift_right_arithmetic3A_2 = arith.shrsi %iota3A, %shift_right_arithmetic3A_1 : vector<16xi32>
    %mul3A_3 = arith.constant 40 : i32
    %mul3A_4 = vector.broadcast %mul3A_3 : i32 to vector<16xi32>
    %mul3A_5 = arith.muli %shift_right_arithmetic3A_2, %mul3A_4 : vector<16xi32>
    %and3A = arith.constant 7 : i32
    %and3A_6 = vector.broadcast %and3A : i32 to vector<16xi32>
    %and3A_7 = arith.andi %iota3A, %and3A_6 : vector<16xi32>
    %mul3A_8 = arith.constant 16 : i32
    %mul3A_9 = vector.broadcast %mul3A_8 : i32 to vector<16xi32>
    %mul3A_10 = arith.muli %and3A_7, %mul3A_9 : vector<16xi32>
    %add3A_11 = arith.constant 0 : i32
    %add3A_12 = vector.broadcast %add3A_11 : i32 to vector<16xi32>
    %add3A_13 = arith.addi %iota3A, %add3A_12 : vector<16xi32>
    %and3A_14 = arith.constant 15 : i32
    %and3A_15 = vector.broadcast %and3A_14 : i32 to vector<16xi32>
    %and3A_16 = arith.andi %add3A_13, %and3A_15 : vector<16xi32>
    %add3A_17 = arith.addi %mul3A_10, %and3A_16 : vector<16xi32>
    %and3A_18 = arith.constant 7 : i32
    %and3A_19 = vector.broadcast %and3A_18 : i32 to vector<16xi32>
    %and3A_20 = arith.andi %iota3A, %and3A_19 : vector<16xi32>
    %mul3A_21 = arith.constant 16 : i32
    %mul3A_22 = vector.broadcast %mul3A_21 : i32 to vector<16xi32>
    %mul3A_23 = arith.muli %and3A_20, %mul3A_22 : vector<16xi32>
    %add3A_24 = arith.constant 1 : i32
    %add3A_25 = vector.broadcast %add3A_24 : i32 to vector<16xi32>
    %add3A_26 = arith.addi %iota3A, %add3A_25 : vector<16xi32>
    %and3A_27 = arith.constant 15 : i32
    %and3A_28 = vector.broadcast %and3A_27 : i32 to vector<16xi32>
    %and3A_29 = arith.andi %add3A_26, %and3A_28 : vector<16xi32>
    %add3A_30 = arith.addi %mul3A_23, %and3A_29 : vector<16xi32>
    %and3A_31 = arith.constant 7 : i32
    %and3A_32 = vector.broadcast %and3A_31 : i32 to vector<16xi32>
    %and3A_33 = arith.andi %iota3A, %and3A_32 : vector<16xi32>
    %mul3A_34 = arith.constant 16 : i32
    %mul3A_35 = vector.broadcast %mul3A_34 : i32 to vector<16xi32>
    %mul3A_36 = arith.muli %and3A_33, %mul3A_35 : vector<16xi32>
    %add3A_37 = arith.constant 2 : i32
    %add3A_38 = vector.broadcast %add3A_37 : i32 to vector<16xi32>
    %add3A_39 = arith.addi %iota3A, %add3A_38 : vector<16xi32>
    %and3A_40 = arith.constant 15 : i32
    %and3A_41 = vector.broadcast %and3A_40 : i32 to vector<16xi32>
    %and3A_42 = arith.andi %add3A_39, %and3A_41 : vector<16xi32>
    %add3A_43 = arith.addi %mul3A_36, %and3A_42 : vector<16xi32>
    %and3A_44 = arith.constant 7 : i32
    %and3A_45 = vector.broadcast %and3A_44 : i32 to vector<16xi32>
    %and3A_46 = arith.andi %iota3A, %and3A_45 : vector<16xi32>
    %mul3A_47 = arith.constant 16 : i32
    %mul3A_48 = vector.broadcast %mul3A_47 : i32 to vector<16xi32>
    %mul3A_49 = arith.muli %and3A_46, %mul3A_48 : vector<16xi32>
    %add3A_50 = arith.constant 3 : i32
    %add3A_51 = vector.broadcast %add3A_50 : i32 to vector<16xi32>
    %add3A_52 = arith.addi %iota3A, %add3A_51 : vector<16xi32>
    %and3A_53 = arith.constant 15 : i32
    %and3A_54 = vector.broadcast %and3A_53 : i32 to vector<16xi32>
    %and3A_55 = arith.andi %add3A_52, %and3A_54 : vector<16xi32>
    %add3A_56 = arith.addi %mul3A_49, %and3A_55 : vector<16xi32>
    %and3A_57 = arith.constant 7 : i32
    %and3A_58 = vector.broadcast %and3A_57 : i32 to vector<16xi32>
    %and3A_59 = arith.andi %iota3A, %and3A_58 : vector<16xi32>
    %mul3A_60 = arith.constant 16 : i32
    %mul3A_61 = vector.broadcast %mul3A_60 : i32 to vector<16xi32>
    %mul3A_62 = arith.muli %and3A_59, %mul3A_61 : vector<16xi32>
    %add3A_63 = arith.constant 4 : i32
    %add3A_64 = vector.broadcast %add3A_63 : i32 to vector<16xi32>
    %add3A_65 = arith.addi %iota3A, %add3A_64 : vector<16xi32>
    %and3A_66 = arith.constant 15 : i32
    %and3A_67 = vector.broadcast %and3A_66 : i32 to vector<16xi32>
    %and3A_68 = arith.andi %add3A_65, %and3A_67 : vector<16xi32>
    %add3A_69 = arith.addi %mul3A_62, %and3A_68 : vector<16xi32>
    %and3A_70 = arith.constant 7 : i32
    %and3A_71 = vector.broadcast %and3A_70 : i32 to vector<16xi32>
    %and3A_72 = arith.andi %iota3A, %and3A_71 : vector<16xi32>
    %mul3A_73 = arith.constant 16 : i32
    %mul3A_74 = vector.broadcast %mul3A_73 : i32 to vector<16xi32>
    %mul3A_75 = arith.muli %and3A_72, %mul3A_74 : vector<16xi32>
    %add3A_76 = arith.constant 5 : i32
    %add3A_77 = vector.broadcast %add3A_76 : i32 to vector<16xi32>
    %add3A_78 = arith.addi %iota3A, %add3A_77 : vector<16xi32>
    %and3A_79 = arith.constant 15 : i32
    %and3A_80 = vector.broadcast %and3A_79 : i32 to vector<16xi32>
    %and3A_81 = arith.andi %add3A_78, %and3A_80 : vector<16xi32>
    %add3A_82 = arith.addi %mul3A_75, %and3A_81 : vector<16xi32>
    %and3A_83 = arith.constant 7 : i32
    %and3A_84 = vector.broadcast %and3A_83 : i32 to vector<16xi32>
    %and3A_85 = arith.andi %iota3A, %and3A_84 : vector<16xi32>
    %mul3A_86 = arith.constant 16 : i32
    %mul3A_87 = vector.broadcast %mul3A_86 : i32 to vector<16xi32>
    %mul3A_88 = arith.muli %and3A_85, %mul3A_87 : vector<16xi32>
    %add3A_89 = arith.constant 6 : i32
    %add3A_90 = vector.broadcast %add3A_89 : i32 to vector<16xi32>
    %add3A_91 = arith.addi %iota3A, %add3A_90 : vector<16xi32>
    %and3A_92 = arith.constant 15 : i32
    %and3A_93 = vector.broadcast %and3A_92 : i32 to vector<16xi32>
    %and3A_94 = arith.andi %add3A_91, %and3A_93 : vector<16xi32>
    %add3A_95 = arith.addi %mul3A_88, %and3A_94 : vector<16xi32>
    %and3A_96 = arith.constant 7 : i32
    %and3A_97 = vector.broadcast %and3A_96 : i32 to vector<16xi32>
    %and3A_98 = arith.andi %iota3A, %and3A_97 : vector<16xi32>
    %mul3A_99 = arith.constant 16 : i32
    %mul3A_100 = vector.broadcast %mul3A_99 : i32 to vector<16xi32>
    %mul3A_101 = arith.muli %and3A_98, %mul3A_100 : vector<16xi32>
    %add3A_102 = arith.constant 7 : i32
    %add3A_103 = vector.broadcast %add3A_102 : i32 to vector<16xi32>
    %add3A_104 = arith.addi %iota3A, %add3A_103 : vector<16xi32>
    %and3A_105 = arith.constant 15 : i32
    %and3A_106 = vector.broadcast %and3A_105 : i32 to vector<16xi32>
    %and3A_107 = arith.andi %add3A_104, %and3A_106 : vector<16xi32>
    %add3A_108 = arith.addi %mul3A_101, %and3A_107 : vector<16xi32>
    %and3A_109 = arith.constant 7 : i32
    %and3A_110 = vector.broadcast %and3A_109 : i32 to vector<16xi32>
    %and3A_111 = arith.andi %iota3A, %and3A_110 : vector<16xi32>
    %mul3A_112 = arith.constant 16 : i32
    %mul3A_113 = vector.broadcast %mul3A_112 : i32 to vector<16xi32>
    %mul3A_114 = arith.muli %and3A_111, %mul3A_113 : vector<16xi32>
    %add3A_115 = arith.constant 8 : i32
    %add3A_116 = vector.broadcast %add3A_115 : i32 to vector<16xi32>
    %add3A_117 = arith.addi %iota3A, %add3A_116 : vector<16xi32>
    %and3A_118 = arith.constant 15 : i32
    %and3A_119 = vector.broadcast %and3A_118 : i32 to vector<16xi32>
    %and3A_120 = arith.andi %add3A_117, %and3A_119 : vector<16xi32>
    %add3A_121 = arith.addi %mul3A_114, %and3A_120 : vector<16xi32>
    %and3A_122 = arith.constant 7 : i32
    %and3A_123 = vector.broadcast %and3A_122 : i32 to vector<16xi32>
    %and3A_124 = arith.andi %iota3A, %and3A_123 : vector<16xi32>
    %mul3A_125 = arith.constant 16 : i32
    %mul3A_126 = vector.broadcast %mul3A_125 : i32 to vector<16xi32>
    %mul3A_127 = arith.muli %and3A_124, %mul3A_126 : vector<16xi32>
    %add3A_128 = arith.constant 9 : i32
    %add3A_129 = vector.broadcast %add3A_128 : i32 to vector<16xi32>
    %add3A_130 = arith.addi %iota3A, %add3A_129 : vector<16xi32>
    %and3A_131 = arith.constant 15 : i32
    %and3A_132 = vector.broadcast %and3A_131 : i32 to vector<16xi32>
    %and3A_133 = arith.andi %add3A_130, %and3A_132 : vector<16xi32>
    %add3A_134 = arith.addi %mul3A_127, %and3A_133 : vector<16xi32>
    %and3A_135 = arith.constant 7 : i32
    %and3A_136 = vector.broadcast %and3A_135 : i32 to vector<16xi32>
    %and3A_137 = arith.andi %iota3A, %and3A_136 : vector<16xi32>
    %mul3A_138 = arith.constant 16 : i32
    %mul3A_139 = vector.broadcast %mul3A_138 : i32 to vector<16xi32>
    %mul3A_140 = arith.muli %and3A_137, %mul3A_139 : vector<16xi32>
    %add3A_141 = arith.constant 10 : i32
    %add3A_142 = vector.broadcast %add3A_141 : i32 to vector<16xi32>
    %add3A_143 = arith.addi %iota3A, %add3A_142 : vector<16xi32>
    %and3A_144 = arith.constant 15 : i32
    %and3A_145 = vector.broadcast %and3A_144 : i32 to vector<16xi32>
    %and3A_146 = arith.andi %add3A_143, %and3A_145 : vector<16xi32>
    %add3A_147 = arith.addi %mul3A_140, %and3A_146 : vector<16xi32>
    %and3A_148 = arith.constant 7 : i32
    %and3A_149 = vector.broadcast %and3A_148 : i32 to vector<16xi32>
    %and3A_150 = arith.andi %iota3A, %and3A_149 : vector<16xi32>
    %mul3A_151 = arith.constant 16 : i32
    %mul3A_152 = vector.broadcast %mul3A_151 : i32 to vector<16xi32>
    %mul3A_153 = arith.muli %and3A_150, %mul3A_152 : vector<16xi32>
    %add3A_154 = arith.constant 11 : i32
    %add3A_155 = vector.broadcast %add3A_154 : i32 to vector<16xi32>
    %add3A_156 = arith.addi %iota3A, %add3A_155 : vector<16xi32>
    %and3A_157 = arith.constant 15 : i32
    %and3A_158 = vector.broadcast %and3A_157 : i32 to vector<16xi32>
    %and3A_159 = arith.andi %add3A_156, %and3A_158 : vector<16xi32>
    %add3A_160 = arith.addi %mul3A_153, %and3A_159 : vector<16xi32>
    %and3A_161 = arith.constant 7 : i32
    %and3A_162 = vector.broadcast %and3A_161 : i32 to vector<16xi32>
    %and3A_163 = arith.andi %iota3A, %and3A_162 : vector<16xi32>
    %mul3A_164 = arith.constant 16 : i32
    %mul3A_165 = vector.broadcast %mul3A_164 : i32 to vector<16xi32>
    %mul3A_166 = arith.muli %and3A_163, %mul3A_165 : vector<16xi32>
    %add3A_167 = arith.constant 12 : i32
    %add3A_168 = vector.broadcast %add3A_167 : i32 to vector<16xi32>
    %add3A_169 = arith.addi %iota3A, %add3A_168 : vector<16xi32>
    %and3A_170 = arith.constant 15 : i32
    %and3A_171 = vector.broadcast %and3A_170 : i32 to vector<16xi32>
    %and3A_172 = arith.andi %add3A_169, %and3A_171 : vector<16xi32>
    %add3A_173 = arith.addi %mul3A_166, %and3A_172 : vector<16xi32>
    %and3A_174 = arith.constant 7 : i32
    %and3A_175 = vector.broadcast %and3A_174 : i32 to vector<16xi32>
    %and3A_176 = arith.andi %iota3A, %and3A_175 : vector<16xi32>
    %mul3A_177 = arith.constant 16 : i32
    %mul3A_178 = vector.broadcast %mul3A_177 : i32 to vector<16xi32>
    %mul3A_179 = arith.muli %and3A_176, %mul3A_178 : vector<16xi32>
    %add3A_180 = arith.constant 13 : i32
    %add3A_181 = vector.broadcast %add3A_180 : i32 to vector<16xi32>
    %add3A_182 = arith.addi %iota3A, %add3A_181 : vector<16xi32>
    %and3A_183 = arith.constant 15 : i32
    %and3A_184 = vector.broadcast %and3A_183 : i32 to vector<16xi32>
    %and3A_185 = arith.andi %add3A_182, %and3A_184 : vector<16xi32>
    %add3A_186 = arith.addi %mul3A_179, %and3A_185 : vector<16xi32>
    %and3A_187 = arith.constant 7 : i32
    %and3A_188 = vector.broadcast %and3A_187 : i32 to vector<16xi32>
    %and3A_189 = arith.andi %iota3A, %and3A_188 : vector<16xi32>
    %mul3A_190 = arith.constant 16 : i32
    %mul3A_191 = vector.broadcast %mul3A_190 : i32 to vector<16xi32>
    %mul3A_192 = arith.muli %and3A_189, %mul3A_191 : vector<16xi32>
    %add3A_193 = arith.constant 14 : i32
    %add3A_194 = vector.broadcast %add3A_193 : i32 to vector<16xi32>
    %add3A_195 = arith.addi %iota3A, %add3A_194 : vector<16xi32>
    %and3A_196 = arith.constant 15 : i32
    %and3A_197 = vector.broadcast %and3A_196 : i32 to vector<16xi32>
    %and3A_198 = arith.andi %add3A_195, %and3A_197 : vector<16xi32>
    %add3A_199 = arith.addi %mul3A_192, %and3A_198 : vector<16xi32>
    %and3A_200 = arith.constant 7 : i32
    %and3A_201 = vector.broadcast %and3A_200 : i32 to vector<16xi32>
    %and3A_202 = arith.andi %iota3A, %and3A_201 : vector<16xi32>
    %mul3A_203 = arith.constant 16 : i32
    %mul3A_204 = vector.broadcast %mul3A_203 : i32 to vector<16xi32>
    %mul3A_205 = arith.muli %and3A_202, %mul3A_204 : vector<16xi32>
    %add3A_206 = arith.constant 15 : i32
    %add3A_207 = vector.broadcast %add3A_206 : i32 to vector<16xi32>
    %add3A_208 = arith.addi %iota3A, %add3A_207 : vector<16xi32>
    %and3A_209 = arith.constant 15 : i32
    %and3A_210 = vector.broadcast %and3A_209 : i32 to vector<16xi32>
    %and3A_211 = arith.andi %add3A_208, %and3A_210 : vector<16xi32>
    %add3A_212 = arith.addi %mul3A_205, %and3A_211 : vector<16xi32>
    %broadcast_in_dim3A = arith.constant -65536 : i32
    %broadcast_in_dim3A_213 = vector.broadcast %broadcast_in_dim3A : i32 to vector<16xi32>
    %run_scoped3A = arith.constant 0 : i32
    "tpu.region"() ({
      %run_scoped3A_659 = tpu.sem_alloc : memref<!tpu.dma_semaphore, #tpu.memory_space<semaphore_mem>>
      %dma_start3A_660 = arith.constant 0 : i32
      %dma_start3A_661 = arith.constant 0 : i32
      %dma_start3A_662 = tpu.memref_slice %arg4[%run_scoped3A, %add3A, %dma_start3A_660, %dma_start3A_661] : memref<2x32x125x40xi32, #tpu.memory_space<hbm>> -> memref<1x1x125x40xi32, #tpu.memory_space<hbm>>
      %dma_start3A_663 = tpu.memref_squeeze %dma_start3A_662 : memref<1x1x125x40xi32, #tpu.memory_space<hbm>> -> memref<125x40xi32, #tpu.memory_space<hbm>>
      %dma_start3A_664 = arith.constant 0 : i32
      %dma_start3A_665 = arith.constant 0 : i32
      %dma_start3A_666 = tpu.memref_slice %arg4[%run_scoped3A, %add3A, %dma_start3A_664, %dma_start3A_665] : memref<2x32x125x40xi32, #tpu.memory_space<hbm>> -> memref<1x1x125x40xi32, #tpu.memory_space<hbm>>
      %dma_start3A_667 = tpu.memref_squeeze %dma_start3A_666 : memref<1x1x125x40xi32, #tpu.memory_space<hbm>> -> memref<125x40xi32, #tpu.memory_space<hbm>>
      tpu.enqueue_dma source(%dma_start3A_667 : memref<125x40xi32, #tpu.memory_space<hbm>>) target(%arg9 : memref<125x40xi32, #tpu.memory_space<vmem>>) target_semaphore(%run_scoped3A_659 : memref<!tpu.dma_semaphore, #tpu.memory_space<semaphore_mem>>)
      %dma_wait3A_668 = arith.constant 0 : i32
      %dma_wait3A_669 = arith.constant 0 : i32
      %dma_wait3A_670 = tpu.memref_slice %arg4[%run_scoped3A, %add3A, %dma_wait3A_668, %dma_wait3A_669] : memref<2x32x125x40xi32, #tpu.memory_space<hbm>> -> memref<1x1x125x40xi32, #tpu.memory_space<hbm>>
      %dma_wait3A_671 = tpu.memref_squeeze %dma_wait3A_670 : memref<1x1x125x40xi32, #tpu.memory_space<hbm>> -> memref<125x40xi32, #tpu.memory_space<hbm>>
      %dma_wait3A_672 = arith.constant 0 : i32
      %dma_wait3A_673 = arith.constant 0 : i32
      %dma_wait3A_674 = tpu.memref_slice %arg4[%run_scoped3A, %add3A, %dma_wait3A_672, %dma_wait3A_673] : memref<2x32x125x40xi32, #tpu.memory_space<hbm>> -> memref<1x1x125x40xi32, #tpu.memory_space<hbm>>
      %dma_wait3A_675 = tpu.memref_squeeze %dma_wait3A_674 : memref<1x1x125x40xi32, #tpu.memory_space<hbm>> -> memref<125x40xi32, #tpu.memory_space<hbm>>
      tpu.wait_dma2 semaphore(%run_scoped3A_659 : memref<!tpu.dma_semaphore, #tpu.memory_space<semaphore_mem>>) src(%dma_wait3A_675 : memref<125x40xi32, #tpu.memory_space<hbm>>) dst(%arg9 : memref<125x40xi32, #tpu.memory_space<vmem>>)
      tpu.yield
    }) : () -> ()
    %run_scoped3A_214 = arith.constant 1 : i32
    "tpu.region"() ({
      %run_scoped3A_659 = tpu.sem_alloc : memref<!tpu.dma_semaphore, #tpu.memory_space<semaphore_mem>>
      %dma_start3A_660 = arith.constant 0 : i32
      %dma_start3A_661 = arith.constant 0 : i32
      %dma_start3A_662 = tpu.memref_slice %arg4[%run_scoped3A_214, %add3A, %dma_start3A_660, %dma_start3A_661] : memref<2x32x125x40xi32, #tpu.memory_space<hbm>> -> memref<1x1x125x40xi32, #tpu.memory_space<hbm>>
      %dma_start3A_663 = tpu.memref_squeeze %dma_start3A_662 : memref<1x1x125x40xi32, #tpu.memory_space<hbm>> -> memref<125x40xi32, #tpu.memory_space<hbm>>
      %dma_start3A_664 = arith.constant 0 : i32
      %dma_start3A_665 = arith.constant 0 : i32
      %dma_start3A_666 = tpu.memref_slice %arg4[%run_scoped3A_214, %add3A, %dma_start3A_664, %dma_start3A_665] : memref<2x32x125x40xi32, #tpu.memory_space<hbm>> -> memref<1x1x125x40xi32, #tpu.memory_space<hbm>>
      %dma_start3A_667 = tpu.memref_squeeze %dma_start3A_666 : memref<1x1x125x40xi32, #tpu.memory_space<hbm>> -> memref<125x40xi32, #tpu.memory_space<hbm>>
      tpu.enqueue_dma source(%dma_start3A_667 : memref<125x40xi32, #tpu.memory_space<hbm>>) target(%arg10 : memref<125x40xi32, #tpu.memory_space<vmem>>) target_semaphore(%run_scoped3A_659 : memref<!tpu.dma_semaphore, #tpu.memory_space<semaphore_mem>>)
      %dma_wait3A_668 = arith.constant 0 : i32
      %dma_wait3A_669 = arith.constant 0 : i32
      %dma_wait3A_670 = tpu.memref_slice %arg4[%run_scoped3A_214, %add3A, %dma_wait3A_668, %dma_wait3A_669] : memref<2x32x125x40xi32, #tpu.memory_space<hbm>> -> memref<1x1x125x40xi32, #tpu.memory_space<hbm>>
      %dma_wait3A_671 = tpu.memref_squeeze %dma_wait3A_670 : memref<1x1x125x40xi32, #tpu.memory_space<hbm>> -> memref<125x40xi32, #tpu.memory_space<hbm>>
      %dma_wait3A_672 = arith.constant 0 : i32
      %dma_wait3A_673 = arith.constant 0 : i32
      %dma_wait3A_674 = tpu.memref_slice %arg4[%run_scoped3A_214, %add3A, %dma_wait3A_672, %dma_wait3A_673] : memref<2x32x125x40xi32, #tpu.memory_space<hbm>> -> memref<1x1x125x40xi32, #tpu.memory_space<hbm>>
      %dma_wait3A_675 = tpu.memref_squeeze %dma_wait3A_674 : memref<1x1x125x40xi32, #tpu.memory_space<hbm>> -> memref<125x40xi32, #tpu.memory_space<hbm>>
      tpu.wait_dma2 semaphore(%run_scoped3A_659 : memref<!tpu.dma_semaphore, #tpu.memory_space<semaphore_mem>>) src(%dma_wait3A_675 : memref<125x40xi32, #tpu.memory_space<hbm>>) dst(%arg10 : memref<125x40xi32, #tpu.memory_space<vmem>>)
      tpu.yield
    }) : () -> ()
    "tpu.region"() ({
      %run_scoped3A_659 = tpu.sem_alloc : memref<!tpu.dma_semaphore, #tpu.memory_space<semaphore_mem>>
      %dma_start3A_660 = arith.constant 0 : i32
      %dma_start3A_661 = arith.constant 0 : i32
      %dma_start3A_662 = tpu.memref_slice %arg5[%add3A, %dma_start3A_660, %dma_start3A_661] : memref<32x125x40xi32, #tpu.memory_space<hbm>> -> memref<1x125x40xi32, #tpu.memory_space<hbm>>
      %dma_start3A_663 = tpu.memref_squeeze %dma_start3A_662 : memref<1x125x40xi32, #tpu.memory_space<hbm>> -> memref<125x40xi32, #tpu.memory_space<hbm>>
      %dma_start3A_664 = arith.constant 0 : i32
      %dma_start3A_665 = arith.constant 0 : i32
      %dma_start3A_666 = tpu.memref_slice %arg5[%add3A, %dma_start3A_664, %dma_start3A_665] : memref<32x125x40xi32, #tpu.memory_space<hbm>> -> memref<1x125x40xi32, #tpu.memory_space<hbm>>
      %dma_start3A_667 = tpu.memref_squeeze %dma_start3A_666 : memref<1x125x40xi32, #tpu.memory_space<hbm>> -> memref<125x40xi32, #tpu.memory_space<hbm>>
      tpu.enqueue_dma source(%dma_start3A_667 : memref<125x40xi32, #tpu.memory_space<hbm>>) target(%arg11 : memref<125x40xi32, #tpu.memory_space<vmem>>) target_semaphore(%run_scoped3A_659 : memref<!tpu.dma_semaphore, #tpu.memory_space<semaphore_mem>>)
      %dma_wait3A_668 = arith.constant 0 : i32
      %dma_wait3A_669 = arith.constant 0 : i32
      %dma_wait3A_670 = tpu.memref_slice %arg5[%add3A, %dma_wait3A_668, %dma_wait3A_669] : memref<32x125x40xi32, #tpu.memory_space<hbm>> -> memref<1x125x40xi32, #tpu.memory_space<hbm>>
      %dma_wait3A_671 = tpu.memref_squeeze %dma_wait3A_670 : memref<1x125x40xi32, #tpu.memory_space<hbm>> -> memref<125x40xi32, #tpu.memory_space<hbm>>
      %dma_wait3A_672 = arith.constant 0 : i32
      %dma_wait3A_673 = arith.constant 0 : i32
      %dma_wait3A_674 = tpu.memref_slice %arg5[%add3A, %dma_wait3A_672, %dma_wait3A_673] : memref<32x125x40xi32, #tpu.memory_space<hbm>> -> memref<1x125x40xi32, #tpu.memory_space<hbm>>
      %dma_wait3A_675 = tpu.memref_squeeze %dma_wait3A_674 : memref<1x125x40xi32, #tpu.memory_space<hbm>> -> memref<125x40xi32, #tpu.memory_space<hbm>>
      tpu.wait_dma2 semaphore(%run_scoped3A_659 : memref<!tpu.dma_semaphore, #tpu.memory_space<semaphore_mem>>) src(%dma_wait3A_675 : memref<125x40xi32, #tpu.memory_space<hbm>>) dst(%arg11 : memref<125x40xi32, #tpu.memory_space<vmem>>)
      tpu.yield
    }) : () -> ()
    %scan3A = arith.constant 0 : i32
    %scan3A_215 = arith.constant 0 : i32
    %scan3A_216 = arith.constant 640 : i32
    %scan3A_217 = arith.addi %scan3A_215, %scan3A_216 : i32
    %scan3A_218 = arith.constant 1 : i32
    scf.for %scan3A_659 = %scan3A_215 to %scan3A_217 step %scan3A_218  : i32 {
      %broadcast_in_dim3A_660 = arith.constant 0.000000e+00 : f32
      %broadcast_in_dim3A_661 = vector.broadcast %broadcast_in_dim3A_660 : f32 to vector<16xf32>
      %swap3A = arith.index_cast %scan3A_659 : i32 to index
      %swap3A_662 = arith.constant 0 : index
      %swap3A_663 = tpu.vector_load %arg16[%swap3A, %swap3A_662] {strides = array<i32>} : memref<640x16xf32, #tpu.memory_space<vmem>>, vector<16xf32>,
      tpu.vector_store %arg16[%swap3A, %swap3A_662], %broadcast_in_dim3A_661 {strides = array<i32>} : memref<640x16xf32, #tpu.memory_space<vmem>>, vector<16xf32>,
    }
    %scan3A_219 = arith.constant 640 : i32
    %lt3A = arith.constant 15 : i32
    %lt3A_220 = arith.cmpi slt, %arg1, %lt3A : i32
    %convert_element_type3A = arith.extui %lt3A_220 : i1 to i32
    %cond3A = arith.constant 0 : i32
    %cond3A_221 = arith.cmpi ne, %convert_element_type3A, %cond3A : i32
    scf.if %cond3A_221 {
      %mul3A_659 = arith.constant 624 : i32
      %mul3A_660 = arith.muli %arg1, %mul3A_659 : i32
      "tpu.region"() ({
        %run_scoped3A_661 = tpu.sem_alloc : memref<!tpu.dma_semaphore, #tpu.memory_space<semaphore_mem>>
        %dma_start3A_662 = arith.constant 0 : i32
        %dma_start3A_663 = arith.constant 0 : i32
        %dma_start3A_664 = tpu.memref_slice %arg16[%dma_start3A_662, %dma_start3A_663] : memref<640x16xf32, #tpu.memory_space<vmem>> -> memref<624x16xf32, #tpu.memory_space<vmem>>
        %dma_start3A_665 = arith.constant 0 : i32
        %dma_start3A_666 = tpu.memref_slice %arg17[%mul3A_660, %dma_start3A_665] : memref<10000x16xf32, #tpu.memory_space<vmem_shared>> -> memref<624x16xf32, #tpu.memory_space<vmem_shared>>
        %dma_start3A_667 = arith.constant 0 : i32
        %dma_start3A_668 = tpu.memref_slice %arg17[%mul3A_660, %dma_start3A_667] : memref<10000x16xf32, #tpu.memory_space<vmem_shared>> -> memref<624x16xf32, #tpu.memory_space<vmem_shared>>
        %dma_start3A_669 = arith.constant 0 : i32
        %dma_start3A_670 = arith.constant 0 : i32
        %dma_start3A_671 = tpu.memref_slice %arg16[%dma_start3A_669, %dma_start3A_670] : memref<640x16xf32, #tpu.memory_space<vmem>> -> memref<624x16xf32, #tpu.memory_space<vmem>>
        tpu.enqueue_dma source(%dma_start3A_671 : memref<624x16xf32, #tpu.memory_space<vmem>>) target(%dma_start3A_668 : memref<624x16xf32, #tpu.memory_space<vmem_shared>>) target_semaphore(%run_scoped3A_661 : memref<!tpu.dma_semaphore, #tpu.memory_space<semaphore_mem>>)
        %dma_wait3A_672 = arith.constant 0 : i32
        %dma_wait3A_673 = arith.constant 0 : i32
        %dma_wait3A_674 = tpu.memref_slice %arg16[%dma_wait3A_672, %dma_wait3A_673] : memref<640x16xf32, #tpu.memory_space<vmem>> -> memref<624x16xf32, #tpu.memory_space<vmem>>
        %dma_wait3A_675 = arith.constant 0 : i32
        %dma_wait3A_676 = tpu.memref_slice %arg17[%mul3A_660, %dma_wait3A_675] : memref<10000x16xf32, #tpu.memory_space<vmem_shared>> -> memref<624x16xf32, #tpu.memory_space<vmem_shared>>
        %dma_wait3A_677 = arith.constant 0 : i32
        %dma_wait3A_678 = tpu.memref_slice %arg17[%mul3A_660, %dma_wait3A_677] : memref<10000x16xf32, #tpu.memory_space<vmem_shared>> -> memref<624x16xf32, #tpu.memory_space<vmem_shared>>
        %dma_wait3A_679 = arith.constant 0 : i32
        %dma_wait3A_680 = arith.constant 0 : i32
        %dma_wait3A_681 = tpu.memref_slice %arg16[%dma_wait3A_679, %dma_wait3A_680] : memref<640x16xf32, #tpu.memory_space<vmem>> -> memref<624x16xf32, #tpu.memory_space<vmem>>
        tpu.wait_dma2 semaphore(%run_scoped3A_661 : memref<!tpu.dma_semaphore, #tpu.memory_space<semaphore_mem>>) src(%dma_wait3A_681 : memref<624x16xf32, #tpu.memory_space<vmem>>) dst(%dma_wait3A_678 : memref<624x16xf32, #tpu.memory_space<vmem_shared>>)
        tpu.yield
      }) : () -> ()
    } else {
    }
    %eq3A = arith.constant 15 : i32
    %eq3A_222 = arith.cmpi eq, %arg1, %eq3A : i32
    %convert_element_type3A_223 = arith.extui %eq3A_222 : i1 to i32
    %cond3A_224 = arith.constant 0 : i32
    %cond3A_225 = arith.cmpi ne, %convert_element_type3A_223, %cond3A_224 : i32
    scf.if %cond3A_225 {
      "tpu.region"() ({
        %run_scoped3A_659 = tpu.sem_alloc : memref<!tpu.dma_semaphore, #tpu.memory_space<semaphore_mem>>
        %dma_start3A_660 = arith.constant 9360 : i32
        %dma_start3A_661 = arith.constant 0 : i32
        %dma_start3A_662 = tpu.memref_slice %arg17[%dma_start3A_660, %dma_start3A_661] : memref<10000x16xf32, #tpu.memory_space<vmem_shared>> -> memref<640x16xf32, #tpu.memory_space<vmem_shared>>
        %dma_start3A_663 = arith.constant 9360 : i32
        %dma_start3A_664 = arith.constant 0 : i32
        %dma_start3A_665 = tpu.memref_slice %arg17[%dma_start3A_663, %dma_start3A_664] : memref<10000x16xf32, #tpu.memory_space<vmem_shared>> -> memref<640x16xf32, #tpu.memory_space<vmem_shared>>
        tpu.enqueue_dma source(%arg16 : memref<640x16xf32, #tpu.memory_space<vmem>>) target(%dma_start3A_665 : memref<640x16xf32, #tpu.memory_space<vmem_shared>>) target_semaphore(%run_scoped3A_659 : memref<!tpu.dma_semaphore, #tpu.memory_space<semaphore_mem>>)
        %dma_wait3A_666 = arith.constant 9360 : i32
        %dma_wait3A_667 = arith.constant 0 : i32
        %dma_wait3A_668 = tpu.memref_slice %arg17[%dma_wait3A_666, %dma_wait3A_667] : memref<10000x16xf32, #tpu.memory_space<vmem_shared>> -> memref<640x16xf32, #tpu.memory_space<vmem_shared>>
        %dma_wait3A_669 = arith.constant 9360 : i32
        %dma_wait3A_670 = arith.constant 0 : i32
        %dma_wait3A_671 = tpu.memref_slice %arg17[%dma_wait3A_669, %dma_wait3A_670] : memref<10000x16xf32, #tpu.memory_space<vmem_shared>> -> memref<640x16xf32, #tpu.memory_space<vmem_shared>>
        tpu.wait_dma2 semaphore(%run_scoped3A_659 : memref<!tpu.dma_semaphore, #tpu.memory_space<semaphore_mem>>) src(%arg16 : memref<640x16xf32, #tpu.memory_space<vmem>>) dst(%dma_wait3A_671 : memref<640x16xf32, #tpu.memory_space<vmem_shared>>)
        tpu.yield
      }) : () -> ()
    } else {
    }
    %barrier3A = arith.constant 0 : index
    tpu.barrier barrier_id(%barrier3A)
    %dma_start3A = arith.constant 0 : i32
    %dma_start3A_226 = arith.constant 0 : i32
    %dma_start3A_227 = arith.constant 0 : i32
    %dma_start3A_228 = arith.constant 0 : i32
    %dma_start3A_229 = tpu.memref_slice %arg12[%dma_start3A_227, %dma_start3A_228] : memref<80x128xi32, #tpu.memory_space<vmem>> -> memref<40x128xi32, #tpu.memory_space<vmem>>
    %dma_start3A_230 = arith.constant 0 : i32
    %dma_start3A_231 = tpu.memref_slice %arg9[%dma_start3A_226, %dma_start3A_230] : memref<125x40xi32, #tpu.memory_space<vmem>> -> memref<1x40xi32, #tpu.memory_space<vmem>>
    %dma_start3A_232 = tpu.memref_squeeze %dma_start3A_231 : memref<1x40xi32, #tpu.memory_space<vmem>> -> memref<40xi32, #tpu.memory_space<vmem>>
    %dma_start3A_233 = arith.constant 0 : i32
    %dma_start3A_234 = arith.constant 0 : i32
    %dma_start3A_235 = tpu.memref_slice %arg2[%dma_start3A, %dma_start3A_233, %dma_start3A_234] : memref<2x10000x128xi32, #tpu.memory_space<hbm>> -> memref<1x10000x128xi32, #tpu.memory_space<hbm>>
    %dma_start3A_236 = tpu.memref_squeeze %dma_start3A_235 : memref<1x10000x128xi32, #tpu.memory_space<hbm>> -> memref<10000x128xi32, #tpu.memory_space<hbm>>
    %dma_start3A_237 = arith.constant 0 : i32
    %dma_start3A_238 = arith.constant 0 : i32
    %dma_start3A_239 = tpu.memref_slice %dma_start3A_236[%dma_start3A_237, %dma_start3A_238] : memref<10000x128xi32, #tpu.memory_space<hbm>> -> memref<10000x128xi32, #tpu.memory_space<hbm>>
    tpu.enqueue_indirect_dma source(%dma_start3A_239 : memref<10000x128xi32, #tpu.memory_space<hbm>>) target(%dma_start3A_229 : memref<40x128xi32, #tpu.memory_space<vmem>>) offsets(%dma_start3A_232 : memref<40xi32, #tpu.memory_space<vmem>>) semaphore(%arg18 : memref<!tpu.dma_semaphore, #tpu.memory_space<semaphore_mem>>)
    %dma_start3A_240 = arith.constant 1 : i32
    %dma_start3A_241 = arith.constant 0 : i32
    %dma_start3A_242 = arith.constant 40 : i32
    %dma_start3A_243 = arith.constant 0 : i32
    %dma_start3A_244 = tpu.memref_slice %arg12[%dma_start3A_242, %dma_start3A_243] : memref<80x128xi32, #tpu.memory_space<vmem>> -> memref<40x128xi32, #tpu.memory_space<vmem>>
    %dma_start3A_245 = arith.constant 0 : i32
    %dma_start3A_246 = tpu.memref_slice %arg9[%dma_start3A_241, %dma_start3A_245] : memref<125x40xi32, #tpu.memory_space<vmem>> -> memref<1x40xi32, #tpu.memory_space<vmem>>
    %dma_start3A_247 = tpu.memref_squeeze %dma_start3A_246 : memref<1x40xi32, #tpu.memory_space<vmem>> -> memref<40xi32, #tpu.memory_space<vmem>>
    %dma_start3A_248 = arith.constant 0 : i32
    %dma_start3A_249 = arith.constant 0 : i32
    %dma_start3A_250 = tpu.memref_slice %arg2[%dma_start3A_240, %dma_start3A_248, %dma_start3A_249] : memref<2x10000x128xi32, #tpu.memory_space<hbm>> -> memref<1x10000x128xi32, #tpu.memory_space<hbm>>
    %dma_start3A_251 = tpu.memref_squeeze %dma_start3A_250 : memref<1x10000x128xi32, #tpu.memory_space<hbm>> -> memref<10000x128xi32, #tpu.memory_space<hbm>>
    %dma_start3A_252 = arith.constant 0 : i32
    %dma_start3A_253 = arith.constant 0 : i32
    %dma_start3A_254 = tpu.memref_slice %dma_start3A_251[%dma_start3A_252, %dma_start3A_253] : memref<10000x128xi32, #tpu.memory_space<hbm>> -> memref<10000x128xi32, #tpu.memory_space<hbm>>
    tpu.enqueue_indirect_dma source(%dma_start3A_254 : memref<10000x128xi32, #tpu.memory_space<hbm>>) target(%dma_start3A_244 : memref<40x128xi32, #tpu.memory_space<vmem>>) offsets(%dma_start3A_247 : memref<40xi32, #tpu.memory_space<vmem>>) semaphore(%arg18 : memref<!tpu.dma_semaphore, #tpu.memory_space<semaphore_mem>>)
    %dma_start3A_255 = arith.constant 0 : i32
    %dma_start3A_256 = arith.constant 0 : i32
    %dma_start3A_257 = arith.constant 0 : i32
    %dma_start3A_258 = arith.constant 0 : i32
    %dma_start3A_259 = tpu.memref_slice %arg13[%dma_start3A_257, %dma_start3A_258] : memref<80x128xi32, #tpu.memory_space<vmem>> -> memref<40x128xi32, #tpu.memory_space<vmem>>
    %dma_start3A_260 = arith.constant 0 : i32
    %dma_start3A_261 = tpu.memref_slice %arg10[%dma_start3A_256, %dma_start3A_260] : memref<125x40xi32, #tpu.memory_space<vmem>> -> memref<1x40xi32, #tpu.memory_space<vmem>>
    %dma_start3A_262 = tpu.memref_squeeze %dma_start3A_261 : memref<1x40xi32, #tpu.memory_space<vmem>> -> memref<40xi32, #tpu.memory_space<vmem>>
    %dma_start3A_263 = arith.constant 0 : i32
    %dma_start3A_264 = arith.constant 0 : i32
    %dma_start3A_265 = tpu.memref_slice %arg3[%dma_start3A_255, %dma_start3A_263, %dma_start3A_264] : memref<2x10000x128xi32, #tpu.memory_space<hbm>> -> memref<1x10000x128xi32, #tpu.memory_space<hbm>>
    %dma_start3A_266 = tpu.memref_squeeze %dma_start3A_265 : memref<1x10000x128xi32, #tpu.memory_space<hbm>> -> memref<10000x128xi32, #tpu.memory_space<hbm>>
    %dma_start3A_267 = arith.constant 0 : i32
    %dma_start3A_268 = arith.constant 0 : i32
    %dma_start3A_269 = tpu.memref_slice %dma_start3A_266[%dma_start3A_267, %dma_start3A_268] : memref<10000x128xi32, #tpu.memory_space<hbm>> -> memref<10000x128xi32, #tpu.memory_space<hbm>>
    tpu.enqueue_indirect_dma source(%dma_start3A_269 : memref<10000x128xi32, #tpu.memory_space<hbm>>) target(%dma_start3A_259 : memref<40x128xi32, #tpu.memory_space<vmem>>) offsets(%dma_start3A_262 : memref<40xi32, #tpu.memory_space<vmem>>) semaphore(%arg18 : memref<!tpu.dma_semaphore, #tpu.memory_space<semaphore_mem>>)
    %dma_start3A_270 = arith.constant 1 : i32
    %dma_start3A_271 = arith.constant 0 : i32
    %dma_start3A_272 = arith.constant 40 : i32
    %dma_start3A_273 = arith.constant 0 : i32
    %dma_start3A_274 = tpu.memref_slice %arg13[%dma_start3A_272, %dma_start3A_273] : memref<80x128xi32, #tpu.memory_space<vmem>> -> memref<40x128xi32, #tpu.memory_space<vmem>>
    %dma_start3A_275 = arith.constant 0 : i32
    %dma_start3A_276 = tpu.memref_slice %arg10[%dma_start3A_271, %dma_start3A_275] : memref<125x40xi32, #tpu.memory_space<vmem>> -> memref<1x40xi32, #tpu.memory_space<vmem>>
    %dma_start3A_277 = tpu.memref_squeeze %dma_start3A_276 : memref<1x40xi32, #tpu.memory_space<vmem>> -> memref<40xi32, #tpu.memory_space<vmem>>
    %dma_start3A_278 = arith.constant 0 : i32
    %dma_start3A_279 = arith.constant 0 : i32
    %dma_start3A_280 = tpu.memref_slice %arg3[%dma_start3A_270, %dma_start3A_278, %dma_start3A_279] : memref<2x10000x128xi32, #tpu.memory_space<hbm>> -> memref<1x10000x128xi32, #tpu.memory_space<hbm>>
    %dma_start3A_281 = tpu.memref_squeeze %dma_start3A_280 : memref<1x10000x128xi32, #tpu.memory_space<hbm>> -> memref<10000x128xi32, #tpu.memory_space<hbm>>
    %dma_start3A_282 = arith.constant 0 : i32
    %dma_start3A_283 = arith.constant 0 : i32
    %dma_start3A_284 = tpu.memref_slice %dma_start3A_281[%dma_start3A_282, %dma_start3A_283] : memref<10000x128xi32, #tpu.memory_space<hbm>> -> memref<10000x128xi32, #tpu.memory_space<hbm>>
    tpu.enqueue_indirect_dma source(%dma_start3A_284 : memref<10000x128xi32, #tpu.memory_space<hbm>>) target(%dma_start3A_274 : memref<40x128xi32, #tpu.memory_space<vmem>>) offsets(%dma_start3A_277 : memref<40xi32, #tpu.memory_space<vmem>>) semaphore(%arg18 : memref<!tpu.dma_semaphore, #tpu.memory_space<semaphore_mem>>)
    %scan3A_285 = arith.constant 0 : i32
    %scan3A_286 = arith.constant 0 : i32
    %scan3A_287 = arith.constant 1 : i32
    %scan3A_288 = arith.constant 0 : i32
    %scan3A_289 = arith.constant 1 : i32
    %scan3A_290 = arith.constant 0 : i32
    %scan3A_291 = arith.constant 62 : i32
    %scan3A_292 = arith.addi %scan3A_290, %scan3A_291 : i32
    %scan3A_293 = arith.constant 1 : i32
    scf.for %scan3A_659 = %scan3A_290 to %scan3A_292 step %scan3A_293  : i32 {
      %mul3A_660 = arith.constant 2 : i32
      %mul3A_661 = arith.muli %scan3A_659, %mul3A_660 : i32
      %dma_wait3A_662 = arith.constant 0 : i32
      %dma_wait3A_663 = arith.constant 0 : i32
      %dma_wait3A_664 = tpu.memref_slice %arg12[%dma_wait3A_662, %dma_wait3A_663] : memref<80x128xi32, #tpu.memory_space<vmem>> -> memref<40x128xi32, #tpu.memory_space<vmem>>
      %dma_wait3A_665 = arith.constant 0 : i32
      %dma_wait3A_666 = tpu.memref_slice %arg9[%mul3A_661, %dma_wait3A_665] : memref<125x40xi32, #tpu.memory_space<vmem>> -> memref<1x40xi32, #tpu.memory_space<vmem>>
      %dma_wait3A_667 = tpu.memref_squeeze %dma_wait3A_666 : memref<1x40xi32, #tpu.memory_space<vmem>> -> memref<40xi32, #tpu.memory_space<vmem>>
      %dma_wait3A_668 = arith.constant 0 : i32
      %dma_wait3A_669 = arith.constant 0 : i32
      %dma_wait3A_670 = tpu.memref_slice %arg2[%scan3A_286, %dma_wait3A_668, %dma_wait3A_669] : memref<2x10000x128xi32, #tpu.memory_space<hbm>> -> memref<1x10000x128xi32, #tpu.memory_space<hbm>>
      %dma_wait3A_671 = tpu.memref_squeeze %dma_wait3A_670 : memref<1x10000x128xi32, #tpu.memory_space<hbm>> -> memref<10000x128xi32, #tpu.memory_space<hbm>>
      %dma_wait3A_672 = arith.constant 0 : i32
      %dma_wait3A_673 = arith.constant 0 : i32
      %dma_wait3A_674 = tpu.memref_slice %dma_wait3A_671[%dma_wait3A_672, %dma_wait3A_673] : memref<10000x128xi32, #tpu.memory_space<hbm>> -> memref<10000x128xi32, #tpu.memory_space<hbm>>
      tpu.wait_indirect_dma semaphore(%arg18 : memref<!tpu.dma_semaphore, #tpu.memory_space<semaphore_mem>>) src(%dma_wait3A_674 : memref<10000x128xi32, #tpu.memory_space<hbm>>) dst(%dma_wait3A_664 : memref<40x128xi32, #tpu.memory_space<vmem>>)
      %dma_wait3A_675 = arith.constant 40 : i32
      %dma_wait3A_676 = arith.constant 0 : i32
      %dma_wait3A_677 = tpu.memref_slice %arg12[%dma_wait3A_675, %dma_wait3A_676] : memref<80x128xi32, #tpu.memory_space<vmem>> -> memref<40x128xi32, #tpu.memory_space<vmem>>
      %dma_wait3A_678 = arith.constant 0 : i32
      %dma_wait3A_679 = tpu.memref_slice %arg9[%mul3A_661, %dma_wait3A_678] : memref<125x40xi32, #tpu.memory_space<vmem>> -> memref<1x40xi32, #tpu.memory_space<vmem>>
      %dma_wait3A_680 = tpu.memref_squeeze %dma_wait3A_679 : memref<1x40xi32, #tpu.memory_space<vmem>> -> memref<40xi32, #tpu.memory_space<vmem>>
      %dma_wait3A_681 = arith.constant 0 : i32
      %dma_wait3A_682 = arith.constant 0 : i32
      %dma_wait3A_683 = tpu.memref_slice %arg2[%scan3A_287, %dma_wait3A_681, %dma_wait3A_682] : memref<2x10000x128xi32, #tpu.memory_space<hbm>> -> memref<1x10000x128xi32, #tpu.memory_space<hbm>>
      %dma_wait3A_684 = tpu.memref_squeeze %dma_wait3A_683 : memref<1x10000x128xi32, #tpu.memory_space<hbm>> -> memref<10000x128xi32, #tpu.memory_space<hbm>>
      %dma_wait3A_685 = arith.constant 0 : i32
      %dma_wait3A_686 = arith.constant 0 : i32
      %dma_wait3A_687 = tpu.memref_slice %dma_wait3A_684[%dma_wait3A_685, %dma_wait3A_686] : memref<10000x128xi32, #tpu.memory_space<hbm>> -> memref<10000x128xi32, #tpu.memory_space<hbm>>
      tpu.wait_indirect_dma semaphore(%arg18 : memref<!tpu.dma_semaphore, #tpu.memory_space<semaphore_mem>>) src(%dma_wait3A_687 : memref<10000x128xi32, #tpu.memory_space<hbm>>) dst(%dma_wait3A_677 : memref<40x128xi32, #tpu.memory_space<vmem>>)
      %dma_wait3A_688 = arith.constant 0 : i32
      %dma_wait3A_689 = arith.constant 0 : i32
      %dma_wait3A_690 = tpu.memref_slice %arg13[%dma_wait3A_688, %dma_wait3A_689] : memref<80x128xi32, #tpu.memory_space<vmem>> -> memref<40x128xi32, #tpu.memory_space<vmem>>
      %dma_wait3A_691 = arith.constant 0 : i32
      %dma_wait3A_692 = tpu.memref_slice %arg10[%mul3A_661, %dma_wait3A_691] : memref<125x40xi32, #tpu.memory_space<vmem>> -> memref<1x40xi32, #tpu.memory_space<vmem>>
      %dma_wait3A_693 = tpu.memref_squeeze %dma_wait3A_692 : memref<1x40xi32, #tpu.memory_space<vmem>> -> memref<40xi32, #tpu.memory_space<vmem>>
      %dma_wait3A_694 = arith.constant 0 : i32
      %dma_wait3A_695 = arith.constant 0 : i32
      %dma_wait3A_696 = tpu.memref_slice %arg3[%scan3A_288, %dma_wait3A_694, %dma_wait3A_695] : memref<2x10000x128xi32, #tpu.memory_space<hbm>> -> memref<1x10000x128xi32, #tpu.memory_space<hbm>>
      %dma_wait3A_697 = tpu.memref_squeeze %dma_wait3A_696 : memref<1x10000x128xi32, #tpu.memory_space<hbm>> -> memref<10000x128xi32, #tpu.memory_space<hbm>>
      %dma_wait3A_698 = arith.constant 0 : i32
      %dma_wait3A_699 = arith.constant 0 : i32
      %dma_wait3A_700 = tpu.memref_slice %dma_wait3A_697[%dma_wait3A_698, %dma_wait3A_699] : memref<10000x128xi32, #tpu.memory_space<hbm>> -> memref<10000x128xi32, #tpu.memory_space<hbm>>
      tpu.wait_indirect_dma semaphore(%arg18 : memref<!tpu.dma_semaphore, #tpu.memory_space<semaphore_mem>>) src(%dma_wait3A_700 : memref<10000x128xi32, #tpu.memory_space<hbm>>) dst(%dma_wait3A_690 : memref<40x128xi32, #tpu.memory_space<vmem>>)
      %dma_wait3A_701 = arith.constant 40 : i32
      %dma_wait3A_702 = arith.constant 0 : i32
      %dma_wait3A_703 = tpu.memref_slice %arg13[%dma_wait3A_701, %dma_wait3A_702] : memref<80x128xi32, #tpu.memory_space<vmem>> -> memref<40x128xi32, #tpu.memory_space<vmem>>
      %dma_wait3A_704 = arith.constant 0 : i32
      %dma_wait3A_705 = tpu.memref_slice %arg10[%mul3A_661, %dma_wait3A_704] : memref<125x40xi32, #tpu.memory_space<vmem>> -> memref<1x40xi32, #tpu.memory_space<vmem>>
      %dma_wait3A_706 = tpu.memref_squeeze %dma_wait3A_705 : memref<1x40xi32, #tpu.memory_space<vmem>> -> memref<40xi32, #tpu.memory_space<vmem>>
      %dma_wait3A_707 = arith.constant 0 : i32
      %dma_wait3A_708 = arith.constant 0 : i32
      %dma_wait3A_709 = tpu.memref_slice %arg3[%scan3A_289, %dma_wait3A_707, %dma_wait3A_708] : memref<2x10000x128xi32, #tpu.memory_space<hbm>> -> memref<1x10000x128xi32, #tpu.memory_space<hbm>>
      %dma_wait3A_710 = tpu.memref_squeeze %dma_wait3A_709 : memref<1x10000x128xi32, #tpu.memory_space<hbm>> -> memref<10000x128xi32, #tpu.memory_space<hbm>>
      %dma_wait3A_711 = arith.constant 0 : i32
      %dma_wait3A_712 = arith.constant 0 : i32
      %dma_wait3A_713 = tpu.memref_slice %dma_wait3A_710[%dma_wait3A_711, %dma_wait3A_712] : memref<10000x128xi32, #tpu.memory_space<hbm>> -> memref<10000x128xi32, #tpu.memory_space<hbm>>
      tpu.wait_indirect_dma semaphore(%arg18 : memref<!tpu.dma_semaphore, #tpu.memory_space<semaphore_mem>>) src(%dma_wait3A_713 : memref<10000x128xi32, #tpu.memory_space<hbm>>) dst(%dma_wait3A_703 : memref<40x128xi32, #tpu.memory_space<vmem>>)
      %add3A_714 = arith.constant 1 : i32
      %add3A_715 = arith.addi %mul3A_661, %add3A_714 : i32
      %dma_start3A_716 = arith.constant 0 : i32
      %dma_start3A_717 = arith.constant 0 : i32
      %dma_start3A_718 = tpu.memref_slice %arg14[%dma_start3A_716, %dma_start3A_717] : memref<80x128xi32, #tpu.memory_space<vmem>> -> memref<40x128xi32, #tpu.memory_space<vmem>>
      %dma_start3A_719 = arith.constant 0 : i32
      %dma_start3A_720 = tpu.memref_slice %arg9[%add3A_715, %dma_start3A_719] : memref<125x40xi32, #tpu.memory_space<vmem>> -> memref<1x40xi32, #tpu.memory_space<vmem>>
      %dma_start3A_721 = tpu.memref_squeeze %dma_start3A_720 : memref<1x40xi32, #tpu.memory_space<vmem>> -> memref<40xi32, #tpu.memory_space<vmem>>
      %dma_start3A_722 = arith.constant 0 : i32
      %dma_start3A_723 = arith.constant 0 : i32
      %dma_start3A_724 = tpu.memref_slice %arg2[%scan3A_286, %dma_start3A_722, %dma_start3A_723] : memref<2x10000x128xi32, #tpu.memory_space<hbm>> -> memref<1x10000x128xi32, #tpu.memory_space<hbm>>
      %dma_start3A_725 = tpu.memref_squeeze %dma_start3A_724 : memref<1x10000x128xi32, #tpu.memory_space<hbm>> -> memref<10000x128xi32, #tpu.memory_space<hbm>>
      %dma_start3A_726 = arith.constant 0 : i32
      %dma_start3A_727 = arith.constant 0 : i32
      %dma_start3A_728 = tpu.memref_slice %dma_start3A_725[%dma_start3A_726, %dma_start3A_727] : memref<10000x128xi32, #tpu.memory_space<hbm>> -> memref<10000x128xi32, #tpu.memory_space<hbm>>
      tpu.enqueue_indirect_dma source(%dma_start3A_728 : memref<10000x128xi32, #tpu.memory_space<hbm>>) target(%dma_start3A_718 : memref<40x128xi32, #tpu.memory_space<vmem>>) offsets(%dma_start3A_721 : memref<40xi32, #tpu.memory_space<vmem>>) semaphore(%arg19 : memref<!tpu.dma_semaphore, #tpu.memory_space<semaphore_mem>>)
      %dma_start3A_729 = arith.constant 40 : i32
      %dma_start3A_730 = arith.constant 0 : i32
      %dma_start3A_731 = tpu.memref_slice %arg14[%dma_start3A_729, %dma_start3A_730] : memref<80x128xi32, #tpu.memory_space<vmem>> -> memref<40x128xi32, #tpu.memory_space<vmem>>
      %dma_start3A_732 = arith.constant 0 : i32
      %dma_start3A_733 = tpu.memref_slice %arg9[%add3A_715, %dma_start3A_732] : memref<125x40xi32, #tpu.memory_space<vmem>> -> memref<1x40xi32, #tpu.memory_space<vmem>>
      %dma_start3A_734 = tpu.memref_squeeze %dma_start3A_733 : memref<1x40xi32, #tpu.memory_space<vmem>> -> memref<40xi32, #tpu.memory_space<vmem>>
      %dma_start3A_735 = arith.constant 0 : i32
      %dma_start3A_736 = arith.constant 0 : i32
      %dma_start3A_737 = tpu.memref_slice %arg2[%scan3A_287, %dma_start3A_735, %dma_start3A_736] : memref<2x10000x128xi32, #tpu.memory_space<hbm>> -> memref<1x10000x128xi32, #tpu.memory_space<hbm>>
      %dma_start3A_738 = tpu.memref_squeeze %dma_start3A_737 : memref<1x10000x128xi32, #tpu.memory_space<hbm>> -> memref<10000x128xi32, #tpu.memory_space<hbm>>
      %dma_start3A_739 = arith.constant 0 : i32
      %dma_start3A_740 = arith.constant 0 : i32
      %dma_start3A_741 = tpu.memref_slice %dma_start3A_738[%dma_start3A_739, %dma_start3A_740] : memref<10000x128xi32, #tpu.memory_space<hbm>> -> memref<10000x128xi32, #tpu.memory_space<hbm>>
      tpu.enqueue_indirect_dma source(%dma_start3A_741 : memref<10000x128xi32, #tpu.memory_space<hbm>>) target(%dma_start3A_731 : memref<40x128xi32, #tpu.memory_space<vmem>>) offsets(%dma_start3A_734 : memref<40xi32, #tpu.memory_space<vmem>>) semaphore(%arg19 : memref<!tpu.dma_semaphore, #tpu.memory_space<semaphore_mem>>)
      %dma_start3A_742 = arith.constant 0 : i32
      %dma_start3A_743 = arith.constant 0 : i32
      %dma_start3A_744 = tpu.memref_slice %arg15[%dma_start3A_742, %dma_start3A_743] : memref<80x128xi32, #tpu.memory_space<vmem>> -> memref<40x128xi32, #tpu.memory_space<vmem>>
      %dma_start3A_745 = arith.constant 0 : i32
      %dma_start3A_746 = tpu.memref_slice %arg10[%add3A_715, %dma_start3A_745] : memref<125x40xi32, #tpu.memory_space<vmem>> -> memref<1x40xi32, #tpu.memory_space<vmem>>
      %dma_start3A_747 = tpu.memref_squeeze %dma_start3A_746 : memref<1x40xi32, #tpu.memory_space<vmem>> -> memref<40xi32, #tpu.memory_space<vmem>>
      %dma_start3A_748 = arith.constant 0 : i32
      %dma_start3A_749 = arith.constant 0 : i32
      %dma_start3A_750 = tpu.memref_slice %arg3[%scan3A_288, %dma_start3A_748, %dma_start3A_749] : memref<2x10000x128xi32, #tpu.memory_space<hbm>> -> memref<1x10000x128xi32, #tpu.memory_space<hbm>>
      %dma_start3A_751 = tpu.memref_squeeze %dma_start3A_750 : memref<1x10000x128xi32, #tpu.memory_space<hbm>> -> memref<10000x128xi32, #tpu.memory_space<hbm>>
      %dma_start3A_752 = arith.constant 0 : i32
      %dma_start3A_753 = arith.constant 0 : i32
      %dma_start3A_754 = tpu.memref_slice %dma_start3A_751[%dma_start3A_752, %dma_start3A_753] : memref<10000x128xi32, #tpu.memory_space<hbm>> -> memref<10000x128xi32, #tpu.memory_space<hbm>>
      tpu.enqueue_indirect_dma source(%dma_start3A_754 : memref<10000x128xi32, #tpu.memory_space<hbm>>) target(%dma_start3A_744 : memref<40x128xi32, #tpu.memory_space<vmem>>) offsets(%dma_start3A_747 : memref<40xi32, #tpu.memory_space<vmem>>) semaphore(%arg19 : memref<!tpu.dma_semaphore, #tpu.memory_space<semaphore_mem>>)
      %dma_start3A_755 = arith.constant 40 : i32
      %dma_start3A_756 = arith.constant 0 : i32
      %dma_start3A_757 = tpu.memref_slice %arg15[%dma_start3A_755, %dma_start3A_756] : memref<80x128xi32, #tpu.memory_space<vmem>> -> memref<40x128xi32, #tpu.memory_space<vmem>>
      %dma_start3A_758 = arith.constant 0 : i32
      %dma_start3A_759 = tpu.memref_slice %arg10[%add3A_715, %dma_start3A_758] : memref<125x40xi32, #tpu.memory_space<vmem>> -> memref<1x40xi32, #tpu.memory_space<vmem>>
      %dma_start3A_760 = tpu.memref_squeeze %dma_start3A_759 : memref<1x40xi32, #tpu.memory_space<vmem>> -> memref<40xi32, #tpu.memory_space<vmem>>
      %dma_start3A_761 = arith.constant 0 : i32
      %dma_start3A_762 = arith.constant 0 : i32
      %dma_start3A_763 = tpu.memref_slice %arg3[%scan3A_289, %dma_start3A_761, %dma_start3A_762] : memref<2x10000x128xi32, #tpu.memory_space<hbm>> -> memref<1x10000x128xi32, #tpu.memory_space<hbm>>
      %dma_start3A_764 = tpu.memref_squeeze %dma_start3A_763 : memref<1x10000x128xi32, #tpu.memory_space<hbm>> -> memref<10000x128xi32, #tpu.memory_space<hbm>>
      %dma_start3A_765 = arith.constant 0 : i32
      %dma_start3A_766 = arith.constant 0 : i32
      %dma_start3A_767 = tpu.memref_slice %dma_start3A_764[%dma_start3A_765, %dma_start3A_766] : memref<10000x128xi32, #tpu.memory_space<hbm>> -> memref<10000x128xi32, #tpu.memory_space<hbm>>
      tpu.enqueue_indirect_dma source(%dma_start3A_767 : memref<10000x128xi32, #tpu.memory_space<hbm>>) target(%dma_start3A_757 : memref<40x128xi32, #tpu.memory_space<vmem>>) offsets(%dma_start3A_760 : memref<40xi32, #tpu.memory_space<vmem>>) semaphore(%arg19 : memref<!tpu.dma_semaphore, #tpu.memory_space<semaphore_mem>>)
      %rem3A_768 = arith.constant 16 : i32
      %rem3A_769 = arith.remsi %mul3A_661, %rem3A_768 : i32
      %mul3A_770 = arith.constant 40 : i32
      %mul3A_771 = arith.muli %rem3A_769, %mul3A_770 : i32
      %scan3A_772 = arith.constant 0 : i32
      %scan3A_773 = arith.constant 0 : i32
      %scan3A_774 = arith.constant 40 : i32
      %scan3A_775 = arith.addi %scan3A_773, %scan3A_774 : i32
      %scan3A_776 = arith.constant 1 : i32
      scf.for %scan3A_856 = %scan3A_773 to %scan3A_775 step %scan3A_776  : i32 {
        %add3A_857 = vector.broadcast %scan3A_856 : i32 to vector<16xi32>
        %add3A_858 = arith.addi %mul3A_5, %add3A_857 : vector<16xi32>
        %broadcast_in_dim3A_859 = arith.constant 0.000000e+00 : f32
        %broadcast_in_dim3A_860 = vector.broadcast %broadcast_in_dim3A_859 : f32 to vector<16xf32>
        %gather3A = tpu.vector_load_idx %arg12[%add3A_858, %add3A_17] : memref<80x128xi32, #tpu.memory_space<vmem>>[vector<16xi32>, vector<16xi32>], vector<16xi32>,
        %gather3A_861 = tpu.vector_load_idx %arg13[%add3A_858, %add3A_17] : memref<80x128xi32, #tpu.memory_space<vmem>>[vector<16xi32>, vector<16xi32>], vector<16xi32>,
        %shift_left3A = arith.constant 16 : i32
        %shift_left3A_862 = vector.broadcast %shift_left3A : i32 to vector<16xi32>
        %shift_left3A_863 = arith.shli %gather3A, %shift_left3A_862 : vector<16xi32>
        %bitcast3A = vector.bitcast %shift_left3A_863 : vector<16xi32> to vector<16xf32>
        %shift_left3A_864 = arith.constant 16 : i32
        %shift_left3A_865 = vector.broadcast %shift_left3A_864 : i32 to vector<16xi32>
        %shift_left3A_866 = arith.shli %gather3A_861, %shift_left3A_865 : vector<16xi32>
        %bitcast3A_867 = vector.bitcast %shift_left3A_866 : vector<16xi32> to vector<16xf32>
        %and3A_868 = arith.andi %gather3A, %broadcast_in_dim3A_213 : vector<16xi32>
        %bitcast3A_869 = vector.bitcast %and3A_868 : vector<16xi32> to vector<16xf32>
        %and3A_870 = arith.andi %gather3A_861, %broadcast_in_dim3A_213 : vector<16xi32>
        %bitcast3A_871 = vector.bitcast %and3A_870 : vector<16xi32> to vector<16xf32>
        %mul3A_872 = arith.mulf %bitcast3A, %bitcast3A_867 : vector<16xf32>
        %add3A_873 = arith.addf %broadcast_in_dim3A_860, %mul3A_872 : vector<16xf32>
        %mul3A_874 = arith.mulf %bitcast3A_869, %bitcast3A_871 : vector<16xf32>
        %add3A_875 = arith.addf %add3A_873, %mul3A_874 : vector<16xf32>
        %gather3A_876 = tpu.vector_load_idx %arg12[%add3A_858, %add3A_30] : memref<80x128xi32, #tpu.memory_space<vmem>>[vector<16xi32>, vector<16xi32>], vector<16xi32>,
        %gather3A_877 = tpu.vector_load_idx %arg13[%add3A_858, %add3A_30] : memref<80x128xi32, #tpu.memory_space<vmem>>[vector<16xi32>, vector<16xi32>], vector<16xi32>,
        %shift_left3A_878 = arith.constant 16 : i32
        %shift_left3A_879 = vector.broadcast %shift_left3A_878 : i32 to vector<16xi32>
        %shift_left3A_880 = arith.shli %gather3A_876, %shift_left3A_879 : vector<16xi32>
        %bitcast3A_881 = vector.bitcast %shift_left3A_880 : vector<16xi32> to vector<16xf32>
        %shift_left3A_882 = arith.constant 16 : i32
        %shift_left3A_883 = vector.broadcast %shift_left3A_882 : i32 to vector<16xi32>
        %shift_left3A_884 = arith.shli %gather3A_877, %shift_left3A_883 : vector<16xi32>
        %bitcast3A_885 = vector.bitcast %shift_left3A_884 : vector<16xi32> to vector<16xf32>
        %and3A_886 = arith.andi %gather3A_876, %broadcast_in_dim3A_213 : vector<16xi32>
        %bitcast3A_887 = vector.bitcast %and3A_886 : vector<16xi32> to vector<16xf32>
        %and3A_888 = arith.andi %gather3A_877, %broadcast_in_dim3A_213 : vector<16xi32>
        %bitcast3A_889 = vector.bitcast %and3A_888 : vector<16xi32> to vector<16xf32>
        %mul3A_890 = arith.mulf %bitcast3A_881, %bitcast3A_885 : vector<16xf32>
        %add3A_891 = arith.addf %add3A_875, %mul3A_890 : vector<16xf32>
        %mul3A_892 = arith.mulf %bitcast3A_887, %bitcast3A_889 : vector<16xf32>
        %add3A_893 = arith.addf %add3A_891, %mul3A_892 : vector<16xf32>
        %gather3A_894 = tpu.vector_load_idx %arg12[%add3A_858, %add3A_43] : memref<80x128xi32, #tpu.memory_space<vmem>>[vector<16xi32>, vector<16xi32>], vector<16xi32>,
        %gather3A_895 = tpu.vector_load_idx %arg13[%add3A_858, %add3A_43] : memref<80x128xi32, #tpu.memory_space<vmem>>[vector<16xi32>, vector<16xi32>], vector<16xi32>,
        %shift_left3A_896 = arith.constant 16 : i32
        %shift_left3A_897 = vector.broadcast %shift_left3A_896 : i32 to vector<16xi32>
        %shift_left3A_898 = arith.shli %gather3A_894, %shift_left3A_897 : vector<16xi32>
        %bitcast3A_899 = vector.bitcast %shift_left3A_898 : vector<16xi32> to vector<16xf32>
        %shift_left3A_900 = arith.constant 16 : i32
        %shift_left3A_901 = vector.broadcast %shift_left3A_900 : i32 to vector<16xi32>
        %shift_left3A_902 = arith.shli %gather3A_895, %shift_left3A_901 : vector<16xi32>
        %bitcast3A_903 = vector.bitcast %shift_left3A_902 : vector<16xi32> to vector<16xf32>
        %and3A_904 = arith.andi %gather3A_894, %broadcast_in_dim3A_213 : vector<16xi32>
        %bitcast3A_905 = vector.bitcast %and3A_904 : vector<16xi32> to vector<16xf32>
        %and3A_906 = arith.andi %gather3A_895, %broadcast_in_dim3A_213 : vector<16xi32>
        %bitcast3A_907 = vector.bitcast %and3A_906 : vector<16xi32> to vector<16xf32>
        %mul3A_908 = arith.mulf %bitcast3A_899, %bitcast3A_903 : vector<16xf32>
        %add3A_909 = arith.addf %add3A_893, %mul3A_908 : vector<16xf32>
        %mul3A_910 = arith.mulf %bitcast3A_905, %bitcast3A_907 : vector<16xf32>
        %add3A_911 = arith.addf %add3A_909, %mul3A_910 : vector<16xf32>
        %gather3A_912 = tpu.vector_load_idx %arg12[%add3A_858, %add3A_56] : memref<80x128xi32, #tpu.memory_space<vmem>>[vector<16xi32>, vector<16xi32>], vector<16xi32>,
        %gather3A_913 = tpu.vector_load_idx %arg13[%add3A_858, %add3A_56] : memref<80x128xi32, #tpu.memory_space<vmem>>[vector<16xi32>, vector<16xi32>], vector<16xi32>,
        %shift_left3A_914 = arith.constant 16 : i32
        %shift_left3A_915 = vector.broadcast %shift_left3A_914 : i32 to vector<16xi32>
        %shift_left3A_916 = arith.shli %gather3A_912, %shift_left3A_915 : vector<16xi32>
        %bitcast3A_917 = vector.bitcast %shift_left3A_916 : vector<16xi32> to vector<16xf32>
        %shift_left3A_918 = arith.constant 16 : i32
        %shift_left3A_919 = vector.broadcast %shift_left3A_918 : i32 to vector<16xi32>
        %shift_left3A_920 = arith.shli %gather3A_913, %shift_left3A_919 : vector<16xi32>
        %bitcast3A_921 = vector.bitcast %shift_left3A_920 : vector<16xi32> to vector<16xf32>
        %and3A_922 = arith.andi %gather3A_912, %broadcast_in_dim3A_213 : vector<16xi32>
        %bitcast3A_923 = vector.bitcast %and3A_922 : vector<16xi32> to vector<16xf32>
        %and3A_924 = arith.andi %gather3A_913, %broadcast_in_dim3A_213 : vector<16xi32>
        %bitcast3A_925 = vector.bitcast %and3A_924 : vector<16xi32> to vector<16xf32>
        %mul3A_926 = arith.mulf %bitcast3A_917, %bitcast3A_921 : vector<16xf32>
        %add3A_927 = arith.addf %add3A_911, %mul3A_926 : vector<16xf32>
        %mul3A_928 = arith.mulf %bitcast3A_923, %bitcast3A_925 : vector<16xf32>
        %add3A_929 = arith.addf %add3A_927, %mul3A_928 : vector<16xf32>
        %gather3A_930 = tpu.vector_load_idx %arg12[%add3A_858, %add3A_69] : memref<80x128xi32, #tpu.memory_space<vmem>>[vector<16xi32>, vector<16xi32>], vector<16xi32>,
        %gather3A_931 = tpu.vector_load_idx %arg13[%add3A_858, %add3A_69] : memref<80x128xi32, #tpu.memory_space<vmem>>[vector<16xi32>, vector<16xi32>], vector<16xi32>,
        %shift_left3A_932 = arith.constant 16 : i32
        %shift_left3A_933 = vector.broadcast %shift_left3A_932 : i32 to vector<16xi32>
        %shift_left3A_934 = arith.shli %gather3A_930, %shift_left3A_933 : vector<16xi32>
        %bitcast3A_935 = vector.bitcast %shift_left3A_934 : vector<16xi32> to vector<16xf32>
        %shift_left3A_936 = arith.constant 16 : i32
        %shift_left3A_937 = vector.broadcast %shift_left3A_936 : i32 to vector<16xi32>
        %shift_left3A_938 = arith.shli %gather3A_931, %shift_left3A_937 : vector<16xi32>
        %bitcast3A_939 = vector.bitcast %shift_left3A_938 : vector<16xi32> to vector<16xf32>
        %and3A_940 = arith.andi %gather3A_930, %broadcast_in_dim3A_213 : vector<16xi32>
        %bitcast3A_941 = vector.bitcast %and3A_940 : vector<16xi32> to vector<16xf32>
        %and3A_942 = arith.andi %gather3A_931, %broadcast_in_dim3A_213 : vector<16xi32>
        %bitcast3A_943 = vector.bitcast %and3A_942 : vector<16xi32> to vector<16xf32>
        %mul3A_944 = arith.mulf %bitcast3A_935, %bitcast3A_939 : vector<16xf32>
        %add3A_945 = arith.addf %add3A_929, %mul3A_944 : vector<16xf32>
        %mul3A_946 = arith.mulf %bitcast3A_941, %bitcast3A_943 : vector<16xf32>
        %add3A_947 = arith.addf %add3A_945, %mul3A_946 : vector<16xf32>
        %gather3A_948 = tpu.vector_load_idx %arg12[%add3A_858, %add3A_82] : memref<80x128xi32, #tpu.memory_space<vmem>>[vector<16xi32>, vector<16xi32>], vector<16xi32>,
        %gather3A_949 = tpu.vector_load_idx %arg13[%add3A_858, %add3A_82] : memref<80x128xi32, #tpu.memory_space<vmem>>[vector<16xi32>, vector<16xi32>], vector<16xi32>,
        %shift_left3A_950 = arith.constant 16 : i32
        %shift_left3A_951 = vector.broadcast %shift_left3A_950 : i32 to vector<16xi32>
        %shift_left3A_952 = arith.shli %gather3A_948, %shift_left3A_951 : vector<16xi32>
        %bitcast3A_953 = vector.bitcast %shift_left3A_952 : vector<16xi32> to vector<16xf32>
        %shift_left3A_954 = arith.constant 16 : i32
        %shift_left3A_955 = vector.broadcast %shift_left3A_954 : i32 to vector<16xi32>
        %shift_left3A_956 = arith.shli %gather3A_949, %shift_left3A_955 : vector<16xi32>
        %bitcast3A_957 = vector.bitcast %shift_left3A_956 : vector<16xi32> to vector<16xf32>
        %and3A_958 = arith.andi %gather3A_948, %broadcast_in_dim3A_213 : vector<16xi32>
        %bitcast3A_959 = vector.bitcast %and3A_958 : vector<16xi32> to vector<16xf32>
        %and3A_960 = arith.andi %gather3A_949, %broadcast_in_dim3A_213 : vector<16xi32>
        %bitcast3A_961 = vector.bitcast %and3A_960 : vector<16xi32> to vector<16xf32>
        %mul3A_962 = arith.mulf %bitcast3A_953, %bitcast3A_957 : vector<16xf32>
        %add3A_963 = arith.addf %add3A_947, %mul3A_962 : vector<16xf32>
        %mul3A_964 = arith.mulf %bitcast3A_959, %bitcast3A_961 : vector<16xf32>
        %add3A_965 = arith.addf %add3A_963, %mul3A_964 : vector<16xf32>
        %gather3A_966 = tpu.vector_load_idx %arg12[%add3A_858, %add3A_95] : memref<80x128xi32, #tpu.memory_space<vmem>>[vector<16xi32>, vector<16xi32>], vector<16xi32>,
        %gather3A_967 = tpu.vector_load_idx %arg13[%add3A_858, %add3A_95] : memref<80x128xi32, #tpu.memory_space<vmem>>[vector<16xi32>, vector<16xi32>], vector<16xi32>,
        %shift_left3A_968 = arith.constant 16 : i32
        %shift_left3A_969 = vector.broadcast %shift_left3A_968 : i32 to vector<16xi32>
        %shift_left3A_970 = arith.shli %gather3A_966, %shift_left3A_969 : vector<16xi32>
        %bitcast3A_971 = vector.bitcast %shift_left3A_970 : vector<16xi32> to vector<16xf32>
        %shift_left3A_972 = arith.constant 16 : i32
        %shift_left3A_973 = vector.broadcast %shift_left3A_972 : i32 to vector<16xi32>
        %shift_left3A_974 = arith.shli %gather3A_967, %shift_left3A_973 : vector<16xi32>
        %bitcast3A_975 = vector.bitcast %shift_left3A_974 : vector<16xi32> to vector<16xf32>
        %and3A_976 = arith.andi %gather3A_966, %broadcast_in_dim3A_213 : vector<16xi32>
        %bitcast3A_977 = vector.bitcast %and3A_976 : vector<16xi32> to vector<16xf32>
        %and3A_978 = arith.andi %gather3A_967, %broadcast_in_dim3A_213 : vector<16xi32>
        %bitcast3A_979 = vector.bitcast %and3A_978 : vector<16xi32> to vector<16xf32>
        %mul3A_980 = arith.mulf %bitcast3A_971, %bitcast3A_975 : vector<16xf32>
        %add3A_981 = arith.addf %add3A_965, %mul3A_980 : vector<16xf32>
        %mul3A_982 = arith.mulf %bitcast3A_977, %bitcast3A_979 : vector<16xf32>
        %add3A_983 = arith.addf %add3A_981, %mul3A_982 : vector<16xf32>
        %gather3A_984 = tpu.vector_load_idx %arg12[%add3A_858, %add3A_108] : memref<80x128xi32, #tpu.memory_space<vmem>>[vector<16xi32>, vector<16xi32>], vector<16xi32>,
        %gather3A_985 = tpu.vector_load_idx %arg13[%add3A_858, %add3A_108] : memref<80x128xi32, #tpu.memory_space<vmem>>[vector<16xi32>, vector<16xi32>], vector<16xi32>,
        %shift_left3A_986 = arith.constant 16 : i32
        %shift_left3A_987 = vector.broadcast %shift_left3A_986 : i32 to vector<16xi32>
        %shift_left3A_988 = arith.shli %gather3A_984, %shift_left3A_987 : vector<16xi32>
        %bitcast3A_989 = vector.bitcast %shift_left3A_988 : vector<16xi32> to vector<16xf32>
        %shift_left3A_990 = arith.constant 16 : i32
        %shift_left3A_991 = vector.broadcast %shift_left3A_990 : i32 to vector<16xi32>
        %shift_left3A_992 = arith.shli %gather3A_985, %shift_left3A_991 : vector<16xi32>
        %bitcast3A_993 = vector.bitcast %shift_left3A_992 : vector<16xi32> to vector<16xf32>
        %and3A_994 = arith.andi %gather3A_984, %broadcast_in_dim3A_213 : vector<16xi32>
        %bitcast3A_995 = vector.bitcast %and3A_994 : vector<16xi32> to vector<16xf32>
        %and3A_996 = arith.andi %gather3A_985, %broadcast_in_dim3A_213 : vector<16xi32>
        %bitcast3A_997 = vector.bitcast %and3A_996 : vector<16xi32> to vector<16xf32>
        %mul3A_998 = arith.mulf %bitcast3A_989, %bitcast3A_993 : vector<16xf32>
        %add3A_999 = arith.addf %add3A_983, %mul3A_998 : vector<16xf32>
        %mul3A_1000 = arith.mulf %bitcast3A_995, %bitcast3A_997 : vector<16xf32>
        %add3A_1001 = arith.addf %add3A_999, %mul3A_1000 : vector<16xf32>
        %gather3A_1002 = tpu.vector_load_idx %arg12[%add3A_858, %add3A_121] : memref<80x128xi32, #tpu.memory_space<vmem>>[vector<16xi32>, vector<16xi32>], vector<16xi32>,
        %gather3A_1003 = tpu.vector_load_idx %arg13[%add3A_858, %add3A_121] : memref<80x128xi32, #tpu.memory_space<vmem>>[vector<16xi32>, vector<16xi32>], vector<16xi32>,
        %shift_left3A_1004 = arith.constant 16 : i32
        %shift_left3A_1005 = vector.broadcast %shift_left3A_1004 : i32 to vector<16xi32>
        %shift_left3A_1006 = arith.shli %gather3A_1002, %shift_left3A_1005 : vector<16xi32>
        %bitcast3A_1007 = vector.bitcast %shift_left3A_1006 : vector<16xi32> to vector<16xf32>
        %shift_left3A_1008 = arith.constant 16 : i32
        %shift_left3A_1009 = vector.broadcast %shift_left3A_1008 : i32 to vector<16xi32>
        %shift_left3A_1010 = arith.shli %gather3A_1003, %shift_left3A_1009 : vector<16xi32>
        %bitcast3A_1011 = vector.bitcast %shift_left3A_1010 : vector<16xi32> to vector<16xf32>
        %and3A_1012 = arith.andi %gather3A_1002, %broadcast_in_dim3A_213 : vector<16xi32>
        %bitcast3A_1013 = vector.bitcast %and3A_1012 : vector<16xi32> to vector<16xf32>
        %and3A_1014 = arith.andi %gather3A_1003, %broadcast_in_dim3A_213 : vector<16xi32>
        %bitcast3A_1015 = vector.bitcast %and3A_1014 : vector<16xi32> to vector<16xf32>
        %mul3A_1016 = arith.mulf %bitcast3A_1007, %bitcast3A_1011 : vector<16xf32>
        %add3A_1017 = arith.addf %add3A_1001, %mul3A_1016 : vector<16xf32>
        %mul3A_1018 = arith.mulf %bitcast3A_1013, %bitcast3A_1015 : vector<16xf32>
        %add3A_1019 = arith.addf %add3A_1017, %mul3A_1018 : vector<16xf32>
        %gather3A_1020 = tpu.vector_load_idx %arg12[%add3A_858, %add3A_134] : memref<80x128xi32, #tpu.memory_space<vmem>>[vector<16xi32>, vector<16xi32>], vector<16xi32>,
        %gather3A_1021 = tpu.vector_load_idx %arg13[%add3A_858, %add3A_134] : memref<80x128xi32, #tpu.memory_space<vmem>>[vector<16xi32>, vector<16xi32>], vector<16xi32>,
        %shift_left3A_1022 = arith.constant 16 : i32
        %shift_left3A_1023 = vector.broadcast %shift_left3A_1022 : i32 to vector<16xi32>
        %shift_left3A_1024 = arith.shli %gather3A_1020, %shift_left3A_1023 : vector<16xi32>
        %bitcast3A_1025 = vector.bitcast %shift_left3A_1024 : vector<16xi32> to vector<16xf32>
        %shift_left3A_1026 = arith.constant 16 : i32
        %shift_left3A_1027 = vector.broadcast %shift_left3A_1026 : i32 to vector<16xi32>
        %shift_left3A_1028 = arith.shli %gather3A_1021, %shift_left3A_1027 : vector<16xi32>
        %bitcast3A_1029 = vector.bitcast %shift_left3A_1028 : vector<16xi32> to vector<16xf32>
        %and3A_1030 = arith.andi %gather3A_1020, %broadcast_in_dim3A_213 : vector<16xi32>
        %bitcast3A_1031 = vector.bitcast %and3A_1030 : vector<16xi32> to vector<16xf32>
        %and3A_1032 = arith.andi %gather3A_1021, %broadcast_in_dim3A_213 : vector<16xi32>
        %bitcast3A_1033 = vector.bitcast %and3A_1032 : vector<16xi32> to vector<16xf32>
        %mul3A_1034 = arith.mulf %bitcast3A_1025, %bitcast3A_1029 : vector<16xf32>
        %add3A_1035 = arith.addf %add3A_1019, %mul3A_1034 : vector<16xf32>
        %mul3A_1036 = arith.mulf %bitcast3A_1031, %bitcast3A_1033 : vector<16xf32>
        %add3A_1037 = arith.addf %add3A_1035, %mul3A_1036 : vector<16xf32>
        %gather3A_1038 = tpu.vector_load_idx %arg12[%add3A_858, %add3A_147] : memref<80x128xi32, #tpu.memory_space<vmem>>[vector<16xi32>, vector<16xi32>], vector<16xi32>,
        %gather3A_1039 = tpu.vector_load_idx %arg13[%add3A_858, %add3A_147] : memref<80x128xi32, #tpu.memory_space<vmem>>[vector<16xi32>, vector<16xi32>], vector<16xi32>,
        %shift_left3A_1040 = arith.constant 16 : i32
        %shift_left3A_1041 = vector.broadcast %shift_left3A_1040 : i32 to vector<16xi32>
        %shift_left3A_1042 = arith.shli %gather3A_1038, %shift_left3A_1041 : vector<16xi32>
        %bitcast3A_1043 = vector.bitcast %shift_left3A_1042 : vector<16xi32> to vector<16xf32>
        %shift_left3A_1044 = arith.constant 16 : i32
        %shift_left3A_1045 = vector.broadcast %shift_left3A_1044 : i32 to vector<16xi32>
        %shift_left3A_1046 = arith.shli %gather3A_1039, %shift_left3A_1045 : vector<16xi32>
        %bitcast3A_1047 = vector.bitcast %shift_left3A_1046 : vector<16xi32> to vector<16xf32>
        %and3A_1048 = arith.andi %gather3A_1038, %broadcast_in_dim3A_213 : vector<16xi32>
        %bitcast3A_1049 = vector.bitcast %and3A_1048 : vector<16xi32> to vector<16xf32>
        %and3A_1050 = arith.andi %gather3A_1039, %broadcast_in_dim3A_213 : vector<16xi32>
        %bitcast3A_1051 = vector.bitcast %and3A_1050 : vector<16xi32> to vector<16xf32>
        %mul3A_1052 = arith.mulf %bitcast3A_1043, %bitcast3A_1047 : vector<16xf32>
        %add3A_1053 = arith.addf %add3A_1037, %mul3A_1052 : vector<16xf32>
        %mul3A_1054 = arith.mulf %bitcast3A_1049, %bitcast3A_1051 : vector<16xf32>
        %add3A_1055 = arith.addf %add3A_1053, %mul3A_1054 : vector<16xf32>
        %gather3A_1056 = tpu.vector_load_idx %arg12[%add3A_858, %add3A_160] : memref<80x128xi32, #tpu.memory_space<vmem>>[vector<16xi32>, vector<16xi32>], vector<16xi32>,
        %gather3A_1057 = tpu.vector_load_idx %arg13[%add3A_858, %add3A_160] : memref<80x128xi32, #tpu.memory_space<vmem>>[vector<16xi32>, vector<16xi32>], vector<16xi32>,
        %shift_left3A_1058 = arith.constant 16 : i32
        %shift_left3A_1059 = vector.broadcast %shift_left3A_1058 : i32 to vector<16xi32>
        %shift_left3A_1060 = arith.shli %gather3A_1056, %shift_left3A_1059 : vector<16xi32>
        %bitcast3A_1061 = vector.bitcast %shift_left3A_1060 : vector<16xi32> to vector<16xf32>
        %shift_left3A_1062 = arith.constant 16 : i32
        %shift_left3A_1063 = vector.broadcast %shift_left3A_1062 : i32 to vector<16xi32>
        %shift_left3A_1064 = arith.shli %gather3A_1057, %shift_left3A_1063 : vector<16xi32>
        %bitcast3A_1065 = vector.bitcast %shift_left3A_1064 : vector<16xi32> to vector<16xf32>
        %and3A_1066 = arith.andi %gather3A_1056, %broadcast_in_dim3A_213 : vector<16xi32>
        %bitcast3A_1067 = vector.bitcast %and3A_1066 : vector<16xi32> to vector<16xf32>
        %and3A_1068 = arith.andi %gather3A_1057, %broadcast_in_dim3A_213 : vector<16xi32>
        %bitcast3A_1069 = vector.bitcast %and3A_1068 : vector<16xi32> to vector<16xf32>
        %mul3A_1070 = arith.mulf %bitcast3A_1061, %bitcast3A_1065 : vector<16xf32>
        %add3A_1071 = arith.addf %add3A_1055, %mul3A_1070 : vector<16xf32>
        %mul3A_1072 = arith.mulf %bitcast3A_1067, %bitcast3A_1069 : vector<16xf32>
        %add3A_1073 = arith.addf %add3A_1071, %mul3A_1072 : vector<16xf32>
        %gather3A_1074 = tpu.vector_load_idx %arg12[%add3A_858, %add3A_173] : memref<80x128xi32, #tpu.memory_space<vmem>>[vector<16xi32>, vector<16xi32>], vector<16xi32>,
        %gather3A_1075 = tpu.vector_load_idx %arg13[%add3A_858, %add3A_173] : memref<80x128xi32, #tpu.memory_space<vmem>>[vector<16xi32>, vector<16xi32>], vector<16xi32>,
        %shift_left3A_1076 = arith.constant 16 : i32
        %shift_left3A_1077 = vector.broadcast %shift_left3A_1076 : i32 to vector<16xi32>
        %shift_left3A_1078 = arith.shli %gather3A_1074, %shift_left3A_1077 : vector<16xi32>
        %bitcast3A_1079 = vector.bitcast %shift_left3A_1078 : vector<16xi32> to vector<16xf32>
        %shift_left3A_1080 = arith.constant 16 : i32
        %shift_left3A_1081 = vector.broadcast %shift_left3A_1080 : i32 to vector<16xi32>
        %shift_left3A_1082 = arith.shli %gather3A_1075, %shift_left3A_1081 : vector<16xi32>
        %bitcast3A_1083 = vector.bitcast %shift_left3A_1082 : vector<16xi32> to vector<16xf32>
        %and3A_1084 = arith.andi %gather3A_1074, %broadcast_in_dim3A_213 : vector<16xi32>
        %bitcast3A_1085 = vector.bitcast %and3A_1084 : vector<16xi32> to vector<16xf32>
        %and3A_1086 = arith.andi %gather3A_1075, %broadcast_in_dim3A_213 : vector<16xi32>
        %bitcast3A_1087 = vector.bitcast %and3A_1086 : vector<16xi32> to vector<16xf32>
        %mul3A_1088 = arith.mulf %bitcast3A_1079, %bitcast3A_1083 : vector<16xf32>
        %add3A_1089 = arith.addf %add3A_1073, %mul3A_1088 : vector<16xf32>
        %mul3A_1090 = arith.mulf %bitcast3A_1085, %bitcast3A_1087 : vector<16xf32>
        %add3A_1091 = arith.addf %add3A_1089, %mul3A_1090 : vector<16xf32>
        %gather3A_1092 = tpu.vector_load_idx %arg12[%add3A_858, %add3A_186] : memref<80x128xi32, #tpu.memory_space<vmem>>[vector<16xi32>, vector<16xi32>], vector<16xi32>,
        %gather3A_1093 = tpu.vector_load_idx %arg13[%add3A_858, %add3A_186] : memref<80x128xi32, #tpu.memory_space<vmem>>[vector<16xi32>, vector<16xi32>], vector<16xi32>,
        %shift_left3A_1094 = arith.constant 16 : i32
        %shift_left3A_1095 = vector.broadcast %shift_left3A_1094 : i32 to vector<16xi32>
        %shift_left3A_1096 = arith.shli %gather3A_1092, %shift_left3A_1095 : vector<16xi32>
        %bitcast3A_1097 = vector.bitcast %shift_left3A_1096 : vector<16xi32> to vector<16xf32>
        %shift_left3A_1098 = arith.constant 16 : i32
        %shift_left3A_1099 = vector.broadcast %shift_left3A_1098 : i32 to vector<16xi32>
        %shift_left3A_1100 = arith.shli %gather3A_1093, %shift_left3A_1099 : vector<16xi32>
        %bitcast3A_1101 = vector.bitcast %shift_left3A_1100 : vector<16xi32> to vector<16xf32>
        %and3A_1102 = arith.andi %gather3A_1092, %broadcast_in_dim3A_213 : vector<16xi32>
        %bitcast3A_1103 = vector.bitcast %and3A_1102 : vector<16xi32> to vector<16xf32>
        %and3A_1104 = arith.andi %gather3A_1093, %broadcast_in_dim3A_213 : vector<16xi32>
        %bitcast3A_1105 = vector.bitcast %and3A_1104 : vector<16xi32> to vector<16xf32>
        %mul3A_1106 = arith.mulf %bitcast3A_1097, %bitcast3A_1101 : vector<16xf32>
        %add3A_1107 = arith.addf %add3A_1091, %mul3A_1106 : vector<16xf32>
        %mul3A_1108 = arith.mulf %bitcast3A_1103, %bitcast3A_1105 : vector<16xf32>
        %add3A_1109 = arith.addf %add3A_1107, %mul3A_1108 : vector<16xf32>
        %gather3A_1110 = tpu.vector_load_idx %arg12[%add3A_858, %add3A_199] : memref<80x128xi32, #tpu.memory_space<vmem>>[vector<16xi32>, vector<16xi32>], vector<16xi32>,
        %gather3A_1111 = tpu.vector_load_idx %arg13[%add3A_858, %add3A_199] : memref<80x128xi32, #tpu.memory_space<vmem>>[vector<16xi32>, vector<16xi32>], vector<16xi32>,
        %shift_left3A_1112 = arith.constant 16 : i32
        %shift_left3A_1113 = vector.broadcast %shift_left3A_1112 : i32 to vector<16xi32>
        %shift_left3A_1114 = arith.shli %gather3A_1110, %shift_left3A_1113 : vector<16xi32>
        %bitcast3A_1115 = vector.bitcast %shift_left3A_1114 : vector<16xi32> to vector<16xf32>
        %shift_left3A_1116 = arith.constant 16 : i32
        %shift_left3A_1117 = vector.broadcast %shift_left3A_1116 : i32 to vector<16xi32>
        %shift_left3A_1118 = arith.shli %gather3A_1111, %shift_left3A_1117 : vector<16xi32>
        %bitcast3A_1119 = vector.bitcast %shift_left3A_1118 : vector<16xi32> to vector<16xf32>
        %and3A_1120 = arith.andi %gather3A_1110, %broadcast_in_dim3A_213 : vector<16xi32>
        %bitcast3A_1121 = vector.bitcast %and3A_1120 : vector<16xi32> to vector<16xf32>
        %and3A_1122 = arith.andi %gather3A_1111, %broadcast_in_dim3A_213 : vector<16xi32>
        %bitcast3A_1123 = vector.bitcast %and3A_1122 : vector<16xi32> to vector<16xf32>
        %mul3A_1124 = arith.mulf %bitcast3A_1115, %bitcast3A_1119 : vector<16xf32>
        %add3A_1125 = arith.addf %add3A_1109, %mul3A_1124 : vector<16xf32>
        %mul3A_1126 = arith.mulf %bitcast3A_1121, %bitcast3A_1123 : vector<16xf32>
        %add3A_1127 = arith.addf %add3A_1125, %mul3A_1126 : vector<16xf32>
        %gather3A_1128 = tpu.vector_load_idx %arg12[%add3A_858, %add3A_212] : memref<80x128xi32, #tpu.memory_space<vmem>>[vector<16xi32>, vector<16xi32>], vector<16xi32>,
        %gather3A_1129 = tpu.vector_load_idx %arg13[%add3A_858, %add3A_212] : memref<80x128xi32, #tpu.memory_space<vmem>>[vector<16xi32>, vector<16xi32>], vector<16xi32>,
        %shift_left3A_1130 = arith.constant 16 : i32
        %shift_left3A_1131 = vector.broadcast %shift_left3A_1130 : i32 to vector<16xi32>
        %shift_left3A_1132 = arith.shli %gather3A_1128, %shift_left3A_1131 : vector<16xi32>
        %bitcast3A_1133 = vector.bitcast %shift_left3A_1132 : vector<16xi32> to vector<16xf32>
        %shift_left3A_1134 = arith.constant 16 : i32
        %shift_left3A_1135 = vector.broadcast %shift_left3A_1134 : i32 to vector<16xi32>
        %shift_left3A_1136 = arith.shli %gather3A_1129, %shift_left3A_1135 : vector<16xi32>
        %bitcast3A_1137 = vector.bitcast %shift_left3A_1136 : vector<16xi32> to vector<16xf32>
        %and3A_1138 = arith.andi %gather3A_1128, %broadcast_in_dim3A_213 : vector<16xi32>
        %bitcast3A_1139 = vector.bitcast %and3A_1138 : vector<16xi32> to vector<16xf32>
        %and3A_1140 = arith.andi %gather3A_1129, %broadcast_in_dim3A_213 : vector<16xi32>
        %bitcast3A_1141 = vector.bitcast %and3A_1140 : vector<16xi32> to vector<16xf32>
        %mul3A_1142 = arith.mulf %bitcast3A_1133, %bitcast3A_1137 : vector<16xf32>
        %add3A_1143 = arith.addf %add3A_1127, %mul3A_1142 : vector<16xf32>
        %mul3A_1144 = arith.mulf %bitcast3A_1139, %bitcast3A_1141 : vector<16xf32>
        %add3A_1145 = arith.addf %add3A_1143, %mul3A_1144 : vector<16xf32>
        %mul3A_1146 = arith.constant 0.176776692 : f32
        %mul3A_1147 = vector.broadcast %mul3A_1146 : f32 to vector<16xf32>
        %mul3A_1148 = arith.mulf %add3A_1145, %mul3A_1147 : vector<16xf32>
        %exp3A = math.exp %mul3A_1148 : vector<16xf32>
        %add3A_1149 = arith.addi %mul3A_771, %scan3A_856 : i32
        %swap3A = arith.index_cast %add3A_1149 : i32 to index
        %swap3A_1150 = arith.constant 0 : index
        %swap3A_1151 = tpu.vector_load %arg16[%swap3A, %swap3A_1150] {strides = array<i32>} : memref<640x16xf32, #tpu.memory_space<vmem>>, vector<16xf32>,
        tpu.vector_store %arg16[%swap3A, %swap3A_1150], %exp3A {strides = array<i32>} : memref<640x16xf32, #tpu.memory_space<vmem>>, vector<16xf32>,
      }
      %scan3A_777 = arith.constant 40 : i32
      %add3A_778 = arith.constant 1 : i32
      %add3A_779 = arith.addi %mul3A_661, %add3A_778 : i32
      %dma_wait3A_780 = arith.constant 0 : i32
      %dma_wait3A_781 = arith.constant 0 : i32
      %dma_wait3A_782 = tpu.memref_slice %arg14[%dma_wait3A_780, %dma_wait3A_781] : memref<80x128xi32, #tpu.memory_space<vmem>> -> memref<40x128xi32, #tpu.memory_space<vmem>>
      %dma_wait3A_783 = arith.constant 0 : i32
      %dma_wait3A_784 = tpu.memref_slice %arg9[%add3A_779, %dma_wait3A_783] : memref<125x40xi32, #tpu.memory_space<vmem>> -> memref<1x40xi32, #tpu.memory_space<vmem>>
      %dma_wait3A_785 = tpu.memref_squeeze %dma_wait3A_784 : memref<1x40xi32, #tpu.memory_space<vmem>> -> memref<40xi32, #tpu.memory_space<vmem>>
      %dma_wait3A_786 = arith.constant 0 : i32
      %dma_wait3A_787 = arith.constant 0 : i32
      %dma_wait3A_788 = tpu.memref_slice %arg2[%scan3A_286, %dma_wait3A_786, %dma_wait3A_787] : memref<2x10000x128xi32, #tpu.memory_space<hbm>> -> memref<1x10000x128xi32, #tpu.memory_space<hbm>>
      %dma_wait3A_789 = tpu.memref_squeeze %dma_wait3A_788 : memref<1x10000x128xi32, #tpu.memory_space<hbm>> -> memref<10000x128xi32, #tpu.memory_space<hbm>>
      %dma_wait3A_790 = arith.constant 0 : i32
      %dma_wait3A_791 = arith.constant 0 : i32
      %dma_wait3A_792 = tpu.memref_slice %dma_wait3A_789[%dma_wait3A_790, %dma_wait3A_791] : memref<10000x128xi32, #tpu.memory_space<hbm>> -> memref<10000x128xi32, #tpu.memory_space<hbm>>
      tpu.wait_indirect_dma semaphore(%arg19 : memref<!tpu.dma_semaphore, #tpu.memory_space<semaphore_mem>>) src(%dma_wait3A_792 : memref<10000x128xi32, #tpu.memory_space<hbm>>) dst(%dma_wait3A_782 : memref<40x128xi32, #tpu.memory_space<vmem>>)
      %dma_wait3A_793 = arith.constant 40 : i32
      %dma_wait3A_794 = arith.constant 0 : i32
      %dma_wait3A_795 = tpu.memref_slice %arg14[%dma_wait3A_793, %dma_wait3A_794] : memref<80x128xi32, #tpu.memory_space<vmem>> -> memref<40x128xi32, #tpu.memory_space<vmem>>
      %dma_wait3A_796 = arith.constant 0 : i32
      %dma_wait3A_797 = tpu.memref_slice %arg9[%add3A_779, %dma_wait3A_796] : memref<125x40xi32, #tpu.memory_space<vmem>> -> memref<1x40xi32, #tpu.memory_space<vmem>>
      %dma_wait3A_798 = tpu.memref_squeeze %dma_wait3A_797 : memref<1x40xi32, #tpu.memory_space<vmem>> -> memref<40xi32, #tpu.memory_space<vmem>>
      %dma_wait3A_799 = arith.constant 0 : i32
      %dma_wait3A_800 = arith.constant 0 : i32
      %dma_wait3A_801 = tpu.memref_slice %arg2[%scan3A_287, %dma_wait3A_799, %dma_wait3A_800] : memref<2x10000x128xi32, #tpu.memory_space<hbm>> -> memref<1x10000x128xi32, #tpu.memory_space<hbm>>
      %dma_wait3A_802 = tpu.memref_squeeze %dma_wait3A_801 : memref<1x10000x128xi32, #tpu.memory_space<hbm>> -> memref<10000x128xi32, #tpu.memory_space<hbm>>
      %dma_wait3A_803 = arith.constant 0 : i32
      %dma_wait3A_804 = arith.constant 0 : i32
      %dma_wait3A_805 = tpu.memref_slice %dma_wait3A_802[%dma_wait3A_803, %dma_wait3A_804] : memref<10000x128xi32, #tpu.memory_space<hbm>> -> memref<10000x128xi32, #tpu.memory_space<hbm>>
      tpu.wait_indirect_dma semaphore(%arg19 : memref<!tpu.dma_semaphore, #tpu.memory_space<semaphore_mem>>) src(%dma_wait3A_805 : memref<10000x128xi32, #tpu.memory_space<hbm>>) dst(%dma_wait3A_795 : memref<40x128xi32, #tpu.memory_space<vmem>>)
      %dma_wait3A_806 = arith.constant 0 : i32
      %dma_wait3A_807 = arith.constant 0 : i32
      %dma_wait3A_808 = tpu.memref_slice %arg15[%dma_wait3A_806, %dma_wait3A_807] : memref<80x128xi32, #tpu.memory_space<vmem>> -> memref<40x128xi32, #tpu.memory_space<vmem>>
      %dma_wait3A_809 = arith.constant 0 : i32
      %dma_wait3A_810 = tpu.memref_slice %arg10[%add3A_779, %dma_wait3A_809] : memref<125x40xi32, #tpu.memory_space<vmem>> -> memref<1x40xi32, #tpu.memory_space<vmem>>
      %dma_wait3A_811 = tpu.memref_squeeze %dma_wait3A_810 : memref<1x40xi32, #tpu.memory_space<vmem>> -> memref<40xi32, #tpu.memory_space<vmem>>
      %dma_wait3A_812 = arith.constant 0 : i32
      %dma_wait3A_813 = arith.constant 0 : i32
      %dma_wait3A_814 = tpu.memref_slice %arg3[%scan3A_288, %dma_wait3A_812, %dma_wait3A_813] : memref<2x10000x128xi32, #tpu.memory_space<hbm>> -> memref<1x10000x128xi32, #tpu.memory_space<hbm>>
      %dma_wait3A_815 = tpu.memref_squeeze %dma_wait3A_814 : memref<1x10000x128xi32, #tpu.memory_space<hbm>> -> memref<10000x128xi32, #tpu.memory_space<hbm>>
      %dma_wait3A_816 = arith.constant 0 : i32
      %dma_wait3A_817 = arith.constant 0 : i32
      %dma_wait3A_818 = tpu.memref_slice %dma_wait3A_815[%dma_wait3A_816, %dma_wait3A_817] : memref<10000x128xi32, #tpu.memory_space<hbm>> -> memref<10000x128xi32, #tpu.memory_space<hbm>>
      tpu.wait_indirect_dma semaphore(%arg19 : memref<!tpu.dma_semaphore, #tpu.memory_space<semaphore_mem>>) src(%dma_wait3A_818 : memref<10000x128xi32, #tpu.memory_space<hbm>>) dst(%dma_wait3A_808 : memref<40x128xi32, #tpu.memory_space<vmem>>)
      %dma_wait3A_819 = arith.constant 40 : i32
      %dma_wait3A_820 = arith.constant 0 : i32
      %dma_wait3A_821 = tpu.memref_slice %arg15[%dma_wait3A_819, %dma_wait3A_820] : memref<80x128xi32, #tpu.memory_space<vmem>> -> memref<40x128xi32, #tpu.memory_space<vmem>>
      %dma_wait3A_822 = arith.constant 0 : i32
      %dma_wait3A_823 = tpu.memref_slice %arg10[%add3A_779, %dma_wait3A_822] : memref<125x40xi32, #tpu.memory_space<vmem>> -> memref<1x40xi32, #tpu.memory_space<vmem>>
      %dma_wait3A_824 = tpu.memref_squeeze %dma_wait3A_823 : memref<1x40xi32, #tpu.memory_space<vmem>> -> memref<40xi32, #tpu.memory_space<vmem>>
      %dma_wait3A_825 = arith.constant 0 : i32
      %dma_wait3A_826 = arith.constant 0 : i32
      %dma_wait3A_827 = tpu.memref_slice %arg3[%scan3A_289, %dma_wait3A_825, %dma_wait3A_826] : memref<2x10000x128xi32, #tpu.memory_space<hbm>> -> memref<1x10000x128xi32, #tpu.memory_space<hbm>>
      %dma_wait3A_828 = tpu.memref_squeeze %dma_wait3A_827 : memref<1x10000x128xi32, #tpu.memory_space<hbm>> -> memref<10000x128xi32, #tpu.memory_space<hbm>>
      %dma_wait3A_829 = arith.constant 0 : i32
      %dma_wait3A_830 = arith.constant 0 : i32
      %dma_wait3A_831 = tpu.memref_slice %dma_wait3A_828[%dma_wait3A_829, %dma_wait3A_830] : memref<10000x128xi32, #tpu.memory_space<hbm>> -> memref<10000x128xi32, #tpu.memory_space<hbm>>
      tpu.wait_indirect_dma semaphore(%arg19 : memref<!tpu.dma_semaphore, #tpu.memory_space<semaphore_mem>>) src(%dma_wait3A_831 : memref<10000x128xi32, #tpu.memory_space<hbm>>) dst(%dma_wait3A_821 : memref<40x128xi32, #tpu.memory_space<vmem>>)
      %add3A_832 = arith.constant 1 : i32
      %add3A_833 = arith.addi %add3A_779, %add3A_832 : i32
      %lt3A_834 = arith.constant 125 : i32
      %lt3A_835 = arith.cmpi slt, %add3A_833, %lt3A_834 : i32
      %convert_element_type3A_836 = arith.extui %lt3A_835 : i1 to i32
      %cond3A_837 = arith.constant 0 : i32
      %cond3A_838 = arith.cmpi ne, %convert_element_type3A_836, %cond3A_837 : i32
      scf.if %cond3A_838 {
        %add3A_856 = arith.constant 1 : i32
        %add3A_857 = arith.addi %add3A_779, %add3A_856 : i32
        %dma_start3A_858 = arith.constant 0 : i32
        %dma_start3A_859 = arith.constant 0 : i32
        %dma_start3A_860 = tpu.memref_slice %arg12[%dma_start3A_858, %dma_start3A_859] : memref<80x128xi32, #tpu.memory_space<vmem>> -> memref<40x128xi32, #tpu.memory_space<vmem>>
        %dma_start3A_861 = arith.constant 0 : i32
        %dma_start3A_862 = tpu.memref_slice %arg9[%add3A_857, %dma_start3A_861] : memref<125x40xi32, #tpu.memory_space<vmem>> -> memref<1x40xi32, #tpu.memory_space<vmem>>
        %dma_start3A_863 = tpu.memref_squeeze %dma_start3A_862 : memref<1x40xi32, #tpu.memory_space<vmem>> -> memref<40xi32, #tpu.memory_space<vmem>>
        %dma_start3A_864 = arith.constant 0 : i32
        %dma_start3A_865 = arith.constant 0 : i32
        %dma_start3A_866 = tpu.memref_slice %arg2[%scan3A_286, %dma_start3A_864, %dma_start3A_865] : memref<2x10000x128xi32, #tpu.memory_space<hbm>> -> memref<1x10000x128xi32, #tpu.memory_space<hbm>>
        %dma_start3A_867 = tpu.memref_squeeze %dma_start3A_866 : memref<1x10000x128xi32, #tpu.memory_space<hbm>> -> memref<10000x128xi32, #tpu.memory_space<hbm>>
        %dma_start3A_868 = arith.constant 0 : i32
        %dma_start3A_869 = arith.constant 0 : i32
        %dma_start3A_870 = tpu.memref_slice %dma_start3A_867[%dma_start3A_868, %dma_start3A_869] : memref<10000x128xi32, #tpu.memory_space<hbm>> -> memref<10000x128xi32, #tpu.memory_space<hbm>>
        tpu.enqueue_indirect_dma source(%dma_start3A_870 : memref<10000x128xi32, #tpu.memory_space<hbm>>) target(%dma_start3A_860 : memref<40x128xi32, #tpu.memory_space<vmem>>) offsets(%dma_start3A_863 : memref<40xi32, #tpu.memory_space<vmem>>) semaphore(%arg18 : memref<!tpu.dma_semaphore, #tpu.memory_space<semaphore_mem>>)
        %dma_start3A_871 = arith.constant 40 : i32
        %dma_start3A_872 = arith.constant 0 : i32
        %dma_start3A_873 = tpu.memref_slice %arg12[%dma_start3A_871, %dma_start3A_872] : memref<80x128xi32, #tpu.memory_space<vmem>> -> memref<40x128xi32, #tpu.memory_space<vmem>>
        %dma_start3A_874 = arith.constant 0 : i32
        %dma_start3A_875 = tpu.memref_slice %arg9[%add3A_857, %dma_start3A_874] : memref<125x40xi32, #tpu.memory_space<vmem>> -> memref<1x40xi32, #tpu.memory_space<vmem>>
        %dma_start3A_876 = tpu.memref_squeeze %dma_start3A_875 : memref<1x40xi32, #tpu.memory_space<vmem>> -> memref<40xi32, #tpu.memory_space<vmem>>
        %dma_start3A_877 = arith.constant 0 : i32
        %dma_start3A_878 = arith.constant 0 : i32
        %dma_start3A_879 = tpu.memref_slice %arg2[%scan3A_287, %dma_start3A_877, %dma_start3A_878] : memref<2x10000x128xi32, #tpu.memory_space<hbm>> -> memref<1x10000x128xi32, #tpu.memory_space<hbm>>
        %dma_start3A_880 = tpu.memref_squeeze %dma_start3A_879 : memref<1x10000x128xi32, #tpu.memory_space<hbm>> -> memref<10000x128xi32, #tpu.memory_space<hbm>>
        %dma_start3A_881 = arith.constant 0 : i32
        %dma_start3A_882 = arith.constant 0 : i32
        %dma_start3A_883 = tpu.memref_slice %dma_start3A_880[%dma_start3A_881, %dma_start3A_882] : memref<10000x128xi32, #tpu.memory_space<hbm>> -> memref<10000x128xi32, #tpu.memory_space<hbm>>
        tpu.enqueue_indirect_dma source(%dma_start3A_883 : memref<10000x128xi32, #tpu.memory_space<hbm>>) target(%dma_start3A_873 : memref<40x128xi32, #tpu.memory_space<vmem>>) offsets(%dma_start3A_876 : memref<40xi32, #tpu.memory_space<vmem>>) semaphore(%arg18 : memref<!tpu.dma_semaphore, #tpu.memory_space<semaphore_mem>>)
        %dma_start3A_884 = arith.constant 0 : i32
        %dma_start3A_885 = arith.constant 0 : i32
        %dma_start3A_886 = tpu.memref_slice %arg13[%dma_start3A_884, %dma_start3A_885] : memref<80x128xi32, #tpu.memory_space<vmem>> -> memref<40x128xi32, #tpu.memory_space<vmem>>
        %dma_start3A_887 = arith.constant 0 : i32
        %dma_start3A_888 = tpu.memref_slice %arg10[%add3A_857, %dma_start3A_887] : memref<125x40xi32, #tpu.memory_space<vmem>> -> memref<1x40xi32, #tpu.memory_space<vmem>>
        %dma_start3A_889 = tpu.memref_squeeze %dma_start3A_888 : memref<1x40xi32, #tpu.memory_space<vmem>> -> memref<40xi32, #tpu.memory_space<vmem>>
        %dma_start3A_890 = arith.constant 0 : i32
        %dma_start3A_891 = arith.constant 0 : i32
        %dma_start3A_892 = tpu.memref_slice %arg3[%scan3A_288, %dma_start3A_890, %dma_start3A_891] : memref<2x10000x128xi32, #tpu.memory_space<hbm>> -> memref<1x10000x128xi32, #tpu.memory_space<hbm>>
        %dma_start3A_893 = tpu.memref_squeeze %dma_start3A_892 : memref<1x10000x128xi32, #tpu.memory_space<hbm>> -> memref<10000x128xi32, #tpu.memory_space<hbm>>
        %dma_start3A_894 = arith.constant 0 : i32
        %dma_start3A_895 = arith.constant 0 : i32
        %dma_start3A_896 = tpu.memref_slice %dma_start3A_893[%dma_start3A_894, %dma_start3A_895] : memref<10000x128xi32, #tpu.memory_space<hbm>> -> memref<10000x128xi32, #tpu.memory_space<hbm>>
        tpu.enqueue_indirect_dma source(%dma_start3A_896 : memref<10000x128xi32, #tpu.memory_space<hbm>>) target(%dma_start3A_886 : memref<40x128xi32, #tpu.memory_space<vmem>>) offsets(%dma_start3A_889 : memref<40xi32, #tpu.memory_space<vmem>>) semaphore(%arg18 : memref<!tpu.dma_semaphore, #tpu.memory_space<semaphore_mem>>)
        %dma_start3A_897 = arith.constant 40 : i32
        %dma_start3A_898 = arith.constant 0 : i32
        %dma_start3A_899 = tpu.memref_slice %arg13[%dma_start3A_897, %dma_start3A_898] : memref<80x128xi32, #tpu.memory_space<vmem>> -> memref<40x128xi32, #tpu.memory_space<vmem>>
        %dma_start3A_900 = arith.constant 0 : i32
        %dma_start3A_901 = tpu.memref_slice %arg10[%add3A_857, %dma_start3A_900] : memref<125x40xi32, #tpu.memory_space<vmem>> -> memref<1x40xi32, #tpu.memory_space<vmem>>
        %dma_start3A_902 = tpu.memref_squeeze %dma_start3A_901 : memref<1x40xi32, #tpu.memory_space<vmem>> -> memref<40xi32, #tpu.memory_space<vmem>>
        %dma_start3A_903 = arith.constant 0 : i32
        %dma_start3A_904 = arith.constant 0 : i32
        %dma_start3A_905 = tpu.memref_slice %arg3[%scan3A_289, %dma_start3A_903, %dma_start3A_904] : memref<2x10000x128xi32, #tpu.memory_space<hbm>> -> memref<1x10000x128xi32, #tpu.memory_space<hbm>>
        %dma_start3A_906 = tpu.memref_squeeze %dma_start3A_905 : memref<1x10000x128xi32, #tpu.memory_space<hbm>> -> memref<10000x128xi32, #tpu.memory_space<hbm>>
        %dma_start3A_907 = arith.constant 0 : i32
        %dma_start3A_908 = arith.constant 0 : i32
        %dma_start3A_909 = tpu.memref_slice %dma_start3A_906[%dma_start3A_907, %dma_start3A_908] : memref<10000x128xi32, #tpu.memory_space<hbm>> -> memref<10000x128xi32, #tpu.memory_space<hbm>>
        tpu.enqueue_indirect_dma source(%dma_start3A_909 : memref<10000x128xi32, #tpu.memory_space<hbm>>) target(%dma_start3A_899 : memref<40x128xi32, #tpu.memory_space<vmem>>) offsets(%dma_start3A_902 : memref<40xi32, #tpu.memory_space<vmem>>) semaphore(%arg18 : memref<!tpu.dma_semaphore, #tpu.memory_space<semaphore_mem>>)
      } else {
      }
      %rem3A_839 = arith.constant 16 : i32
      %rem3A_840 = arith.remsi %add3A_779, %rem3A_839 : i32
      %mul3A_841 = arith.constant 40 : i32
      %mul3A_842 = arith.muli %rem3A_840, %mul3A_841 : i32
      %scan3A_843 = arith.constant 0 : i32
      %scan3A_844 = arith.constant 0 : i32
      %scan3A_845 = arith.constant 40 : i32
      %scan3A_846 = arith.addi %scan3A_844, %scan3A_845 : i32
      %scan3A_847 = arith.constant 1 : i32
      scf.for %scan3A_856 = %scan3A_844 to %scan3A_846 step %scan3A_847  : i32 {
        %add3A_857 = vector.broadcast %scan3A_856 : i32 to vector<16xi32>
        %add3A_858 = arith.addi %mul3A_5, %add3A_857 : vector<16xi32>
        %broadcast_in_dim3A_859 = arith.constant 0.000000e+00 : f32
        %broadcast_in_dim3A_860 = vector.broadcast %broadcast_in_dim3A_859 : f32 to vector<16xf32>
        %gather3A = tpu.vector_load_idx %arg14[%add3A_858, %add3A_17] : memref<80x128xi32, #tpu.memory_space<vmem>>[vector<16xi32>, vector<16xi32>], vector<16xi32>,
        %gather3A_861 = tpu.vector_load_idx %arg15[%add3A_858, %add3A_17] : memref<80x128xi32, #tpu.memory_space<vmem>>[vector<16xi32>, vector<16xi32>], vector<16xi32>,
        %shift_left3A = arith.constant 16 : i32
        %shift_left3A_862 = vector.broadcast %shift_left3A : i32 to vector<16xi32>
        %shift_left3A_863 = arith.shli %gather3A, %shift_left3A_862 : vector<16xi32>
        %bitcast3A = vector.bitcast %shift_left3A_863 : vector<16xi32> to vector<16xf32>
        %shift_left3A_864 = arith.constant 16 : i32
        %shift_left3A_865 = vector.broadcast %shift_left3A_864 : i32 to vector<16xi32>
        %shift_left3A_866 = arith.shli %gather3A_861, %shift_left3A_865 : vector<16xi32>
        %bitcast3A_867 = vector.bitcast %shift_left3A_866 : vector<16xi32> to vector<16xf32>
        %and3A_868 = arith.andi %gather3A, %broadcast_in_dim3A_213 : vector<16xi32>
        %bitcast3A_869 = vector.bitcast %and3A_868 : vector<16xi32> to vector<16xf32>
        %and3A_870 = arith.andi %gather3A_861, %broadcast_in_dim3A_213 : vector<16xi32>
        %bitcast3A_871 = vector.bitcast %and3A_870 : vector<16xi32> to vector<16xf32>
        %mul3A_872 = arith.mulf %bitcast3A, %bitcast3A_867 : vector<16xf32>
        %add3A_873 = arith.addf %broadcast_in_dim3A_860, %mul3A_872 : vector<16xf32>
        %mul3A_874 = arith.mulf %bitcast3A_869, %bitcast3A_871 : vector<16xf32>
        %add3A_875 = arith.addf %add3A_873, %mul3A_874 : vector<16xf32>
        %gather3A_876 = tpu.vector_load_idx %arg14[%add3A_858, %add3A_30] : memref<80x128xi32, #tpu.memory_space<vmem>>[vector<16xi32>, vector<16xi32>], vector<16xi32>,
        %gather3A_877 = tpu.vector_load_idx %arg15[%add3A_858, %add3A_30] : memref<80x128xi32, #tpu.memory_space<vmem>>[vector<16xi32>, vector<16xi32>], vector<16xi32>,
        %shift_left3A_878 = arith.constant 16 : i32
        %shift_left3A_879 = vector.broadcast %shift_left3A_878 : i32 to vector<16xi32>
        %shift_left3A_880 = arith.shli %gather3A_876, %shift_left3A_879 : vector<16xi32>
        %bitcast3A_881 = vector.bitcast %shift_left3A_880 : vector<16xi32> to vector<16xf32>
        %shift_left3A_882 = arith.constant 16 : i32
        %shift_left3A_883 = vector.broadcast %shift_left3A_882 : i32 to vector<16xi32>
        %shift_left3A_884 = arith.shli %gather3A_877, %shift_left3A_883 : vector<16xi32>
        %bitcast3A_885 = vector.bitcast %shift_left3A_884 : vector<16xi32> to vector<16xf32>
        %and3A_886 = arith.andi %gather3A_876, %broadcast_in_dim3A_213 : vector<16xi32>
        %bitcast3A_887 = vector.bitcast %and3A_886 : vector<16xi32> to vector<16xf32>
        %and3A_888 = arith.andi %gather3A_877, %broadcast_in_dim3A_213 : vector<16xi32>
        %bitcast3A_889 = vector.bitcast %and3A_888 : vector<16xi32> to vector<16xf32>
        %mul3A_890 = arith.mulf %bitcast3A_881, %bitcast3A_885 : vector<16xf32>
        %add3A_891 = arith.addf %add3A_875, %mul3A_890 : vector<16xf32>
        %mul3A_892 = arith.mulf %bitcast3A_887, %bitcast3A_889 : vector<16xf32>
        %add3A_893 = arith.addf %add3A_891, %mul3A_892 : vector<16xf32>
        %gather3A_894 = tpu.vector_load_idx %arg14[%add3A_858, %add3A_43] : memref<80x128xi32, #tpu.memory_space<vmem>>[vector<16xi32>, vector<16xi32>], vector<16xi32>,
        %gather3A_895 = tpu.vector_load_idx %arg15[%add3A_858, %add3A_43] : memref<80x128xi32, #tpu.memory_space<vmem>>[vector<16xi32>, vector<16xi32>], vector<16xi32>,
        %shift_left3A_896 = arith.constant 16 : i32
        %shift_left3A_897 = vector.broadcast %shift_left3A_896 : i32 to vector<16xi32>
        %shift_left3A_898 = arith.shli %gather3A_894, %shift_left3A_897 : vector<16xi32>
        %bitcast3A_899 = vector.bitcast %shift_left3A_898 : vector<16xi32> to vector<16xf32>
        %shift_left3A_900 = arith.constant 16 : i32
        %shift_left3A_901 = vector.broadcast %shift_left3A_900 : i32 to vector<16xi32>
        %shift_left3A_902 = arith.shli %gather3A_895, %shift_left3A_901 : vector<16xi32>
        %bitcast3A_903 = vector.bitcast %shift_left3A_902 : vector<16xi32> to vector<16xf32>
        %and3A_904 = arith.andi %gather3A_894, %broadcast_in_dim3A_213 : vector<16xi32>
        %bitcast3A_905 = vector.bitcast %and3A_904 : vector<16xi32> to vector<16xf32>
        %and3A_906 = arith.andi %gather3A_895, %broadcast_in_dim3A_213 : vector<16xi32>
        %bitcast3A_907 = vector.bitcast %and3A_906 : vector<16xi32> to vector<16xf32>
        %mul3A_908 = arith.mulf %bitcast3A_899, %bitcast3A_903 : vector<16xf32>
        %add3A_909 = arith.addf %add3A_893, %mul3A_908 : vector<16xf32>
        %mul3A_910 = arith.mulf %bitcast3A_905, %bitcast3A_907 : vector<16xf32>
        %add3A_911 = arith.addf %add3A_909, %mul3A_910 : vector<16xf32>
        %gather3A_912 = tpu.vector_load_idx %arg14[%add3A_858, %add3A_56] : memref<80x128xi32, #tpu.memory_space<vmem>>[vector<16xi32>, vector<16xi32>], vector<16xi32>,
        %gather3A_913 = tpu.vector_load_idx %arg15[%add3A_858, %add3A_56] : memref<80x128xi32, #tpu.memory_space<vmem>>[vector<16xi32>, vector<16xi32>], vector<16xi32>,
        %shift_left3A_914 = arith.constant 16 : i32
        %shift_left3A_915 = vector.broadcast %shift_left3A_914 : i32 to vector<16xi32>
        %shift_left3A_916 = arith.shli %gather3A_912, %shift_left3A_915 : vector<16xi32>
        %bitcast3A_917 = vector.bitcast %shift_left3A_916 : vector<16xi32> to vector<16xf32>
        %shift_left3A_918 = arith.constant 16 : i32
        %shift_left3A_919 = vector.broadcast %shift_left3A_918 : i32 to vector<16xi32>
        %shift_left3A_920 = arith.shli %gather3A_913, %shift_left3A_919 : vector<16xi32>
        %bitcast3A_921 = vector.bitcast %shift_left3A_920 : vector<16xi32> to vector<16xf32>
        %and3A_922 = arith.andi %gather3A_912, %broadcast_in_dim3A_213 : vector<16xi32>
        %bitcast3A_923 = vector.bitcast %and3A_922 : vector<16xi32> to vector<16xf32>
        %and3A_924 = arith.andi %gather3A_913, %broadcast_in_dim3A_213 : vector<16xi32>
        %bitcast3A_925 = vector.bitcast %and3A_924 : vector<16xi32> to vector<16xf32>
        %mul3A_926 = arith.mulf %bitcast3A_917, %bitcast3A_921 : vector<16xf32>
        %add3A_927 = arith.addf %add3A_911, %mul3A_926 : vector<16xf32>
        %mul3A_928 = arith.mulf %bitcast3A_923, %bitcast3A_925 : vector<16xf32>
        %add3A_929 = arith.addf %add3A_927, %mul3A_928 : vector<16xf32>
        %gather3A_930 = tpu.vector_load_idx %arg14[%add3A_858, %add3A_69] : memref<80x128xi32, #tpu.memory_space<vmem>>[vector<16xi32>, vector<16xi32>], vector<16xi32>,
        %gather3A_931 = tpu.vector_load_idx %arg15[%add3A_858, %add3A_69] : memref<80x128xi32, #tpu.memory_space<vmem>>[vector<16xi32>, vector<16xi32>], vector<16xi32>,
        %shift_left3A_932 = arith.constant 16 : i32
        %shift_left3A_933 = vector.broadcast %shift_left3A_932 : i32 to vector<16xi32>
        %shift_left3A_934 = arith.shli %gather3A_930, %shift_left3A_933 : vector<16xi32>
        %bitcast3A_935 = vector.bitcast %shift_left3A_934 : vector<16xi32> to vector<16xf32>
        %shift_left3A_936 = arith.constant 16 : i32
        %shift_left3A_937 = vector.broadcast %shift_left3A_936 : i32 to vector<16xi32>
        %shift_left3A_938 = arith.shli %gather3A_931, %shift_left3A_937 : vector<16xi32>
        %bitcast3A_939 = vector.bitcast %shift_left3A_938 : vector<16xi32> to vector<16xf32>
        %and3A_940 = arith.andi %gather3A_930, %broadcast_in_dim3A_213 : vector<16xi32>
        %bitcast3A_941 = vector.bitcast %and3A_940 : vector<16xi32> to vector<16xf32>
        %and3A_942 = arith.andi %gather3A_931, %broadcast_in_dim3A_213 : vector<16xi32>
        %bitcast3A_943 = vector.bitcast %and3A_942 : vector<16xi32> to vector<16xf32>
        %mul3A_944 = arith.mulf %bitcast3A_935, %bitcast3A_939 : vector<16xf32>
        %add3A_945 = arith.addf %add3A_929, %mul3A_944 : vector<16xf32>
        %mul3A_946 = arith.mulf %bitcast3A_941, %bitcast3A_943 : vector<16xf32>
        %add3A_947 = arith.addf %add3A_945, %mul3A_946 : vector<16xf32>
        %gather3A_948 = tpu.vector_load_idx %arg14[%add3A_858, %add3A_82] : memref<80x128xi32, #tpu.memory_space<vmem>>[vector<16xi32>, vector<16xi32>], vector<16xi32>,
        %gather3A_949 = tpu.vector_load_idx %arg15[%add3A_858, %add3A_82] : memref<80x128xi32, #tpu.memory_space<vmem>>[vector<16xi32>, vector<16xi32>], vector<16xi32>,
        %shift_left3A_950 = arith.constant 16 : i32
        %shift_left3A_951 = vector.broadcast %shift_left3A_950 : i32 to vector<16xi32>
        %shift_left3A_952 = arith.shli %gather3A_948, %shift_left3A_951 : vector<16xi32>
        %bitcast3A_953 = vector.bitcast %shift_left3A_952 : vector<16xi32> to vector<16xf32>
        %shift_left3A_954 = arith.constant 16 : i32
        %shift_left3A_955 = vector.broadcast %shift_left3A_954 : i32 to vector<16xi32>
        %shift_left3A_956 = arith.shli %gather3A_949, %shift_left3A_955 : vector<16xi32>
        %bitcast3A_957 = vector.bitcast %shift_left3A_956 : vector<16xi32> to vector<16xf32>
        %and3A_958 = arith.andi %gather3A_948, %broadcast_in_dim3A_213 : vector<16xi32>
        %bitcast3A_959 = vector.bitcast %and3A_958 : vector<16xi32> to vector<16xf32>
        %and3A_960 = arith.andi %gather3A_949, %broadcast_in_dim3A_213 : vector<16xi32>
        %bitcast3A_961 = vector.bitcast %and3A_960 : vector<16xi32> to vector<16xf32>
        %mul3A_962 = arith.mulf %bitcast3A_953, %bitcast3A_957 : vector<16xf32>
        %add3A_963 = arith.addf %add3A_947, %mul3A_962 : vector<16xf32>
        %mul3A_964 = arith.mulf %bitcast3A_959, %bitcast3A_961 : vector<16xf32>
        %add3A_965 = arith.addf %add3A_963, %mul3A_964 : vector<16xf32>
        %gather3A_966 = tpu.vector_load_idx %arg14[%add3A_858, %add3A_95] : memref<80x128xi32, #tpu.memory_space<vmem>>[vector<16xi32>, vector<16xi32>], vector<16xi32>,
        %gather3A_967 = tpu.vector_load_idx %arg15[%add3A_858, %add3A_95] : memref<80x128xi32, #tpu.memory_space<vmem>>[vector<16xi32>, vector<16xi32>], vector<16xi32>,
        %shift_left3A_968 = arith.constant 16 : i32
        %shift_left3A_969 = vector.broadcast %shift_left3A_968 : i32 to vector<16xi32>
        %shift_left3A_970 = arith.shli %gather3A_966, %shift_left3A_969 : vector<16xi32>
        %bitcast3A_971 = vector.bitcast %shift_left3A_970 : vector<16xi32> to vector<16xf32>
        %shift_left3A_972 = arith.constant 16 : i32
        %shift_left3A_973 = vector.broadcast %shift_left3A_972 : i32 to vector<16xi32>
        %shift_left3A_974 = arith.shli %gather3A_967, %shift_left3A_973 : vector<16xi32>
        %bitcast3A_975 = vector.bitcast %shift_left3A_974 : vector<16xi32> to vector<16xf32>
        %and3A_976 = arith.andi %gather3A_966, %broadcast_in_dim3A_213 : vector<16xi32>
        %bitcast3A_977 = vector.bitcast %and3A_976 : vector<16xi32> to vector<16xf32>
        %and3A_978 = arith.andi %gather3A_967, %broadcast_in_dim3A_213 : vector<16xi32>
        %bitcast3A_979 = vector.bitcast %and3A_978 : vector<16xi32> to vector<16xf32>
        %mul3A_980 = arith.mulf %bitcast3A_971, %bitcast3A_975 : vector<16xf32>
        %add3A_981 = arith.addf %add3A_965, %mul3A_980 : vector<16xf32>
        %mul3A_982 = arith.mulf %bitcast3A_977, %bitcast3A_979 : vector<16xf32>
        %add3A_983 = arith.addf %add3A_981, %mul3A_982 : vector<16xf32>
        %gather3A_984 = tpu.vector_load_idx %arg14[%add3A_858, %add3A_108] : memref<80x128xi32, #tpu.memory_space<vmem>>[vector<16xi32>, vector<16xi32>], vector<16xi32>,
        %gather3A_985 = tpu.vector_load_idx %arg15[%add3A_858, %add3A_108] : memref<80x128xi32, #tpu.memory_space<vmem>>[vector<16xi32>, vector<16xi32>], vector<16xi32>,
        %shift_left3A_986 = arith.constant 16 : i32
        %shift_left3A_987 = vector.broadcast %shift_left3A_986 : i32 to vector<16xi32>
        %shift_left3A_988 = arith.shli %gather3A_984, %shift_left3A_987 : vector<16xi32>
        %bitcast3A_989 = vector.bitcast %shift_left3A_988 : vector<16xi32> to vector<16xf32>
        %shift_left3A_990 = arith.constant 16 : i32
        %shift_left3A_991 = vector.broadcast %shift_left3A_990 : i32 to vector<16xi32>
        %shift_left3A_992 = arith.shli %gather3A_985, %shift_left3A_991 : vector<16xi32>
        %bitcast3A_993 = vector.bitcast %shift_left3A_992 : vector<16xi32> to vector<16xf32>
        %and3A_994 = arith.andi %gather3A_984, %broadcast_in_dim3A_213 : vector<16xi32>
        %bitcast3A_995 = vector.bitcast %and3A_994 : vector<16xi32> to vector<16xf32>
        %and3A_996 = arith.andi %gather3A_985, %broadcast_in_dim3A_213 : vector<16xi32>
        %bitcast3A_997 = vector.bitcast %and3A_996 : vector<16xi32> to vector<16xf32>
        %mul3A_998 = arith.mulf %bitcast3A_989, %bitcast3A_993 : vector<16xf32>
        %add3A_999 = arith.addf %add3A_983, %mul3A_998 : vector<16xf32>
        %mul3A_1000 = arith.mulf %bitcast3A_995, %bitcast3A_997 : vector<16xf32>
        %add3A_1001 = arith.addf %add3A_999, %mul3A_1000 : vector<16xf32>
        %gather3A_1002 = tpu.vector_load_idx %arg14[%add3A_858, %add3A_121] : memref<80x128xi32, #tpu.memory_space<vmem>>[vector<16xi32>, vector<16xi32>], vector<16xi32>,
        %gather3A_1003 = tpu.vector_load_idx %arg15[%add3A_858, %add3A_121] : memref<80x128xi32, #tpu.memory_space<vmem>>[vector<16xi32>, vector<16xi32>], vector<16xi32>,
        %shift_left3A_1004 = arith.constant 16 : i32
        %shift_left3A_1005 = vector.broadcast %shift_left3A_1004 : i32 to vector<16xi32>
        %shift_left3A_1006 = arith.shli %gather3A_1002, %shift_left3A_1005 : vector<16xi32>
        %bitcast3A_1007 = vector.bitcast %shift_left3A_1006 : vector<16xi32> to vector<16xf32>
        %shift_left3A_1008 = arith.constant 16 : i32
        %shift_left3A_1009 = vector.broadcast %shift_left3A_1008 : i32 to vector<16xi32>
        %shift_left3A_1010 = arith.shli %gather3A_1003, %shift_left3A_1009 : vector<16xi32>
        %bitcast3A_1011 = vector.bitcast %shift_left3A_1010 : vector<16xi32> to vector<16xf32>
        %and3A_1012 = arith.andi %gather3A_1002, %broadcast_in_dim3A_213 : vector<16xi32>
        %bitcast3A_1013 = vector.bitcast %and3A_1012 : vector<16xi32> to vector<16xf32>
        %and3A_1014 = arith.andi %gather3A_1003, %broadcast_in_dim3A_213 : vector<16xi32>
        %bitcast3A_1015 = vector.bitcast %and3A_1014 : vector<16xi32> to vector<16xf32>
        %mul3A_1016 = arith.mulf %bitcast3A_1007, %bitcast3A_1011 : vector<16xf32>
        %add3A_1017 = arith.addf %add3A_1001, %mul3A_1016 : vector<16xf32>
        %mul3A_1018 = arith.mulf %bitcast3A_1013, %bitcast3A_1015 : vector<16xf32>
        %add3A_1019 = arith.addf %add3A_1017, %mul3A_1018 : vector<16xf32>
        %gather3A_1020 = tpu.vector_load_idx %arg14[%add3A_858, %add3A_134] : memref<80x128xi32, #tpu.memory_space<vmem>>[vector<16xi32>, vector<16xi32>], vector<16xi32>,
        %gather3A_1021 = tpu.vector_load_idx %arg15[%add3A_858, %add3A_134] : memref<80x128xi32, #tpu.memory_space<vmem>>[vector<16xi32>, vector<16xi32>], vector<16xi32>,
        %shift_left3A_1022 = arith.constant 16 : i32
        %shift_left3A_1023 = vector.broadcast %shift_left3A_1022 : i32 to vector<16xi32>
        %shift_left3A_1024 = arith.shli %gather3A_1020, %shift_left3A_1023 : vector<16xi32>
        %bitcast3A_1025 = vector.bitcast %shift_left3A_1024 : vector<16xi32> to vector<16xf32>
        %shift_left3A_1026 = arith.constant 16 : i32
        %shift_left3A_1027 = vector.broadcast %shift_left3A_1026 : i32 to vector<16xi32>
        %shift_left3A_1028 = arith.shli %gather3A_1021, %shift_left3A_1027 : vector<16xi32>
        %bitcast3A_1029 = vector.bitcast %shift_left3A_1028 : vector<16xi32> to vector<16xf32>
        %and3A_1030 = arith.andi %gather3A_1020, %broadcast_in_dim3A_213 : vector<16xi32>
        %bitcast3A_1031 = vector.bitcast %and3A_1030 : vector<16xi32> to vector<16xf32>
        %and3A_1032 = arith.andi %gather3A_1021, %broadcast_in_dim3A_213 : vector<16xi32>
        %bitcast3A_1033 = vector.bitcast %and3A_1032 : vector<16xi32> to vector<16xf32>
        %mul3A_1034 = arith.mulf %bitcast3A_1025, %bitcast3A_1029 : vector<16xf32>
        %add3A_1035 = arith.addf %add3A_1019, %mul3A_1034 : vector<16xf32>
        %mul3A_1036 = arith.mulf %bitcast3A_1031, %bitcast3A_1033 : vector<16xf32>
        %add3A_1037 = arith.addf %add3A_1035, %mul3A_1036 : vector<16xf32>
        %gather3A_1038 = tpu.vector_load_idx %arg14[%add3A_858, %add3A_147] : memref<80x128xi32, #tpu.memory_space<vmem>>[vector<16xi32>, vector<16xi32>], vector<16xi32>,
        %gather3A_1039 = tpu.vector_load_idx %arg15[%add3A_858, %add3A_147] : memref<80x128xi32, #tpu.memory_space<vmem>>[vector<16xi32>, vector<16xi32>], vector<16xi32>,
        %shift_left3A_1040 = arith.constant 16 : i32
        %shift_left3A_1041 = vector.broadcast %shift_left3A_1040 : i32 to vector<16xi32>
        %shift_left3A_1042 = arith.shli %gather3A_1038, %shift_left3A_1041 : vector<16xi32>
        %bitcast3A_1043 = vector.bitcast %shift_left3A_1042 : vector<16xi32> to vector<16xf32>
        %shift_left3A_1044 = arith.constant 16 : i32
        %shift_left3A_1045 = vector.broadcast %shift_left3A_1044 : i32 to vector<16xi32>
        %shift_left3A_1046 = arith.shli %gather3A_1039, %shift_left3A_1045 : vector<16xi32>
        %bitcast3A_1047 = vector.bitcast %shift_left3A_1046 : vector<16xi32> to vector<16xf32>
        %and3A_1048 = arith.andi %gather3A_1038, %broadcast_in_dim3A_213 : vector<16xi32>
        %bitcast3A_1049 = vector.bitcast %and3A_1048 : vector<16xi32> to vector<16xf32>
        %and3A_1050 = arith.andi %gather3A_1039, %broadcast_in_dim3A_213 : vector<16xi32>
        %bitcast3A_1051 = vector.bitcast %and3A_1050 : vector<16xi32> to vector<16xf32>
        %mul3A_1052 = arith.mulf %bitcast3A_1043, %bitcast3A_1047 : vector<16xf32>
        %add3A_1053 = arith.addf %add3A_1037, %mul3A_1052 : vector<16xf32>
        %mul3A_1054 = arith.mulf %bitcast3A_1049, %bitcast3A_1051 : vector<16xf32>
        %add3A_1055 = arith.addf %add3A_1053, %mul3A_1054 : vector<16xf32>
        %gather3A_1056 = tpu.vector_load_idx %arg14[%add3A_858, %add3A_160] : memref<80x128xi32, #tpu.memory_space<vmem>>[vector<16xi32>, vector<16xi32>], vector<16xi32>,
        %gather3A_1057 = tpu.vector_load_idx %arg15[%add3A_858, %add3A_160] : memref<80x128xi32, #tpu.memory_space<vmem>>[vector<16xi32>, vector<16xi32>], vector<16xi32>,
        %shift_left3A_1058 = arith.constant 16 : i32
        %shift_left3A_1059 = vector.broadcast %shift_left3A_1058 : i32 to vector<16xi32>
        %shift_left3A_1060 = arith.shli %gather3A_1056, %shift_left3A_1059 : vector<16xi32>
        %bitcast3A_1061 = vector.bitcast %shift_left3A_1060 : vector<16xi32> to vector<16xf32>
        %shift_left3A_1062 = arith.constant 16 : i32
        %shift_left3A_1063 = vector.broadcast %shift_left3A_1062 : i32 to vector<16xi32>
        %shift_left3A_1064 = arith.shli %gather3A_1057, %shift_left3A_1063 : vector<16xi32>
        %bitcast3A_1065 = vector.bitcast %shift_left3A_1064 : vector<16xi32> to vector<16xf32>
        %and3A_1066 = arith.andi %gather3A_1056, %broadcast_in_dim3A_213 : vector<16xi32>
        %bitcast3A_1067 = vector.bitcast %and3A_1066 : vector<16xi32> to vector<16xf32>
        %and3A_1068 = arith.andi %gather3A_1057, %broadcast_in_dim3A_213 : vector<16xi32>
        %bitcast3A_1069 = vector.bitcast %and3A_1068 : vector<16xi32> to vector<16xf32>
        %mul3A_1070 = arith.mulf %bitcast3A_1061, %bitcast3A_1065 : vector<16xf32>
        %add3A_1071 = arith.addf %add3A_1055, %mul3A_1070 : vector<16xf32>
        %mul3A_1072 = arith.mulf %bitcast3A_1067, %bitcast3A_1069 : vector<16xf32>
        %add3A_1073 = arith.addf %add3A_1071, %mul3A_1072 : vector<16xf32>
        %gather3A_1074 = tpu.vector_load_idx %arg14[%add3A_858, %add3A_173] : memref<80x128xi32, #tpu.memory_space<vmem>>[vector<16xi32>, vector<16xi32>], vector<16xi32>,
        %gather3A_1075 = tpu.vector_load_idx %arg15[%add3A_858, %add3A_173] : memref<80x128xi32, #tpu.memory_space<vmem>>[vector<16xi32>, vector<16xi32>], vector<16xi32>,
        %shift_left3A_1076 = arith.constant 16 : i32
        %shift_left3A_1077 = vector.broadcast %shift_left3A_1076 : i32 to vector<16xi32>
        %shift_left3A_1078 = arith.shli %gather3A_1074, %shift_left3A_1077 : vector<16xi32>
        %bitcast3A_1079 = vector.bitcast %shift_left3A_1078 : vector<16xi32> to vector<16xf32>
        %shift_left3A_1080 = arith.constant 16 : i32
        %shift_left3A_1081 = vector.broadcast %shift_left3A_1080 : i32 to vector<16xi32>
        %shift_left3A_1082 = arith.shli %gather3A_1075, %shift_left3A_1081 : vector<16xi32>
        %bitcast3A_1083 = vector.bitcast %shift_left3A_1082 : vector<16xi32> to vector<16xf32>
        %and3A_1084 = arith.andi %gather3A_1074, %broadcast_in_dim3A_213 : vector<16xi32>
        %bitcast3A_1085 = vector.bitcast %and3A_1084 : vector<16xi32> to vector<16xf32>
        %and3A_1086 = arith.andi %gather3A_1075, %broadcast_in_dim3A_213 : vector<16xi32>
        %bitcast3A_1087 = vector.bitcast %and3A_1086 : vector<16xi32> to vector<16xf32>
        %mul3A_1088 = arith.mulf %bitcast3A_1079, %bitcast3A_1083 : vector<16xf32>
        %add3A_1089 = arith.addf %add3A_1073, %mul3A_1088 : vector<16xf32>
        %mul3A_1090 = arith.mulf %bitcast3A_1085, %bitcast3A_1087 : vector<16xf32>
        %add3A_1091 = arith.addf %add3A_1089, %mul3A_1090 : vector<16xf32>
        %gather3A_1092 = tpu.vector_load_idx %arg14[%add3A_858, %add3A_186] : memref<80x128xi32, #tpu.memory_space<vmem>>[vector<16xi32>, vector<16xi32>], vector<16xi32>,
        %gather3A_1093 = tpu.vector_load_idx %arg15[%add3A_858, %add3A_186] : memref<80x128xi32, #tpu.memory_space<vmem>>[vector<16xi32>, vector<16xi32>], vector<16xi32>,
        %shift_left3A_1094 = arith.constant 16 : i32
        %shift_left3A_1095 = vector.broadcast %shift_left3A_1094 : i32 to vector<16xi32>
        %shift_left3A_1096 = arith.shli %gather3A_1092, %shift_left3A_1095 : vector<16xi32>
        %bitcast3A_1097 = vector.bitcast %shift_left3A_1096 : vector<16xi32> to vector<16xf32>
        %shift_left3A_1098 = arith.constant 16 : i32
        %shift_left3A_1099 = vector.broadcast %shift_left3A_1098 : i32 to vector<16xi32>
        %shift_left3A_1100 = arith.shli %gather3A_1093, %shift_left3A_1099 : vector<16xi32>
        %bitcast3A_1101 = vector.bitcast %shift_left3A_1100 : vector<16xi32> to vector<16xf32>
        %and3A_1102 = arith.andi %gather3A_1092, %broadcast_in_dim3A_213 : vector<16xi32>
        %bitcast3A_1103 = vector.bitcast %and3A_1102 : vector<16xi32> to vector<16xf32>
        %and3A_1104 = arith.andi %gather3A_1093, %broadcast_in_dim3A_213 : vector<16xi32>
        %bitcast3A_1105 = vector.bitcast %and3A_1104 : vector<16xi32> to vector<16xf32>
        %mul3A_1106 = arith.mulf %bitcast3A_1097, %bitcast3A_1101 : vector<16xf32>
        %add3A_1107 = arith.addf %add3A_1091, %mul3A_1106 : vector<16xf32>
        %mul3A_1108 = arith.mulf %bitcast3A_1103, %bitcast3A_1105 : vector<16xf32>
        %add3A_1109 = arith.addf %add3A_1107, %mul3A_1108 : vector<16xf32>
        %gather3A_1110 = tpu.vector_load_idx %arg14[%add3A_858, %add3A_199] : memref<80x128xi32, #tpu.memory_space<vmem>>[vector<16xi32>, vector<16xi32>], vector<16xi32>,
        %gather3A_1111 = tpu.vector_load_idx %arg15[%add3A_858, %add3A_199] : memref<80x128xi32, #tpu.memory_space<vmem>>[vector<16xi32>, vector<16xi32>], vector<16xi32>,
        %shift_left3A_1112 = arith.constant 16 : i32
        %shift_left3A_1113 = vector.broadcast %shift_left3A_1112 : i32 to vector<16xi32>
        %shift_left3A_1114 = arith.shli %gather3A_1110, %shift_left3A_1113 : vector<16xi32>
        %bitcast3A_1115 = vector.bitcast %shift_left3A_1114 : vector<16xi32> to vector<16xf32>
        %shift_left3A_1116 = arith.constant 16 : i32
        %shift_left3A_1117 = vector.broadcast %shift_left3A_1116 : i32 to vector<16xi32>
        %shift_left3A_1118 = arith.shli %gather3A_1111, %shift_left3A_1117 : vector<16xi32>
        %bitcast3A_1119 = vector.bitcast %shift_left3A_1118 : vector<16xi32> to vector<16xf32>
        %and3A_1120 = arith.andi %gather3A_1110, %broadcast_in_dim3A_213 : vector<16xi32>
        %bitcast3A_1121 = vector.bitcast %and3A_1120 : vector<16xi32> to vector<16xf32>
        %and3A_1122 = arith.andi %gather3A_1111, %broadcast_in_dim3A_213 : vector<16xi32>
        %bitcast3A_1123 = vector.bitcast %and3A_1122 : vector<16xi32> to vector<16xf32>
        %mul3A_1124 = arith.mulf %bitcast3A_1115, %bitcast3A_1119 : vector<16xf32>
        %add3A_1125 = arith.addf %add3A_1109, %mul3A_1124 : vector<16xf32>
        %mul3A_1126 = arith.mulf %bitcast3A_1121, %bitcast3A_1123 : vector<16xf32>
        %add3A_1127 = arith.addf %add3A_1125, %mul3A_1126 : vector<16xf32>
        %gather3A_1128 = tpu.vector_load_idx %arg14[%add3A_858, %add3A_212] : memref<80x128xi32, #tpu.memory_space<vmem>>[vector<16xi32>, vector<16xi32>], vector<16xi32>,
        %gather3A_1129 = tpu.vector_load_idx %arg15[%add3A_858, %add3A_212] : memref<80x128xi32, #tpu.memory_space<vmem>>[vector<16xi32>, vector<16xi32>], vector<16xi32>,
        %shift_left3A_1130 = arith.constant 16 : i32
        %shift_left3A_1131 = vector.broadcast %shift_left3A_1130 : i32 to vector<16xi32>
        %shift_left3A_1132 = arith.shli %gather3A_1128, %shift_left3A_1131 : vector<16xi32>
        %bitcast3A_1133 = vector.bitcast %shift_left3A_1132 : vector<16xi32> to vector<16xf32>
        %shift_left3A_1134 = arith.constant 16 : i32
        %shift_left3A_1135 = vector.broadcast %shift_left3A_1134 : i32 to vector<16xi32>
        %shift_left3A_1136 = arith.shli %gather3A_1129, %shift_left3A_1135 : vector<16xi32>
        %bitcast3A_1137 = vector.bitcast %shift_left3A_1136 : vector<16xi32> to vector<16xf32>
        %and3A_1138 = arith.andi %gather3A_1128, %broadcast_in_dim3A_213 : vector<16xi32>
        %bitcast3A_1139 = vector.bitcast %and3A_1138 : vector<16xi32> to vector<16xf32>
        %and3A_1140 = arith.andi %gather3A_1129, %broadcast_in_dim3A_213 : vector<16xi32>
        %bitcast3A_1141 = vector.bitcast %and3A_1140 : vector<16xi32> to vector<16xf32>
        %mul3A_1142 = arith.mulf %bitcast3A_1133, %bitcast3A_1137 : vector<16xf32>
        %add3A_1143 = arith.addf %add3A_1127, %mul3A_1142 : vector<16xf32>
        %mul3A_1144 = arith.mulf %bitcast3A_1139, %bitcast3A_1141 : vector<16xf32>
        %add3A_1145 = arith.addf %add3A_1143, %mul3A_1144 : vector<16xf32>
        %mul3A_1146 = arith.constant 0.176776692 : f32
        %mul3A_1147 = vector.broadcast %mul3A_1146 : f32 to vector<16xf32>
        %mul3A_1148 = arith.mulf %add3A_1145, %mul3A_1147 : vector<16xf32>
        %exp3A = math.exp %mul3A_1148 : vector<16xf32>
        %add3A_1149 = arith.addi %mul3A_842, %scan3A_856 : i32
        %swap3A = arith.index_cast %add3A_1149 : i32 to index
        %swap3A_1150 = arith.constant 0 : index
        %swap3A_1151 = tpu.vector_load %arg16[%swap3A, %swap3A_1150] {strides = array<i32>} : memref<640x16xf32, #tpu.memory_space<vmem>>, vector<16xf32>,
        tpu.vector_store %arg16[%swap3A, %swap3A_1150], %exp3A {strides = array<i32>} : memref<640x16xf32, #tpu.memory_space<vmem>>, vector<16xf32>,
      }
      %scan3A_848 = arith.constant 40 : i32
      %rem3A_849 = arith.constant 16 : i32
      %rem3A_850 = arith.remsi %add3A_779, %rem3A_849 : i32
      %eq3A_851 = arith.constant 15 : i32
      %eq3A_852 = arith.cmpi eq, %rem3A_850, %eq3A_851 : i32
      %convert_element_type3A_853 = arith.extui %eq3A_852 : i1 to i32
      %cond3A_854 = arith.constant 0 : i32
      %cond3A_855 = arith.cmpi ne, %convert_element_type3A_853, %cond3A_854 : i32
      scf.if %cond3A_855 {
        %mul3A_856 = arith.constant 5000 : i32
        %mul3A_857 = arith.muli %add3A, %mul3A_856 : i32
        %sub3A = arith.constant 15 : i32
        %sub3A_858 = arith.subi %add3A_779, %sub3A : i32
        %mul3A_859 = arith.constant 40 : i32
        %mul3A_860 = arith.muli %sub3A_858, %mul3A_859 : i32
        %add3A_861 = arith.addi %mul3A_857, %mul3A_860 : i32
        %dma_start3A_862 = arith.constant 0 : i32
        %dma_start3A_863 = arith.constant 0 : i32
        %dma_start3A_864 = tpu.memref_slice %arg16[%dma_start3A_862, %dma_start3A_863] : memref<640x16xf32, #tpu.memory_space<vmem>> -> memref<640x16xf32, #tpu.memory_space<vmem>>
        %dma_start3A_865 = arith.constant 0 : i32
        %dma_start3A_866 = tpu.memref_slice %arg6[%add3A_861, %dma_start3A_865] : memref<160000x16xf32, #tpu.memory_space<hbm>> -> memref<640x16xf32, #tpu.memory_space<hbm>>
        %dma_start3A_867 = arith.constant 0 : i32
        %dma_start3A_868 = tpu.memref_slice %arg6[%add3A_861, %dma_start3A_867] : memref<160000x16xf32, #tpu.memory_space<hbm>> -> memref<640x16xf32, #tpu.memory_space<hbm>>
        %dma_start3A_869 = arith.constant 0 : i32
        %dma_start3A_870 = arith.constant 0 : i32
        %dma_start3A_871 = tpu.memref_slice %arg16[%dma_start3A_869, %dma_start3A_870] : memref<640x16xf32, #tpu.memory_space<vmem>> -> memref<640x16xf32, #tpu.memory_space<vmem>>
        tpu.enqueue_dma source(%dma_start3A_871 : memref<640x16xf32, #tpu.memory_space<vmem>>) target(%dma_start3A_868 : memref<640x16xf32, #tpu.memory_space<hbm>>) target_semaphore(%arg21 : memref<!tpu.dma_semaphore, #tpu.memory_space<semaphore_mem>>)
        %sub3A_872 = arith.constant 15 : i32
        %sub3A_873 = arith.subi %add3A_779, %sub3A_872 : i32
        %add3A_874 = arith.constant 0 : i32
        %add3A_875 = arith.addi %sub3A_873, %add3A_874 : i32
        %dma_start3A_876 = arith.constant 0 : i32
        %dma_start3A_877 = arith.constant 0 : i32
        %dma_start3A_878 = tpu.memref_slice %arg16[%dma_start3A_876, %dma_start3A_877] : memref<640x16xf32, #tpu.memory_space<vmem>> -> memref<40x16xf32, #tpu.memory_space<vmem>>
        %dma_start3A_879 = arith.constant 0 : i32
        %dma_start3A_880 = tpu.memref_slice %arg11[%add3A_875, %dma_start3A_879] : memref<125x40xi32, #tpu.memory_space<vmem>> -> memref<1x40xi32, #tpu.memory_space<vmem>>
        %dma_start3A_881 = tpu.memref_squeeze %dma_start3A_880 : memref<1x40xi32, #tpu.memory_space<vmem>> -> memref<40xi32, #tpu.memory_space<vmem>>
        %dma_start3A_882 = arith.constant 0 : i32
        %dma_start3A_883 = arith.constant 0 : i32
        %dma_start3A_884 = tpu.memref_slice %arg17[%dma_start3A_882, %dma_start3A_883] : memref<10000x16xf32, #tpu.memory_space<vmem_shared>> -> memref<10000x16xf32, #tpu.memory_space<vmem_shared>>
        tpu.enqueue_indirect_dma source(%dma_start3A_878 : memref<40x16xf32, #tpu.memory_space<vmem>>) target(%dma_start3A_884 : memref<10000x16xf32, #tpu.memory_space<vmem_shared>>) offsets(%dma_start3A_881 : memref<40xi32, #tpu.memory_space<vmem>>) semaphore(%arg20 : memref<!tpu.dma_semaphore, #tpu.memory_space<semaphore_mem>>) {add = true}
        %sub3A_885 = arith.constant 15 : i32
        %sub3A_886 = arith.subi %add3A_779, %sub3A_885 : i32
        %add3A_887 = arith.constant 1 : i32
        %add3A_888 = arith.addi %sub3A_886, %add3A_887 : i32
        %dma_start3A_889 = arith.constant 40 : i32
        %dma_start3A_890 = arith.constant 0 : i32
        %dma_start3A_891 = tpu.memref_slice %arg16[%dma_start3A_889, %dma_start3A_890] : memref<640x16xf32, #tpu.memory_space<vmem>> -> memref<40x16xf32, #tpu.memory_space<vmem>>
        %dma_start3A_892 = arith.constant 0 : i32
        %dma_start3A_893 = tpu.memref_slice %arg11[%add3A_888, %dma_start3A_892] : memref<125x40xi32, #tpu.memory_space<vmem>> -> memref<1x40xi32, #tpu.memory_space<vmem>>
        %dma_start3A_894 = tpu.memref_squeeze %dma_start3A_893 : memref<1x40xi32, #tpu.memory_space<vmem>> -> memref<40xi32, #tpu.memory_space<vmem>>
        %dma_start3A_895 = arith.constant 0 : i32
        %dma_start3A_896 = arith.constant 0 : i32
        %dma_start3A_897 = tpu.memref_slice %arg17[%dma_start3A_895, %dma_start3A_896] : memref<10000x16xf32, #tpu.memory_space<vmem_shared>> -> memref<10000x16xf32, #tpu.memory_space<vmem_shared>>
        tpu.enqueue_indirect_dma source(%dma_start3A_891 : memref<40x16xf32, #tpu.memory_space<vmem>>) target(%dma_start3A_897 : memref<10000x16xf32, #tpu.memory_space<vmem_shared>>) offsets(%dma_start3A_894 : memref<40xi32, #tpu.memory_space<vmem>>) semaphore(%arg20 : memref<!tpu.dma_semaphore, #tpu.memory_space<semaphore_mem>>) {add = true}
        %sub3A_898 = arith.constant 15 : i32
        %sub3A_899 = arith.subi %add3A_779, %sub3A_898 : i32
        %add3A_900 = arith.constant 2 : i32
        %add3A_901 = arith.addi %sub3A_899, %add3A_900 : i32
        %dma_start3A_902 = arith.constant 80 : i32
        %dma_start3A_903 = arith.constant 0 : i32
        %dma_start3A_904 = tpu.memref_slice %arg16[%dma_start3A_902, %dma_start3A_903] : memref<640x16xf32, #tpu.memory_space<vmem>> -> memref<40x16xf32, #tpu.memory_space<vmem>>
        %dma_start3A_905 = arith.constant 0 : i32
        %dma_start3A_906 = tpu.memref_slice %arg11[%add3A_901, %dma_start3A_905] : memref<125x40xi32, #tpu.memory_space<vmem>> -> memref<1x40xi32, #tpu.memory_space<vmem>>
        %dma_start3A_907 = tpu.memref_squeeze %dma_start3A_906 : memref<1x40xi32, #tpu.memory_space<vmem>> -> memref<40xi32, #tpu.memory_space<vmem>>
        %dma_start3A_908 = arith.constant 0 : i32
        %dma_start3A_909 = arith.constant 0 : i32
        %dma_start3A_910 = tpu.memref_slice %arg17[%dma_start3A_908, %dma_start3A_909] : memref<10000x16xf32, #tpu.memory_space<vmem_shared>> -> memref<10000x16xf32, #tpu.memory_space<vmem_shared>>
        tpu.enqueue_indirect_dma source(%dma_start3A_904 : memref<40x16xf32, #tpu.memory_space<vmem>>) target(%dma_start3A_910 : memref<10000x16xf32, #tpu.memory_space<vmem_shared>>) offsets(%dma_start3A_907 : memref<40xi32, #tpu.memory_space<vmem>>) semaphore(%arg20 : memref<!tpu.dma_semaphore, #tpu.memory_space<semaphore_mem>>) {add = true}
        %sub3A_911 = arith.constant 15 : i32
        %sub3A_912 = arith.subi %add3A_779, %sub3A_911 : i32
        %add3A_913 = arith.constant 3 : i32
        %add3A_914 = arith.addi %sub3A_912, %add3A_913 : i32
        %dma_start3A_915 = arith.constant 120 : i32
        %dma_start3A_916 = arith.constant 0 : i32
        %dma_start3A_917 = tpu.memref_slice %arg16[%dma_start3A_915, %dma_start3A_916] : memref<640x16xf32, #tpu.memory_space<vmem>> -> memref<40x16xf32, #tpu.memory_space<vmem>>
        %dma_start3A_918 = arith.constant 0 : i32
        %dma_start3A_919 = tpu.memref_slice %arg11[%add3A_914, %dma_start3A_918] : memref<125x40xi32, #tpu.memory_space<vmem>> -> memref<1x40xi32, #tpu.memory_space<vmem>>
        %dma_start3A_920 = tpu.memref_squeeze %dma_start3A_919 : memref<1x40xi32, #tpu.memory_space<vmem>> -> memref<40xi32, #tpu.memory_space<vmem>>
        %dma_start3A_921 = arith.constant 0 : i32
        %dma_start3A_922 = arith.constant 0 : i32
        %dma_start3A_923 = tpu.memref_slice %arg17[%dma_start3A_921, %dma_start3A_922] : memref<10000x16xf32, #tpu.memory_space<vmem_shared>> -> memref<10000x16xf32, #tpu.memory_space<vmem_shared>>
        tpu.enqueue_indirect_dma source(%dma_start3A_917 : memref<40x16xf32, #tpu.memory_space<vmem>>) target(%dma_start3A_923 : memref<10000x16xf32, #tpu.memory_space<vmem_shared>>) offsets(%dma_start3A_920 : memref<40xi32, #tpu.memory_space<vmem>>) semaphore(%arg20 : memref<!tpu.dma_semaphore, #tpu.memory_space<semaphore_mem>>) {add = true}
        %sub3A_924 = arith.constant 15 : i32
        %sub3A_925 = arith.subi %add3A_779, %sub3A_924 : i32
        %add3A_926 = arith.constant 4 : i32
        %add3A_927 = arith.addi %sub3A_925, %add3A_926 : i32
        %dma_start3A_928 = arith.constant 160 : i32
        %dma_start3A_929 = arith.constant 0 : i32
        %dma_start3A_930 = tpu.memref_slice %arg16[%dma_start3A_928, %dma_start3A_929] : memref<640x16xf32, #tpu.memory_space<vmem>> -> memref<40x16xf32, #tpu.memory_space<vmem>>
        %dma_start3A_931 = arith.constant 0 : i32
        %dma_start3A_932 = tpu.memref_slice %arg11[%add3A_927, %dma_start3A_931] : memref<125x40xi32, #tpu.memory_space<vmem>> -> memref<1x40xi32, #tpu.memory_space<vmem>>
        %dma_start3A_933 = tpu.memref_squeeze %dma_start3A_932 : memref<1x40xi32, #tpu.memory_space<vmem>> -> memref<40xi32, #tpu.memory_space<vmem>>
        %dma_start3A_934 = arith.constant 0 : i32
        %dma_start3A_935 = arith.constant 0 : i32
        %dma_start3A_936 = tpu.memref_slice %arg17[%dma_start3A_934, %dma_start3A_935] : memref<10000x16xf32, #tpu.memory_space<vmem_shared>> -> memref<10000x16xf32, #tpu.memory_space<vmem_shared>>
        tpu.enqueue_indirect_dma source(%dma_start3A_930 : memref<40x16xf32, #tpu.memory_space<vmem>>) target(%dma_start3A_936 : memref<10000x16xf32, #tpu.memory_space<vmem_shared>>) offsets(%dma_start3A_933 : memref<40xi32, #tpu.memory_space<vmem>>) semaphore(%arg20 : memref<!tpu.dma_semaphore, #tpu.memory_space<semaphore_mem>>) {add = true}
        %sub3A_937 = arith.constant 15 : i32
        %sub3A_938 = arith.subi %add3A_779, %sub3A_937 : i32
        %add3A_939 = arith.constant 5 : i32
        %add3A_940 = arith.addi %sub3A_938, %add3A_939 : i32
        %dma_start3A_941 = arith.constant 200 : i32
        %dma_start3A_942 = arith.constant 0 : i32
        %dma_start3A_943 = tpu.memref_slice %arg16[%dma_start3A_941, %dma_start3A_942] : memref<640x16xf32, #tpu.memory_space<vmem>> -> memref<40x16xf32, #tpu.memory_space<vmem>>
        %dma_start3A_944 = arith.constant 0 : i32
        %dma_start3A_945 = tpu.memref_slice %arg11[%add3A_940, %dma_start3A_944] : memref<125x40xi32, #tpu.memory_space<vmem>> -> memref<1x40xi32, #tpu.memory_space<vmem>>
        %dma_start3A_946 = tpu.memref_squeeze %dma_start3A_945 : memref<1x40xi32, #tpu.memory_space<vmem>> -> memref<40xi32, #tpu.memory_space<vmem>>
        %dma_start3A_947 = arith.constant 0 : i32
        %dma_start3A_948 = arith.constant 0 : i32
        %dma_start3A_949 = tpu.memref_slice %arg17[%dma_start3A_947, %dma_start3A_948] : memref<10000x16xf32, #tpu.memory_space<vmem_shared>> -> memref<10000x16xf32, #tpu.memory_space<vmem_shared>>
        tpu.enqueue_indirect_dma source(%dma_start3A_943 : memref<40x16xf32, #tpu.memory_space<vmem>>) target(%dma_start3A_949 : memref<10000x16xf32, #tpu.memory_space<vmem_shared>>) offsets(%dma_start3A_946 : memref<40xi32, #tpu.memory_space<vmem>>) semaphore(%arg20 : memref<!tpu.dma_semaphore, #tpu.memory_space<semaphore_mem>>) {add = true}
        %sub3A_950 = arith.constant 15 : i32
        %sub3A_951 = arith.subi %add3A_779, %sub3A_950 : i32
        %add3A_952 = arith.constant 6 : i32
        %add3A_953 = arith.addi %sub3A_951, %add3A_952 : i32
        %dma_start3A_954 = arith.constant 240 : i32
        %dma_start3A_955 = arith.constant 0 : i32
        %dma_start3A_956 = tpu.memref_slice %arg16[%dma_start3A_954, %dma_start3A_955] : memref<640x16xf32, #tpu.memory_space<vmem>> -> memref<40x16xf32, #tpu.memory_space<vmem>>
        %dma_start3A_957 = arith.constant 0 : i32
        %dma_start3A_958 = tpu.memref_slice %arg11[%add3A_953, %dma_start3A_957] : memref<125x40xi32, #tpu.memory_space<vmem>> -> memref<1x40xi32, #tpu.memory_space<vmem>>
        %dma_start3A_959 = tpu.memref_squeeze %dma_start3A_958 : memref<1x40xi32, #tpu.memory_space<vmem>> -> memref<40xi32, #tpu.memory_space<vmem>>
        %dma_start3A_960 = arith.constant 0 : i32
        %dma_start3A_961 = arith.constant 0 : i32
        %dma_start3A_962 = tpu.memref_slice %arg17[%dma_start3A_960, %dma_start3A_961] : memref<10000x16xf32, #tpu.memory_space<vmem_shared>> -> memref<10000x16xf32, #tpu.memory_space<vmem_shared>>
        tpu.enqueue_indirect_dma source(%dma_start3A_956 : memref<40x16xf32, #tpu.memory_space<vmem>>) target(%dma_start3A_962 : memref<10000x16xf32, #tpu.memory_space<vmem_shared>>) offsets(%dma_start3A_959 : memref<40xi32, #tpu.memory_space<vmem>>) semaphore(%arg20 : memref<!tpu.dma_semaphore, #tpu.memory_space<semaphore_mem>>) {add = true}
        %sub3A_963 = arith.constant 15 : i32
        %sub3A_964 = arith.subi %add3A_779, %sub3A_963 : i32
        %add3A_965 = arith.constant 7 : i32
        %add3A_966 = arith.addi %sub3A_964, %add3A_965 : i32
        %dma_start3A_967 = arith.constant 280 : i32
        %dma_start3A_968 = arith.constant 0 : i32
        %dma_start3A_969 = tpu.memref_slice %arg16[%dma_start3A_967, %dma_start3A_968] : memref<640x16xf32, #tpu.memory_space<vmem>> -> memref<40x16xf32, #tpu.memory_space<vmem>>
        %dma_start3A_970 = arith.constant 0 : i32
        %dma_start3A_971 = tpu.memref_slice %arg11[%add3A_966, %dma_start3A_970] : memref<125x40xi32, #tpu.memory_space<vmem>> -> memref<1x40xi32, #tpu.memory_space<vmem>>
        %dma_start3A_972 = tpu.memref_squeeze %dma_start3A_971 : memref<1x40xi32, #tpu.memory_space<vmem>> -> memref<40xi32, #tpu.memory_space<vmem>>
        %dma_start3A_973 = arith.constant 0 : i32
        %dma_start3A_974 = arith.constant 0 : i32
        %dma_start3A_975 = tpu.memref_slice %arg17[%dma_start3A_973, %dma_start3A_974] : memref<10000x16xf32, #tpu.memory_space<vmem_shared>> -> memref<10000x16xf32, #tpu.memory_space<vmem_shared>>
        tpu.enqueue_indirect_dma source(%dma_start3A_969 : memref<40x16xf32, #tpu.memory_space<vmem>>) target(%dma_start3A_975 : memref<10000x16xf32, #tpu.memory_space<vmem_shared>>) offsets(%dma_start3A_972 : memref<40xi32, #tpu.memory_space<vmem>>) semaphore(%arg20 : memref<!tpu.dma_semaphore, #tpu.memory_space<semaphore_mem>>) {add = true}
        %sub3A_976 = arith.constant 15 : i32
        %sub3A_977 = arith.subi %add3A_779, %sub3A_976 : i32
        %add3A_978 = arith.constant 8 : i32
        %add3A_979 = arith.addi %sub3A_977, %add3A_978 : i32
        %dma_start3A_980 = arith.constant 320 : i32
        %dma_start3A_981 = arith.constant 0 : i32
        %dma_start3A_982 = tpu.memref_slice %arg16[%dma_start3A_980, %dma_start3A_981] : memref<640x16xf32, #tpu.memory_space<vmem>> -> memref<40x16xf32, #tpu.memory_space<vmem>>
        %dma_start3A_983 = arith.constant 0 : i32
        %dma_start3A_984 = tpu.memref_slice %arg11[%add3A_979, %dma_start3A_983] : memref<125x40xi32, #tpu.memory_space<vmem>> -> memref<1x40xi32, #tpu.memory_space<vmem>>
        %dma_start3A_985 = tpu.memref_squeeze %dma_start3A_984 : memref<1x40xi32, #tpu.memory_space<vmem>> -> memref<40xi32, #tpu.memory_space<vmem>>
        %dma_start3A_986 = arith.constant 0 : i32
        %dma_start3A_987 = arith.constant 0 : i32
        %dma_start3A_988 = tpu.memref_slice %arg17[%dma_start3A_986, %dma_start3A_987] : memref<10000x16xf32, #tpu.memory_space<vmem_shared>> -> memref<10000x16xf32, #tpu.memory_space<vmem_shared>>
        tpu.enqueue_indirect_dma source(%dma_start3A_982 : memref<40x16xf32, #tpu.memory_space<vmem>>) target(%dma_start3A_988 : memref<10000x16xf32, #tpu.memory_space<vmem_shared>>) offsets(%dma_start3A_985 : memref<40xi32, #tpu.memory_space<vmem>>) semaphore(%arg20 : memref<!tpu.dma_semaphore, #tpu.memory_space<semaphore_mem>>) {add = true}
        %sub3A_989 = arith.constant 15 : i32
        %sub3A_990 = arith.subi %add3A_779, %sub3A_989 : i32
        %add3A_991 = arith.constant 9 : i32
        %add3A_992 = arith.addi %sub3A_990, %add3A_991 : i32
        %dma_start3A_993 = arith.constant 360 : i32
        %dma_start3A_994 = arith.constant 0 : i32
        %dma_start3A_995 = tpu.memref_slice %arg16[%dma_start3A_993, %dma_start3A_994] : memref<640x16xf32, #tpu.memory_space<vmem>> -> memref<40x16xf32, #tpu.memory_space<vmem>>
        %dma_start3A_996 = arith.constant 0 : i32
        %dma_start3A_997 = tpu.memref_slice %arg11[%add3A_992, %dma_start3A_996] : memref<125x40xi32, #tpu.memory_space<vmem>> -> memref<1x40xi32, #tpu.memory_space<vmem>>
        %dma_start3A_998 = tpu.memref_squeeze %dma_start3A_997 : memref<1x40xi32, #tpu.memory_space<vmem>> -> memref<40xi32, #tpu.memory_space<vmem>>
        %dma_start3A_999 = arith.constant 0 : i32
        %dma_start3A_1000 = arith.constant 0 : i32
        %dma_start3A_1001 = tpu.memref_slice %arg17[%dma_start3A_999, %dma_start3A_1000] : memref<10000x16xf32, #tpu.memory_space<vmem_shared>> -> memref<10000x16xf32, #tpu.memory_space<vmem_shared>>
        tpu.enqueue_indirect_dma source(%dma_start3A_995 : memref<40x16xf32, #tpu.memory_space<vmem>>) target(%dma_start3A_1001 : memref<10000x16xf32, #tpu.memory_space<vmem_shared>>) offsets(%dma_start3A_998 : memref<40xi32, #tpu.memory_space<vmem>>) semaphore(%arg20 : memref<!tpu.dma_semaphore, #tpu.memory_space<semaphore_mem>>) {add = true}
        %sub3A_1002 = arith.constant 15 : i32
        %sub3A_1003 = arith.subi %add3A_779, %sub3A_1002 : i32
        %add3A_1004 = arith.constant 10 : i32
        %add3A_1005 = arith.addi %sub3A_1003, %add3A_1004 : i32
        %dma_start3A_1006 = arith.constant 400 : i32
        %dma_start3A_1007 = arith.constant 0 : i32
        %dma_start3A_1008 = tpu.memref_slice %arg16[%dma_start3A_1006, %dma_start3A_1007] : memref<640x16xf32, #tpu.memory_space<vmem>> -> memref<40x16xf32, #tpu.memory_space<vmem>>
        %dma_start3A_1009 = arith.constant 0 : i32
        %dma_start3A_1010 = tpu.memref_slice %arg11[%add3A_1005, %dma_start3A_1009] : memref<125x40xi32, #tpu.memory_space<vmem>> -> memref<1x40xi32, #tpu.memory_space<vmem>>
        %dma_start3A_1011 = tpu.memref_squeeze %dma_start3A_1010 : memref<1x40xi32, #tpu.memory_space<vmem>> -> memref<40xi32, #tpu.memory_space<vmem>>
        %dma_start3A_1012 = arith.constant 0 : i32
        %dma_start3A_1013 = arith.constant 0 : i32
        %dma_start3A_1014 = tpu.memref_slice %arg17[%dma_start3A_1012, %dma_start3A_1013] : memref<10000x16xf32, #tpu.memory_space<vmem_shared>> -> memref<10000x16xf32, #tpu.memory_space<vmem_shared>>
        tpu.enqueue_indirect_dma source(%dma_start3A_1008 : memref<40x16xf32, #tpu.memory_space<vmem>>) target(%dma_start3A_1014 : memref<10000x16xf32, #tpu.memory_space<vmem_shared>>) offsets(%dma_start3A_1011 : memref<40xi32, #tpu.memory_space<vmem>>) semaphore(%arg20 : memref<!tpu.dma_semaphore, #tpu.memory_space<semaphore_mem>>) {add = true}
        %sub3A_1015 = arith.constant 15 : i32
        %sub3A_1016 = arith.subi %add3A_779, %sub3A_1015 : i32
        %add3A_1017 = arith.constant 11 : i32
        %add3A_1018 = arith.addi %sub3A_1016, %add3A_1017 : i32
        %dma_start3A_1019 = arith.constant 440 : i32
        %dma_start3A_1020 = arith.constant 0 : i32
        %dma_start3A_1021 = tpu.memref_slice %arg16[%dma_start3A_1019, %dma_start3A_1020] : memref<640x16xf32, #tpu.memory_space<vmem>> -> memref<40x16xf32, #tpu.memory_space<vmem>>
        %dma_start3A_1022 = arith.constant 0 : i32
        %dma_start3A_1023 = tpu.memref_slice %arg11[%add3A_1018, %dma_start3A_1022] : memref<125x40xi32, #tpu.memory_space<vmem>> -> memref<1x40xi32, #tpu.memory_space<vmem>>
        %dma_start3A_1024 = tpu.memref_squeeze %dma_start3A_1023 : memref<1x40xi32, #tpu.memory_space<vmem>> -> memref<40xi32, #tpu.memory_space<vmem>>
        %dma_start3A_1025 = arith.constant 0 : i32
        %dma_start3A_1026 = arith.constant 0 : i32
        %dma_start3A_1027 = tpu.memref_slice %arg17[%dma_start3A_1025, %dma_start3A_1026] : memref<10000x16xf32, #tpu.memory_space<vmem_shared>> -> memref<10000x16xf32, #tpu.memory_space<vmem_shared>>
        tpu.enqueue_indirect_dma source(%dma_start3A_1021 : memref<40x16xf32, #tpu.memory_space<vmem>>) target(%dma_start3A_1027 : memref<10000x16xf32, #tpu.memory_space<vmem_shared>>) offsets(%dma_start3A_1024 : memref<40xi32, #tpu.memory_space<vmem>>) semaphore(%arg20 : memref<!tpu.dma_semaphore, #tpu.memory_space<semaphore_mem>>) {add = true}
        %sub3A_1028 = arith.constant 15 : i32
        %sub3A_1029 = arith.subi %add3A_779, %sub3A_1028 : i32
        %add3A_1030 = arith.constant 12 : i32
        %add3A_1031 = arith.addi %sub3A_1029, %add3A_1030 : i32
        %dma_start3A_1032 = arith.constant 480 : i32
        %dma_start3A_1033 = arith.constant 0 : i32
        %dma_start3A_1034 = tpu.memref_slice %arg16[%dma_start3A_1032, %dma_start3A_1033] : memref<640x16xf32, #tpu.memory_space<vmem>> -> memref<40x16xf32, #tpu.memory_space<vmem>>
        %dma_start3A_1035 = arith.constant 0 : i32
        %dma_start3A_1036 = tpu.memref_slice %arg11[%add3A_1031, %dma_start3A_1035] : memref<125x40xi32, #tpu.memory_space<vmem>> -> memref<1x40xi32, #tpu.memory_space<vmem>>
        %dma_start3A_1037 = tpu.memref_squeeze %dma_start3A_1036 : memref<1x40xi32, #tpu.memory_space<vmem>> -> memref<40xi32, #tpu.memory_space<vmem>>
        %dma_start3A_1038 = arith.constant 0 : i32
        %dma_start3A_1039 = arith.constant 0 : i32
        %dma_start3A_1040 = tpu.memref_slice %arg17[%dma_start3A_1038, %dma_start3A_1039] : memref<10000x16xf32, #tpu.memory_space<vmem_shared>> -> memref<10000x16xf32, #tpu.memory_space<vmem_shared>>
        tpu.enqueue_indirect_dma source(%dma_start3A_1034 : memref<40x16xf32, #tpu.memory_space<vmem>>) target(%dma_start3A_1040 : memref<10000x16xf32, #tpu.memory_space<vmem_shared>>) offsets(%dma_start3A_1037 : memref<40xi32, #tpu.memory_space<vmem>>) semaphore(%arg20 : memref<!tpu.dma_semaphore, #tpu.memory_space<semaphore_mem>>) {add = true}
        %sub3A_1041 = arith.constant 15 : i32
        %sub3A_1042 = arith.subi %add3A_779, %sub3A_1041 : i32
        %add3A_1043 = arith.constant 13 : i32
        %add3A_1044 = arith.addi %sub3A_1042, %add3A_1043 : i32
        %dma_start3A_1045 = arith.constant 520 : i32
        %dma_start3A_1046 = arith.constant 0 : i32
        %dma_start3A_1047 = tpu.memref_slice %arg16[%dma_start3A_1045, %dma_start3A_1046] : memref<640x16xf32, #tpu.memory_space<vmem>> -> memref<40x16xf32, #tpu.memory_space<vmem>>
        %dma_start3A_1048 = arith.constant 0 : i32
        %dma_start3A_1049 = tpu.memref_slice %arg11[%add3A_1044, %dma_start3A_1048] : memref<125x40xi32, #tpu.memory_space<vmem>> -> memref<1x40xi32, #tpu.memory_space<vmem>>
        %dma_start3A_1050 = tpu.memref_squeeze %dma_start3A_1049 : memref<1x40xi32, #tpu.memory_space<vmem>> -> memref<40xi32, #tpu.memory_space<vmem>>
        %dma_start3A_1051 = arith.constant 0 : i32
        %dma_start3A_1052 = arith.constant 0 : i32
        %dma_start3A_1053 = tpu.memref_slice %arg17[%dma_start3A_1051, %dma_start3A_1052] : memref<10000x16xf32, #tpu.memory_space<vmem_shared>> -> memref<10000x16xf32, #tpu.memory_space<vmem_shared>>
        tpu.enqueue_indirect_dma source(%dma_start3A_1047 : memref<40x16xf32, #tpu.memory_space<vmem>>) target(%dma_start3A_1053 : memref<10000x16xf32, #tpu.memory_space<vmem_shared>>) offsets(%dma_start3A_1050 : memref<40xi32, #tpu.memory_space<vmem>>) semaphore(%arg20 : memref<!tpu.dma_semaphore, #tpu.memory_space<semaphore_mem>>) {add = true}
        %sub3A_1054 = arith.constant 15 : i32
        %sub3A_1055 = arith.subi %add3A_779, %sub3A_1054 : i32
        %add3A_1056 = arith.constant 14 : i32
        %add3A_1057 = arith.addi %sub3A_1055, %add3A_1056 : i32
        %dma_start3A_1058 = arith.constant 560 : i32
        %dma_start3A_1059 = arith.constant 0 : i32
        %dma_start3A_1060 = tpu.memref_slice %arg16[%dma_start3A_1058, %dma_start3A_1059] : memref<640x16xf32, #tpu.memory_space<vmem>> -> memref<40x16xf32, #tpu.memory_space<vmem>>
        %dma_start3A_1061 = arith.constant 0 : i32
        %dma_start3A_1062 = tpu.memref_slice %arg11[%add3A_1057, %dma_start3A_1061] : memref<125x40xi32, #tpu.memory_space<vmem>> -> memref<1x40xi32, #tpu.memory_space<vmem>>
        %dma_start3A_1063 = tpu.memref_squeeze %dma_start3A_1062 : memref<1x40xi32, #tpu.memory_space<vmem>> -> memref<40xi32, #tpu.memory_space<vmem>>
        %dma_start3A_1064 = arith.constant 0 : i32
        %dma_start3A_1065 = arith.constant 0 : i32
        %dma_start3A_1066 = tpu.memref_slice %arg17[%dma_start3A_1064, %dma_start3A_1065] : memref<10000x16xf32, #tpu.memory_space<vmem_shared>> -> memref<10000x16xf32, #tpu.memory_space<vmem_shared>>
        tpu.enqueue_indirect_dma source(%dma_start3A_1060 : memref<40x16xf32, #tpu.memory_space<vmem>>) target(%dma_start3A_1066 : memref<10000x16xf32, #tpu.memory_space<vmem_shared>>) offsets(%dma_start3A_1063 : memref<40xi32, #tpu.memory_space<vmem>>) semaphore(%arg20 : memref<!tpu.dma_semaphore, #tpu.memory_space<semaphore_mem>>) {add = true}
        %sub3A_1067 = arith.constant 15 : i32
        %sub3A_1068 = arith.subi %add3A_779, %sub3A_1067 : i32
        %add3A_1069 = arith.constant 15 : i32
        %add3A_1070 = arith.addi %sub3A_1068, %add3A_1069 : i32
        %dma_start3A_1071 = arith.constant 600 : i32
        %dma_start3A_1072 = arith.constant 0 : i32
        %dma_start3A_1073 = tpu.memref_slice %arg16[%dma_start3A_1071, %dma_start3A_1072] : memref<640x16xf32, #tpu.memory_space<vmem>> -> memref<40x16xf32, #tpu.memory_space<vmem>>
        %dma_start3A_1074 = arith.constant 0 : i32
        %dma_start3A_1075 = tpu.memref_slice %arg11[%add3A_1070, %dma_start3A_1074] : memref<125x40xi32, #tpu.memory_space<vmem>> -> memref<1x40xi32, #tpu.memory_space<vmem>>
        %dma_start3A_1076 = tpu.memref_squeeze %dma_start3A_1075 : memref<1x40xi32, #tpu.memory_space<vmem>> -> memref<40xi32, #tpu.memory_space<vmem>>
        %dma_start3A_1077 = arith.constant 0 : i32
        %dma_start3A_1078 = arith.constant 0 : i32
        %dma_start3A_1079 = tpu.memref_slice %arg17[%dma_start3A_1077, %dma_start3A_1078] : memref<10000x16xf32, #tpu.memory_space<vmem_shared>> -> memref<10000x16xf32, #tpu.memory_space<vmem_shared>>
        tpu.enqueue_indirect_dma source(%dma_start3A_1073 : memref<40x16xf32, #tpu.memory_space<vmem>>) target(%dma_start3A_1079 : memref<10000x16xf32, #tpu.memory_space<vmem_shared>>) offsets(%dma_start3A_1076 : memref<40xi32, #tpu.memory_space<vmem>>) semaphore(%arg20 : memref<!tpu.dma_semaphore, #tpu.memory_space<semaphore_mem>>) {add = true}
        %dma_wait3A_1080 = arith.constant 0 : i32
        %dma_wait3A_1081 = arith.constant 0 : i32
        %dma_wait3A_1082 = tpu.memref_slice %arg16[%dma_wait3A_1080, %dma_wait3A_1081] : memref<640x16xf32, #tpu.memory_space<vmem>> -> memref<640x16xf32, #tpu.memory_space<vmem>>
        %dma_wait3A_1083 = arith.constant 0 : i32
        %dma_wait3A_1084 = tpu.memref_slice %arg6[%add3A_861, %dma_wait3A_1083] : memref<160000x16xf32, #tpu.memory_space<hbm>> -> memref<640x16xf32, #tpu.memory_space<hbm>>
        %dma_wait3A_1085 = arith.constant 0 : i32
        %dma_wait3A_1086 = tpu.memref_slice %arg6[%add3A_861, %dma_wait3A_1085] : memref<160000x16xf32, #tpu.memory_space<hbm>> -> memref<640x16xf32, #tpu.memory_space<hbm>>
        %dma_wait3A_1087 = arith.constant 0 : i32
        %dma_wait3A_1088 = arith.constant 0 : i32
        %dma_wait3A_1089 = tpu.memref_slice %arg16[%dma_wait3A_1087, %dma_wait3A_1088] : memref<640x16xf32, #tpu.memory_space<vmem>> -> memref<640x16xf32, #tpu.memory_space<vmem>>
        tpu.wait_dma2 semaphore(%arg21 : memref<!tpu.dma_semaphore, #tpu.memory_space<semaphore_mem>>) src(%dma_wait3A_1089 : memref<640x16xf32, #tpu.memory_space<vmem>>) dst(%dma_wait3A_1086 : memref<640x16xf32, #tpu.memory_space<hbm>>)
        %dma_wait3A_1090 = arith.constant 0 : i32
        %dma_wait3A_1091 = arith.constant 0 : i32
        %dma_wait3A_1092 = tpu.memref_slice %arg16[%dma_wait3A_1090, %dma_wait3A_1091] : memref<640x16xf32, #tpu.memory_space<vmem>> -> memref<40x16xf32, #tpu.memory_space<vmem>>
        %dma_wait3A_1093 = arith.constant 0 : i32
        %dma_wait3A_1094 = tpu.memref_slice %arg11[%add3A_875, %dma_wait3A_1093] : memref<125x40xi32, #tpu.memory_space<vmem>> -> memref<1x40xi32, #tpu.memory_space<vmem>>
        %dma_wait3A_1095 = tpu.memref_squeeze %dma_wait3A_1094 : memref<1x40xi32, #tpu.memory_space<vmem>> -> memref<40xi32, #tpu.memory_space<vmem>>
        %dma_wait3A_1096 = arith.constant 0 : i32
        %dma_wait3A_1097 = arith.constant 0 : i32
        %dma_wait3A_1098 = tpu.memref_slice %arg17[%dma_wait3A_1096, %dma_wait3A_1097] : memref<10000x16xf32, #tpu.memory_space<vmem_shared>> -> memref<10000x16xf32, #tpu.memory_space<vmem_shared>>
        tpu.wait_indirect_dma semaphore(%arg20 : memref<!tpu.dma_semaphore, #tpu.memory_space<semaphore_mem>>) src(%dma_wait3A_1092 : memref<40x16xf32, #tpu.memory_space<vmem>>) dst(%dma_wait3A_1098 : memref<10000x16xf32, #tpu.memory_space<vmem_shared>>)
        %dma_wait3A_1099 = arith.constant 40 : i32
        %dma_wait3A_1100 = arith.constant 0 : i32
        %dma_wait3A_1101 = tpu.memref_slice %arg16[%dma_wait3A_1099, %dma_wait3A_1100] : memref<640x16xf32, #tpu.memory_space<vmem>> -> memref<40x16xf32, #tpu.memory_space<vmem>>
        %dma_wait3A_1102 = arith.constant 0 : i32
        %dma_wait3A_1103 = tpu.memref_slice %arg11[%add3A_888, %dma_wait3A_1102] : memref<125x40xi32, #tpu.memory_space<vmem>> -> memref<1x40xi32, #tpu.memory_space<vmem>>
        %dma_wait3A_1104 = tpu.memref_squeeze %dma_wait3A_1103 : memref<1x40xi32, #tpu.memory_space<vmem>> -> memref<40xi32, #tpu.memory_space<vmem>>
        %dma_wait3A_1105 = arith.constant 0 : i32
        %dma_wait3A_1106 = arith.constant 0 : i32
        %dma_wait3A_1107 = tpu.memref_slice %arg17[%dma_wait3A_1105, %dma_wait3A_1106] : memref<10000x16xf32, #tpu.memory_space<vmem_shared>> -> memref<10000x16xf32, #tpu.memory_space<vmem_shared>>
        tpu.wait_indirect_dma semaphore(%arg20 : memref<!tpu.dma_semaphore, #tpu.memory_space<semaphore_mem>>) src(%dma_wait3A_1101 : memref<40x16xf32, #tpu.memory_space<vmem>>) dst(%dma_wait3A_1107 : memref<10000x16xf32, #tpu.memory_space<vmem_shared>>)
        %dma_wait3A_1108 = arith.constant 80 : i32
        %dma_wait3A_1109 = arith.constant 0 : i32
        %dma_wait3A_1110 = tpu.memref_slice %arg16[%dma_wait3A_1108, %dma_wait3A_1109] : memref<640x16xf32, #tpu.memory_space<vmem>> -> memref<40x16xf32, #tpu.memory_space<vmem>>
        %dma_wait3A_1111 = arith.constant 0 : i32
        %dma_wait3A_1112 = tpu.memref_slice %arg11[%add3A_901, %dma_wait3A_1111] : memref<125x40xi32, #tpu.memory_space<vmem>> -> memref<1x40xi32, #tpu.memory_space<vmem>>
        %dma_wait3A_1113 = tpu.memref_squeeze %dma_wait3A_1112 : memref<1x40xi32, #tpu.memory_space<vmem>> -> memref<40xi32, #tpu.memory_space<vmem>>
        %dma_wait3A_1114 = arith.constant 0 : i32
        %dma_wait3A_1115 = arith.constant 0 : i32
        %dma_wait3A_1116 = tpu.memref_slice %arg17[%dma_wait3A_1114, %dma_wait3A_1115] : memref<10000x16xf32, #tpu.memory_space<vmem_shared>> -> memref<10000x16xf32, #tpu.memory_space<vmem_shared>>
        tpu.wait_indirect_dma semaphore(%arg20 : memref<!tpu.dma_semaphore, #tpu.memory_space<semaphore_mem>>) src(%dma_wait3A_1110 : memref<40x16xf32, #tpu.memory_space<vmem>>) dst(%dma_wait3A_1116 : memref<10000x16xf32, #tpu.memory_space<vmem_shared>>)
        %dma_wait3A_1117 = arith.constant 120 : i32
        %dma_wait3A_1118 = arith.constant 0 : i32
        %dma_wait3A_1119 = tpu.memref_slice %arg16[%dma_wait3A_1117, %dma_wait3A_1118] : memref<640x16xf32, #tpu.memory_space<vmem>> -> memref<40x16xf32, #tpu.memory_space<vmem>>
        %dma_wait3A_1120 = arith.constant 0 : i32
        %dma_wait3A_1121 = tpu.memref_slice %arg11[%add3A_914, %dma_wait3A_1120] : memref<125x40xi32, #tpu.memory_space<vmem>> -> memref<1x40xi32, #tpu.memory_space<vmem>>
        %dma_wait3A_1122 = tpu.memref_squeeze %dma_wait3A_1121 : memref<1x40xi32, #tpu.memory_space<vmem>> -> memref<40xi32, #tpu.memory_space<vmem>>
        %dma_wait3A_1123 = arith.constant 0 : i32
        %dma_wait3A_1124 = arith.constant 0 : i32
        %dma_wait3A_1125 = tpu.memref_slice %arg17[%dma_wait3A_1123, %dma_wait3A_1124] : memref<10000x16xf32, #tpu.memory_space<vmem_shared>> -> memref<10000x16xf32, #tpu.memory_space<vmem_shared>>
        tpu.wait_indirect_dma semaphore(%arg20 : memref<!tpu.dma_semaphore, #tpu.memory_space<semaphore_mem>>) src(%dma_wait3A_1119 : memref<40x16xf32, #tpu.memory_space<vmem>>) dst(%dma_wait3A_1125 : memref<10000x16xf32, #tpu.memory_space<vmem_shared>>)
        %dma_wait3A_1126 = arith.constant 160 : i32
        %dma_wait3A_1127 = arith.constant 0 : i32
        %dma_wait3A_1128 = tpu.memref_slice %arg16[%dma_wait3A_1126, %dma_wait3A_1127] : memref<640x16xf32, #tpu.memory_space<vmem>> -> memref<40x16xf32, #tpu.memory_space<vmem>>
        %dma_wait3A_1129 = arith.constant 0 : i32
        %dma_wait3A_1130 = tpu.memref_slice %arg11[%add3A_927, %dma_wait3A_1129] : memref<125x40xi32, #tpu.memory_space<vmem>> -> memref<1x40xi32, #tpu.memory_space<vmem>>
        %dma_wait3A_1131 = tpu.memref_squeeze %dma_wait3A_1130 : memref<1x40xi32, #tpu.memory_space<vmem>> -> memref<40xi32, #tpu.memory_space<vmem>>
        %dma_wait3A_1132 = arith.constant 0 : i32
        %dma_wait3A_1133 = arith.constant 0 : i32
        %dma_wait3A_1134 = tpu.memref_slice %arg17[%dma_wait3A_1132, %dma_wait3A_1133] : memref<10000x16xf32, #tpu.memory_space<vmem_shared>> -> memref<10000x16xf32, #tpu.memory_space<vmem_shared>>
        tpu.wait_indirect_dma semaphore(%arg20 : memref<!tpu.dma_semaphore, #tpu.memory_space<semaphore_mem>>) src(%dma_wait3A_1128 : memref<40x16xf32, #tpu.memory_space<vmem>>) dst(%dma_wait3A_1134 : memref<10000x16xf32, #tpu.memory_space<vmem_shared>>)
        %dma_wait3A_1135 = arith.constant 200 : i32
        %dma_wait3A_1136 = arith.constant 0 : i32
        %dma_wait3A_1137 = tpu.memref_slice %arg16[%dma_wait3A_1135, %dma_wait3A_1136] : memref<640x16xf32, #tpu.memory_space<vmem>> -> memref<40x16xf32, #tpu.memory_space<vmem>>
        %dma_wait3A_1138 = arith.constant 0 : i32
        %dma_wait3A_1139 = tpu.memref_slice %arg11[%add3A_940, %dma_wait3A_1138] : memref<125x40xi32, #tpu.memory_space<vmem>> -> memref<1x40xi32, #tpu.memory_space<vmem>>
        %dma_wait3A_1140 = tpu.memref_squeeze %dma_wait3A_1139 : memref<1x40xi32, #tpu.memory_space<vmem>> -> memref<40xi32, #tpu.memory_space<vmem>>
        %dma_wait3A_1141 = arith.constant 0 : i32
        %dma_wait3A_1142 = arith.constant 0 : i32
        %dma_wait3A_1143 = tpu.memref_slice %arg17[%dma_wait3A_1141, %dma_wait3A_1142] : memref<10000x16xf32, #tpu.memory_space<vmem_shared>> -> memref<10000x16xf32, #tpu.memory_space<vmem_shared>>
        tpu.wait_indirect_dma semaphore(%arg20 : memref<!tpu.dma_semaphore, #tpu.memory_space<semaphore_mem>>) src(%dma_wait3A_1137 : memref<40x16xf32, #tpu.memory_space<vmem>>) dst(%dma_wait3A_1143 : memref<10000x16xf32, #tpu.memory_space<vmem_shared>>)
        %dma_wait3A_1144 = arith.constant 240 : i32
        %dma_wait3A_1145 = arith.constant 0 : i32
        %dma_wait3A_1146 = tpu.memref_slice %arg16[%dma_wait3A_1144, %dma_wait3A_1145] : memref<640x16xf32, #tpu.memory_space<vmem>> -> memref<40x16xf32, #tpu.memory_space<vmem>>
        %dma_wait3A_1147 = arith.constant 0 : i32
        %dma_wait3A_1148 = tpu.memref_slice %arg11[%add3A_953, %dma_wait3A_1147] : memref<125x40xi32, #tpu.memory_space<vmem>> -> memref<1x40xi32, #tpu.memory_space<vmem>>
        %dma_wait3A_1149 = tpu.memref_squeeze %dma_wait3A_1148 : memref<1x40xi32, #tpu.memory_space<vmem>> -> memref<40xi32, #tpu.memory_space<vmem>>
        %dma_wait3A_1150 = arith.constant 0 : i32
        %dma_wait3A_1151 = arith.constant 0 : i32
        %dma_wait3A_1152 = tpu.memref_slice %arg17[%dma_wait3A_1150, %dma_wait3A_1151] : memref<10000x16xf32, #tpu.memory_space<vmem_shared>> -> memref<10000x16xf32, #tpu.memory_space<vmem_shared>>
        tpu.wait_indirect_dma semaphore(%arg20 : memref<!tpu.dma_semaphore, #tpu.memory_space<semaphore_mem>>) src(%dma_wait3A_1146 : memref<40x16xf32, #tpu.memory_space<vmem>>) dst(%dma_wait3A_1152 : memref<10000x16xf32, #tpu.memory_space<vmem_shared>>)
        %dma_wait3A_1153 = arith.constant 280 : i32
        %dma_wait3A_1154 = arith.constant 0 : i32
        %dma_wait3A_1155 = tpu.memref_slice %arg16[%dma_wait3A_1153, %dma_wait3A_1154] : memref<640x16xf32, #tpu.memory_space<vmem>> -> memref<40x16xf32, #tpu.memory_space<vmem>>
        %dma_wait3A_1156 = arith.constant 0 : i32
        %dma_wait3A_1157 = tpu.memref_slice %arg11[%add3A_966, %dma_wait3A_1156] : memref<125x40xi32, #tpu.memory_space<vmem>> -> memref<1x40xi32, #tpu.memory_space<vmem>>
        %dma_wait3A_1158 = tpu.memref_squeeze %dma_wait3A_1157 : memref<1x40xi32, #tpu.memory_space<vmem>> -> memref<40xi32, #tpu.memory_space<vmem>>
        %dma_wait3A_1159 = arith.constant 0 : i32
        %dma_wait3A_1160 = arith.constant 0 : i32
        %dma_wait3A_1161 = tpu.memref_slice %arg17[%dma_wait3A_1159, %dma_wait3A_1160] : memref<10000x16xf32, #tpu.memory_space<vmem_shared>> -> memref<10000x16xf32, #tpu.memory_space<vmem_shared>>
        tpu.wait_indirect_dma semaphore(%arg20 : memref<!tpu.dma_semaphore, #tpu.memory_space<semaphore_mem>>) src(%dma_wait3A_1155 : memref<40x16xf32, #tpu.memory_space<vmem>>) dst(%dma_wait3A_1161 : memref<10000x16xf32, #tpu.memory_space<vmem_shared>>)
        %dma_wait3A_1162 = arith.constant 320 : i32
        %dma_wait3A_1163 = arith.constant 0 : i32
        %dma_wait3A_1164 = tpu.memref_slice %arg16[%dma_wait3A_1162, %dma_wait3A_1163] : memref<640x16xf32, #tpu.memory_space<vmem>> -> memref<40x16xf32, #tpu.memory_space<vmem>>
        %dma_wait3A_1165 = arith.constant 0 : i32
        %dma_wait3A_1166 = tpu.memref_slice %arg11[%add3A_979, %dma_wait3A_1165] : memref<125x40xi32, #tpu.memory_space<vmem>> -> memref<1x40xi32, #tpu.memory_space<vmem>>
        %dma_wait3A_1167 = tpu.memref_squeeze %dma_wait3A_1166 : memref<1x40xi32, #tpu.memory_space<vmem>> -> memref<40xi32, #tpu.memory_space<vmem>>
        %dma_wait3A_1168 = arith.constant 0 : i32
        %dma_wait3A_1169 = arith.constant 0 : i32
        %dma_wait3A_1170 = tpu.memref_slice %arg17[%dma_wait3A_1168, %dma_wait3A_1169] : memref<10000x16xf32, #tpu.memory_space<vmem_shared>> -> memref<10000x16xf32, #tpu.memory_space<vmem_shared>>
        tpu.wait_indirect_dma semaphore(%arg20 : memref<!tpu.dma_semaphore, #tpu.memory_space<semaphore_mem>>) src(%dma_wait3A_1164 : memref<40x16xf32, #tpu.memory_space<vmem>>) dst(%dma_wait3A_1170 : memref<10000x16xf32, #tpu.memory_space<vmem_shared>>)
        %dma_wait3A_1171 = arith.constant 360 : i32
        %dma_wait3A_1172 = arith.constant 0 : i32
        %dma_wait3A_1173 = tpu.memref_slice %arg16[%dma_wait3A_1171, %dma_wait3A_1172] : memref<640x16xf32, #tpu.memory_space<vmem>> -> memref<40x16xf32, #tpu.memory_space<vmem>>
        %dma_wait3A_1174 = arith.constant 0 : i32
        %dma_wait3A_1175 = tpu.memref_slice %arg11[%add3A_992, %dma_wait3A_1174] : memref<125x40xi32, #tpu.memory_space<vmem>> -> memref<1x40xi32, #tpu.memory_space<vmem>>
        %dma_wait3A_1176 = tpu.memref_squeeze %dma_wait3A_1175 : memref<1x40xi32, #tpu.memory_space<vmem>> -> memref<40xi32, #tpu.memory_space<vmem>>
        %dma_wait3A_1177 = arith.constant 0 : i32
        %dma_wait3A_1178 = arith.constant 0 : i32
        %dma_wait3A_1179 = tpu.memref_slice %arg17[%dma_wait3A_1177, %dma_wait3A_1178] : memref<10000x16xf32, #tpu.memory_space<vmem_shared>> -> memref<10000x16xf32, #tpu.memory_space<vmem_shared>>
        tpu.wait_indirect_dma semaphore(%arg20 : memref<!tpu.dma_semaphore, #tpu.memory_space<semaphore_mem>>) src(%dma_wait3A_1173 : memref<40x16xf32, #tpu.memory_space<vmem>>) dst(%dma_wait3A_1179 : memref<10000x16xf32, #tpu.memory_space<vmem_shared>>)
        %dma_wait3A_1180 = arith.constant 400 : i32
        %dma_wait3A_1181 = arith.constant 0 : i32
        %dma_wait3A_1182 = tpu.memref_slice %arg16[%dma_wait3A_1180, %dma_wait3A_1181] : memref<640x16xf32, #tpu.memory_space<vmem>> -> memref<40x16xf32, #tpu.memory_space<vmem>>
        %dma_wait3A_1183 = arith.constant 0 : i32
        %dma_wait3A_1184 = tpu.memref_slice %arg11[%add3A_1005, %dma_wait3A_1183] : memref<125x40xi32, #tpu.memory_space<vmem>> -> memref<1x40xi32, #tpu.memory_space<vmem>>
        %dma_wait3A_1185 = tpu.memref_squeeze %dma_wait3A_1184 : memref<1x40xi32, #tpu.memory_space<vmem>> -> memref<40xi32, #tpu.memory_space<vmem>>
        %dma_wait3A_1186 = arith.constant 0 : i32
        %dma_wait3A_1187 = arith.constant 0 : i32
        %dma_wait3A_1188 = tpu.memref_slice %arg17[%dma_wait3A_1186, %dma_wait3A_1187] : memref<10000x16xf32, #tpu.memory_space<vmem_shared>> -> memref<10000x16xf32, #tpu.memory_space<vmem_shared>>
        tpu.wait_indirect_dma semaphore(%arg20 : memref<!tpu.dma_semaphore, #tpu.memory_space<semaphore_mem>>) src(%dma_wait3A_1182 : memref<40x16xf32, #tpu.memory_space<vmem>>) dst(%dma_wait3A_1188 : memref<10000x16xf32, #tpu.memory_space<vmem_shared>>)
        %dma_wait3A_1189 = arith.constant 440 : i32
        %dma_wait3A_1190 = arith.constant 0 : i32
        %dma_wait3A_1191 = tpu.memref_slice %arg16[%dma_wait3A_1189, %dma_wait3A_1190] : memref<640x16xf32, #tpu.memory_space<vmem>> -> memref<40x16xf32, #tpu.memory_space<vmem>>
        %dma_wait3A_1192 = arith.constant 0 : i32
        %dma_wait3A_1193 = tpu.memref_slice %arg11[%add3A_1018, %dma_wait3A_1192] : memref<125x40xi32, #tpu.memory_space<vmem>> -> memref<1x40xi32, #tpu.memory_space<vmem>>
        %dma_wait3A_1194 = tpu.memref_squeeze %dma_wait3A_1193 : memref<1x40xi32, #tpu.memory_space<vmem>> -> memref<40xi32, #tpu.memory_space<vmem>>
        %dma_wait3A_1195 = arith.constant 0 : i32
        %dma_wait3A_1196 = arith.constant 0 : i32
        %dma_wait3A_1197 = tpu.memref_slice %arg17[%dma_wait3A_1195, %dma_wait3A_1196] : memref<10000x16xf32, #tpu.memory_space<vmem_shared>> -> memref<10000x16xf32, #tpu.memory_space<vmem_shared>>
        tpu.wait_indirect_dma semaphore(%arg20 : memref<!tpu.dma_semaphore, #tpu.memory_space<semaphore_mem>>) src(%dma_wait3A_1191 : memref<40x16xf32, #tpu.memory_space<vmem>>) dst(%dma_wait3A_1197 : memref<10000x16xf32, #tpu.memory_space<vmem_shared>>)
        %dma_wait3A_1198 = arith.constant 480 : i32
        %dma_wait3A_1199 = arith.constant 0 : i32
        %dma_wait3A_1200 = tpu.memref_slice %arg16[%dma_wait3A_1198, %dma_wait3A_1199] : memref<640x16xf32, #tpu.memory_space<vmem>> -> memref<40x16xf32, #tpu.memory_space<vmem>>
        %dma_wait3A_1201 = arith.constant 0 : i32
        %dma_wait3A_1202 = tpu.memref_slice %arg11[%add3A_1031, %dma_wait3A_1201] : memref<125x40xi32, #tpu.memory_space<vmem>> -> memref<1x40xi32, #tpu.memory_space<vmem>>
        %dma_wait3A_1203 = tpu.memref_squeeze %dma_wait3A_1202 : memref<1x40xi32, #tpu.memory_space<vmem>> -> memref<40xi32, #tpu.memory_space<vmem>>
        %dma_wait3A_1204 = arith.constant 0 : i32
        %dma_wait3A_1205 = arith.constant 0 : i32
        %dma_wait3A_1206 = tpu.memref_slice %arg17[%dma_wait3A_1204, %dma_wait3A_1205] : memref<10000x16xf32, #tpu.memory_space<vmem_shared>> -> memref<10000x16xf32, #tpu.memory_space<vmem_shared>>
        tpu.wait_indirect_dma semaphore(%arg20 : memref<!tpu.dma_semaphore, #tpu.memory_space<semaphore_mem>>) src(%dma_wait3A_1200 : memref<40x16xf32, #tpu.memory_space<vmem>>) dst(%dma_wait3A_1206 : memref<10000x16xf32, #tpu.memory_space<vmem_shared>>)
        %dma_wait3A_1207 = arith.constant 520 : i32
        %dma_wait3A_1208 = arith.constant 0 : i32
        %dma_wait3A_1209 = tpu.memref_slice %arg16[%dma_wait3A_1207, %dma_wait3A_1208] : memref<640x16xf32, #tpu.memory_space<vmem>> -> memref<40x16xf32, #tpu.memory_space<vmem>>
        %dma_wait3A_1210 = arith.constant 0 : i32
        %dma_wait3A_1211 = tpu.memref_slice %arg11[%add3A_1044, %dma_wait3A_1210] : memref<125x40xi32, #tpu.memory_space<vmem>> -> memref<1x40xi32, #tpu.memory_space<vmem>>
        %dma_wait3A_1212 = tpu.memref_squeeze %dma_wait3A_1211 : memref<1x40xi32, #tpu.memory_space<vmem>> -> memref<40xi32, #tpu.memory_space<vmem>>
        %dma_wait3A_1213 = arith.constant 0 : i32
        %dma_wait3A_1214 = arith.constant 0 : i32
        %dma_wait3A_1215 = tpu.memref_slice %arg17[%dma_wait3A_1213, %dma_wait3A_1214] : memref<10000x16xf32, #tpu.memory_space<vmem_shared>> -> memref<10000x16xf32, #tpu.memory_space<vmem_shared>>
        tpu.wait_indirect_dma semaphore(%arg20 : memref<!tpu.dma_semaphore, #tpu.memory_space<semaphore_mem>>) src(%dma_wait3A_1209 : memref<40x16xf32, #tpu.memory_space<vmem>>) dst(%dma_wait3A_1215 : memref<10000x16xf32, #tpu.memory_space<vmem_shared>>)
        %dma_wait3A_1216 = arith.constant 560 : i32
        %dma_wait3A_1217 = arith.constant 0 : i32
        %dma_wait3A_1218 = tpu.memref_slice %arg16[%dma_wait3A_1216, %dma_wait3A_1217] : memref<640x16xf32, #tpu.memory_space<vmem>> -> memref<40x16xf32, #tpu.memory_space<vmem>>
        %dma_wait3A_1219 = arith.constant 0 : i32
        %dma_wait3A_1220 = tpu.memref_slice %arg11[%add3A_1057, %dma_wait3A_1219] : memref<125x40xi32, #tpu.memory_space<vmem>> -> memref<1x40xi32, #tpu.memory_space<vmem>>
        %dma_wait3A_1221 = tpu.memref_squeeze %dma_wait3A_1220 : memref<1x40xi32, #tpu.memory_space<vmem>> -> memref<40xi32, #tpu.memory_space<vmem>>
        %dma_wait3A_1222 = arith.constant 0 : i32
        %dma_wait3A_1223 = arith.constant 0 : i32
        %dma_wait3A_1224 = tpu.memref_slice %arg17[%dma_wait3A_1222, %dma_wait3A_1223] : memref<10000x16xf32, #tpu.memory_space<vmem_shared>> -> memref<10000x16xf32, #tpu.memory_space<vmem_shared>>
        tpu.wait_indirect_dma semaphore(%arg20 : memref<!tpu.dma_semaphore, #tpu.memory_space<semaphore_mem>>) src(%dma_wait3A_1218 : memref<40x16xf32, #tpu.memory_space<vmem>>) dst(%dma_wait3A_1224 : memref<10000x16xf32, #tpu.memory_space<vmem_shared>>)
        %dma_wait3A_1225 = arith.constant 600 : i32
        %dma_wait3A_1226 = arith.constant 0 : i32
        %dma_wait3A_1227 = tpu.memref_slice %arg16[%dma_wait3A_1225, %dma_wait3A_1226] : memref<640x16xf32, #tpu.memory_space<vmem>> -> memref<40x16xf32, #tpu.memory_space<vmem>>
        %dma_wait3A_1228 = arith.constant 0 : i32
        %dma_wait3A_1229 = tpu.memref_slice %arg11[%add3A_1070, %dma_wait3A_1228] : memref<125x40xi32, #tpu.memory_space<vmem>> -> memref<1x40xi32, #tpu.memory_space<vmem>>
        %dma_wait3A_1230 = tpu.memref_squeeze %dma_wait3A_1229 : memref<1x40xi32, #tpu.memory_space<vmem>> -> memref<40xi32, #tpu.memory_space<vmem>>
        %dma_wait3A_1231 = arith.constant 0 : i32
        %dma_wait3A_1232 = arith.constant 0 : i32
        %dma_wait3A_1233 = tpu.memref_slice %arg17[%dma_wait3A_1231, %dma_wait3A_1232] : memref<10000x16xf32, #tpu.memory_space<vmem_shared>> -> memref<10000x16xf32, #tpu.memory_space<vmem_shared>>
        tpu.wait_indirect_dma semaphore(%arg20 : memref<!tpu.dma_semaphore, #tpu.memory_space<semaphore_mem>>) src(%dma_wait3A_1227 : memref<40x16xf32, #tpu.memory_space<vmem>>) dst(%dma_wait3A_1233 : memref<10000x16xf32, #tpu.memory_space<vmem_shared>>)
      } else {
      }
    }
    %scan3A_294 = arith.constant 62 : i32
    %dma_wait3A = arith.constant 0 : i32
    %dma_wait3A_295 = arith.constant 124 : i32
    %dma_wait3A_296 = arith.constant 0 : i32
    %dma_wait3A_297 = arith.constant 0 : i32
    %dma_wait3A_298 = tpu.memref_slice %arg12[%dma_wait3A_296, %dma_wait3A_297] : memref<80x128xi32, #tpu.memory_space<vmem>> -> memref<40x128xi32, #tpu.memory_space<vmem>>
    %dma_wait3A_299 = arith.constant 0 : i32
    %dma_wait3A_300 = tpu.memref_slice %arg9[%dma_wait3A_295, %dma_wait3A_299] : memref<125x40xi32, #tpu.memory_space<vmem>> -> memref<1x40xi32, #tpu.memory_space<vmem>>
    %dma_wait3A_301 = tpu.memref_squeeze %dma_wait3A_300 : memref<1x40xi32, #tpu.memory_space<vmem>> -> memref<40xi32, #tpu.memory_space<vmem>>
    %dma_wait3A_302 = arith.constant 0 : i32
    %dma_wait3A_303 = arith.constant 0 : i32
    %dma_wait3A_304 = tpu.memref_slice %arg2[%dma_wait3A, %dma_wait3A_302, %dma_wait3A_303] : memref<2x10000x128xi32, #tpu.memory_space<hbm>> -> memref<1x10000x128xi32, #tpu.memory_space<hbm>>
    %dma_wait3A_305 = tpu.memref_squeeze %dma_wait3A_304 : memref<1x10000x128xi32, #tpu.memory_space<hbm>> -> memref<10000x128xi32, #tpu.memory_space<hbm>>
    %dma_wait3A_306 = arith.constant 0 : i32
    %dma_wait3A_307 = arith.constant 0 : i32
    %dma_wait3A_308 = tpu.memref_slice %dma_wait3A_305[%dma_wait3A_306, %dma_wait3A_307] : memref<10000x128xi32, #tpu.memory_space<hbm>> -> memref<10000x128xi32, #tpu.memory_space<hbm>>
    tpu.wait_indirect_dma semaphore(%arg18 : memref<!tpu.dma_semaphore, #tpu.memory_space<semaphore_mem>>) src(%dma_wait3A_308 : memref<10000x128xi32, #tpu.memory_space<hbm>>) dst(%dma_wait3A_298 : memref<40x128xi32, #tpu.memory_space<vmem>>)
    %dma_wait3A_309 = arith.constant 1 : i32
    %dma_wait3A_310 = arith.constant 124 : i32
    %dma_wait3A_311 = arith.constant 40 : i32
    %dma_wait3A_312 = arith.constant 0 : i32
    %dma_wait3A_313 = tpu.memref_slice %arg12[%dma_wait3A_311, %dma_wait3A_312] : memref<80x128xi32, #tpu.memory_space<vmem>> -> memref<40x128xi32, #tpu.memory_space<vmem>>
    %dma_wait3A_314 = arith.constant 0 : i32
    %dma_wait3A_315 = tpu.memref_slice %arg9[%dma_wait3A_310, %dma_wait3A_314] : memref<125x40xi32, #tpu.memory_space<vmem>> -> memref<1x40xi32, #tpu.memory_space<vmem>>
    %dma_wait3A_316 = tpu.memref_squeeze %dma_wait3A_315 : memref<1x40xi32, #tpu.memory_space<vmem>> -> memref<40xi32, #tpu.memory_space<vmem>>
    %dma_wait3A_317 = arith.constant 0 : i32
    %dma_wait3A_318 = arith.constant 0 : i32
    %dma_wait3A_319 = tpu.memref_slice %arg2[%dma_wait3A_309, %dma_wait3A_317, %dma_wait3A_318] : memref<2x10000x128xi32, #tpu.memory_space<hbm>> -> memref<1x10000x128xi32, #tpu.memory_space<hbm>>
    %dma_wait3A_320 = tpu.memref_squeeze %dma_wait3A_319 : memref<1x10000x128xi32, #tpu.memory_space<hbm>> -> memref<10000x128xi32, #tpu.memory_space<hbm>>
    %dma_wait3A_321 = arith.constant 0 : i32
    %dma_wait3A_322 = arith.constant 0 : i32
    %dma_wait3A_323 = tpu.memref_slice %dma_wait3A_320[%dma_wait3A_321, %dma_wait3A_322] : memref<10000x128xi32, #tpu.memory_space<hbm>> -> memref<10000x128xi32, #tpu.memory_space<hbm>>
    tpu.wait_indirect_dma semaphore(%arg18 : memref<!tpu.dma_semaphore, #tpu.memory_space<semaphore_mem>>) src(%dma_wait3A_323 : memref<10000x128xi32, #tpu.memory_space<hbm>>) dst(%dma_wait3A_313 : memref<40x128xi32, #tpu.memory_space<vmem>>)
    %dma_wait3A_324 = arith.constant 0 : i32
    %dma_wait3A_325 = arith.constant 124 : i32
    %dma_wait3A_326 = arith.constant 0 : i32
    %dma_wait3A_327 = arith.constant 0 : i32
    %dma_wait3A_328 = tpu.memref_slice %arg13[%dma_wait3A_326, %dma_wait3A_327] : memref<80x128xi32, #tpu.memory_space<vmem>> -> memref<40x128xi32, #tpu.memory_space<vmem>>
    %dma_wait3A_329 = arith.constant 0 : i32
    %dma_wait3A_330 = tpu.memref_slice %arg10[%dma_wait3A_325, %dma_wait3A_329] : memref<125x40xi32, #tpu.memory_space<vmem>> -> memref<1x40xi32, #tpu.memory_space<vmem>>
    %dma_wait3A_331 = tpu.memref_squeeze %dma_wait3A_330 : memref<1x40xi32, #tpu.memory_space<vmem>> -> memref<40xi32, #tpu.memory_space<vmem>>
    %dma_wait3A_332 = arith.constant 0 : i32
    %dma_wait3A_333 = arith.constant 0 : i32
    %dma_wait3A_334 = tpu.memref_slice %arg3[%dma_wait3A_324, %dma_wait3A_332, %dma_wait3A_333] : memref<2x10000x128xi32, #tpu.memory_space<hbm>> -> memref<1x10000x128xi32, #tpu.memory_space<hbm>>
    %dma_wait3A_335 = tpu.memref_squeeze %dma_wait3A_334 : memref<1x10000x128xi32, #tpu.memory_space<hbm>> -> memref<10000x128xi32, #tpu.memory_space<hbm>>
    %dma_wait3A_336 = arith.constant 0 : i32
    %dma_wait3A_337 = arith.constant 0 : i32
    %dma_wait3A_338 = tpu.memref_slice %dma_wait3A_335[%dma_wait3A_336, %dma_wait3A_337] : memref<10000x128xi32, #tpu.memory_space<hbm>> -> memref<10000x128xi32, #tpu.memory_space<hbm>>
    tpu.wait_indirect_dma semaphore(%arg18 : memref<!tpu.dma_semaphore, #tpu.memory_space<semaphore_mem>>) src(%dma_wait3A_338 : memref<10000x128xi32, #tpu.memory_space<hbm>>) dst(%dma_wait3A_328 : memref<40x128xi32, #tpu.memory_space<vmem>>)
    %dma_wait3A_339 = arith.constant 1 : i32
    %dma_wait3A_340 = arith.constant 124 : i32
    %dma_wait3A_341 = arith.constant 40 : i32
    %dma_wait3A_342 = arith.constant 0 : i32
    %dma_wait3A_343 = tpu.memref_slice %arg13[%dma_wait3A_341, %dma_wait3A_342] : memref<80x128xi32, #tpu.memory_space<vmem>> -> memref<40x128xi32, #tpu.memory_space<vmem>>
    %dma_wait3A_344 = arith.constant 0 : i32
    %dma_wait3A_345 = tpu.memref_slice %arg10[%dma_wait3A_340, %dma_wait3A_344] : memref<125x40xi32, #tpu.memory_space<vmem>> -> memref<1x40xi32, #tpu.memory_space<vmem>>
    %dma_wait3A_346 = tpu.memref_squeeze %dma_wait3A_345 : memref<1x40xi32, #tpu.memory_space<vmem>> -> memref<40xi32, #tpu.memory_space<vmem>>
    %dma_wait3A_347 = arith.constant 0 : i32
    %dma_wait3A_348 = arith.constant 0 : i32
    %dma_wait3A_349 = tpu.memref_slice %arg3[%dma_wait3A_339, %dma_wait3A_347, %dma_wait3A_348] : memref<2x10000x128xi32, #tpu.memory_space<hbm>> -> memref<1x10000x128xi32, #tpu.memory_space<hbm>>
    %dma_wait3A_350 = tpu.memref_squeeze %dma_wait3A_349 : memref<1x10000x128xi32, #tpu.memory_space<hbm>> -> memref<10000x128xi32, #tpu.memory_space<hbm>>
    %dma_wait3A_351 = arith.constant 0 : i32
    %dma_wait3A_352 = arith.constant 0 : i32
    %dma_wait3A_353 = tpu.memref_slice %dma_wait3A_350[%dma_wait3A_351, %dma_wait3A_352] : memref<10000x128xi32, #tpu.memory_space<hbm>> -> memref<10000x128xi32, #tpu.memory_space<hbm>>
    tpu.wait_indirect_dma semaphore(%arg18 : memref<!tpu.dma_semaphore, #tpu.memory_space<semaphore_mem>>) src(%dma_wait3A_353 : memref<10000x128xi32, #tpu.memory_space<hbm>>) dst(%dma_wait3A_343 : memref<40x128xi32, #tpu.memory_space<vmem>>)
    %rem3A = arith.constant 124 : i32
    %rem3A_354 = arith.constant 16 : i32
    %rem3A_355 = arith.remsi %rem3A, %rem3A_354 : i32
    %mul3A_356 = arith.constant 40 : i32
    %mul3A_357 = arith.muli %rem3A_355, %mul3A_356 : i32
    %scan3A_358 = arith.constant 0 : i32
    %scan3A_359 = arith.constant 0 : i32
    %scan3A_360 = arith.constant 40 : i32
    %scan3A_361 = arith.addi %scan3A_359, %scan3A_360 : i32
    %scan3A_362 = arith.constant 1 : i32
    scf.for %scan3A_659 = %scan3A_359 to %scan3A_361 step %scan3A_362  : i32 {
      %add3A_660 = vector.broadcast %scan3A_659 : i32 to vector<16xi32>
      %add3A_661 = arith.addi %mul3A_5, %add3A_660 : vector<16xi32>
      %broadcast_in_dim3A_662 = arith.constant 0.000000e+00 : f32
      %broadcast_in_dim3A_663 = vector.broadcast %broadcast_in_dim3A_662 : f32 to vector<16xf32>
      %gather3A = tpu.vector_load_idx %arg12[%add3A_661, %add3A_17] : memref<80x128xi32, #tpu.memory_space<vmem>>[vector<16xi32>, vector<16xi32>], vector<16xi32>,
      %gather3A_664 = tpu.vector_load_idx %arg13[%add3A_661, %add3A_17] : memref<80x128xi32, #tpu.memory_space<vmem>>[vector<16xi32>, vector<16xi32>], vector<16xi32>,
      %shift_left3A = arith.constant 16 : i32
      %shift_left3A_665 = vector.broadcast %shift_left3A : i32 to vector<16xi32>
      %shift_left3A_666 = arith.shli %gather3A, %shift_left3A_665 : vector<16xi32>
      %bitcast3A = vector.bitcast %shift_left3A_666 : vector<16xi32> to vector<16xf32>
      %shift_left3A_667 = arith.constant 16 : i32
      %shift_left3A_668 = vector.broadcast %shift_left3A_667 : i32 to vector<16xi32>
      %shift_left3A_669 = arith.shli %gather3A_664, %shift_left3A_668 : vector<16xi32>
      %bitcast3A_670 = vector.bitcast %shift_left3A_669 : vector<16xi32> to vector<16xf32>
      %and3A_671 = arith.andi %gather3A, %broadcast_in_dim3A_213 : vector<16xi32>
      %bitcast3A_672 = vector.bitcast %and3A_671 : vector<16xi32> to vector<16xf32>
      %and3A_673 = arith.andi %gather3A_664, %broadcast_in_dim3A_213 : vector<16xi32>
      %bitcast3A_674 = vector.bitcast %and3A_673 : vector<16xi32> to vector<16xf32>
      %mul3A_675 = arith.mulf %bitcast3A, %bitcast3A_670 : vector<16xf32>
      %add3A_676 = arith.addf %broadcast_in_dim3A_663, %mul3A_675 : vector<16xf32>
      %mul3A_677 = arith.mulf %bitcast3A_672, %bitcast3A_674 : vector<16xf32>
      %add3A_678 = arith.addf %add3A_676, %mul3A_677 : vector<16xf32>
      %gather3A_679 = tpu.vector_load_idx %arg12[%add3A_661, %add3A_30] : memref<80x128xi32, #tpu.memory_space<vmem>>[vector<16xi32>, vector<16xi32>], vector<16xi32>,
      %gather3A_680 = tpu.vector_load_idx %arg13[%add3A_661, %add3A_30] : memref<80x128xi32, #tpu.memory_space<vmem>>[vector<16xi32>, vector<16xi32>], vector<16xi32>,
      %shift_left3A_681 = arith.constant 16 : i32
      %shift_left3A_682 = vector.broadcast %shift_left3A_681 : i32 to vector<16xi32>
      %shift_left3A_683 = arith.shli %gather3A_679, %shift_left3A_682 : vector<16xi32>
      %bitcast3A_684 = vector.bitcast %shift_left3A_683 : vector<16xi32> to vector<16xf32>
      %shift_left3A_685 = arith.constant 16 : i32
      %shift_left3A_686 = vector.broadcast %shift_left3A_685 : i32 to vector<16xi32>
      %shift_left3A_687 = arith.shli %gather3A_680, %shift_left3A_686 : vector<16xi32>
      %bitcast3A_688 = vector.bitcast %shift_left3A_687 : vector<16xi32> to vector<16xf32>
      %and3A_689 = arith.andi %gather3A_679, %broadcast_in_dim3A_213 : vector<16xi32>
      %bitcast3A_690 = vector.bitcast %and3A_689 : vector<16xi32> to vector<16xf32>
      %and3A_691 = arith.andi %gather3A_680, %broadcast_in_dim3A_213 : vector<16xi32>
      %bitcast3A_692 = vector.bitcast %and3A_691 : vector<16xi32> to vector<16xf32>
      %mul3A_693 = arith.mulf %bitcast3A_684, %bitcast3A_688 : vector<16xf32>
      %add3A_694 = arith.addf %add3A_678, %mul3A_693 : vector<16xf32>
      %mul3A_695 = arith.mulf %bitcast3A_690, %bitcast3A_692 : vector<16xf32>
      %add3A_696 = arith.addf %add3A_694, %mul3A_695 : vector<16xf32>
      %gather3A_697 = tpu.vector_load_idx %arg12[%add3A_661, %add3A_43] : memref<80x128xi32, #tpu.memory_space<vmem>>[vector<16xi32>, vector<16xi32>], vector<16xi32>,
      %gather3A_698 = tpu.vector_load_idx %arg13[%add3A_661, %add3A_43] : memref<80x128xi32, #tpu.memory_space<vmem>>[vector<16xi32>, vector<16xi32>], vector<16xi32>,
      %shift_left3A_699 = arith.constant 16 : i32
      %shift_left3A_700 = vector.broadcast %shift_left3A_699 : i32 to vector<16xi32>
      %shift_left3A_701 = arith.shli %gather3A_697, %shift_left3A_700 : vector<16xi32>
      %bitcast3A_702 = vector.bitcast %shift_left3A_701 : vector<16xi32> to vector<16xf32>
      %shift_left3A_703 = arith.constant 16 : i32
      %shift_left3A_704 = vector.broadcast %shift_left3A_703 : i32 to vector<16xi32>
      %shift_left3A_705 = arith.shli %gather3A_698, %shift_left3A_704 : vector<16xi32>
      %bitcast3A_706 = vector.bitcast %shift_left3A_705 : vector<16xi32> to vector<16xf32>
      %and3A_707 = arith.andi %gather3A_697, %broadcast_in_dim3A_213 : vector<16xi32>
      %bitcast3A_708 = vector.bitcast %and3A_707 : vector<16xi32> to vector<16xf32>
      %and3A_709 = arith.andi %gather3A_698, %broadcast_in_dim3A_213 : vector<16xi32>
      %bitcast3A_710 = vector.bitcast %and3A_709 : vector<16xi32> to vector<16xf32>
      %mul3A_711 = arith.mulf %bitcast3A_702, %bitcast3A_706 : vector<16xf32>
      %add3A_712 = arith.addf %add3A_696, %mul3A_711 : vector<16xf32>
      %mul3A_713 = arith.mulf %bitcast3A_708, %bitcast3A_710 : vector<16xf32>
      %add3A_714 = arith.addf %add3A_712, %mul3A_713 : vector<16xf32>
      %gather3A_715 = tpu.vector_load_idx %arg12[%add3A_661, %add3A_56] : memref<80x128xi32, #tpu.memory_space<vmem>>[vector<16xi32>, vector<16xi32>], vector<16xi32>,
      %gather3A_716 = tpu.vector_load_idx %arg13[%add3A_661, %add3A_56] : memref<80x128xi32, #tpu.memory_space<vmem>>[vector<16xi32>, vector<16xi32>], vector<16xi32>,
      %shift_left3A_717 = arith.constant 16 : i32
      %shift_left3A_718 = vector.broadcast %shift_left3A_717 : i32 to vector<16xi32>
      %shift_left3A_719 = arith.shli %gather3A_715, %shift_left3A_718 : vector<16xi32>
      %bitcast3A_720 = vector.bitcast %shift_left3A_719 : vector<16xi32> to vector<16xf32>
      %shift_left3A_721 = arith.constant 16 : i32
      %shift_left3A_722 = vector.broadcast %shift_left3A_721 : i32 to vector<16xi32>
      %shift_left3A_723 = arith.shli %gather3A_716, %shift_left3A_722 : vector<16xi32>
      %bitcast3A_724 = vector.bitcast %shift_left3A_723 : vector<16xi32> to vector<16xf32>
      %and3A_725 = arith.andi %gather3A_715, %broadcast_in_dim3A_213 : vector<16xi32>
      %bitcast3A_726 = vector.bitcast %and3A_725 : vector<16xi32> to vector<16xf32>
      %and3A_727 = arith.andi %gather3A_716, %broadcast_in_dim3A_213 : vector<16xi32>
      %bitcast3A_728 = vector.bitcast %and3A_727 : vector<16xi32> to vector<16xf32>
      %mul3A_729 = arith.mulf %bitcast3A_720, %bitcast3A_724 : vector<16xf32>
      %add3A_730 = arith.addf %add3A_714, %mul3A_729 : vector<16xf32>
      %mul3A_731 = arith.mulf %bitcast3A_726, %bitcast3A_728 : vector<16xf32>
      %add3A_732 = arith.addf %add3A_730, %mul3A_731 : vector<16xf32>
      %gather3A_733 = tpu.vector_load_idx %arg12[%add3A_661, %add3A_69] : memref<80x128xi32, #tpu.memory_space<vmem>>[vector<16xi32>, vector<16xi32>], vector<16xi32>,
      %gather3A_734 = tpu.vector_load_idx %arg13[%add3A_661, %add3A_69] : memref<80x128xi32, #tpu.memory_space<vmem>>[vector<16xi32>, vector<16xi32>], vector<16xi32>,
      %shift_left3A_735 = arith.constant 16 : i32
      %shift_left3A_736 = vector.broadcast %shift_left3A_735 : i32 to vector<16xi32>
      %shift_left3A_737 = arith.shli %gather3A_733, %shift_left3A_736 : vector<16xi32>
      %bitcast3A_738 = vector.bitcast %shift_left3A_737 : vector<16xi32> to vector<16xf32>
      %shift_left3A_739 = arith.constant 16 : i32
      %shift_left3A_740 = vector.broadcast %shift_left3A_739 : i32 to vector<16xi32>
      %shift_left3A_741 = arith.shli %gather3A_734, %shift_left3A_740 : vector<16xi32>
      %bitcast3A_742 = vector.bitcast %shift_left3A_741 : vector<16xi32> to vector<16xf32>
      %and3A_743 = arith.andi %gather3A_733, %broadcast_in_dim3A_213 : vector<16xi32>
      %bitcast3A_744 = vector.bitcast %and3A_743 : vector<16xi32> to vector<16xf32>
      %and3A_745 = arith.andi %gather3A_734, %broadcast_in_dim3A_213 : vector<16xi32>
      %bitcast3A_746 = vector.bitcast %and3A_745 : vector<16xi32> to vector<16xf32>
      %mul3A_747 = arith.mulf %bitcast3A_738, %bitcast3A_742 : vector<16xf32>
      %add3A_748 = arith.addf %add3A_732, %mul3A_747 : vector<16xf32>
      %mul3A_749 = arith.mulf %bitcast3A_744, %bitcast3A_746 : vector<16xf32>
      %add3A_750 = arith.addf %add3A_748, %mul3A_749 : vector<16xf32>
      %gather3A_751 = tpu.vector_load_idx %arg12[%add3A_661, %add3A_82] : memref<80x128xi32, #tpu.memory_space<vmem>>[vector<16xi32>, vector<16xi32>], vector<16xi32>,
      %gather3A_752 = tpu.vector_load_idx %arg13[%add3A_661, %add3A_82] : memref<80x128xi32, #tpu.memory_space<vmem>>[vector<16xi32>, vector<16xi32>], vector<16xi32>,
      %shift_left3A_753 = arith.constant 16 : i32
      %shift_left3A_754 = vector.broadcast %shift_left3A_753 : i32 to vector<16xi32>
      %shift_left3A_755 = arith.shli %gather3A_751, %shift_left3A_754 : vector<16xi32>
      %bitcast3A_756 = vector.bitcast %shift_left3A_755 : vector<16xi32> to vector<16xf32>
      %shift_left3A_757 = arith.constant 16 : i32
      %shift_left3A_758 = vector.broadcast %shift_left3A_757 : i32 to vector<16xi32>
      %shift_left3A_759 = arith.shli %gather3A_752, %shift_left3A_758 : vector<16xi32>
      %bitcast3A_760 = vector.bitcast %shift_left3A_759 : vector<16xi32> to vector<16xf32>
      %and3A_761 = arith.andi %gather3A_751, %broadcast_in_dim3A_213 : vector<16xi32>
      %bitcast3A_762 = vector.bitcast %and3A_761 : vector<16xi32> to vector<16xf32>
      %and3A_763 = arith.andi %gather3A_752, %broadcast_in_dim3A_213 : vector<16xi32>
      %bitcast3A_764 = vector.bitcast %and3A_763 : vector<16xi32> to vector<16xf32>
      %mul3A_765 = arith.mulf %bitcast3A_756, %bitcast3A_760 : vector<16xf32>
      %add3A_766 = arith.addf %add3A_750, %mul3A_765 : vector<16xf32>
      %mul3A_767 = arith.mulf %bitcast3A_762, %bitcast3A_764 : vector<16xf32>
      %add3A_768 = arith.addf %add3A_766, %mul3A_767 : vector<16xf32>
      %gather3A_769 = tpu.vector_load_idx %arg12[%add3A_661, %add3A_95] : memref<80x128xi32, #tpu.memory_space<vmem>>[vector<16xi32>, vector<16xi32>], vector<16xi32>,
      %gather3A_770 = tpu.vector_load_idx %arg13[%add3A_661, %add3A_95] : memref<80x128xi32, #tpu.memory_space<vmem>>[vector<16xi32>, vector<16xi32>], vector<16xi32>,
      %shift_left3A_771 = arith.constant 16 : i32
      %shift_left3A_772 = vector.broadcast %shift_left3A_771 : i32 to vector<16xi32>
      %shift_left3A_773 = arith.shli %gather3A_769, %shift_left3A_772 : vector<16xi32>
      %bitcast3A_774 = vector.bitcast %shift_left3A_773 : vector<16xi32> to vector<16xf32>
      %shift_left3A_775 = arith.constant 16 : i32
      %shift_left3A_776 = vector.broadcast %shift_left3A_775 : i32 to vector<16xi32>
      %shift_left3A_777 = arith.shli %gather3A_770, %shift_left3A_776 : vector<16xi32>
      %bitcast3A_778 = vector.bitcast %shift_left3A_777 : vector<16xi32> to vector<16xf32>
      %and3A_779 = arith.andi %gather3A_769, %broadcast_in_dim3A_213 : vector<16xi32>
      %bitcast3A_780 = vector.bitcast %and3A_779 : vector<16xi32> to vector<16xf32>
      %and3A_781 = arith.andi %gather3A_770, %broadcast_in_dim3A_213 : vector<16xi32>
      %bitcast3A_782 = vector.bitcast %and3A_781 : vector<16xi32> to vector<16xf32>
      %mul3A_783 = arith.mulf %bitcast3A_774, %bitcast3A_778 : vector<16xf32>
      %add3A_784 = arith.addf %add3A_768, %mul3A_783 : vector<16xf32>
      %mul3A_785 = arith.mulf %bitcast3A_780, %bitcast3A_782 : vector<16xf32>
      %add3A_786 = arith.addf %add3A_784, %mul3A_785 : vector<16xf32>
      %gather3A_787 = tpu.vector_load_idx %arg12[%add3A_661, %add3A_108] : memref<80x128xi32, #tpu.memory_space<vmem>>[vector<16xi32>, vector<16xi32>], vector<16xi32>,
      %gather3A_788 = tpu.vector_load_idx %arg13[%add3A_661, %add3A_108] : memref<80x128xi32, #tpu.memory_space<vmem>>[vector<16xi32>, vector<16xi32>], vector<16xi32>,
      %shift_left3A_789 = arith.constant 16 : i32
      %shift_left3A_790 = vector.broadcast %shift_left3A_789 : i32 to vector<16xi32>
      %shift_left3A_791 = arith.shli %gather3A_787, %shift_left3A_790 : vector<16xi32>
      %bitcast3A_792 = vector.bitcast %shift_left3A_791 : vector<16xi32> to vector<16xf32>
      %shift_left3A_793 = arith.constant 16 : i32
      %shift_left3A_794 = vector.broadcast %shift_left3A_793 : i32 to vector<16xi32>
      %shift_left3A_795 = arith.shli %gather3A_788, %shift_left3A_794 : vector<16xi32>
      %bitcast3A_796 = vector.bitcast %shift_left3A_795 : vector<16xi32> to vector<16xf32>
      %and3A_797 = arith.andi %gather3A_787, %broadcast_in_dim3A_213 : vector<16xi32>
      %bitcast3A_798 = vector.bitcast %and3A_797 : vector<16xi32> to vector<16xf32>
      %and3A_799 = arith.andi %gather3A_788, %broadcast_in_dim3A_213 : vector<16xi32>
      %bitcast3A_800 = vector.bitcast %and3A_799 : vector<16xi32> to vector<16xf32>
      %mul3A_801 = arith.mulf %bitcast3A_792, %bitcast3A_796 : vector<16xf32>
      %add3A_802 = arith.addf %add3A_786, %mul3A_801 : vector<16xf32>
      %mul3A_803 = arith.mulf %bitcast3A_798, %bitcast3A_800 : vector<16xf32>
      %add3A_804 = arith.addf %add3A_802, %mul3A_803 : vector<16xf32>
      %gather3A_805 = tpu.vector_load_idx %arg12[%add3A_661, %add3A_121] : memref<80x128xi32, #tpu.memory_space<vmem>>[vector<16xi32>, vector<16xi32>], vector<16xi32>,
      %gather3A_806 = tpu.vector_load_idx %arg13[%add3A_661, %add3A_121] : memref<80x128xi32, #tpu.memory_space<vmem>>[vector<16xi32>, vector<16xi32>], vector<16xi32>,
      %shift_left3A_807 = arith.constant 16 : i32
      %shift_left3A_808 = vector.broadcast %shift_left3A_807 : i32 to vector<16xi32>
      %shift_left3A_809 = arith.shli %gather3A_805, %shift_left3A_808 : vector<16xi32>
      %bitcast3A_810 = vector.bitcast %shift_left3A_809 : vector<16xi32> to vector<16xf32>
      %shift_left3A_811 = arith.constant 16 : i32
      %shift_left3A_812 = vector.broadcast %shift_left3A_811 : i32 to vector<16xi32>
      %shift_left3A_813 = arith.shli %gather3A_806, %shift_left3A_812 : vector<16xi32>
      %bitcast3A_814 = vector.bitcast %shift_left3A_813 : vector<16xi32> to vector<16xf32>
      %and3A_815 = arith.andi %gather3A_805, %broadcast_in_dim3A_213 : vector<16xi32>
      %bitcast3A_816 = vector.bitcast %and3A_815 : vector<16xi32> to vector<16xf32>
      %and3A_817 = arith.andi %gather3A_806, %broadcast_in_dim3A_213 : vector<16xi32>
      %bitcast3A_818 = vector.bitcast %and3A_817 : vector<16xi32> to vector<16xf32>
      %mul3A_819 = arith.mulf %bitcast3A_810, %bitcast3A_814 : vector<16xf32>
      %add3A_820 = arith.addf %add3A_804, %mul3A_819 : vector<16xf32>
      %mul3A_821 = arith.mulf %bitcast3A_816, %bitcast3A_818 : vector<16xf32>
      %add3A_822 = arith.addf %add3A_820, %mul3A_821 : vector<16xf32>
      %gather3A_823 = tpu.vector_load_idx %arg12[%add3A_661, %add3A_134] : memref<80x128xi32, #tpu.memory_space<vmem>>[vector<16xi32>, vector<16xi32>], vector<16xi32>,
      %gather3A_824 = tpu.vector_load_idx %arg13[%add3A_661, %add3A_134] : memref<80x128xi32, #tpu.memory_space<vmem>>[vector<16xi32>, vector<16xi32>], vector<16xi32>,
      %shift_left3A_825 = arith.constant 16 : i32
      %shift_left3A_826 = vector.broadcast %shift_left3A_825 : i32 to vector<16xi32>
      %shift_left3A_827 = arith.shli %gather3A_823, %shift_left3A_826 : vector<16xi32>
      %bitcast3A_828 = vector.bitcast %shift_left3A_827 : vector<16xi32> to vector<16xf32>
      %shift_left3A_829 = arith.constant 16 : i32
      %shift_left3A_830 = vector.broadcast %shift_left3A_829 : i32 to vector<16xi32>
      %shift_left3A_831 = arith.shli %gather3A_824, %shift_left3A_830 : vector<16xi32>
      %bitcast3A_832 = vector.bitcast %shift_left3A_831 : vector<16xi32> to vector<16xf32>
      %and3A_833 = arith.andi %gather3A_823, %broadcast_in_dim3A_213 : vector<16xi32>
      %bitcast3A_834 = vector.bitcast %and3A_833 : vector<16xi32> to vector<16xf32>
      %and3A_835 = arith.andi %gather3A_824, %broadcast_in_dim3A_213 : vector<16xi32>
      %bitcast3A_836 = vector.bitcast %and3A_835 : vector<16xi32> to vector<16xf32>
      %mul3A_837 = arith.mulf %bitcast3A_828, %bitcast3A_832 : vector<16xf32>
      %add3A_838 = arith.addf %add3A_822, %mul3A_837 : vector<16xf32>
      %mul3A_839 = arith.mulf %bitcast3A_834, %bitcast3A_836 : vector<16xf32>
      %add3A_840 = arith.addf %add3A_838, %mul3A_839 : vector<16xf32>
      %gather3A_841 = tpu.vector_load_idx %arg12[%add3A_661, %add3A_147] : memref<80x128xi32, #tpu.memory_space<vmem>>[vector<16xi32>, vector<16xi32>], vector<16xi32>,
      %gather3A_842 = tpu.vector_load_idx %arg13[%add3A_661, %add3A_147] : memref<80x128xi32, #tpu.memory_space<vmem>>[vector<16xi32>, vector<16xi32>], vector<16xi32>,
      %shift_left3A_843 = arith.constant 16 : i32
      %shift_left3A_844 = vector.broadcast %shift_left3A_843 : i32 to vector<16xi32>
      %shift_left3A_845 = arith.shli %gather3A_841, %shift_left3A_844 : vector<16xi32>
      %bitcast3A_846 = vector.bitcast %shift_left3A_845 : vector<16xi32> to vector<16xf32>
      %shift_left3A_847 = arith.constant 16 : i32
      %shift_left3A_848 = vector.broadcast %shift_left3A_847 : i32 to vector<16xi32>
      %shift_left3A_849 = arith.shli %gather3A_842, %shift_left3A_848 : vector<16xi32>
      %bitcast3A_850 = vector.bitcast %shift_left3A_849 : vector<16xi32> to vector<16xf32>
      %and3A_851 = arith.andi %gather3A_841, %broadcast_in_dim3A_213 : vector<16xi32>
      %bitcast3A_852 = vector.bitcast %and3A_851 : vector<16xi32> to vector<16xf32>
      %and3A_853 = arith.andi %gather3A_842, %broadcast_in_dim3A_213 : vector<16xi32>
      %bitcast3A_854 = vector.bitcast %and3A_853 : vector<16xi32> to vector<16xf32>
      %mul3A_855 = arith.mulf %bitcast3A_846, %bitcast3A_850 : vector<16xf32>
      %add3A_856 = arith.addf %add3A_840, %mul3A_855 : vector<16xf32>
      %mul3A_857 = arith.mulf %bitcast3A_852, %bitcast3A_854 : vector<16xf32>
      %add3A_858 = arith.addf %add3A_856, %mul3A_857 : vector<16xf32>
      %gather3A_859 = tpu.vector_load_idx %arg12[%add3A_661, %add3A_160] : memref<80x128xi32, #tpu.memory_space<vmem>>[vector<16xi32>, vector<16xi32>], vector<16xi32>,
      %gather3A_860 = tpu.vector_load_idx %arg13[%add3A_661, %add3A_160] : memref<80x128xi32, #tpu.memory_space<vmem>>[vector<16xi32>, vector<16xi32>], vector<16xi32>,
      %shift_left3A_861 = arith.constant 16 : i32
      %shift_left3A_862 = vector.broadcast %shift_left3A_861 : i32 to vector<16xi32>
      %shift_left3A_863 = arith.shli %gather3A_859, %shift_left3A_862 : vector<16xi32>
      %bitcast3A_864 = vector.bitcast %shift_left3A_863 : vector<16xi32> to vector<16xf32>
      %shift_left3A_865 = arith.constant 16 : i32
      %shift_left3A_866 = vector.broadcast %shift_left3A_865 : i32 to vector<16xi32>
      %shift_left3A_867 = arith.shli %gather3A_860, %shift_left3A_866 : vector<16xi32>
      %bitcast3A_868 = vector.bitcast %shift_left3A_867 : vector<16xi32> to vector<16xf32>
      %and3A_869 = arith.andi %gather3A_859, %broadcast_in_dim3A_213 : vector<16xi32>
      %bitcast3A_870 = vector.bitcast %and3A_869 : vector<16xi32> to vector<16xf32>
      %and3A_871 = arith.andi %gather3A_860, %broadcast_in_dim3A_213 : vector<16xi32>
      %bitcast3A_872 = vector.bitcast %and3A_871 : vector<16xi32> to vector<16xf32>
      %mul3A_873 = arith.mulf %bitcast3A_864, %bitcast3A_868 : vector<16xf32>
      %add3A_874 = arith.addf %add3A_858, %mul3A_873 : vector<16xf32>
      %mul3A_875 = arith.mulf %bitcast3A_870, %bitcast3A_872 : vector<16xf32>
      %add3A_876 = arith.addf %add3A_874, %mul3A_875 : vector<16xf32>
      %gather3A_877 = tpu.vector_load_idx %arg12[%add3A_661, %add3A_173] : memref<80x128xi32, #tpu.memory_space<vmem>>[vector<16xi32>, vector<16xi32>], vector<16xi32>,
      %gather3A_878 = tpu.vector_load_idx %arg13[%add3A_661, %add3A_173] : memref<80x128xi32, #tpu.memory_space<vmem>>[vector<16xi32>, vector<16xi32>], vector<16xi32>,
      %shift_left3A_879 = arith.constant 16 : i32
      %shift_left3A_880 = vector.broadcast %shift_left3A_879 : i32 to vector<16xi32>
      %shift_left3A_881 = arith.shli %gather3A_877, %shift_left3A_880 : vector<16xi32>
      %bitcast3A_882 = vector.bitcast %shift_left3A_881 : vector<16xi32> to vector<16xf32>
      %shift_left3A_883 = arith.constant 16 : i32
      %shift_left3A_884 = vector.broadcast %shift_left3A_883 : i32 to vector<16xi32>
      %shift_left3A_885 = arith.shli %gather3A_878, %shift_left3A_884 : vector<16xi32>
      %bitcast3A_886 = vector.bitcast %shift_left3A_885 : vector<16xi32> to vector<16xf32>
      %and3A_887 = arith.andi %gather3A_877, %broadcast_in_dim3A_213 : vector<16xi32>
      %bitcast3A_888 = vector.bitcast %and3A_887 : vector<16xi32> to vector<16xf32>
      %and3A_889 = arith.andi %gather3A_878, %broadcast_in_dim3A_213 : vector<16xi32>
      %bitcast3A_890 = vector.bitcast %and3A_889 : vector<16xi32> to vector<16xf32>
      %mul3A_891 = arith.mulf %bitcast3A_882, %bitcast3A_886 : vector<16xf32>
      %add3A_892 = arith.addf %add3A_876, %mul3A_891 : vector<16xf32>
      %mul3A_893 = arith.mulf %bitcast3A_888, %bitcast3A_890 : vector<16xf32>
      %add3A_894 = arith.addf %add3A_892, %mul3A_893 : vector<16xf32>
      %gather3A_895 = tpu.vector_load_idx %arg12[%add3A_661, %add3A_186] : memref<80x128xi32, #tpu.memory_space<vmem>>[vector<16xi32>, vector<16xi32>], vector<16xi32>,
      %gather3A_896 = tpu.vector_load_idx %arg13[%add3A_661, %add3A_186] : memref<80x128xi32, #tpu.memory_space<vmem>>[vector<16xi32>, vector<16xi32>], vector<16xi32>,
      %shift_left3A_897 = arith.constant 16 : i32
      %shift_left3A_898 = vector.broadcast %shift_left3A_897 : i32 to vector<16xi32>
      %shift_left3A_899 = arith.shli %gather3A_895, %shift_left3A_898 : vector<16xi32>
      %bitcast3A_900 = vector.bitcast %shift_left3A_899 : vector<16xi32> to vector<16xf32>
      %shift_left3A_901 = arith.constant 16 : i32
      %shift_left3A_902 = vector.broadcast %shift_left3A_901 : i32 to vector<16xi32>
      %shift_left3A_903 = arith.shli %gather3A_896, %shift_left3A_902 : vector<16xi32>
      %bitcast3A_904 = vector.bitcast %shift_left3A_903 : vector<16xi32> to vector<16xf32>
      %and3A_905 = arith.andi %gather3A_895, %broadcast_in_dim3A_213 : vector<16xi32>
      %bitcast3A_906 = vector.bitcast %and3A_905 : vector<16xi32> to vector<16xf32>
      %and3A_907 = arith.andi %gather3A_896, %broadcast_in_dim3A_213 : vector<16xi32>
      %bitcast3A_908 = vector.bitcast %and3A_907 : vector<16xi32> to vector<16xf32>
      %mul3A_909 = arith.mulf %bitcast3A_900, %bitcast3A_904 : vector<16xf32>
      %add3A_910 = arith.addf %add3A_894, %mul3A_909 : vector<16xf32>
      %mul3A_911 = arith.mulf %bitcast3A_906, %bitcast3A_908 : vector<16xf32>
      %add3A_912 = arith.addf %add3A_910, %mul3A_911 : vector<16xf32>
      %gather3A_913 = tpu.vector_load_idx %arg12[%add3A_661, %add3A_199] : memref<80x128xi32, #tpu.memory_space<vmem>>[vector<16xi32>, vector<16xi32>], vector<16xi32>,
      %gather3A_914 = tpu.vector_load_idx %arg13[%add3A_661, %add3A_199] : memref<80x128xi32, #tpu.memory_space<vmem>>[vector<16xi32>, vector<16xi32>], vector<16xi32>,
      %shift_left3A_915 = arith.constant 16 : i32
      %shift_left3A_916 = vector.broadcast %shift_left3A_915 : i32 to vector<16xi32>
      %shift_left3A_917 = arith.shli %gather3A_913, %shift_left3A_916 : vector<16xi32>
      %bitcast3A_918 = vector.bitcast %shift_left3A_917 : vector<16xi32> to vector<16xf32>
      %shift_left3A_919 = arith.constant 16 : i32
      %shift_left3A_920 = vector.broadcast %shift_left3A_919 : i32 to vector<16xi32>
      %shift_left3A_921 = arith.shli %gather3A_914, %shift_left3A_920 : vector<16xi32>
      %bitcast3A_922 = vector.bitcast %shift_left3A_921 : vector<16xi32> to vector<16xf32>
      %and3A_923 = arith.andi %gather3A_913, %broadcast_in_dim3A_213 : vector<16xi32>
      %bitcast3A_924 = vector.bitcast %and3A_923 : vector<16xi32> to vector<16xf32>
      %and3A_925 = arith.andi %gather3A_914, %broadcast_in_dim3A_213 : vector<16xi32>
      %bitcast3A_926 = vector.bitcast %and3A_925 : vector<16xi32> to vector<16xf32>
      %mul3A_927 = arith.mulf %bitcast3A_918, %bitcast3A_922 : vector<16xf32>
      %add3A_928 = arith.addf %add3A_912, %mul3A_927 : vector<16xf32>
      %mul3A_929 = arith.mulf %bitcast3A_924, %bitcast3A_926 : vector<16xf32>
      %add3A_930 = arith.addf %add3A_928, %mul3A_929 : vector<16xf32>
      %gather3A_931 = tpu.vector_load_idx %arg12[%add3A_661, %add3A_212] : memref<80x128xi32, #tpu.memory_space<vmem>>[vector<16xi32>, vector<16xi32>], vector<16xi32>,
      %gather3A_932 = tpu.vector_load_idx %arg13[%add3A_661, %add3A_212] : memref<80x128xi32, #tpu.memory_space<vmem>>[vector<16xi32>, vector<16xi32>], vector<16xi32>,
      %shift_left3A_933 = arith.constant 16 : i32
      %shift_left3A_934 = vector.broadcast %shift_left3A_933 : i32 to vector<16xi32>
      %shift_left3A_935 = arith.shli %gather3A_931, %shift_left3A_934 : vector<16xi32>
      %bitcast3A_936 = vector.bitcast %shift_left3A_935 : vector<16xi32> to vector<16xf32>
      %shift_left3A_937 = arith.constant 16 : i32
      %shift_left3A_938 = vector.broadcast %shift_left3A_937 : i32 to vector<16xi32>
      %shift_left3A_939 = arith.shli %gather3A_932, %shift_left3A_938 : vector<16xi32>
      %bitcast3A_940 = vector.bitcast %shift_left3A_939 : vector<16xi32> to vector<16xf32>
      %and3A_941 = arith.andi %gather3A_931, %broadcast_in_dim3A_213 : vector<16xi32>
      %bitcast3A_942 = vector.bitcast %and3A_941 : vector<16xi32> to vector<16xf32>
      %and3A_943 = arith.andi %gather3A_932, %broadcast_in_dim3A_213 : vector<16xi32>
      %bitcast3A_944 = vector.bitcast %and3A_943 : vector<16xi32> to vector<16xf32>
      %mul3A_945 = arith.mulf %bitcast3A_936, %bitcast3A_940 : vector<16xf32>
      %add3A_946 = arith.addf %add3A_930, %mul3A_945 : vector<16xf32>
      %mul3A_947 = arith.mulf %bitcast3A_942, %bitcast3A_944 : vector<16xf32>
      %add3A_948 = arith.addf %add3A_946, %mul3A_947 : vector<16xf32>
      %mul3A_949 = arith.constant 0.176776692 : f32
      %mul3A_950 = vector.broadcast %mul3A_949 : f32 to vector<16xf32>
      %mul3A_951 = arith.mulf %add3A_948, %mul3A_950 : vector<16xf32>
      %exp3A = math.exp %mul3A_951 : vector<16xf32>
      %add3A_952 = arith.addi %mul3A_357, %scan3A_659 : i32
      %swap3A = arith.index_cast %add3A_952 : i32 to index
      %swap3A_953 = arith.constant 0 : index
      %swap3A_954 = tpu.vector_load %arg16[%swap3A, %swap3A_953] {strides = array<i32>} : memref<640x16xf32, #tpu.memory_space<vmem>>, vector<16xf32>,
      tpu.vector_store %arg16[%swap3A, %swap3A_953], %exp3A {strides = array<i32>} : memref<640x16xf32, #tpu.memory_space<vmem>>, vector<16xf32>,
    }
    %scan3A_363 = arith.constant 40 : i32
    %mul3A_364 = arith.constant 5000 : i32
    %mul3A_365 = arith.muli %add3A, %mul3A_364 : i32
    %add3A_366 = arith.constant 4480 : i32
    %add3A_367 = arith.addi %mul3A_365, %add3A_366 : i32
    %dma_start3A_368 = arith.constant 0 : i32
    %dma_start3A_369 = arith.constant 0 : i32
    %dma_start3A_370 = tpu.memref_slice %arg16[%dma_start3A_368, %dma_start3A_369] : memref<640x16xf32, #tpu.memory_space<vmem>> -> memref<520x16xf32, #tpu.memory_space<vmem>>
    %dma_start3A_371 = arith.constant 0 : i32
    %dma_start3A_372 = tpu.memref_slice %arg6[%add3A_367, %dma_start3A_371] : memref<160000x16xf32, #tpu.memory_space<hbm>> -> memref<520x16xf32, #tpu.memory_space<hbm>>
    %dma_start3A_373 = arith.constant 0 : i32
    %dma_start3A_374 = tpu.memref_slice %arg6[%add3A_367, %dma_start3A_373] : memref<160000x16xf32, #tpu.memory_space<hbm>> -> memref<520x16xf32, #tpu.memory_space<hbm>>
    %dma_start3A_375 = arith.constant 0 : i32
    %dma_start3A_376 = arith.constant 0 : i32
    %dma_start3A_377 = tpu.memref_slice %arg16[%dma_start3A_375, %dma_start3A_376] : memref<640x16xf32, #tpu.memory_space<vmem>> -> memref<520x16xf32, #tpu.memory_space<vmem>>
    tpu.enqueue_dma source(%dma_start3A_377 : memref<520x16xf32, #tpu.memory_space<vmem>>) target(%dma_start3A_374 : memref<520x16xf32, #tpu.memory_space<hbm>>) target_semaphore(%arg21 : memref<!tpu.dma_semaphore, #tpu.memory_space<semaphore_mem>>)
    %dma_start3A_378 = arith.constant 112 : i32
    %dma_start3A_379 = arith.constant 0 : i32
    %dma_start3A_380 = arith.constant 0 : i32
    %dma_start3A_381 = tpu.memref_slice %arg16[%dma_start3A_379, %dma_start3A_380] : memref<640x16xf32, #tpu.memory_space<vmem>> -> memref<40x16xf32, #tpu.memory_space<vmem>>
    %dma_start3A_382 = arith.constant 0 : i32
    %dma_start3A_383 = tpu.memref_slice %arg11[%dma_start3A_378, %dma_start3A_382] : memref<125x40xi32, #tpu.memory_space<vmem>> -> memref<1x40xi32, #tpu.memory_space<vmem>>
    %dma_start3A_384 = tpu.memref_squeeze %dma_start3A_383 : memref<1x40xi32, #tpu.memory_space<vmem>> -> memref<40xi32, #tpu.memory_space<vmem>>
    %dma_start3A_385 = arith.constant 0 : i32
    %dma_start3A_386 = arith.constant 0 : i32
    %dma_start3A_387 = tpu.memref_slice %arg17[%dma_start3A_385, %dma_start3A_386] : memref<10000x16xf32, #tpu.memory_space<vmem_shared>> -> memref<10000x16xf32, #tpu.memory_space<vmem_shared>>
    tpu.enqueue_indirect_dma source(%dma_start3A_381 : memref<40x16xf32, #tpu.memory_space<vmem>>) target(%dma_start3A_387 : memref<10000x16xf32, #tpu.memory_space<vmem_shared>>) offsets(%dma_start3A_384 : memref<40xi32, #tpu.memory_space<vmem>>) semaphore(%arg20 : memref<!tpu.dma_semaphore, #tpu.memory_space<semaphore_mem>>) {add = true}
    %dma_start3A_388 = arith.constant 113 : i32
    %dma_start3A_389 = arith.constant 40 : i32
    %dma_start3A_390 = arith.constant 0 : i32
    %dma_start3A_391 = tpu.memref_slice %arg16[%dma_start3A_389, %dma_start3A_390] : memref<640x16xf32, #tpu.memory_space<vmem>> -> memref<40x16xf32, #tpu.memory_space<vmem>>
    %dma_start3A_392 = arith.constant 0 : i32
    %dma_start3A_393 = tpu.memref_slice %arg11[%dma_start3A_388, %dma_start3A_392] : memref<125x40xi32, #tpu.memory_space<vmem>> -> memref<1x40xi32, #tpu.memory_space<vmem>>
    %dma_start3A_394 = tpu.memref_squeeze %dma_start3A_393 : memref<1x40xi32, #tpu.memory_space<vmem>> -> memref<40xi32, #tpu.memory_space<vmem>>
    %dma_start3A_395 = arith.constant 0 : i32
    %dma_start3A_396 = arith.constant 0 : i32
    %dma_start3A_397 = tpu.memref_slice %arg17[%dma_start3A_395, %dma_start3A_396] : memref<10000x16xf32, #tpu.memory_space<vmem_shared>> -> memref<10000x16xf32, #tpu.memory_space<vmem_shared>>
    tpu.enqueue_indirect_dma source(%dma_start3A_391 : memref<40x16xf32, #tpu.memory_space<vmem>>) target(%dma_start3A_397 : memref<10000x16xf32, #tpu.memory_space<vmem_shared>>) offsets(%dma_start3A_394 : memref<40xi32, #tpu.memory_space<vmem>>) semaphore(%arg20 : memref<!tpu.dma_semaphore, #tpu.memory_space<semaphore_mem>>) {add = true}
    %dma_start3A_398 = arith.constant 114 : i32
    %dma_start3A_399 = arith.constant 80 : i32
    %dma_start3A_400 = arith.constant 0 : i32
    %dma_start3A_401 = tpu.memref_slice %arg16[%dma_start3A_399, %dma_start3A_400] : memref<640x16xf32, #tpu.memory_space<vmem>> -> memref<40x16xf32, #tpu.memory_space<vmem>>
    %dma_start3A_402 = arith.constant 0 : i32
    %dma_start3A_403 = tpu.memref_slice %arg11[%dma_start3A_398, %dma_start3A_402] : memref<125x40xi32, #tpu.memory_space<vmem>> -> memref<1x40xi32, #tpu.memory_space<vmem>>
    %dma_start3A_404 = tpu.memref_squeeze %dma_start3A_403 : memref<1x40xi32, #tpu.memory_space<vmem>> -> memref<40xi32, #tpu.memory_space<vmem>>
    %dma_start3A_405 = arith.constant 0 : i32
    %dma_start3A_406 = arith.constant 0 : i32
    %dma_start3A_407 = tpu.memref_slice %arg17[%dma_start3A_405, %dma_start3A_406] : memref<10000x16xf32, #tpu.memory_space<vmem_shared>> -> memref<10000x16xf32, #tpu.memory_space<vmem_shared>>
    tpu.enqueue_indirect_dma source(%dma_start3A_401 : memref<40x16xf32, #tpu.memory_space<vmem>>) target(%dma_start3A_407 : memref<10000x16xf32, #tpu.memory_space<vmem_shared>>) offsets(%dma_start3A_404 : memref<40xi32, #tpu.memory_space<vmem>>) semaphore(%arg20 : memref<!tpu.dma_semaphore, #tpu.memory_space<semaphore_mem>>) {add = true}
    %dma_start3A_408 = arith.constant 115 : i32
    %dma_start3A_409 = arith.constant 120 : i32
    %dma_start3A_410 = arith.constant 0 : i32
    %dma_start3A_411 = tpu.memref_slice %arg16[%dma_start3A_409, %dma_start3A_410] : memref<640x16xf32, #tpu.memory_space<vmem>> -> memref<40x16xf32, #tpu.memory_space<vmem>>
    %dma_start3A_412 = arith.constant 0 : i32
    %dma_start3A_413 = tpu.memref_slice %arg11[%dma_start3A_408, %dma_start3A_412] : memref<125x40xi32, #tpu.memory_space<vmem>> -> memref<1x40xi32, #tpu.memory_space<vmem>>
    %dma_start3A_414 = tpu.memref_squeeze %dma_start3A_413 : memref<1x40xi32, #tpu.memory_space<vmem>> -> memref<40xi32, #tpu.memory_space<vmem>>
    %dma_start3A_415 = arith.constant 0 : i32
    %dma_start3A_416 = arith.constant 0 : i32
    %dma_start3A_417 = tpu.memref_slice %arg17[%dma_start3A_415, %dma_start3A_416] : memref<10000x16xf32, #tpu.memory_space<vmem_shared>> -> memref<10000x16xf32, #tpu.memory_space<vmem_shared>>
    tpu.enqueue_indirect_dma source(%dma_start3A_411 : memref<40x16xf32, #tpu.memory_space<vmem>>) target(%dma_start3A_417 : memref<10000x16xf32, #tpu.memory_space<vmem_shared>>) offsets(%dma_start3A_414 : memref<40xi32, #tpu.memory_space<vmem>>) semaphore(%arg20 : memref<!tpu.dma_semaphore, #tpu.memory_space<semaphore_mem>>) {add = true}
    %dma_start3A_418 = arith.constant 116 : i32
    %dma_start3A_419 = arith.constant 160 : i32
    %dma_start3A_420 = arith.constant 0 : i32
    %dma_start3A_421 = tpu.memref_slice %arg16[%dma_start3A_419, %dma_start3A_420] : memref<640x16xf32, #tpu.memory_space<vmem>> -> memref<40x16xf32, #tpu.memory_space<vmem>>
    %dma_start3A_422 = arith.constant 0 : i32
    %dma_start3A_423 = tpu.memref_slice %arg11[%dma_start3A_418, %dma_start3A_422] : memref<125x40xi32, #tpu.memory_space<vmem>> -> memref<1x40xi32, #tpu.memory_space<vmem>>
    %dma_start3A_424 = tpu.memref_squeeze %dma_start3A_423 : memref<1x40xi32, #tpu.memory_space<vmem>> -> memref<40xi32, #tpu.memory_space<vmem>>
    %dma_start3A_425 = arith.constant 0 : i32
    %dma_start3A_426 = arith.constant 0 : i32
    %dma_start3A_427 = tpu.memref_slice %arg17[%dma_start3A_425, %dma_start3A_426] : memref<10000x16xf32, #tpu.memory_space<vmem_shared>> -> memref<10000x16xf32, #tpu.memory_space<vmem_shared>>
    tpu.enqueue_indirect_dma source(%dma_start3A_421 : memref<40x16xf32, #tpu.memory_space<vmem>>) target(%dma_start3A_427 : memref<10000x16xf32, #tpu.memory_space<vmem_shared>>) offsets(%dma_start3A_424 : memref<40xi32, #tpu.memory_space<vmem>>) semaphore(%arg20 : memref<!tpu.dma_semaphore, #tpu.memory_space<semaphore_mem>>) {add = true}
    %dma_start3A_428 = arith.constant 117 : i32
    %dma_start3A_429 = arith.constant 200 : i32
    %dma_start3A_430 = arith.constant 0 : i32
    %dma_start3A_431 = tpu.memref_slice %arg16[%dma_start3A_429, %dma_start3A_430] : memref<640x16xf32, #tpu.memory_space<vmem>> -> memref<40x16xf32, #tpu.memory_space<vmem>>
    %dma_start3A_432 = arith.constant 0 : i32
    %dma_start3A_433 = tpu.memref_slice %arg11[%dma_start3A_428, %dma_start3A_432] : memref<125x40xi32, #tpu.memory_space<vmem>> -> memref<1x40xi32, #tpu.memory_space<vmem>>
    %dma_start3A_434 = tpu.memref_squeeze %dma_start3A_433 : memref<1x40xi32, #tpu.memory_space<vmem>> -> memref<40xi32, #tpu.memory_space<vmem>>
    %dma_start3A_435 = arith.constant 0 : i32
    %dma_start3A_436 = arith.constant 0 : i32
    %dma_start3A_437 = tpu.memref_slice %arg17[%dma_start3A_435, %dma_start3A_436] : memref<10000x16xf32, #tpu.memory_space<vmem_shared>> -> memref<10000x16xf32, #tpu.memory_space<vmem_shared>>
    tpu.enqueue_indirect_dma source(%dma_start3A_431 : memref<40x16xf32, #tpu.memory_space<vmem>>) target(%dma_start3A_437 : memref<10000x16xf32, #tpu.memory_space<vmem_shared>>) offsets(%dma_start3A_434 : memref<40xi32, #tpu.memory_space<vmem>>) semaphore(%arg20 : memref<!tpu.dma_semaphore, #tpu.memory_space<semaphore_mem>>) {add = true}
    %dma_start3A_438 = arith.constant 118 : i32
    %dma_start3A_439 = arith.constant 240 : i32
    %dma_start3A_440 = arith.constant 0 : i32
    %dma_start3A_441 = tpu.memref_slice %arg16[%dma_start3A_439, %dma_start3A_440] : memref<640x16xf32, #tpu.memory_space<vmem>> -> memref<40x16xf32, #tpu.memory_space<vmem>>
    %dma_start3A_442 = arith.constant 0 : i32
    %dma_start3A_443 = tpu.memref_slice %arg11[%dma_start3A_438, %dma_start3A_442] : memref<125x40xi32, #tpu.memory_space<vmem>> -> memref<1x40xi32, #tpu.memory_space<vmem>>
    %dma_start3A_444 = tpu.memref_squeeze %dma_start3A_443 : memref<1x40xi32, #tpu.memory_space<vmem>> -> memref<40xi32, #tpu.memory_space<vmem>>
    %dma_start3A_445 = arith.constant 0 : i32
    %dma_start3A_446 = arith.constant 0 : i32
    %dma_start3A_447 = tpu.memref_slice %arg17[%dma_start3A_445, %dma_start3A_446] : memref<10000x16xf32, #tpu.memory_space<vmem_shared>> -> memref<10000x16xf32, #tpu.memory_space<vmem_shared>>
    tpu.enqueue_indirect_dma source(%dma_start3A_441 : memref<40x16xf32, #tpu.memory_space<vmem>>) target(%dma_start3A_447 : memref<10000x16xf32, #tpu.memory_space<vmem_shared>>) offsets(%dma_start3A_444 : memref<40xi32, #tpu.memory_space<vmem>>) semaphore(%arg20 : memref<!tpu.dma_semaphore, #tpu.memory_space<semaphore_mem>>) {add = true}
    %dma_start3A_448 = arith.constant 119 : i32
    %dma_start3A_449 = arith.constant 280 : i32
    %dma_start3A_450 = arith.constant 0 : i32
    %dma_start3A_451 = tpu.memref_slice %arg16[%dma_start3A_449, %dma_start3A_450] : memref<640x16xf32, #tpu.memory_space<vmem>> -> memref<40x16xf32, #tpu.memory_space<vmem>>
    %dma_start3A_452 = arith.constant 0 : i32
    %dma_start3A_453 = tpu.memref_slice %arg11[%dma_start3A_448, %dma_start3A_452] : memref<125x40xi32, #tpu.memory_space<vmem>> -> memref<1x40xi32, #tpu.memory_space<vmem>>
    %dma_start3A_454 = tpu.memref_squeeze %dma_start3A_453 : memref<1x40xi32, #tpu.memory_space<vmem>> -> memref<40xi32, #tpu.memory_space<vmem>>
    %dma_start3A_455 = arith.constant 0 : i32
    %dma_start3A_456 = arith.constant 0 : i32
    %dma_start3A_457 = tpu.memref_slice %arg17[%dma_start3A_455, %dma_start3A_456] : memref<10000x16xf32, #tpu.memory_space<vmem_shared>> -> memref<10000x16xf32, #tpu.memory_space<vmem_shared>>
    tpu.enqueue_indirect_dma source(%dma_start3A_451 : memref<40x16xf32, #tpu.memory_space<vmem>>) target(%dma_start3A_457 : memref<10000x16xf32, #tpu.memory_space<vmem_shared>>) offsets(%dma_start3A_454 : memref<40xi32, #tpu.memory_space<vmem>>) semaphore(%arg20 : memref<!tpu.dma_semaphore, #tpu.memory_space<semaphore_mem>>) {add = true}
    %dma_start3A_458 = arith.constant 120 : i32
    %dma_start3A_459 = arith.constant 320 : i32
    %dma_start3A_460 = arith.constant 0 : i32
    %dma_start3A_461 = tpu.memref_slice %arg16[%dma_start3A_459, %dma_start3A_460] : memref<640x16xf32, #tpu.memory_space<vmem>> -> memref<40x16xf32, #tpu.memory_space<vmem>>
    %dma_start3A_462 = arith.constant 0 : i32
    %dma_start3A_463 = tpu.memref_slice %arg11[%dma_start3A_458, %dma_start3A_462] : memref<125x40xi32, #tpu.memory_space<vmem>> -> memref<1x40xi32, #tpu.memory_space<vmem>>
    %dma_start3A_464 = tpu.memref_squeeze %dma_start3A_463 : memref<1x40xi32, #tpu.memory_space<vmem>> -> memref<40xi32, #tpu.memory_space<vmem>>
    %dma_start3A_465 = arith.constant 0 : i32
    %dma_start3A_466 = arith.constant 0 : i32
    %dma_start3A_467 = tpu.memref_slice %arg17[%dma_start3A_465, %dma_start3A_466] : memref<10000x16xf32, #tpu.memory_space<vmem_shared>> -> memref<10000x16xf32, #tpu.memory_space<vmem_shared>>
    tpu.enqueue_indirect_dma source(%dma_start3A_461 : memref<40x16xf32, #tpu.memory_space<vmem>>) target(%dma_start3A_467 : memref<10000x16xf32, #tpu.memory_space<vmem_shared>>) offsets(%dma_start3A_464 : memref<40xi32, #tpu.memory_space<vmem>>) semaphore(%arg20 : memref<!tpu.dma_semaphore, #tpu.memory_space<semaphore_mem>>) {add = true}
    %dma_start3A_468 = arith.constant 121 : i32
    %dma_start3A_469 = arith.constant 360 : i32
    %dma_start3A_470 = arith.constant 0 : i32
    %dma_start3A_471 = tpu.memref_slice %arg16[%dma_start3A_469, %dma_start3A_470] : memref<640x16xf32, #tpu.memory_space<vmem>> -> memref<40x16xf32, #tpu.memory_space<vmem>>
    %dma_start3A_472 = arith.constant 0 : i32
    %dma_start3A_473 = tpu.memref_slice %arg11[%dma_start3A_468, %dma_start3A_472] : memref<125x40xi32, #tpu.memory_space<vmem>> -> memref<1x40xi32, #tpu.memory_space<vmem>>
    %dma_start3A_474 = tpu.memref_squeeze %dma_start3A_473 : memref<1x40xi32, #tpu.memory_space<vmem>> -> memref<40xi32, #tpu.memory_space<vmem>>
    %dma_start3A_475 = arith.constant 0 : i32
    %dma_start3A_476 = arith.constant 0 : i32
    %dma_start3A_477 = tpu.memref_slice %arg17[%dma_start3A_475, %dma_start3A_476] : memref<10000x16xf32, #tpu.memory_space<vmem_shared>> -> memref<10000x16xf32, #tpu.memory_space<vmem_shared>>
    tpu.enqueue_indirect_dma source(%dma_start3A_471 : memref<40x16xf32, #tpu.memory_space<vmem>>) target(%dma_start3A_477 : memref<10000x16xf32, #tpu.memory_space<vmem_shared>>) offsets(%dma_start3A_474 : memref<40xi32, #tpu.memory_space<vmem>>) semaphore(%arg20 : memref<!tpu.dma_semaphore, #tpu.memory_space<semaphore_mem>>) {add = true}
    %dma_start3A_478 = arith.constant 122 : i32
    %dma_start3A_479 = arith.constant 400 : i32
    %dma_start3A_480 = arith.constant 0 : i32
    %dma_start3A_481 = tpu.memref_slice %arg16[%dma_start3A_479, %dma_start3A_480] : memref<640x16xf32, #tpu.memory_space<vmem>> -> memref<40x16xf32, #tpu.memory_space<vmem>>
    %dma_start3A_482 = arith.constant 0 : i32
    %dma_start3A_483 = tpu.memref_slice %arg11[%dma_start3A_478, %dma_start3A_482] : memref<125x40xi32, #tpu.memory_space<vmem>> -> memref<1x40xi32, #tpu.memory_space<vmem>>
    %dma_start3A_484 = tpu.memref_squeeze %dma_start3A_483 : memref<1x40xi32, #tpu.memory_space<vmem>> -> memref<40xi32, #tpu.memory_space<vmem>>
    %dma_start3A_485 = arith.constant 0 : i32
    %dma_start3A_486 = arith.constant 0 : i32
    %dma_start3A_487 = tpu.memref_slice %arg17[%dma_start3A_485, %dma_start3A_486] : memref<10000x16xf32, #tpu.memory_space<vmem_shared>> -> memref<10000x16xf32, #tpu.memory_space<vmem_shared>>
    tpu.enqueue_indirect_dma source(%dma_start3A_481 : memref<40x16xf32, #tpu.memory_space<vmem>>) target(%dma_start3A_487 : memref<10000x16xf32, #tpu.memory_space<vmem_shared>>) offsets(%dma_start3A_484 : memref<40xi32, #tpu.memory_space<vmem>>) semaphore(%arg20 : memref<!tpu.dma_semaphore, #tpu.memory_space<semaphore_mem>>) {add = true}
    %dma_start3A_488 = arith.constant 123 : i32
    %dma_start3A_489 = arith.constant 440 : i32
    %dma_start3A_490 = arith.constant 0 : i32
    %dma_start3A_491 = tpu.memref_slice %arg16[%dma_start3A_489, %dma_start3A_490] : memref<640x16xf32, #tpu.memory_space<vmem>> -> memref<40x16xf32, #tpu.memory_space<vmem>>
    %dma_start3A_492 = arith.constant 0 : i32
    %dma_start3A_493 = tpu.memref_slice %arg11[%dma_start3A_488, %dma_start3A_492] : memref<125x40xi32, #tpu.memory_space<vmem>> -> memref<1x40xi32, #tpu.memory_space<vmem>>
    %dma_start3A_494 = tpu.memref_squeeze %dma_start3A_493 : memref<1x40xi32, #tpu.memory_space<vmem>> -> memref<40xi32, #tpu.memory_space<vmem>>
    %dma_start3A_495 = arith.constant 0 : i32
    %dma_start3A_496 = arith.constant 0 : i32
    %dma_start3A_497 = tpu.memref_slice %arg17[%dma_start3A_495, %dma_start3A_496] : memref<10000x16xf32, #tpu.memory_space<vmem_shared>> -> memref<10000x16xf32, #tpu.memory_space<vmem_shared>>
    tpu.enqueue_indirect_dma source(%dma_start3A_491 : memref<40x16xf32, #tpu.memory_space<vmem>>) target(%dma_start3A_497 : memref<10000x16xf32, #tpu.memory_space<vmem_shared>>) offsets(%dma_start3A_494 : memref<40xi32, #tpu.memory_space<vmem>>) semaphore(%arg20 : memref<!tpu.dma_semaphore, #tpu.memory_space<semaphore_mem>>) {add = true}
    %dma_start3A_498 = arith.constant 124 : i32
    %dma_start3A_499 = arith.constant 480 : i32
    %dma_start3A_500 = arith.constant 0 : i32
    %dma_start3A_501 = tpu.memref_slice %arg16[%dma_start3A_499, %dma_start3A_500] : memref<640x16xf32, #tpu.memory_space<vmem>> -> memref<40x16xf32, #tpu.memory_space<vmem>>
    %dma_start3A_502 = arith.constant 0 : i32
    %dma_start3A_503 = tpu.memref_slice %arg11[%dma_start3A_498, %dma_start3A_502] : memref<125x40xi32, #tpu.memory_space<vmem>> -> memref<1x40xi32, #tpu.memory_space<vmem>>
    %dma_start3A_504 = tpu.memref_squeeze %dma_start3A_503 : memref<1x40xi32, #tpu.memory_space<vmem>> -> memref<40xi32, #tpu.memory_space<vmem>>
    %dma_start3A_505 = arith.constant 0 : i32
    %dma_start3A_506 = arith.constant 0 : i32
    %dma_start3A_507 = tpu.memref_slice %arg17[%dma_start3A_505, %dma_start3A_506] : memref<10000x16xf32, #tpu.memory_space<vmem_shared>> -> memref<10000x16xf32, #tpu.memory_space<vmem_shared>>
    tpu.enqueue_indirect_dma source(%dma_start3A_501 : memref<40x16xf32, #tpu.memory_space<vmem>>) target(%dma_start3A_507 : memref<10000x16xf32, #tpu.memory_space<vmem_shared>>) offsets(%dma_start3A_504 : memref<40xi32, #tpu.memory_space<vmem>>) semaphore(%arg20 : memref<!tpu.dma_semaphore, #tpu.memory_space<semaphore_mem>>) {add = true}
    %dma_wait3A_508 = arith.constant 0 : i32
    %dma_wait3A_509 = arith.constant 0 : i32
    %dma_wait3A_510 = tpu.memref_slice %arg16[%dma_wait3A_508, %dma_wait3A_509] : memref<640x16xf32, #tpu.memory_space<vmem>> -> memref<520x16xf32, #tpu.memory_space<vmem>>
    %dma_wait3A_511 = arith.constant 0 : i32
    %dma_wait3A_512 = tpu.memref_slice %arg6[%add3A_367, %dma_wait3A_511] : memref<160000x16xf32, #tpu.memory_space<hbm>> -> memref<520x16xf32, #tpu.memory_space<hbm>>
    %dma_wait3A_513 = arith.constant 0 : i32
    %dma_wait3A_514 = tpu.memref_slice %arg6[%add3A_367, %dma_wait3A_513] : memref<160000x16xf32, #tpu.memory_space<hbm>> -> memref<520x16xf32, #tpu.memory_space<hbm>>
    %dma_wait3A_515 = arith.constant 0 : i32
    %dma_wait3A_516 = arith.constant 0 : i32
    %dma_wait3A_517 = tpu.memref_slice %arg16[%dma_wait3A_515, %dma_wait3A_516] : memref<640x16xf32, #tpu.memory_space<vmem>> -> memref<520x16xf32, #tpu.memory_space<vmem>>
    tpu.wait_dma2 semaphore(%arg21 : memref<!tpu.dma_semaphore, #tpu.memory_space<semaphore_mem>>) src(%dma_wait3A_517 : memref<520x16xf32, #tpu.memory_space<vmem>>) dst(%dma_wait3A_514 : memref<520x16xf32, #tpu.memory_space<hbm>>)
    %dma_wait3A_518 = arith.constant 112 : i32
    %dma_wait3A_519 = arith.constant 0 : i32
    %dma_wait3A_520 = arith.constant 0 : i32
    %dma_wait3A_521 = tpu.memref_slice %arg16[%dma_wait3A_519, %dma_wait3A_520] : memref<640x16xf32, #tpu.memory_space<vmem>> -> memref<40x16xf32, #tpu.memory_space<vmem>>
    %dma_wait3A_522 = arith.constant 0 : i32
    %dma_wait3A_523 = tpu.memref_slice %arg11[%dma_wait3A_518, %dma_wait3A_522] : memref<125x40xi32, #tpu.memory_space<vmem>> -> memref<1x40xi32, #tpu.memory_space<vmem>>
    %dma_wait3A_524 = tpu.memref_squeeze %dma_wait3A_523 : memref<1x40xi32, #tpu.memory_space<vmem>> -> memref<40xi32, #tpu.memory_space<vmem>>
    %dma_wait3A_525 = arith.constant 0 : i32
    %dma_wait3A_526 = arith.constant 0 : i32
    %dma_wait3A_527 = tpu.memref_slice %arg17[%dma_wait3A_525, %dma_wait3A_526] : memref<10000x16xf32, #tpu.memory_space<vmem_shared>> -> memref<10000x16xf32, #tpu.memory_space<vmem_shared>>
    tpu.wait_indirect_dma semaphore(%arg20 : memref<!tpu.dma_semaphore, #tpu.memory_space<semaphore_mem>>) src(%dma_wait3A_521 : memref<40x16xf32, #tpu.memory_space<vmem>>) dst(%dma_wait3A_527 : memref<10000x16xf32, #tpu.memory_space<vmem_shared>>)
    %dma_wait3A_528 = arith.constant 113 : i32
    %dma_wait3A_529 = arith.constant 40 : i32
    %dma_wait3A_530 = arith.constant 0 : i32
    %dma_wait3A_531 = tpu.memref_slice %arg16[%dma_wait3A_529, %dma_wait3A_530] : memref<640x16xf32, #tpu.memory_space<vmem>> -> memref<40x16xf32, #tpu.memory_space<vmem>>
    %dma_wait3A_532 = arith.constant 0 : i32
    %dma_wait3A_533 = tpu.memref_slice %arg11[%dma_wait3A_528, %dma_wait3A_532] : memref<125x40xi32, #tpu.memory_space<vmem>> -> memref<1x40xi32, #tpu.memory_space<vmem>>
    %dma_wait3A_534 = tpu.memref_squeeze %dma_wait3A_533 : memref<1x40xi32, #tpu.memory_space<vmem>> -> memref<40xi32, #tpu.memory_space<vmem>>
    %dma_wait3A_535 = arith.constant 0 : i32
    %dma_wait3A_536 = arith.constant 0 : i32
    %dma_wait3A_537 = tpu.memref_slice %arg17[%dma_wait3A_535, %dma_wait3A_536] : memref<10000x16xf32, #tpu.memory_space<vmem_shared>> -> memref<10000x16xf32, #tpu.memory_space<vmem_shared>>
    tpu.wait_indirect_dma semaphore(%arg20 : memref<!tpu.dma_semaphore, #tpu.memory_space<semaphore_mem>>) src(%dma_wait3A_531 : memref<40x16xf32, #tpu.memory_space<vmem>>) dst(%dma_wait3A_537 : memref<10000x16xf32, #tpu.memory_space<vmem_shared>>)
    %dma_wait3A_538 = arith.constant 114 : i32
    %dma_wait3A_539 = arith.constant 80 : i32
    %dma_wait3A_540 = arith.constant 0 : i32
    %dma_wait3A_541 = tpu.memref_slice %arg16[%dma_wait3A_539, %dma_wait3A_540] : memref<640x16xf32, #tpu.memory_space<vmem>> -> memref<40x16xf32, #tpu.memory_space<vmem>>
    %dma_wait3A_542 = arith.constant 0 : i32
    %dma_wait3A_543 = tpu.memref_slice %arg11[%dma_wait3A_538, %dma_wait3A_542] : memref<125x40xi32, #tpu.memory_space<vmem>> -> memref<1x40xi32, #tpu.memory_space<vmem>>
    %dma_wait3A_544 = tpu.memref_squeeze %dma_wait3A_543 : memref<1x40xi32, #tpu.memory_space<vmem>> -> memref<40xi32, #tpu.memory_space<vmem>>
    %dma_wait3A_545 = arith.constant 0 : i32
    %dma_wait3A_546 = arith.constant 0 : i32
    %dma_wait3A_547 = tpu.memref_slice %arg17[%dma_wait3A_545, %dma_wait3A_546] : memref<10000x16xf32, #tpu.memory_space<vmem_shared>> -> memref<10000x16xf32, #tpu.memory_space<vmem_shared>>
    tpu.wait_indirect_dma semaphore(%arg20 : memref<!tpu.dma_semaphore, #tpu.memory_space<semaphore_mem>>) src(%dma_wait3A_541 : memref<40x16xf32, #tpu.memory_space<vmem>>) dst(%dma_wait3A_547 : memref<10000x16xf32, #tpu.memory_space<vmem_shared>>)
    %dma_wait3A_548 = arith.constant 115 : i32
    %dma_wait3A_549 = arith.constant 120 : i32
    %dma_wait3A_550 = arith.constant 0 : i32
    %dma_wait3A_551 = tpu.memref_slice %arg16[%dma_wait3A_549, %dma_wait3A_550] : memref<640x16xf32, #tpu.memory_space<vmem>> -> memref<40x16xf32, #tpu.memory_space<vmem>>
    %dma_wait3A_552 = arith.constant 0 : i32
    %dma_wait3A_553 = tpu.memref_slice %arg11[%dma_wait3A_548, %dma_wait3A_552] : memref<125x40xi32, #tpu.memory_space<vmem>> -> memref<1x40xi32, #tpu.memory_space<vmem>>
    %dma_wait3A_554 = tpu.memref_squeeze %dma_wait3A_553 : memref<1x40xi32, #tpu.memory_space<vmem>> -> memref<40xi32, #tpu.memory_space<vmem>>
    %dma_wait3A_555 = arith.constant 0 : i32
    %dma_wait3A_556 = arith.constant 0 : i32
    %dma_wait3A_557 = tpu.memref_slice %arg17[%dma_wait3A_555, %dma_wait3A_556] : memref<10000x16xf32, #tpu.memory_space<vmem_shared>> -> memref<10000x16xf32, #tpu.memory_space<vmem_shared>>
    tpu.wait_indirect_dma semaphore(%arg20 : memref<!tpu.dma_semaphore, #tpu.memory_space<semaphore_mem>>) src(%dma_wait3A_551 : memref<40x16xf32, #tpu.memory_space<vmem>>) dst(%dma_wait3A_557 : memref<10000x16xf32, #tpu.memory_space<vmem_shared>>)
    %dma_wait3A_558 = arith.constant 116 : i32
    %dma_wait3A_559 = arith.constant 160 : i32
    %dma_wait3A_560 = arith.constant 0 : i32
    %dma_wait3A_561 = tpu.memref_slice %arg16[%dma_wait3A_559, %dma_wait3A_560] : memref<640x16xf32, #tpu.memory_space<vmem>> -> memref<40x16xf32, #tpu.memory_space<vmem>>
    %dma_wait3A_562 = arith.constant 0 : i32
    %dma_wait3A_563 = tpu.memref_slice %arg11[%dma_wait3A_558, %dma_wait3A_562] : memref<125x40xi32, #tpu.memory_space<vmem>> -> memref<1x40xi32, #tpu.memory_space<vmem>>
    %dma_wait3A_564 = tpu.memref_squeeze %dma_wait3A_563 : memref<1x40xi32, #tpu.memory_space<vmem>> -> memref<40xi32, #tpu.memory_space<vmem>>
    %dma_wait3A_565 = arith.constant 0 : i32
    %dma_wait3A_566 = arith.constant 0 : i32
    %dma_wait3A_567 = tpu.memref_slice %arg17[%dma_wait3A_565, %dma_wait3A_566] : memref<10000x16xf32, #tpu.memory_space<vmem_shared>> -> memref<10000x16xf32, #tpu.memory_space<vmem_shared>>
    tpu.wait_indirect_dma semaphore(%arg20 : memref<!tpu.dma_semaphore, #tpu.memory_space<semaphore_mem>>) src(%dma_wait3A_561 : memref<40x16xf32, #tpu.memory_space<vmem>>) dst(%dma_wait3A_567 : memref<10000x16xf32, #tpu.memory_space<vmem_shared>>)
    %dma_wait3A_568 = arith.constant 117 : i32
    %dma_wait3A_569 = arith.constant 200 : i32
    %dma_wait3A_570 = arith.constant 0 : i32
    %dma_wait3A_571 = tpu.memref_slice %arg16[%dma_wait3A_569, %dma_wait3A_570] : memref<640x16xf32, #tpu.memory_space<vmem>> -> memref<40x16xf32, #tpu.memory_space<vmem>>
    %dma_wait3A_572 = arith.constant 0 : i32
    %dma_wait3A_573 = tpu.memref_slice %arg11[%dma_wait3A_568, %dma_wait3A_572] : memref<125x40xi32, #tpu.memory_space<vmem>> -> memref<1x40xi32, #tpu.memory_space<vmem>>
    %dma_wait3A_574 = tpu.memref_squeeze %dma_wait3A_573 : memref<1x40xi32, #tpu.memory_space<vmem>> -> memref<40xi32, #tpu.memory_space<vmem>>
    %dma_wait3A_575 = arith.constant 0 : i32
    %dma_wait3A_576 = arith.constant 0 : i32
    %dma_wait3A_577 = tpu.memref_slice %arg17[%dma_wait3A_575, %dma_wait3A_576] : memref<10000x16xf32, #tpu.memory_space<vmem_shared>> -> memref<10000x16xf32, #tpu.memory_space<vmem_shared>>
    tpu.wait_indirect_dma semaphore(%arg20 : memref<!tpu.dma_semaphore, #tpu.memory_space<semaphore_mem>>) src(%dma_wait3A_571 : memref<40x16xf32, #tpu.memory_space<vmem>>) dst(%dma_wait3A_577 : memref<10000x16xf32, #tpu.memory_space<vmem_shared>>)
    %dma_wait3A_578 = arith.constant 118 : i32
    %dma_wait3A_579 = arith.constant 240 : i32
    %dma_wait3A_580 = arith.constant 0 : i32
    %dma_wait3A_581 = tpu.memref_slice %arg16[%dma_wait3A_579, %dma_wait3A_580] : memref<640x16xf32, #tpu.memory_space<vmem>> -> memref<40x16xf32, #tpu.memory_space<vmem>>
    %dma_wait3A_582 = arith.constant 0 : i32
    %dma_wait3A_583 = tpu.memref_slice %arg11[%dma_wait3A_578, %dma_wait3A_582] : memref<125x40xi32, #tpu.memory_space<vmem>> -> memref<1x40xi32, #tpu.memory_space<vmem>>
    %dma_wait3A_584 = tpu.memref_squeeze %dma_wait3A_583 : memref<1x40xi32, #tpu.memory_space<vmem>> -> memref<40xi32, #tpu.memory_space<vmem>>
    %dma_wait3A_585 = arith.constant 0 : i32
    %dma_wait3A_586 = arith.constant 0 : i32
    %dma_wait3A_587 = tpu.memref_slice %arg17[%dma_wait3A_585, %dma_wait3A_586] : memref<10000x16xf32, #tpu.memory_space<vmem_shared>> -> memref<10000x16xf32, #tpu.memory_space<vmem_shared>>
    tpu.wait_indirect_dma semaphore(%arg20 : memref<!tpu.dma_semaphore, #tpu.memory_space<semaphore_mem>>) src(%dma_wait3A_581 : memref<40x16xf32, #tpu.memory_space<vmem>>) dst(%dma_wait3A_587 : memref<10000x16xf32, #tpu.memory_space<vmem_shared>>)
    %dma_wait3A_588 = arith.constant 119 : i32
    %dma_wait3A_589 = arith.constant 280 : i32
    %dma_wait3A_590 = arith.constant 0 : i32
    %dma_wait3A_591 = tpu.memref_slice %arg16[%dma_wait3A_589, %dma_wait3A_590] : memref<640x16xf32, #tpu.memory_space<vmem>> -> memref<40x16xf32, #tpu.memory_space<vmem>>
    %dma_wait3A_592 = arith.constant 0 : i32
    %dma_wait3A_593 = tpu.memref_slice %arg11[%dma_wait3A_588, %dma_wait3A_592] : memref<125x40xi32, #tpu.memory_space<vmem>> -> memref<1x40xi32, #tpu.memory_space<vmem>>
    %dma_wait3A_594 = tpu.memref_squeeze %dma_wait3A_593 : memref<1x40xi32, #tpu.memory_space<vmem>> -> memref<40xi32, #tpu.memory_space<vmem>>
    %dma_wait3A_595 = arith.constant 0 : i32
    %dma_wait3A_596 = arith.constant 0 : i32
    %dma_wait3A_597 = tpu.memref_slice %arg17[%dma_wait3A_595, %dma_wait3A_596] : memref<10000x16xf32, #tpu.memory_space<vmem_shared>> -> memref<10000x16xf32, #tpu.memory_space<vmem_shared>>
    tpu.wait_indirect_dma semaphore(%arg20 : memref<!tpu.dma_semaphore, #tpu.memory_space<semaphore_mem>>) src(%dma_wait3A_591 : memref<40x16xf32, #tpu.memory_space<vmem>>) dst(%dma_wait3A_597 : memref<10000x16xf32, #tpu.memory_space<vmem_shared>>)
    %dma_wait3A_598 = arith.constant 120 : i32
    %dma_wait3A_599 = arith.constant 320 : i32
    %dma_wait3A_600 = arith.constant 0 : i32
    %dma_wait3A_601 = tpu.memref_slice %arg16[%dma_wait3A_599, %dma_wait3A_600] : memref<640x16xf32, #tpu.memory_space<vmem>> -> memref<40x16xf32, #tpu.memory_space<vmem>>
    %dma_wait3A_602 = arith.constant 0 : i32
    %dma_wait3A_603 = tpu.memref_slice %arg11[%dma_wait3A_598, %dma_wait3A_602] : memref<125x40xi32, #tpu.memory_space<vmem>> -> memref<1x40xi32, #tpu.memory_space<vmem>>
    %dma_wait3A_604 = tpu.memref_squeeze %dma_wait3A_603 : memref<1x40xi32, #tpu.memory_space<vmem>> -> memref<40xi32, #tpu.memory_space<vmem>>
    %dma_wait3A_605 = arith.constant 0 : i32
    %dma_wait3A_606 = arith.constant 0 : i32
    %dma_wait3A_607 = tpu.memref_slice %arg17[%dma_wait3A_605, %dma_wait3A_606] : memref<10000x16xf32, #tpu.memory_space<vmem_shared>> -> memref<10000x16xf32, #tpu.memory_space<vmem_shared>>
    tpu.wait_indirect_dma semaphore(%arg20 : memref<!tpu.dma_semaphore, #tpu.memory_space<semaphore_mem>>) src(%dma_wait3A_601 : memref<40x16xf32, #tpu.memory_space<vmem>>) dst(%dma_wait3A_607 : memref<10000x16xf32, #tpu.memory_space<vmem_shared>>)
    %dma_wait3A_608 = arith.constant 121 : i32
    %dma_wait3A_609 = arith.constant 360 : i32
    %dma_wait3A_610 = arith.constant 0 : i32
    %dma_wait3A_611 = tpu.memref_slice %arg16[%dma_wait3A_609, %dma_wait3A_610] : memref<640x16xf32, #tpu.memory_space<vmem>> -> memref<40x16xf32, #tpu.memory_space<vmem>>
    %dma_wait3A_612 = arith.constant 0 : i32
    %dma_wait3A_613 = tpu.memref_slice %arg11[%dma_wait3A_608, %dma_wait3A_612] : memref<125x40xi32, #tpu.memory_space<vmem>> -> memref<1x40xi32, #tpu.memory_space<vmem>>
    %dma_wait3A_614 = tpu.memref_squeeze %dma_wait3A_613 : memref<1x40xi32, #tpu.memory_space<vmem>> -> memref<40xi32, #tpu.memory_space<vmem>>
    %dma_wait3A_615 = arith.constant 0 : i32
    %dma_wait3A_616 = arith.constant 0 : i32
    %dma_wait3A_617 = tpu.memref_slice %arg17[%dma_wait3A_615, %dma_wait3A_616] : memref<10000x16xf32, #tpu.memory_space<vmem_shared>> -> memref<10000x16xf32, #tpu.memory_space<vmem_shared>>
    tpu.wait_indirect_dma semaphore(%arg20 : memref<!tpu.dma_semaphore, #tpu.memory_space<semaphore_mem>>) src(%dma_wait3A_611 : memref<40x16xf32, #tpu.memory_space<vmem>>) dst(%dma_wait3A_617 : memref<10000x16xf32, #tpu.memory_space<vmem_shared>>)
    %dma_wait3A_618 = arith.constant 122 : i32
    %dma_wait3A_619 = arith.constant 400 : i32
    %dma_wait3A_620 = arith.constant 0 : i32
    %dma_wait3A_621 = tpu.memref_slice %arg16[%dma_wait3A_619, %dma_wait3A_620] : memref<640x16xf32, #tpu.memory_space<vmem>> -> memref<40x16xf32, #tpu.memory_space<vmem>>
    %dma_wait3A_622 = arith.constant 0 : i32
    %dma_wait3A_623 = tpu.memref_slice %arg11[%dma_wait3A_618, %dma_wait3A_622] : memref<125x40xi32, #tpu.memory_space<vmem>> -> memref<1x40xi32, #tpu.memory_space<vmem>>
    %dma_wait3A_624 = tpu.memref_squeeze %dma_wait3A_623 : memref<1x40xi32, #tpu.memory_space<vmem>> -> memref<40xi32, #tpu.memory_space<vmem>>
    %dma_wait3A_625 = arith.constant 0 : i32
    %dma_wait3A_626 = arith.constant 0 : i32
    %dma_wait3A_627 = tpu.memref_slice %arg17[%dma_wait3A_625, %dma_wait3A_626] : memref<10000x16xf32, #tpu.memory_space<vmem_shared>> -> memref<10000x16xf32, #tpu.memory_space<vmem_shared>>
    tpu.wait_indirect_dma semaphore(%arg20 : memref<!tpu.dma_semaphore, #tpu.memory_space<semaphore_mem>>) src(%dma_wait3A_621 : memref<40x16xf32, #tpu.memory_space<vmem>>) dst(%dma_wait3A_627 : memref<10000x16xf32, #tpu.memory_space<vmem_shared>>)
    %dma_wait3A_628 = arith.constant 123 : i32
    %dma_wait3A_629 = arith.constant 440 : i32
    %dma_wait3A_630 = arith.constant 0 : i32
    %dma_wait3A_631 = tpu.memref_slice %arg16[%dma_wait3A_629, %dma_wait3A_630] : memref<640x16xf32, #tpu.memory_space<vmem>> -> memref<40x16xf32, #tpu.memory_space<vmem>>
    %dma_wait3A_632 = arith.constant 0 : i32
    %dma_wait3A_633 = tpu.memref_slice %arg11[%dma_wait3A_628, %dma_wait3A_632] : memref<125x40xi32, #tpu.memory_space<vmem>> -> memref<1x40xi32, #tpu.memory_space<vmem>>
    %dma_wait3A_634 = tpu.memref_squeeze %dma_wait3A_633 : memref<1x40xi32, #tpu.memory_space<vmem>> -> memref<40xi32, #tpu.memory_space<vmem>>
    %dma_wait3A_635 = arith.constant 0 : i32
    %dma_wait3A_636 = arith.constant 0 : i32
    %dma_wait3A_637 = tpu.memref_slice %arg17[%dma_wait3A_635, %dma_wait3A_636] : memref<10000x16xf32, #tpu.memory_space<vmem_shared>> -> memref<10000x16xf32, #tpu.memory_space<vmem_shared>>
    tpu.wait_indirect_dma semaphore(%arg20 : memref<!tpu.dma_semaphore, #tpu.memory_space<semaphore_mem>>) src(%dma_wait3A_631 : memref<40x16xf32, #tpu.memory_space<vmem>>) dst(%dma_wait3A_637 : memref<10000x16xf32, #tpu.memory_space<vmem_shared>>)
    %dma_wait3A_638 = arith.constant 124 : i32
    %dma_wait3A_639 = arith.constant 480 : i32
    %dma_wait3A_640 = arith.constant 0 : i32
    %dma_wait3A_641 = tpu.memref_slice %arg16[%dma_wait3A_639, %dma_wait3A_640] : memref<640x16xf32, #tpu.memory_space<vmem>> -> memref<40x16xf32, #tpu.memory_space<vmem>>
    %dma_wait3A_642 = arith.constant 0 : i32
    %dma_wait3A_643 = tpu.memref_slice %arg11[%dma_wait3A_638, %dma_wait3A_642] : memref<125x40xi32, #tpu.memory_space<vmem>> -> memref<1x40xi32, #tpu.memory_space<vmem>>
    %dma_wait3A_644 = tpu.memref_squeeze %dma_wait3A_643 : memref<1x40xi32, #tpu.memory_space<vmem>> -> memref<40xi32, #tpu.memory_space<vmem>>
    %dma_wait3A_645 = arith.constant 0 : i32
    %dma_wait3A_646 = arith.constant 0 : i32
    %dma_wait3A_647 = tpu.memref_slice %arg17[%dma_wait3A_645, %dma_wait3A_646] : memref<10000x16xf32, #tpu.memory_space<vmem_shared>> -> memref<10000x16xf32, #tpu.memory_space<vmem_shared>>
    tpu.wait_indirect_dma semaphore(%arg20 : memref<!tpu.dma_semaphore, #tpu.memory_space<semaphore_mem>>) src(%dma_wait3A_641 : memref<40x16xf32, #tpu.memory_space<vmem>>) dst(%dma_wait3A_647 : memref<10000x16xf32, #tpu.memory_space<vmem_shared>>)
    %barrier3A_648 = arith.constant 0 : index
    tpu.barrier barrier_id(%barrier3A_648)
    %lt3A_649 = arith.constant 15 : i32
    %lt3A_650 = arith.cmpi slt, %arg1, %lt3A_649 : i32
    %convert_element_type3A_651 = arith.extui %lt3A_650 : i1 to i32
    %cond3A_652 = arith.constant 0 : i32
    %cond3A_653 = arith.cmpi ne, %convert_element_type3A_651, %cond3A_652 : i32
    scf.if %cond3A_653 {
      %mul3A_659 = arith.constant 624 : i32
      %mul3A_660 = arith.muli %arg1, %mul3A_659 : i32
      "tpu.region"() ({
        %run_scoped3A_671 = tpu.sem_alloc : memref<!tpu.dma_semaphore, #tpu.memory_space<semaphore_mem>>
        %dma_start3A_672 = arith.constant 0 : i32
        %dma_start3A_673 = arith.constant 0 : i32
        %dma_start3A_674 = tpu.memref_slice %arg16[%dma_start3A_672, %dma_start3A_673] : memref<640x16xf32, #tpu.memory_space<vmem>> -> memref<624x16xf32, #tpu.memory_space<vmem>>
        %dma_start3A_675 = arith.constant 0 : i32
        %dma_start3A_676 = tpu.memref_slice %arg17[%mul3A_660, %dma_start3A_675] : memref<10000x16xf32, #tpu.memory_space<vmem_shared>> -> memref<624x16xf32, #tpu.memory_space<vmem_shared>>
        %dma_start3A_677 = arith.constant 0 : i32
        %dma_start3A_678 = arith.constant 0 : i32
        %dma_start3A_679 = tpu.memref_slice %arg16[%dma_start3A_677, %dma_start3A_678] : memref<640x16xf32, #tpu.memory_space<vmem>> -> memref<624x16xf32, #tpu.memory_space<vmem>>
        %dma_start3A_680 = arith.constant 0 : i32
        %dma_start3A_681 = tpu.memref_slice %arg17[%mul3A_660, %dma_start3A_680] : memref<10000x16xf32, #tpu.memory_space<vmem_shared>> -> memref<624x16xf32, #tpu.memory_space<vmem_shared>>
        tpu.enqueue_dma source(%dma_start3A_681 : memref<624x16xf32, #tpu.memory_space<vmem_shared>>) target(%dma_start3A_679 : memref<624x16xf32, #tpu.memory_space<vmem>>) target_semaphore(%run_scoped3A_671 : memref<!tpu.dma_semaphore, #tpu.memory_space<semaphore_mem>>)
        %dma_wait3A_682 = arith.constant 0 : i32
        %dma_wait3A_683 = arith.constant 0 : i32
        %dma_wait3A_684 = tpu.memref_slice %arg16[%dma_wait3A_682, %dma_wait3A_683] : memref<640x16xf32, #tpu.memory_space<vmem>> -> memref<624x16xf32, #tpu.memory_space<vmem>>
        %dma_wait3A_685 = arith.constant 0 : i32
        %dma_wait3A_686 = tpu.memref_slice %arg17[%mul3A_660, %dma_wait3A_685] : memref<10000x16xf32, #tpu.memory_space<vmem_shared>> -> memref<624x16xf32, #tpu.memory_space<vmem_shared>>
        %dma_wait3A_687 = arith.constant 0 : i32
        %dma_wait3A_688 = arith.constant 0 : i32
        %dma_wait3A_689 = tpu.memref_slice %arg16[%dma_wait3A_687, %dma_wait3A_688] : memref<640x16xf32, #tpu.memory_space<vmem>> -> memref<624x16xf32, #tpu.memory_space<vmem>>
        %dma_wait3A_690 = arith.constant 0 : i32
        %dma_wait3A_691 = tpu.memref_slice %arg17[%mul3A_660, %dma_wait3A_690] : memref<10000x16xf32, #tpu.memory_space<vmem_shared>> -> memref<624x16xf32, #tpu.memory_space<vmem_shared>>
        tpu.wait_dma2 semaphore(%run_scoped3A_671 : memref<!tpu.dma_semaphore, #tpu.memory_space<semaphore_mem>>) src(%dma_wait3A_691 : memref<624x16xf32, #tpu.memory_space<vmem_shared>>) dst(%dma_wait3A_689 : memref<624x16xf32, #tpu.memory_space<vmem>>)
        tpu.yield
      }) : () -> ()
      %eq3A_661 = arith.constant 0 : i32
      %eq3A_662 = arith.cmpi eq, %arg0, %eq3A_661 : i32
      %convert_element_type3A_663 = arith.extui %eq3A_662 : i1 to i32
      %cond3A_664 = arith.constant 0 : i32
      %cond3A_665 = arith.cmpi ne, %convert_element_type3A_663, %cond3A_664 : i32
      scf.if %cond3A_665 {
        "tpu.region"() ({
          %run_scoped3A_671 = tpu.sem_alloc : memref<!tpu.dma_semaphore, #tpu.memory_space<semaphore_mem>>
          %dma_start3A_672 = arith.constant 0 : i32
          %dma_start3A_673 = arith.constant 0 : i32
          %dma_start3A_674 = tpu.memref_slice %arg16[%dma_start3A_672, %dma_start3A_673] : memref<640x16xf32, #tpu.memory_space<vmem>> -> memref<624x16xf32, #tpu.memory_space<vmem>>
          %dma_start3A_675 = arith.constant 0 : i32
          %dma_start3A_676 = tpu.memref_slice %arg7[%mul3A_660, %dma_start3A_675] : memref<10000x16xf32, #tpu.memory_space<hbm>> -> memref<624x16xf32, #tpu.memory_space<hbm>>
          %dma_start3A_677 = arith.constant 0 : i32
          %dma_start3A_678 = tpu.memref_slice %arg7[%mul3A_660, %dma_start3A_677] : memref<10000x16xf32, #tpu.memory_space<hbm>> -> memref<624x16xf32, #tpu.memory_space<hbm>>
          %dma_start3A_679 = arith.constant 0 : i32
          %dma_start3A_680 = arith.constant 0 : i32
          %dma_start3A_681 = tpu.memref_slice %arg16[%dma_start3A_679, %dma_start3A_680] : memref<640x16xf32, #tpu.memory_space<vmem>> -> memref<624x16xf32, #tpu.memory_space<vmem>>
          tpu.enqueue_dma source(%dma_start3A_681 : memref<624x16xf32, #tpu.memory_space<vmem>>) target(%dma_start3A_678 : memref<624x16xf32, #tpu.memory_space<hbm>>) target_semaphore(%run_scoped3A_671 : memref<!tpu.dma_semaphore, #tpu.memory_space<semaphore_mem>>)
          %dma_wait3A_682 = arith.constant 0 : i32
          %dma_wait3A_683 = arith.constant 0 : i32
          %dma_wait3A_684 = tpu.memref_slice %arg16[%dma_wait3A_682, %dma_wait3A_683] : memref<640x16xf32, #tpu.memory_space<vmem>> -> memref<624x16xf32, #tpu.memory_space<vmem>>
          %dma_wait3A_685 = arith.constant 0 : i32
          %dma_wait3A_686 = tpu.memref_slice %arg7[%mul3A_660, %dma_wait3A_685] : memref<10000x16xf32, #tpu.memory_space<hbm>> -> memref<624x16xf32, #tpu.memory_space<hbm>>
          %dma_wait3A_687 = arith.constant 0 : i32
          %dma_wait3A_688 = tpu.memref_slice %arg7[%mul3A_660, %dma_wait3A_687] : memref<10000x16xf32, #tpu.memory_space<hbm>> -> memref<624x16xf32, #tpu.memory_space<hbm>>
          %dma_wait3A_689 = arith.constant 0 : i32
          %dma_wait3A_690 = arith.constant 0 : i32
          %dma_wait3A_691 = tpu.memref_slice %arg16[%dma_wait3A_689, %dma_wait3A_690] : memref<640x16xf32, #tpu.memory_space<vmem>> -> memref<624x16xf32, #tpu.memory_space<vmem>>
          tpu.wait_dma2 semaphore(%run_scoped3A_671 : memref<!tpu.dma_semaphore, #tpu.memory_space<semaphore_mem>>) src(%dma_wait3A_691 : memref<624x16xf32, #tpu.memory_space<vmem>>) dst(%dma_wait3A_688 : memref<624x16xf32, #tpu.memory_space<hbm>>)
          tpu.yield
        }) : () -> ()
      } else {
      }
      %eq3A_666 = arith.constant 1 : i32
      %eq3A_667 = arith.cmpi eq, %arg0, %eq3A_666 : i32
      %convert_element_type3A_668 = arith.extui %eq3A_667 : i1 to i32
      %cond3A_669 = arith.constant 0 : i32
      %cond3A_670 = arith.cmpi ne, %convert_element_type3A_668, %cond3A_669 : i32
      scf.if %cond3A_670 {
        "tpu.region"() ({
          %run_scoped3A_671 = tpu.sem_alloc : memref<!tpu.dma_semaphore, #tpu.memory_space<semaphore_mem>>
          %dma_start3A_672 = arith.constant 0 : i32
          %dma_start3A_673 = arith.constant 0 : i32
          %dma_start3A_674 = tpu.memref_slice %arg16[%dma_start3A_672, %dma_start3A_673] : memref<640x16xf32, #tpu.memory_space<vmem>> -> memref<624x16xf32, #tpu.memory_space<vmem>>
          %dma_start3A_675 = arith.constant 0 : i32
          %dma_start3A_676 = tpu.memref_slice %arg8[%mul3A_660, %dma_start3A_675] : memref<10000x16xf32, #tpu.memory_space<hbm>> -> memref<624x16xf32, #tpu.memory_space<hbm>>
          %dma_start3A_677 = arith.constant 0 : i32
          %dma_start3A_678 = tpu.memref_slice %arg8[%mul3A_660, %dma_start3A_677] : memref<10000x16xf32, #tpu.memory_space<hbm>> -> memref<624x16xf32, #tpu.memory_space<hbm>>
          %dma_start3A_679 = arith.constant 0 : i32
          %dma_start3A_680 = arith.constant 0 : i32
          %dma_start3A_681 = tpu.memref_slice %arg16[%dma_start3A_679, %dma_start3A_680] : memref<640x16xf32, #tpu.memory_space<vmem>> -> memref<624x16xf32, #tpu.memory_space<vmem>>
          tpu.enqueue_dma source(%dma_start3A_681 : memref<624x16xf32, #tpu.memory_space<vmem>>) target(%dma_start3A_678 : memref<624x16xf32, #tpu.memory_space<hbm>>) target_semaphore(%run_scoped3A_671 : memref<!tpu.dma_semaphore, #tpu.memory_space<semaphore_mem>>)
          %dma_wait3A_682 = arith.constant 0 : i32
          %dma_wait3A_683 = arith.constant 0 : i32
          %dma_wait3A_684 = tpu.memref_slice %arg16[%dma_wait3A_682, %dma_wait3A_683] : memref<640x16xf32, #tpu.memory_space<vmem>> -> memref<624x16xf32, #tpu.memory_space<vmem>>
          %dma_wait3A_685 = arith.constant 0 : i32
          %dma_wait3A_686 = tpu.memref_slice %arg8[%mul3A_660, %dma_wait3A_685] : memref<10000x16xf32, #tpu.memory_space<hbm>> -> memref<624x16xf32, #tpu.memory_space<hbm>>
          %dma_wait3A_687 = arith.constant 0 : i32
          %dma_wait3A_688 = tpu.memref_slice %arg8[%mul3A_660, %dma_wait3A_687] : memref<10000x16xf32, #tpu.memory_space<hbm>> -> memref<624x16xf32, #tpu.memory_space<hbm>>
          %dma_wait3A_689 = arith.constant 0 : i32
          %dma_wait3A_690 = arith.constant 0 : i32
          %dma_wait3A_691 = tpu.memref_slice %arg16[%dma_wait3A_689, %dma_wait3A_690] : memref<640x16xf32, #tpu.memory_space<vmem>> -> memref<624x16xf32, #tpu.memory_space<vmem>>
          tpu.wait_dma2 semaphore(%run_scoped3A_671 : memref<!tpu.dma_semaphore, #tpu.memory_space<semaphore_mem>>) src(%dma_wait3A_691 : memref<624x16xf32, #tpu.memory_space<vmem>>) dst(%dma_wait3A_688 : memref<624x16xf32, #tpu.memory_space<hbm>>)
          tpu.yield
        }) : () -> ()
      } else {
      }
    } else {
    }
    %eq3A_654 = arith.constant 15 : i32
    %eq3A_655 = arith.cmpi eq, %arg1, %eq3A_654 : i32
    %convert_element_type3A_656 = arith.extui %eq3A_655 : i1 to i32
    %cond3A_657 = arith.constant 0 : i32
    %cond3A_658 = arith.cmpi ne, %convert_element_type3A_656, %cond3A_657 : i32
    scf.if %cond3A_658 {
      "tpu.region"() ({
        %run_scoped3A_669 = tpu.sem_alloc : memref<!tpu.dma_semaphore, #tpu.memory_space<semaphore_mem>>
        %dma_start3A_670 = arith.constant 0 : i32
        %dma_start3A_671 = arith.constant 0 : i32
        %dma_start3A_672 = tpu.memref_slice %arg16[%dma_start3A_670, %dma_start3A_671] : memref<640x16xf32, #tpu.memory_space<vmem>> -> memref<640x16xf32, #tpu.memory_space<vmem>>
        %dma_start3A_673 = arith.constant 9360 : i32
        %dma_start3A_674 = arith.constant 0 : i32
        %dma_start3A_675 = tpu.memref_slice %arg17[%dma_start3A_673, %dma_start3A_674] : memref<10000x16xf32, #tpu.memory_space<vmem_shared>> -> memref<640x16xf32, #tpu.memory_space<vmem_shared>>
        %dma_start3A_676 = arith.constant 0 : i32
        %dma_start3A_677 = arith.constant 0 : i32
        %dma_start3A_678 = tpu.memref_slice %arg16[%dma_start3A_676, %dma_start3A_677] : memref<640x16xf32, #tpu.memory_space<vmem>> -> memref<640x16xf32, #tpu.memory_space<vmem>>
        %dma_start3A_679 = arith.constant 9360 : i32
        %dma_start3A_680 = arith.constant 0 : i32
        %dma_start3A_681 = tpu.memref_slice %arg17[%dma_start3A_679, %dma_start3A_680] : memref<10000x16xf32, #tpu.memory_space<vmem_shared>> -> memref<640x16xf32, #tpu.memory_space<vmem_shared>>
        tpu.enqueue_dma source(%dma_start3A_681 : memref<640x16xf32, #tpu.memory_space<vmem_shared>>) target(%dma_start3A_678 : memref<640x16xf32, #tpu.memory_space<vmem>>) target_semaphore(%run_scoped3A_669 : memref<!tpu.dma_semaphore, #tpu.memory_space<semaphore_mem>>)
        %dma_wait3A_682 = arith.constant 0 : i32
        %dma_wait3A_683 = arith.constant 0 : i32
        %dma_wait3A_684 = tpu.memref_slice %arg16[%dma_wait3A_682, %dma_wait3A_683] : memref<640x16xf32, #tpu.memory_space<vmem>> -> memref<640x16xf32, #tpu.memory_space<vmem>>
        %dma_wait3A_685 = arith.constant 9360 : i32
        %dma_wait3A_686 = arith.constant 0 : i32
        %dma_wait3A_687 = tpu.memref_slice %arg17[%dma_wait3A_685, %dma_wait3A_686] : memref<10000x16xf32, #tpu.memory_space<vmem_shared>> -> memref<640x16xf32, #tpu.memory_space<vmem_shared>>
        %dma_wait3A_688 = arith.constant 0 : i32
        %dma_wait3A_689 = arith.constant 0 : i32
        %dma_wait3A_690 = tpu.memref_slice %arg16[%dma_wait3A_688, %dma_wait3A_689] : memref<640x16xf32, #tpu.memory_space<vmem>> -> memref<640x16xf32, #tpu.memory_space<vmem>>
        %dma_wait3A_691 = arith.constant 9360 : i32
        %dma_wait3A_692 = arith.constant 0 : i32
        %dma_wait3A_693 = tpu.memref_slice %arg17[%dma_wait3A_691, %dma_wait3A_692] : memref<10000x16xf32, #tpu.memory_space<vmem_shared>> -> memref<640x16xf32, #tpu.memory_space<vmem_shared>>
        tpu.wait_dma2 semaphore(%run_scoped3A_669 : memref<!tpu.dma_semaphore, #tpu.memory_space<semaphore_mem>>) src(%dma_wait3A_693 : memref<640x16xf32, #tpu.memory_space<vmem_shared>>) dst(%dma_wait3A_690 : memref<640x16xf32, #tpu.memory_space<vmem>>)
        tpu.yield
      }) : () -> ()
      %eq3A_659 = arith.constant 0 : i32
      %eq3A_660 = arith.cmpi eq, %arg0, %eq3A_659 : i32
      %convert_element_type3A_661 = arith.extui %eq3A_660 : i1 to i32
      %cond3A_662 = arith.constant 0 : i32
      %cond3A_663 = arith.cmpi ne, %convert_element_type3A_661, %cond3A_662 : i32
      scf.if %cond3A_663 {
        "tpu.region"() ({
          %run_scoped3A_669 = tpu.sem_alloc : memref<!tpu.dma_semaphore, #tpu.memory_space<semaphore_mem>>
          %dma_start3A_670 = arith.constant 0 : i32
          %dma_start3A_671 = arith.constant 0 : i32
          %dma_start3A_672 = tpu.memref_slice %arg16[%dma_start3A_670, %dma_start3A_671] : memref<640x16xf32, #tpu.memory_space<vmem>> -> memref<640x16xf32, #tpu.memory_space<vmem>>
          %dma_start3A_673 = arith.constant 9360 : i32
          %dma_start3A_674 = arith.constant 0 : i32
          %dma_start3A_675 = tpu.memref_slice %arg7[%dma_start3A_673, %dma_start3A_674] : memref<10000x16xf32, #tpu.memory_space<hbm>> -> memref<640x16xf32, #tpu.memory_space<hbm>>
          %dma_start3A_676 = arith.constant 9360 : i32
          %dma_start3A_677 = arith.constant 0 : i32
          %dma_start3A_678 = tpu.memref_slice %arg7[%dma_start3A_676, %dma_start3A_677] : memref<10000x16xf32, #tpu.memory_space<hbm>> -> memref<640x16xf32, #tpu.memory_space<hbm>>
          %dma_start3A_679 = arith.constant 0 : i32
          %dma_start3A_680 = arith.constant 0 : i32
          %dma_start3A_681 = tpu.memref_slice %arg16[%dma_start3A_679, %dma_start3A_680] : memref<640x16xf32, #tpu.memory_space<vmem>> -> memref<640x16xf32, #tpu.memory_space<vmem>>
          tpu.enqueue_dma source(%dma_start3A_681 : memref<640x16xf32, #tpu.memory_space<vmem>>) target(%dma_start3A_678 : memref<640x16xf32, #tpu.memory_space<hbm>>) target_semaphore(%run_scoped3A_669 : memref<!tpu.dma_semaphore, #tpu.memory_space<semaphore_mem>>)
          %dma_wait3A_682 = arith.constant 0 : i32
          %dma_wait3A_683 = arith.constant 0 : i32
          %dma_wait3A_684 = tpu.memref_slice %arg16[%dma_wait3A_682, %dma_wait3A_683] : memref<640x16xf32, #tpu.memory_space<vmem>> -> memref<640x16xf32, #tpu.memory_space<vmem>>
          %dma_wait3A_685 = arith.constant 9360 : i32
          %dma_wait3A_686 = arith.constant 0 : i32
          %dma_wait3A_687 = tpu.memref_slice %arg7[%dma_wait3A_685, %dma_wait3A_686] : memref<10000x16xf32, #tpu.memory_space<hbm>> -> memref<640x16xf32, #tpu.memory_space<hbm>>
          %dma_wait3A_688 = arith.constant 9360 : i32
          %dma_wait3A_689 = arith.constant 0 : i32
          %dma_wait3A_690 = tpu.memref_slice %arg7[%dma_wait3A_688, %dma_wait3A_689] : memref<10000x16xf32, #tpu.memory_space<hbm>> -> memref<640x16xf32, #tpu.memory_space<hbm>>
          %dma_wait3A_691 = arith.constant 0 : i32
          %dma_wait3A_692 = arith.constant 0 : i32
          %dma_wait3A_693 = tpu.memref_slice %arg16[%dma_wait3A_691, %dma_wait3A_692] : memref<640x16xf32, #tpu.memory_space<vmem>> -> memref<640x16xf32, #tpu.memory_space<vmem>>
          tpu.wait_dma2 semaphore(%run_scoped3A_669 : memref<!tpu.dma_semaphore, #tpu.memory_space<semaphore_mem>>) src(%dma_wait3A_693 : memref<640x16xf32, #tpu.memory_space<vmem>>) dst(%dma_wait3A_690 : memref<640x16xf32, #tpu.memory_space<hbm>>)
          tpu.yield
        }) : () -> ()
      } else {
      }
      %eq3A_664 = arith.constant 1 : i32
      %eq3A_665 = arith.cmpi eq, %arg0, %eq3A_664 : i32
      %convert_element_type3A_666 = arith.extui %eq3A_665 : i1 to i32
      %cond3A_667 = arith.constant 0 : i32
      %cond3A_668 = arith.cmpi ne, %convert_element_type3A_666, %cond3A_667 : i32
      scf.if %cond3A_668 {
        "tpu.region"() ({
          %run_scoped3A_669 = tpu.sem_alloc : memref<!tpu.dma_semaphore, #tpu.memory_space<semaphore_mem>>
          %dma_start3A_670 = arith.constant 0 : i32
          %dma_start3A_671 = arith.constant 0 : i32
          %dma_start3A_672 = tpu.memref_slice %arg16[%dma_start3A_670, %dma_start3A_671] : memref<640x16xf32, #tpu.memory_space<vmem>> -> memref<640x16xf32, #tpu.memory_space<vmem>>
          %dma_start3A_673 = arith.constant 9360 : i32
          %dma_start3A_674 = arith.constant 0 : i32
          %dma_start3A_675 = tpu.memref_slice %arg8[%dma_start3A_673, %dma_start3A_674] : memref<10000x16xf32, #tpu.memory_space<hbm>> -> memref<640x16xf32, #tpu.memory_space<hbm>>
          %dma_start3A_676 = arith.constant 9360 : i32
          %dma_start3A_677 = arith.constant 0 : i32
          %dma_start3A_678 = tpu.memref_slice %arg8[%dma_start3A_676, %dma_start3A_677] : memref<10000x16xf32, #tpu.memory_space<hbm>> -> memref<640x16xf32, #tpu.memory_space<hbm>>
          %dma_start3A_679 = arith.constant 0 : i32
          %dma_start3A_680 = arith.constant 0 : i32
          %dma_start3A_681 = tpu.memref_slice %arg16[%dma_start3A_679, %dma_start3A_680] : memref<640x16xf32, #tpu.memory_space<vmem>> -> memref<640x16xf32, #tpu.memory_space<vmem>>
          tpu.enqueue_dma source(%dma_start3A_681 : memref<640x16xf32, #tpu.memory_space<vmem>>) target(%dma_start3A_678 : memref<640x16xf32, #tpu.memory_space<hbm>>) target_semaphore(%run_scoped3A_669 : memref<!tpu.dma_semaphore, #tpu.memory_space<semaphore_mem>>)
          %dma_wait3A_682 = arith.constant 0 : i32
          %dma_wait3A_683 = arith.constant 0 : i32
          %dma_wait3A_684 = tpu.memref_slice %arg16[%dma_wait3A_682, %dma_wait3A_683] : memref<640x16xf32, #tpu.memory_space<vmem>> -> memref<640x16xf32, #tpu.memory_space<vmem>>
          %dma_wait3A_685 = arith.constant 9360 : i32
          %dma_wait3A_686 = arith.constant 0 : i32
          %dma_wait3A_687 = tpu.memref_slice %arg8[%dma_wait3A_685, %dma_wait3A_686] : memref<10000x16xf32, #tpu.memory_space<hbm>> -> memref<640x16xf32, #tpu.memory_space<hbm>>
          %dma_wait3A_688 = arith.constant 9360 : i32
          %dma_wait3A_689 = arith.constant 0 : i32
          %dma_wait3A_690 = tpu.memref_slice %arg8[%dma_wait3A_688, %dma_wait3A_689] : memref<10000x16xf32, #tpu.memory_space<hbm>> -> memref<640x16xf32, #tpu.memory_space<hbm>>
          %dma_wait3A_691 = arith.constant 0 : i32
          %dma_wait3A_692 = arith.constant 0 : i32
          %dma_wait3A_693 = tpu.memref_slice %arg16[%dma_wait3A_691, %dma_wait3A_692] : memref<640x16xf32, #tpu.memory_space<vmem>> -> memref<640x16xf32, #tpu.memory_space<vmem>>
          tpu.wait_dma2 semaphore(%run_scoped3A_669 : memref<!tpu.dma_semaphore, #tpu.memory_space<semaphore_mem>>) src(%dma_wait3A_693 : memref<640x16xf32, #tpu.memory_space<vmem>>) dst(%dma_wait3A_690 : memref<640x16xf32, #tpu.memory_space<hbm>>)
          tpu.yield
        }) : () -> ()
      } else {
      }
    } else {
    }
    return
  }
}

</mosaic_0001>

<sc_bundles>
// kernel: _sc_logits.3.cloned.1.call-start
scs
__scs_entry_jumppad:
0x0: {  	(pc) =	sbr.rel $0x88, $3  }
0x1: {  	(tag) =	ssettag $0x0;
	lr =	simm.s32 $0x1  }
0x2: {  	[smem:$0x3F9D] =	sst lr;
	_ =	strace $0xD0000000  }
0x3: {  	_ = 	snop  }
0x4: {  	_ = 	snop  }
0x5: {  	_ = 	snop  }
0x6: {  	_ = 	snop  }
0x7: {  	_ = 	snop  }
__scs_overlays_trampoline_lowered:
0x8: {  	[smem:$0x3FAC] =	sst s0  }
0x9: {  	[smem:$0x3FAD] =	sst s1  }
0xa: {  	[smem:$0x3FAE] =	sst s2  }
0xb: {  	[smem:$0x3FAF] =	sst s3  }
0xc: {  	[smem:$0x3FB0] =	sst s4  }
0xd: {  	[smem:$0x3FB1] =	sst s5  }
0xe: {  	[smem:$0x3FB2] =	sst s6  }
0xf: {  	[smem:$0x3FB3] =	sst s7  }
0x10: {  	[smem:$0x3FB4] =	sst s8  }
0x11: {  	[smem:$0x3FB5] =	sst s9;
	s0 =	simm.s32 @!p0 $0x0  }
0x12: {  	s1 =	sld [smem:$0x3F9B];
	s0 =	simm.s32 @p0 $0x1  }
0x13: {  	[smem:$0x3FB6] =	sst s0;
	s0 =	simm.s32 @!p1 $0x0  }
0x14: {  	s2 =	sld [smem:$0x3F9A];
	s0 =	simm.s32 @p1 $0x1  }
0x15: {  	[smem:$0x3FB7] =	sst s0;
	s0 =	simm.s32 @!p2 $0x0  }
0x16: {  	s3 =	sld [smem:$0x3FDB];
	s0 =	simm.s32 @p2 $0x1  }
0x17: {  	s4 =	simm.s32 $0x1BF5;
	[smem:$0x3FB9] =	sst s0  }
0x18: {  	s0 =	sld [smem:$0x3F9C];
	_ =	swait.ge [sflag:s4], $0x0  }
0x19: {  	s7 =	sld [smem:$0x3F9D]  }
0x1a: {  	s8 =	sadd.s32 $0xFFFFE003, lr  }
0x1b: {  	s9 =	sadd.s32 $0xFFFFFEF7, lr;
	s5 =	simm.s32 $0xFFFFFFFF;
	p2 =	slt.u32 s8, $0xFFFFF086  }
0x1c: {  	p1 =	slt.u32 s9, $0xF7A;
	s5 =	simm.s32 @!p2 $0x0  }
0x1d: {  	s5 =	simm.s32 @p1 $0x1;
	p0 =	seq.s32 s7, s2  }
0x1e: {  	s7 =	smul.u32 @!p0 $0xF7A, s2;
	p2 =	seq.s32 @!p0 s5, $0x0  }
0x1f: {  	s9 =	smul.u32 $0xF7A, s1;
	s8 =	simm.s32 @!p0 $0x1BF5;
	p2 =	por !p2, p0  }
0x20: {  	[sflag:s8] =	ssyncset.s32 @!p0 $0xFFFFF086;
	s6 =	sadd.s32 @!p0 s3, s7;
	s7 =	simm.s32 @!p0 $0x108  }
0x21: {  	s3 =	sadd.s32 s3, s9;
	s6 =	sadd.s32 @!p0 $0x88, s6;
	s7 =	simm.s32 @p2 $0x1082  }
0x22: {  	[simem:s7], [sflag:s8] =	dma.local @!p0 [hbm:s6], $0xF7A  }
0x23: {  	s9 =	sor.u32 $0xD0000000, s2;
	s6 =	simm.s32 $0x108;
	_ =	swait.ge @!p0 [sflag:s8], $0x0  }
0x24: {  	s3 =	sadd.s32 $0x88, s3;
	s6 =	simm.s32 @!p1 $0x1082;
	[sflag:s4] =	ssyncset.s32 $0xFFFFF086  }
0x25: {  	[simem:s6], [sflag:s4] =	dma.local [hbm:s3], $0xF7A  }
0x26: {  	[smem:$0x3F9D] =	sst s1;
	(tag) =	ssettag s2;
	_ =	strace s9  }
0x27: {  	s1 =	sld [smem:$0x3FAD]  }
0x28: {  	s2 =	sld [smem:$0x3FAE]  }
0x29: {  	s4 =	sld [smem:$0x3FB0]  }
0x2a: {  	p0 =	seq.s32 s5, $0x0;
	s5 =	sld [smem:$0x3FB1]  }
0x2b: {  	s6 =	sld [smem:$0x3FB2]  }
0x2c: {  	s7 =	sld [smem:$0x3FB3]  }
0x2d: {  	s3 =	simm.s32 $0x108;
	s8 =	sld [smem:$0x3FB4]  }
0x2e: {  	s3 =	simm.s32 @!p0 $0x1082;
	s9 =	sld [smem:$0x3FB5]  }
0x2f: {  	lr =	sadd.s32 s0, s3;
	s0 =	sld [smem:$0x3FAC]  }
0x30: {  	s3 =	sld [smem:$0x3FAF]  }
0x31: {  	[smem:$0x3FB8] =	sst s10  }
0x32: {  	s10 =	sld [smem:$0x3FB6];
	_ =	sdelay $0x3  }
0x33: {  	p0 =	seq.s32 s10, $0x1;
	s10 =	sld [smem:$0x3FB8];
	_ =	sdelay $0x3  }
0x34: {  	[smem:$0x3FB8] =	sst s10  }
0x35: {  	s10 =	sld [smem:$0x3FB7];
	_ =	sdelay $0x3  }
0x36: {  	p1 =	seq.s32 s10, $0x1;
	s10 =	sld [smem:$0x3FB8];
	_ =	sdelay $0x3  }
0x37: {  	[smem:$0x3FB8] =	sst s10  }
0x38: {  	s10 =	sld [smem:$0x3FB9]  }
0x39: {  	_ = 	snop;
	(pc) =	sbr.ind lr, $3  }
0x3a: {  	_ = 	snop  }
0x3b: {  	_ = 	snop  }
0x3c: {  	p2 =	seq.s32 s10, $0x1;
	s10 =	sld [smem:$0x3FB8]  }
0x3d: {  	_ =	shalt  }
0x3e: {  	_ =	shalt  }
0x3f: {  	_ =	shalt  }
0x40: {  	_ =	shalt  }
0x41: {  	_ =	shalt  }
0x42: {  	_ =	shalt  }
0x43: {  	_ =	shalt  }
0x44: {  	_ =	shalt  }
0x45: {  	_ =	shalt  }
0x46: {  	_ =	shalt  }
0x47: {  	_ =	shalt  }
0x48: {  	_ =	shalt  }
0x49: {  	_ =	shalt  }
0x4a: {  	_ =	shalt  }
0x4b: {  	_ =	shalt  }
0x4c: {  	_ =	shalt  }
0x4d: {  	_ =	shalt  }
0x4e: {  	_ =	shalt  }
0x4f: {  	_ =	shalt  }
0x50: {  	_ =	shalt  }
0x51: {  	_ =	shalt  }
0x52: {  	_ =	shalt  }
0x53: {  	_ =	shalt  }
0x54: {  	_ =	shalt  }
0x55: {  	_ =	shalt  }
0x56: {  	_ =	shalt  }
0x57: {  	_ =	shalt  }
0x58: {  	_ =	shalt  }
0x59: {  	_ =	shalt  }
0x5a: {  	_ =	shalt  }
0x5b: {  	_ =	shalt  }
0x5c: {  	_ =	shalt  }
0x5d: {  	_ =	shalt  }
0x5e: {  	_ =	shalt  }
0x5f: {  	_ =	shalt  }
0x60: {  	_ =	shalt  }
0x61: {  	_ =	shalt  }
0x62: {  	_ =	shalt  }
0x63: {  	_ =	shalt  }
0x64: {  	_ =	shalt  }
0x65: {  	_ =	shalt  }
0x66: {  	_ =	shalt  }
0x67: {  	_ =	shalt  }
0x68: {  	_ =	shalt  }
0x69: {  	_ =	shalt  }
0x6a: {  	_ =	shalt  }
0x6b: {  	_ =	shalt  }
0x6c: {  	_ =	shalt  }
0x6d: {  	_ =	shalt  }
0x6e: {  	_ =	shalt  }
0x6f: {  	_ =	shalt  }
0x70: {  	_ =	shalt  }
0x71: {  	_ =	shalt  }
0x72: {  	_ =	shalt  }
0x73: {  	_ =	shalt  }
0x74: {  	_ =	shalt  }
0x75: {  	_ =	shalt  }
0x76: {  	_ =	shalt  }
0x77: {  	_ =	shalt  }
0x78: {  	_ =	shalt  }
0x79: {  	_ =	shalt  }
0x7a: {  	_ =	shalt  }
0x7b: {  	_ =	shalt  }
0x7c: {  	_ =	shalt  }
0x7d: {  	_ =	shalt  }
0x7e: {  	_ =	shalt  }
0x7f: {  	_ =	shalt  }
0x80: {  	_ =	shalt  }
0x81: {  	_ =	shalt  }
0x82: {  	_ =	shalt  }
0x83: {  	_ =	shalt  }
0x84: {  	_ =	shalt  }
0x85: {  	_ =	shalt  }
0x86: {  	_ =	shalt  }
0x87: {  	_ =	shalt  }
.Lfunc_end0:
.L_simem_size_0:
called_computation_lowered:
.L_overlay_start_0:
0x88: {  	s2 =	sld [smem:$0x3FD9]  }
0x89: {  	s3 =	sld [smem:$0x3FFE];
	_ =	sdelay $0x1  }
0x8a: {  	s1 =	srdreg.scid  }
0x8b: {  	s0 =	sand.u32 $0x1, s1  }
0x8c: {  	s14 =	sshll.u32 s0, $0xA;
	s2 =	sadd.s32 s3, s2  }
0x8d: {  	s2 =	sadd.s32 s2, s14  }
0x8e: {  	[smem:$0x3FC4] =	sst s2  }
0x8f: {  	_ = 	snop  }
0x90: {  	s2 =	sld [smem:$0x3FD0];
	_ =	sdelay $0x1  }
0x91: {  	s15 =	sld [smem:$0x3FC9]  }
0x92: {  	s5 =	simm.s32 $0xA;
	s6 =	simm.s32 $0x10;
	s4 =	sld [smem:$0x3FC8]  }
0x93: {  	[smem:s6], [sflag:s5] =	dma.local [hbm:s2], $0x1  }
0x94: {  	_ =	swait.eq [sflag:s5], $0x1  }
0x95: {  	s16 =	sld [smem:$0x10];
	[sflag:s5] =	ssyncset.done $0x0  }
0x96: {  	s17 =	sld [smem:$0x11];
	[sflag:s5] =	ssyncadd.s32 $0xFFFFFFFF  }
0x97: {  	s18 =	sld [smem:$0x12];
	(tm) =	ssettm $0x1  }
0x98: {  	s7 =	sld [smem:$0x3FFB];
	_ =	sdelay $0x3  }
0x99: {  	_ =	strace s7  }
0x9a: {  	s7 =	sld [smem:$0x3FFC];
	_ =	sdelay $0x3  }
0x9b: {  	_ =	strace s7  }
0x9c: {  	s7 =	sld [smem:$0x3FFD];
	_ =	sdelay $0x3  }
0x9d: {  	_ =	strace s7  }
0x9e: {  	_ =	strace $0x8FFFFFFF  }
0x9f: {  	s19 =	sld [smem:$0x3FDB];
	_ =	sdelay $0x1  }
0xa0: {  	s8 =	simm.s32 $_scs_section_size  }
0xa1: {  	s9 =	simm.s32 $_size__tile_overlayer_lowered;
	s10 =	simm.s32 $_tile_overlayer_lowered  }
0xa2: {  	s22 =	simm.s32 $0x1BFF;
	s21 =	sshll.u32 s10, $0x1;
	s7 =	sadd.s32 s8, s19  }
0xa3: {  	s11 =	simm.s32 $0x0;
	s20 =	sshll.u32 s9, $0x1;
	s9 =	sadd.s32 s21, s7  }
0xa4: {  	[timem:s11], [sflag:s22] =	dma.local [hbm:s9], s20  }
0xa5: {  	_ =	swait.ge [sflag:s22], s20  }
0xa6: {  	s8 =	ssub.s32 $0x0, s20;
	[sflag:s22] =	ssyncset.done $0x0  }
0xa7: {  	[sflag:s22] =	ssyncadd.s32 s8;
	_ =	sdelay $0x1  }
0xa8: {  	s23 =	simm.s32 $0x1B8B  }
0xa9: {  	_ =	swait.ge [sflag:s23], $0x1  }
0xaa: {  	[sflag:s23] =	ssyncset.done $0x0  }
0xab: {  	s25 =	simm.s32 $0x1B8E;
	s24 =	sld [smem:$0x3FFE];
	[sflag:s23] =	ssyncadd.s32 $0xFFFFFFFF  }
0xac: {  	s26 =	simm.s32 $execute0_lowered;
	[smem:$0x3FD2] =	sst s25  }
0xad: {  	s9 =	sshll.u32 s26, $0x1;
	_ =	strace $0x80000046;
	[dreg:$0x1] =	wrdreg $0xFFFFFFFF  }
0xae: {  	s28 =	simm.s32 $_size_execute0_lowered;
	s7 =	sadd.s32 s7, s9;
	[dreg:$0x0] =	wrdreg $0x0  }
0xaf: {  	s9 =	sshll.u32 s28, $0x1;
	[dreg:$0x2] =	wrdreg s7  }
0xb0: {  	[dreg:$0x3] =	wrdreg s9  }
0xb1: {  	[dreg:$0x4] =	wrdreg $0xC0  }
0xb2: {  	_ =	task [dreg:s11], $0x5FFFF  }
0xb3: {  	[dreg:$0x1] =	wrdreg $0xFFFFFFFF  }
0xb4: {  	[dreg:$0x0] =	wrdreg $0x60  }
0xb5: {  	[dreg:$0x2] =	wrdreg s15  }
0xb6: {  	[dreg:$0x3] =	wrdreg s4  }
0xb7: {  	[dreg:$0x4] =	wrdreg s24  }
0xb8: {  	[dreg:$0x5] =	wrdreg s18  }
0xb9: {  	[dreg:$0x6] =	wrdreg s16  }
0xba: {  	[dreg:$0x7] =	wrdreg s17  }
0xbb: {  	[dreg:$0x8] =	wrdreg $0x102980  }
0xbc: {  	[dreg:$0x9] =	wrdreg $0x9  }
0xbd: {  	_ =	task.clear_ibuf [dreg:s11], $0xAFFFF;
	_ =	strace $0x90000046  }
0xbe: {  	s29 =	simm.s32 $0x9;
	_ =	strace $0x80000048  }
0xbf: {  	_ =	swait.ge [sflag:s29], $0x1  }
0xc0: {  	[sflag:s29] =	ssyncadd.s32 $0xFFFFFFFF  }
0xc1: {  	_ =	strace $0x90000048  }
0xc2: {  	_ =	sfence  }
0xc3: {  	s30 =	sld [smem:$0x0];
	_ =	sdelay $0x2  }
0xc4: {  	s31 =	sshll.u32 s1, $0xD;
	s1 =	sshrl.u32 s1, $0x2  }
0xc5: {  	s3 =	sand.u32 $0x4000, s31;
	s1 =	sadd.s32 s1, s30  }
0xc6: {  	s0 =	sor.u32 s3, s0;
	s1 =	sshll.u32 s1, $0x11  }
0xc7: {  	s0 =	sor.u32 s1, s0  }
0xc8: {  	s0 =	sadd.s32 $0x8F2B, s0  }
0xc9: {  	[sflag:s0] =	ssyncadd.remote.s32 $0x1  }
0xca: {  	_ =	sfence.sel $0xFFFF  }
0xcb: {  	[dreg:$0x0] =	wrdreg $0xFFFFFFFF;
	(pc) =	sbr.abs _section_cstart, $3  }
0xcc: {  	[dreg:$0x1] =	wrdreg $0xFFFFFFFF  }
0xcd: {  	_ =	task.clear_ibuf [dreg:s11], $0x2FFFF;
	_ =	strace $0x9FFFFFFF  }
0xce: {  	(tm) =	ssettm $0x7FFFFFFF  }
0xcf: {  	_ =	shalt  }
tec
execute0_lowered:
.L_overlay_start_1:
0x0: {  	(tag) =	ssettag $0x1  }
0x1: {  	v0 =	vimm.s32 $0x3B2A1908;
	v1 =	vimm.s32 $0x7F6E5D4C  }
0x2: {  	vm0 =	vcmask $0x1F10;
	v2 =	vimm.s32 $0x3C2B1A09;
	v3 =	vimm.s32 $0x706F5E4D  }
0x3: {  	v4 =	vimm.s32 $0x34231201;
	v5 =	vimm.s32 $0x78675645;
	v6 =	vimm.s32 $0x36251403  }
0x4: {  	v7 =	vimm.s32 $0x7A695847;
	v8 =	vimm.s32 $0x3F2E1D0C;
	v14 =	vimm.s32 $0x73625140  }
0x5: {  	v18 =	vimm.s32 $0x7C6B5A49;
	v19 =	vimm.s32 $0x31201F0E;
	v63 =	vlaneseq.u32  }
0x6: {  	s0 =	rddreg [dreg:$0x0];
	v0 =	vunpack.c.0.s8.s32 v0;
	v1 =	vunpack.c.0.s8.s32 v1;
	v2 =	vunpack.c.0.s8.s32 v2  }
0x7: {  	s1 =	rddreg [dreg:$0x1];
	v3 =	vunpack.c.0.s8.s32 v3;
	v6 =	vunpack.c.0.s8.s32 v6;
	v7 =	vunpack.c.0.s8.s32 v7  }
0x8: {  	s2 =	rddreg [dreg:$0x2];
	v8 =	vunpack.c.0.s8.s32 v8;
	v14 =	vunpack.c.0.s8.s32 v14;
	v18 =	vunpack.c.0.s8.s32 v18  }
0x9: {  	s8 =	rddreg [dreg:$0x3];
	v9 =	vsel vm0, v1, v0;
	v0 =	vimm.s32 $0x33221100;
	v1 =	vimm.s32 $0x77665544  }
0xa: {  	s3 =	srdreg.scid;
	s20 =	rddreg [dreg:$0x4];
	v11 =	vsel vm0, v3, v2;
	v2 =	vimm.s32 $0x3D2C1B0A;
	v3 =	vimm.s32 $0x71605F4E  }
0xb: {  	s19 =	stileid.u32;
	s4 =	rddreg [dreg:$0x5];
	s28 =	simm.s32 $0x4E98;
	v17 =	vsel vm0, v7, v6;
	v14 =	vsel vm0, v14, v8;
	v6 =	vimm.s32 $0x302F1E0D  }
0xc: {  	s7 =	simm.s32 $0x0;
	s29 =	simm.s32 $0x6298;
	s30 =	simm.s32 $0x7698;
	v7 =	vimm.s32 $0x74635241;
	v8 =	vimm.s32 $0x38271605;
	v0 =	vunpack.c.0.s8.s32 v0  }
0xd: {  	s31 =	simm.s32 $0x1;
	s3 =	sand.u32 $0x1, s3;
	s11 =	smul.u32 $0x2700, s19;
	v1 =	vunpack.c.0.s8.s32 v1;
	v2 =	vunpack.c.0.s8.s32 v2;
	v3 =	vunpack.c.0.s8.s32 v3  }
0xe: {  	[smem:$0x7FF] =	sst s7;
	s16 =	smul.u32 $0x9C00, s19;
	s25 =	sadd.s32 $0x4920, s4;
	v6 =	vunpack.c.0.s8.s32 v6;
	v7 =	vunpack.c.0.s8.s32 v7;
	v8 =	vunpack.c.0.s8.s32 v8  }
0xf: {  	p0 =	seq.s32 s19, $0xF;
	s5 =	sshll.u32 s3, $0x4;
	s13 =	ssub.s32 $0x2, s3;
	v10 =	vsel vm0, v1, v0;
	v0 =	vunpack.c.0.s8.s32 v4;
	v1 =	vunpack.c.0.s8.s32 v5  }
0x10: {  	p4 =	seq.s32 s3, $0x1;
	s3 =	simm.s32 $0xF898;
	s9 =	sor.u32 s19, s5;
	v13 =	vsel vm0, v3, v2;
	v2 =	vimm.s32 $0x35241302;
	v3 =	vimm.s32 $0x79685746  }
0x11: {  	s5 =	rddreg [dreg:$0x6];
	_ =	strace $0x80000047;
	s15 =	sshrl.u32 s11, $0x3;
	v4 =	vimm.s32 $0x3E2D1C0B;
	v5 =	vimm.s32 $0x7261504F;
	v21 =	vsel vm0, v7, v6  }
0x12: {  	s14 =	sshrl.u32 s13, $0x1;
	[dreg:$0x11] =	wrdreg s25;
	s25 =	simm.s32 $0x28;
	v18 =	vsel vm0, v18, v8;
	v6 =	vimm.s32 $0x7D6C5B4A;
	v7 =	vunpack.c.0.s8.s32 v19  }
0x13: {  	p1 =	por !p4, !p0;
	p2 =	por p4, !p0;
	p3 =	por !p4, p0;
	v8 =	vimm.s32 $0x3221100F;
	v19 =	vimm.s32 $0x76655443;
	v2 =	vunpack.c.0.s8.s32 v2  }
0x14: {  	p4 =	por p4, p0;
	s6 =	smul.u32 $0x1388, s9;
	s17 =	sadd.s32 s15, s2;
	v3 =	vunpack.c.0.s8.s32 v3;
	v4 =	vunpack.c.0.s8.s32 v4;
	v5 =	vunpack.c.0.s8.s32 v5  }
0x15: {  	s18 =	ssub.s32 s13, s14;
	s9 =	smul.u32 $0x13880, s9;
	s13 =	sshrl.u32 s16, $0x2;
	v6 =	vunpack.c.0.s8.s32 v6;
	v8 =	vunpack.c.0.s8.s32 v8;
	v19 =	vunpack.c.0.s8.s32 v19  }
0x16: {  	s21 =	sadd.s32 $0x24900, s5;
	s22 =	sadd.s32 s11, s5;
	s23 =	sadd.s32 s4, s15;
	v12 =	vsel vm0, v1, v0;
	v0 =	vcombine.low v10, v9;
	v9 =	vcombine.low v9, v10  }
0x17: {  	s4 =	simm.s32 $0x8A98;
	s11 =	simm.s32 $0x4;
	[dreg:$0xe] =	wrdreg s22;
	v1 =	vcombine.low v12, v11;
	v15 =	vsel vm0, v3, v2;
	v16 =	vsel vm0, v5, v4  }
0x18: {  	s15 =	simm.s32 $0x3;
	s14 =	sadd.s32 s13, s5;
	[dreg:$0xf] =	wrdreg s23;
	v4 =	vimm.s32 $0x37261504;
	v5 =	vimm.s32 $0x7B6A5948;
	v19 =	vsel vm0, v19, v8  }
0x19: {  	s13 =	sadd.s32 $0x27100, s0;
	s24 =	sadd.s32 $0xAC00, s17;
	[dreg:$0xc] =	wrdreg s21;
	v10 =	vcombine.low v11, v12;
	v2 =	vcombine.low v15, v13;
	v4 =	vunpack.c.0.s8.s32 v4  }
0x1a: {  	s17 =	simm.s32 $0x1388;
	s10 =	sshrl.u32 s6, $0x3;
	[dreg:$0xb] =	wrdreg s14;
	v5 =	vunpack.c.0.s8.s32 v5;
	v11 =	vcombine.low v13, v15;
	v15 =	vshrl.u32 v63, $0x3  }
0x1b: {  	s16 =	sshrl.u32 s9, $0x3;
	s14 =	sadd.s32 $0x27100, s1;
	[dreg:$0x10] =	wrdreg s24;
	v3 =	vcombine.low v17, v16;
	v12 =	vcombine.low v16, v17;
	v15 =	vmul.u32 $0x1400, v15  }
0x1c: {  	s24 =	simm.s32 $0xB298;
	s9 =	simm.s32 $0x2;
	s8 =	sadd.s32 s8, s10;
	v20 =	vsel vm0, v5, v4;
	v4 =	vimm.s32 $0x75645342;
	v5 =	vimm.s32 $0x39281706  }
0x1d: {  	s12 =	sadd.s32 s10, s2;
	s2 =	sadd.s32 $0xF520, s2;
	[dreg:$0xa] =	wrdreg s8;
	v22 =	vunpack.c.0.s8.s32 v4;
	v23 =	vunpack.c.0.s8.s32 v5;
	v4 =	vimm.s32 $0x3A291807  }
0x1e: {  	s10 =	simm.s32 $0xDA98;
	s26 =	sadd.s32 $0xE00, s12;
	[dreg:$0x12] =	wrdreg s2;
	v5 =	vimm.s32 $0x7E6D5C4B;
	v13 =	vcombine.low v14, v20;
	v24 =	vunpack.c.0.s8.s32 v4  }
0x1f: {  	s12 =	sadd.s32 $0x5C20, s12;
	s8 =	sadd.s32 s20, s16;
	[dreg:$0x8] =	wrdreg s26;
	v25 =	vunpack.c.0.s8.s32 v5;
	v4 =	vcombine.low v20, v14;
	v5 =	vcombine.low v18, v21  }
0x20: {  	s2 =	simm.s32 $0x9E98;
	[dreg:$0x9] =	wrdreg s12;
	s8 =	sadd.s32 $0x2300, s8;
	v14 =	vcombine.low v21, v18;
	v22 =	vsel vm0, v22, v7;
	v23 =	vsel vm0, v6, v23  }
0x21: {  	s26 =	smax.u32 s18, $0x1;
	s18 =	simm.s32 $0x0;
	[dreg:$0xd] =	wrdreg s8;
	v24 =	vsel vm0, v25, v24;
	v6 =	vcombine.low v23, v22;
	v16 =	vcombine.low v22, v23  }
0x22: {  	v8 =	vimm.f32 $0.0e+00;
	[dreg:$0x13] =	wrdreg s26;
	s26 =	simm.s32 $0x3A98;
	s8 =	simm.s32 $0xC698;
	v7 =	vcombine.low v24, v19;
	v17 =	vcombine.low v19, v24  }
.LBB2_1:
0x23: {  	[dreg:$0x14] =	wrdreg s18  }
0x24: {  	s12 =	rddreg [dreg:$0x8];
	s16 =	simm.s32 $0x5  }
0x25: {  	[tilespmem:s7], [sflag:$0x5] =	stream.linear.gather [hbm4b:s12+s7], $0x1388, $0x38;
	[tilespmem:$0x129A8] =	vst v63  }
0x26: {  	_ =	swait.ge [sflag:s16], $0x1388  }
0x27: {  	[sflag:s16] =	ssyncset.done $0x0  }
0x28: {  	s20 =	rddreg [dreg:$0x9];
	[sflag:s16] =	ssyncadd.s32 $0xFFFFEC78  }
0x29: {  	[tilespmem:s17], [sflag:$0x5] =	stream.linear.gather [hbm4b:s20+s7], $0x1388, $0x38;
	[tilespmem:$0x129A8] =	vst v63  }
0x2a: {  	_ =	swait.ge [sflag:s16], $0x1388  }
0x2b: {  	[sflag:s16] =	ssyncset.done $0x0  }
0x2c: {  	s23 =	simm.s32 $0x2710;
	s22 =	rddreg [dreg:$0xa];
	[sflag:s16] =	ssyncadd.s32 $0xFFFFEC78  }
0x2d: {  	[tilespmem:s23], [sflag:$0x5] =	stream.linear.gather [hbm4b:s22+s7], $0x1388, $0x38;
	[tilespmem:$0x129A8] =	vst v63  }
0x2e: {  	_ =	swait.ge [sflag:s16], $0x1388  }
0x2f: {  	[sflag:s16] =	ssyncset.done $0x0  }
0x30: {  	s12 =	simm.s32 $0x40;
	[sflag:s16] =	ssyncadd.s32 $0xFFFFEC78;
	s16 =	simm.s32 $0x0  }
.LBB2_2:
0x31: {  	p5 =	sne.s32 s12, $0x9FC0;
	[tilespmem:s16+$0xDA98] =	vst v8;
	s16 =	smov.u32 s12;
	s12 =	sadd.s32 $0x40, s12  }
.Ltmp0:
0x32: {  	(pc) =	sbr.rel @p5 .LBB2_2-.Ltmp0, $2  }
0x33: {  	_ =	sdelay $0x2  }
0x34: {  	s16 =	sshra.s32 s16, $0x2  }
0x35: {  	[tilespmem:s16+$0xDA98] =	vst v8;
	s12 =	simm.s32 @p0 $0xDA98  }
0x36: {  	[spmem:s21] =	stream.linear.scatter @p0 [tilespmem:s12], [sflag:$0x5], $0x2800, $0x38;
	[tilespmem:$0x129A8] =	vst v63  }
0x37: {  	s12 =	simm.s32 @p0 $0x5  }
0x38: {  	_ =	swait.ge @p0 [sflag:s12], $0x2800  }
0x39: {  	[sflag:s12] =	ssyncset.done @p0 $0x0  }
0x3a: {  	s16 =	rddreg [dreg:$0xb];
	[sflag:s12] =	ssyncadd.s32 @p0 $0xFFFFD800;
	s12 =	simm.s32 @!p0 $0xDA98  }
0x3b: {  	[spmem:s16] =	stream.linear.scatter @!p0 [tilespmem:s12], [sflag:$0x5], $0x2700, $0x38;
	[tilespmem:$0x129A8] =	vst v63  }
0x3c: {  	s12 =	simm.s32 @!p0 $0x5  }
0x3d: {  	_ =	swait.ge @!p0 [sflag:s12], $0x2700  }
0x3e: {  	[sflag:s12] =	ssyncset.done @!p0 $0x0  }
0x3f: {  	[sflag:s12] =	ssyncadd.s32 @!p0 $0xFFFFD900  }
0x40: {  	s16 =	simm.s32 $0x0;
	[bflag:$0x0] =	sbarrier.arrive $0xFFFF  }
0x41: {  	[tilespmem:s26], [sflag:$0x1] =	stream.indirect.gather [hbm4b:s0+s25], $0x80, s16, s25, $0xb8;
	[tilespmem:$0x129A8] =	vst v63  }
0x42: {  	_ = 	snop  }
0x43: {  	[tilespmem:s28], [sflag:$0x1] =	stream.indirect.gather [hbm4b:s13+s25], $0x80, s16, s25, $0xb8;
	[tilespmem:$0x129A8] =	vst v63  }
.Ltmp1:
0x44: {  	_ = 	snop;
	(pc) =	sbr.rel .LBB2_4-.Ltmp1, $4  }
0x45: {  	[tilespmem:s29], [sflag:$0x1] =	stream.indirect.gather [hbm4b:s1+s25], $0x80, s17, s25, $0xb8;
	[tilespmem:$0x129A8] =	vst v63  }
0x46: {  	_ = 	snop  }
0x47: {  	[tilespmem:s30], [sflag:$0x1] =	stream.indirect.gather [hbm4b:s14+s25], $0x80, s17, s25, $0xb8;
	[tilespmem:$0x129A8] =	vst v63  }
0x48: {  	s18 =	simm.s32 $0x0;
	s19 =	simm.s32 $0x0;
	s17 =	simm.s32 $0x0  }
.LBB2_10:
0x49: {  	s19 =	sadd.s32 $0x1, s19  }
0x4a: {  	p5 =	sne.s32 s19, $0x3E  }
.Ltmp2:
0x4b: {  	_ = 	snop;
	(pc) =	sbr.rel @!p5 .LBB2_11-.Ltmp2, $2  }
0x4c: {  	_ =	sdelay $0x2  }
0x4d: {  	s18 =	sadd.s32 $0x1, s18;
	s17 =	sadd.s32 $0x2, s17  }
.LBB2_4:
0x4e: {  	_ =	swait.ge [sflag:s31], $0x1400  }
0x4f: {  	[sflag:s31] =	ssyncset.done $0x0  }
0x50: {  	[sflag:s31] =	ssyncadd.s32 $0xFFFFEC00  }
0x51: {  	_ =	swait.ge [sflag:s31], $0x1400  }
0x52: {  	[sflag:s31] =	ssyncset.done $0x0  }
0x53: {  	[sflag:s31] =	ssyncadd.s32 $0xFFFFEC00  }
0x54: {  	_ =	swait.ge [sflag:s31], $0x1400  }
0x55: {  	[sflag:s31] =	ssyncset.done $0x0  }
0x56: {  	[sflag:s31] =	ssyncadd.s32 $0xFFFFEC00  }
0x57: {  	s21 =	sshllo.u32 s19, $0x1;
	_ =	swait.ge [sflag:s31], $0x1400  }
0x58: {  	s20 =	smul.u32 $0x28, s21;
	[sflag:s31] =	ssyncset.done $0x0  }
0x59: {  	v18 =	vmov s16;
	[sflag:s31] =	ssyncadd.s32 $0xFFFFEC00  }
0x5a: {  	v18 =	vshll.u32 v18, $0x7;
	[tilespmem:s4], [sflag:$0x2] =	stream.indirect.gather [hbm4b:s0+s25], $0x80, s20, s25, $0xb8;
	[tilespmem:$0x129A8] =	vst v63  }
0x5b: {  	v18 =	vadd.s32 v15, v18  }
0x5c: {  	v19 =	vor.u32 v0, v18;
	[tilespmem:s2], [sflag:$0x2] =	stream.indirect.gather [hbm4b:s13+s25], $0x80, s20, s25, $0xb8;
	[tilespmem:$0x129A8] =	vst v63  }
0x5d: {  	s12 =	sadd.s32 $0x1388, s20  }
0x5e: {  	[tilespmem:s24], [sflag:$0x2] =	stream.indirect.gather [hbm4b:s1+s25], $0x80, s12, s25, $0xb8;
	[tilespmem:$0x129A8] =	vst v63  }
0x5f: {  	_ = 	snop  }
0x60: {  	v20 =	vor.u32 v1, v18;
	[tilespmem:s8], [sflag:$0x2] =	stream.indirect.gather [hbm4b:s14+s25], $0x80, s12, s25, $0xb8;
	[tilespmem:$0x129A8] =	vst v63  }
0x61: {  	v21 =	vld.idx.msk [tilespmem:v19+s26+$0x0], $0xffff  }
0x62: {  	v19 =	vld.idx.msk [tilespmem:v19+s29+$0x0], $0xffff;
	_ =	sdelay $0x1  }
0x63: {  	v22 =	vor.u32 v2, v18  }
0x64: {  	v23 =	vld.idx.msk [tilespmem:v20+s26+$0x0], $0xffff  }
0x65: {  	v20 =	vld.idx.msk [tilespmem:v20+s29+$0x0], $0xffff  }
0x66: {  	v24 =	vshll.u32 v21, $0x10;
	v25 =	vshll.u32 v19, $0x10  }
0x67: {  	v26 =	vor.u32 v3, v18;
	v24 =	vmul.f32 v25, v24  }
0x68: {  	v61 =	vld.idx.msk [tilespmem:v22+s26+$0x0], $0xffff;
	v21 =	vand.u32 $0xFFFF0000, v21;
	v19 =	vand.u32 $0xFFFF0000, v19  }
0x69: {  	v22 =	vld.idx.msk [tilespmem:v22+s29+$0x0], $0xffff;
	v19 =	vmul.f32 v19, v21;
	v24 =	vadd.f32 $0.0e+00, v24  }
0x6a: {  	v62 =	vshll.u32 v23, $0x10;
	v27 =	vshll.u32 v20, $0x10  }
0x6b: {  	v28 =	vor.u32 v4, v18;
	v21 =	vmul.f32 v27, v62;
	v19 =	vadd.f32 v24, v19  }
0x6c: {  	v63 =	vld.idx.msk [tilespmem:v26+s26+$0x0], $0xffff;
	v23 =	vand.u32 $0xFFFF0000, v23;
	v20 =	vand.u32 $0xFFFF0000, v20  }
0x6d: {  	v26 =	vld.idx.msk [tilespmem:v26+s29+$0x0], $0xffff;
	v20 =	vmul.f32 v20, v23;
	v19 =	vadd.f32 v21, v19  }
0x6e: {  	v31 =	vshll.u32 v61, $0x10;
	v32 =	vshll.u32 v22, $0x10  }
0x6f: {  	v33 =	vor.u32 v5, v18;
	v19 =	vadd.f32 v19, v20;
	v20 =	vmul.f32 v32, v31  }
0x70: {  	v34 =	vld.idx.msk [tilespmem:v28+s26+$0x0], $0xffff;
	v35 =	vand.u32 $0xFFFF0000, v61;
	v22 =	vand.u32 $0xFFFF0000, v22  }
0x71: {  	v36 =	vld.idx.msk [tilespmem:v28+s29+$0x0], $0xffff;
	v19 =	vadd.f32 v20, v19;
	v20 =	vmul.f32 v22, v35  }
0x72: {  	v37 =	vshll.u32 v63, $0x10;
	v38 =	vshll.u32 v26, $0x10  }
0x73: {  	v39 =	vor.u32 v6, v18;
	v19 =	vadd.f32 v19, v20;
	v20 =	vmul.f32 v38, v37  }
0x74: {  	v40 =	vld.idx.msk [tilespmem:v33+s26+$0x0], $0xffff;
	v41 =	vand.u32 $0xFFFF0000, v63;
	v42 =	vand.u32 $0xFFFF0000, v26  }
0x75: {  	v43 =	vld.idx.msk [tilespmem:v33+s29+$0x0], $0xffff;
	v19 =	vadd.f32 v20, v19;
	v20 =	vmul.f32 v42, v41  }
0x76: {  	v44 =	vshll.u32 v34, $0x10;
	v45 =	vshll.u32 v36, $0x10  }
0x77: {  	v46 =	vor.u32 v7, v18;
	v19 =	vadd.f32 v19, v20;
	v20 =	vmul.f32 v45, v44  }
0x78: {  	v47 =	vld.idx.msk [tilespmem:v39+s26+$0x0], $0xffff;
	v48 =	vand.u32 $0xFFFF0000, v36;
	v21 =	vand.u32 $0xFFFF0000, v34  }
0x79: {  	v49 =	vld.idx.msk [tilespmem:v39+s29+$0x0], $0xffff;
	v19 =	vadd.f32 v20, v19;
	v20 =	vmul.f32 v48, v21  }
0x7a: {  	v50 =	vshll.u32 v40, $0x10;
	v51 =	vshll.u32 v43, $0x10  }
0x7b: {  	v52 =	vor.u32 v9, v18;
	v19 =	vadd.f32 v19, v20;
	v20 =	vmul.f32 v51, v50  }
0x7c: {  	v53 =	vld.idx.msk [tilespmem:v46+s26+$0x0], $0xffff;
	v54 =	vand.u32 $0xFFFF0000, v43;
	v22 =	vand.u32 $0xFFFF0000, v40  }
0x7d: {  	v55 =	vld.idx.msk [tilespmem:v46+s29+$0x0], $0xffff;
	v19 =	vadd.f32 v20, v19;
	v20 =	vmul.f32 v54, v22  }
0x7e: {  	v56 =	vshll.u32 v47, $0x10;
	v57 =	vshll.u32 v49, $0x10  }
0x7f: {  	v58 =	vor.u32 v10, v18;
	v19 =	vadd.f32 v19, v20;
	v20 =	vmul.f32 v57, v56  }
0x80: {  	v59 =	vld.idx.msk [tilespmem:v52+s26+$0x0], $0xffff;
	v60 =	vand.u32 $0xFFFF0000, v49;
	v23 =	vand.u32 $0xFFFF0000, v47  }
0x81: {  	v61 =	vld.idx.msk [tilespmem:v52+s29+$0x0], $0xffff;
	v19 =	vadd.f32 v20, v19;
	v20 =	vmul.f32 v60, v23  }
0x82: {  	v63 =	vshll.u32 v55, $0x10;
	v62 =	vshll.u32 v53, $0x10  }
0x83: {  	v32 =	vor.u32 v11, v18;
	v19 =	vadd.f32 v19, v20;
	v20 =	vmul.f32 v63, v62  }
0x84: {  	v33 =	vld.idx.msk [tilespmem:v58+s26+$0x0], $0xffff;
	v34 =	vand.u32 $0xFFFF0000, v55;
	v21 =	vand.u32 $0xFFFF0000, v53  }
0x85: {  	v35 =	vld.idx.msk [tilespmem:v58+s29+$0x0], $0xffff;
	v19 =	vadd.f32 v20, v19;
	v20 =	vmul.f32 v34, v21  }
0x86: {  	v36 =	vshll.u32 v59, $0x10;
	v37 =	vshll.u32 v61, $0x10  }
0x87: {  	v38 =	vor.u32 v12, v18;
	v19 =	vadd.f32 v19, v20;
	v20 =	vmul.f32 v37, v36  }
0x88: {  	v40 =	vand.u32 $0xFFFF0000, v61;
	v39 =	vld.idx.msk [tilespmem:v32+s26+$0x0], $0xffff;
	v22 =	vand.u32 $0xFFFF0000, v59  }
0x89: {  	v41 =	vld.idx.msk [tilespmem:v32+s29+$0x0], $0xffff;
	v19 =	vadd.f32 v20, v19;
	v20 =	vmul.f32 v40, v22  }
0x8a: {  	v42 =	vshll.u32 v33, $0x10;
	v43 =	vshll.u32 v35, $0x10  }
0x8b: {  	v44 =	vor.u32 v13, v18;
	v19 =	vadd.f32 v19, v20;
	v20 =	vmul.f32 v43, v42  }
0x8c: {  	v46 =	vand.u32 $0xFFFF0000, v35;
	v45 =	vld.idx.msk [tilespmem:v38+s26+$0x0], $0xffff;
	v23 =	vand.u32 $0xFFFF0000, v33  }
0x8d: {  	v47 =	vld.idx.msk [tilespmem:v38+s29+$0x0], $0xffff;
	v19 =	vadd.f32 v20, v19;
	v20 =	vmul.f32 v46, v23  }
0x8e: {  	v48 =	vshll.u32 v39, $0x10;
	v49 =	vshll.u32 v41, $0x10  }
0x8f: {  	v50 =	vor.u32 v14, v18;
	v19 =	vadd.f32 v19, v20;
	v20 =	vmul.f32 v49, v48  }
0x90: {  	v52 =	vand.u32 $0xFFFF0000, v41;
	v51 =	vld.idx.msk [tilespmem:v44+s26+$0x0], $0xffff;
	v21 =	vand.u32 $0xFFFF0000, v39  }
0x91: {  	v53 =	vld.idx.msk [tilespmem:v44+s29+$0x0], $0xffff;
	v19 =	vadd.f32 v20, v19;
	v20 =	vmul.f32 v52, v21  }
0x92: {  	v54 =	vshll.u32 v45, $0x10;
	v55 =	vshll.u32 v47, $0x10  }
0x93: {  	v56 =	vor.u32 v16, v18;
	v19 =	vadd.f32 v19, v20;
	v20 =	vmul.f32 v55, v54  }
0x94: {  	v58 =	vand.u32 $0xFFFF0000, v47;
	v57 =	vld.idx.msk [tilespmem:v50+s26+$0x0], $0xffff;
	v22 =	vand.u32 $0xFFFF0000, v45  }
0x95: {  	v59 =	vld.idx.msk [tilespmem:v50+s29+$0x0], $0xffff;
	v19 =	vadd.f32 v20, v19;
	v20 =	vmul.f32 v58, v22  }
0x96: {  	v60 =	vshll.u32 v51, $0x10;
	v61 =	vshll.u32 v53, $0x10  }
0x97: {  	v18 =	vor.u32 v17, v18;
	v19 =	vadd.f32 v19, v20;
	v20 =	vmul.f32 v61, v60  }
0x98: {  	v63 =	vand.u32 $0xFFFF0000, v53;
	v62 =	vld.idx.msk [tilespmem:v56+s26+$0x0], $0xffff;
	v23 =	vand.u32 $0xFFFF0000, v51  }
0x99: {  	v29 =	vld.idx.msk [tilespmem:v56+s29+$0x0], $0xffff;
	v19 =	vadd.f32 v20, v19;
	v20 =	vmul.f32 v63, v23  }
0x9a: {  	v30 =	vshll.u32 v57, $0x10;
	v31 =	vshll.u32 v59, $0x10  }
0x9b: {  	v19 =	vadd.f32 v19, v20;
	v20 =	vmul.f32 v31, v30  }
0x9c: {  	v32 =	vld.idx.msk [tilespmem:v18+s26+$0x0], $0xffff;
	v33 =	vand.u32 $0xFFFF0000, v59;
	v21 =	vand.u32 $0xFFFF0000, v57  }
0x9d: {  	v18 =	vld.idx.msk [tilespmem:v18+s29+$0x0], $0xffff;
	v19 =	vadd.f32 v20, v19;
	v20 =	vmul.f32 v33, v21  }
0x9e: {  	v34 =	vshll.u32 v62, $0x10;
	v35 =	vshll.u32 v29, $0x10  }
0x9f: {  	v19 =	vadd.f32 v19, v20;
	v20 =	vmul.f32 v35, v34  }
0xa0: {  	v36 =	vand.u32 $0xFFFF0000, v62;
	v37 =	vand.u32 $0xFFFF0000, v29  }
0xa1: {  	v19 =	vadd.f32 v20, v19;
	v20 =	vmul.f32 v37, v36  }
0xa2: {  	v38 =	vshll.u32 v32, $0x10;
	v39 =	vshll.u32 v18, $0x10  }
0xa3: {  	v19 =	vadd.f32 v19, v20;
	v20 =	vmul.f32 v39, v38  }
0xa4: {  	v40 =	vand.u32 $0xFFFF0000, v32;
	v18 =	vand.u32 $0xFFFF0000, v18  }
0xa5: {  	v18 =	vmul.f32 v18, v40;
	v19 =	vadd.f32 v20, v19;
	_ =	sdelay $0x1  }
0xa6: {  	v18 =	vadd.f32 v19, v18;
	_ =	sdelay $0x1  }
0xa7: {  	v18 =	vmul.f32 $1.767766920e-01, v18;
	_ =	sdelay $0x1  }
0xa8: {  	v18 =	vmul.f32 $1.442695020e+00, v18;
	_ =	sdelay $0x1  }
0xa9: {  	(erf) = vpow2.f32 v18;
	_ =	sdelay $0x1  }
0xaa: {  	s22 =	simm.s32 $0x1  }
0xab: {  	v18 =	vmov s22  }
0xac: {  	v18 =	vshll.u32 v18, $0x7  }
0xad: {  	s23 =	sand.u32 $0x7, s18;
	v18 =	vadd.s32 v15, v18  }
0xae: {  	s12 =	smul.u32 $0x1400, s23;
	v19 =	vor.u32 v0, v18;
	_ =	sdelay $0x1  }
0xaf: {  	s12 =	sshrl.u32 s12, $0x2  }
0xb0: {  	s12 =	sadd.s32 $0xDA98, s12;
	v20 =	vpop (erf)  }
0xb1: {  	v41 =	vor.u32 v1, v18;
	[tilespmem:s12+$0x0] =	vst v20  }
0xb2: {  	v20 =	vld.idx.msk [tilespmem:v19+s26+$0x0], $0xffff  }
0xb3: {  	v19 =	vld.idx.msk [tilespmem:v19+s29+$0x0], $0xffff;
	_ =	sdelay $0x1  }
0xb4: {  	v42 =	vor.u32 v2, v18  }
0xb5: {  	v43 =	vld.idx.msk [tilespmem:v41+s26+$0x0], $0xffff  }
0xb6: {  	v21 =	vld.idx.msk [tilespmem:v41+s29+$0x0], $0xffff  }
0xb7: {  	v44 =	vshll.u32 v20, $0x10;
	v45 =	vshll.u32 v19, $0x10  }
0xb8: {  	v46 =	vor.u32 v3, v18;
	v24 =	vmul.f32 v45, v44  }
0xb9: {  	v47 =	vld.idx.msk [tilespmem:v42+s26+$0x0], $0xffff;
	v20 =	vand.u32 $0xFFFF0000, v20;
	v19 =	vand.u32 $0xFFFF0000, v19  }
0xba: {  	v22 =	vld.idx.msk [tilespmem:v42+s29+$0x0], $0xffff;
	v19 =	vmul.f32 v19, v20;
	v24 =	vadd.f32 $0.0e+00, v24  }
0xbb: {  	v48 =	vshll.u32 v21, $0x10;
	v20 =	vshll.u32 v43, $0x10  }
0xbc: {  	v49 =	vor.u32 v4, v18;
	v20 =	vmul.f32 v48, v20;
	v19 =	vadd.f32 v24, v19  }
0xbd: {  	v50 =	vld.idx.msk [tilespmem:v46+s26+$0x0], $0xffff;
	v23 =	vand.u32 $0xFFFF0000, v43;
	v21 =	vand.u32 $0xFFFF0000, v21  }
0xbe: {  	v26 =	vld.idx.msk [tilespmem:v46+s29+$0x0], $0xffff;
	v19 =	vadd.f32 v20, v19;
	v20 =	vmul.f32 v21, v23  }
0xbf: {  	v51 =	vshll.u32 v47, $0x10;
	v52 =	vshll.u32 v22, $0x10  }
0xc0: {  	v53 =	vor.u32 v5, v18;
	v19 =	vadd.f32 v19, v20;
	v20 =	vmul.f32 v52, v51  }
0xc1: {  	v54 =	vld.idx.msk [tilespmem:v49+s26+$0x0], $0xffff;
	v55 =	vand.u32 $0xFFFF0000, v47;
	v22 =	vand.u32 $0xFFFF0000, v22  }
0xc2: {  	v56 =	vld.idx.msk [tilespmem:v49+s29+$0x0], $0xffff;
	v19 =	vadd.f32 v20, v19;
	v20 =	vmul.f32 v22, v55  }
0xc3: {  	v57 =	vshll.u32 v50, $0x10;
	v58 =	vshll.u32 v26, $0x10  }
0xc4: {  	v59 =	vor.u32 v6, v18;
	v19 =	vadd.f32 v19, v20;
	v20 =	vmul.f32 v58, v57  }
0xc5: {  	v60 =	vld.idx.msk [tilespmem:v53+s26+$0x0], $0xffff;
	v61 =	vand.u32 $0xFFFF0000, v50;
	v62 =	vand.u32 $0xFFFF0000, v26  }
0xc6: {  	v63 =	vld.idx.msk [tilespmem:v53+s29+$0x0], $0xffff;
	v19 =	vadd.f32 v20, v19;
	v20 =	vmul.f32 v62, v61  }
0xc7: {  	v32 =	vshll.u32 v54, $0x10;
	v33 =	vshll.u32 v56, $0x10  }
0xc8: {  	v34 =	vor.u32 v7, v18;
	v19 =	vadd.f32 v19, v20;
	v20 =	vmul.f32 v33, v32  }
0xc9: {  	v35 =	vld.idx.msk [tilespmem:v59+s26+$0x0], $0xffff;
	v36 =	vand.u32 $0xFFFF0000, v56;
	v21 =	vand.u32 $0xFFFF0000, v54  }
0xca: {  	v37 =	vld.idx.msk [tilespmem:v59+s29+$0x0], $0xffff;
	v19 =	vadd.f32 v20, v19;
	v20 =	vmul.f32 v36, v21  }
0xcb: {  	v38 =	vshll.u32 v60, $0x10;
	v39 =	vshll.u32 v63, $0x10  }
0xcc: {  	v40 =	vor.u32 v9, v18;
	v19 =	vadd.f32 v19, v20;
	v20 =	vmul.f32 v39, v38  }
0xcd: {  	v41 =	vld.idx.msk [tilespmem:v34+s26+$0x0], $0xffff;
	v42 =	vand.u32 $0xFFFF0000, v63;
	v22 =	vand.u32 $0xFFFF0000, v60  }
0xce: {  	v43 =	vld.idx.msk [tilespmem:v34+s29+$0x0], $0xffff;
	v19 =	vadd.f32 v20, v19;
	v20 =	vmul.f32 v42, v22  }
0xcf: {  	v44 =	vshll.u32 v35, $0x10;
	v45 =	vshll.u32 v37, $0x10  }
0xd0: {  	v46 =	vor.u32 v10, v18;
	v19 =	vadd.f32 v19, v20;
	v20 =	vmul.f32 v45, v44  }
0xd1: {  	v49 =	vld.idx.msk [tilespmem:v40+s29+$0x0], $0xffff;
	v48 =	vand.u32 $0xFFFF0000, v37;
	v23 =	vand.u32 $0xFFFF0000, v35  }
0xd2: {  	v47 =	vld.idx.msk [tilespmem:v40+s26+$0x0], $0xffff;
	v19 =	vadd.f32 v20, v19;
	v20 =	vmul.f32 v48, v23  }
0xd3: {  	v50 =	vshll.u32 v41, $0x10;
	v51 =	vshll.u32 v43, $0x10  }
0xd4: {  	v52 =	vor.u32 v11, v18;
	v19 =	vadd.f32 v19, v20;
	v20 =	vmul.f32 v51, v50  }
0xd5: {  	v53 =	vld.idx.msk [tilespmem:v46+s26+$0x0], $0xffff;
	v54 =	vand.u32 $0xFFFF0000, v43;
	v21 =	vand.u32 $0xFFFF0000, v41  }
0xd6: {  	v55 =	vld.idx.msk [tilespmem:v46+s29+$0x0], $0xffff;
	v19 =	vadd.f32 v20, v19;
	v20 =	vmul.f32 v54, v21  }
0xd7: {  	v56 =	vshll.u32 v47, $0x10;
	v57 =	vshll.u32 v49, $0x10  }
0xd8: {  	v58 =	vor.u32 v12, v18;
	v19 =	vadd.f32 v19, v20;
	v20 =	vmul.f32 v57, v56  }
0xd9: {  	v60 =	vand.u32 $0xFFFF0000, v49;
	v59 =	vld.idx.msk [tilespmem:v52+s26+$0x0], $0xffff;
	v22 =	vand.u32 $0xFFFF0000, v47  }
0xda: {  	v61 =	vld.idx.msk [tilespmem:v52+s29+$0x0], $0xffff;
	v19 =	vadd.f32 v20, v19;
	v20 =	vmul.f32 v60, v22  }
0xdb: {  	v62 =	vshll.u32 v53, $0x10;
	v63 =	vshll.u32 v55, $0x10  }
0xdc: {  	v32 =	vor.u32 v13, v18;
	v19 =	vadd.f32 v19, v20;
	v20 =	vmul.f32 v63, v62  }
0xdd: {  	v34 =	vand.u32 $0xFFFF0000, v55;
	v33 =	vld.idx.msk [tilespmem:v58+s26+$0x0], $0xffff;
	v23 =	vand.u32 $0xFFFF0000, v53  }
0xde: {  	v35 =	vld.idx.msk [tilespmem:v58+s29+$0x0], $0xffff;
	v19 =	vadd.f32 v20, v19;
	v20 =	vmul.f32 v34, v23  }
0xdf: {  	v36 =	vshll.u32 v59, $0x10;
	v37 =	vshll.u32 v61, $0x10  }
0xe0: {  	v38 =	vor.u32 v14, v18;
	v19 =	vadd.f32 v19, v20;
	v20 =	vmul.f32 v37, v36  }
0xe1: {  	v40 =	vand.u32 $0xFFFF0000, v61;
	v39 =	vld.idx.msk [tilespmem:v32+s26+$0x0], $0xffff;
	v21 =	vand.u32 $0xFFFF0000, v59  }
0xe2: {  	v41 =	vld.idx.msk [tilespmem:v32+s29+$0x0], $0xffff;
	v19 =	vadd.f32 v20, v19;
	v20 =	vmul.f32 v40, v21  }
0xe3: {  	v42 =	vshll.u32 v33, $0x10;
	v43 =	vshll.u32 v35, $0x10  }
0xe4: {  	v44 =	vor.u32 v16, v18;
	v19 =	vadd.f32 v19, v20;
	v20 =	vmul.f32 v43, v42  }
0xe5: {  	v46 =	vand.u32 $0xFFFF0000, v35;
	v45 =	vld.idx.msk [tilespmem:v38+s26+$0x0], $0xffff;
	v22 =	vand.u32 $0xFFFF0000, v33  }
0xe6: {  	v47 =	vld.idx.msk [tilespmem:v38+s29+$0x0], $0xffff;
	v19 =	vadd.f32 v20, v19;
	v20 =	vmul.f32 v46, v22  }
0xe7: {  	v48 =	vshll.u32 v39, $0x10;
	v49 =	vshll.u32 v41, $0x10  }
0xe8: {  	v18 =	vor.u32 v17, v18;
	v19 =	vadd.f32 v19, v20;
	v20 =	vmul.f32 v49, v48  }
0xe9: {  	v51 =	vand.u32 $0xFFFF0000, v41;
	v50 =	vld.idx.msk [tilespmem:v44+s26+$0x0], $0xffff;
	v23 =	vand.u32 $0xFFFF0000, v39  }
0xea: {  	v52 =	vld.idx.msk [tilespmem:v44+s29+$0x0], $0xffff;
	v19 =	vadd.f32 v20, v19;
	v20 =	vmul.f32 v51, v23  }
0xeb: {  	v53 =	vshll.u32 v45, $0x10;
	v54 =	vshll.u32 v47, $0x10  }
0xec: {  	v19 =	vadd.f32 v19, v20;
	v20 =	vmul.f32 v54, v53  }
0xed: {  	v55 =	vld.idx.msk [tilespmem:v18+s26+$0x0], $0xffff;
	v56 =	vand.u32 $0xFFFF0000, v47;
	v21 =	vand.u32 $0xFFFF0000, v45  }
0xee: {  	v18 =	vld.idx.msk [tilespmem:v18+s29+$0x0], $0xffff;
	v19 =	vadd.f32 v20, v19;
	v20 =	vmul.f32 v56, v21  }
0xef: {  	v57 =	vshll.u32 v50, $0x10;
	v58 =	vshll.u32 v52, $0x10  }
0xf0: {  	v19 =	vadd.f32 v19, v20;
	v20 =	vmul.f32 v58, v57  }
0xf1: {  	v59 =	vand.u32 $0xFFFF0000, v50;
	v60 =	vand.u32 $0xFFFF0000, v52  }
0xf2: {  	v19 =	vadd.f32 v20, v19;
	v20 =	vmul.f32 v60, v59  }
0xf3: {  	v61 =	vshll.u32 v55, $0x10;
	v62 =	vshll.u32 v18, $0x10  }
0xf4: {  	v19 =	vadd.f32 v19, v20;
	v20 =	vmul.f32 v62, v61  }
0xf5: {  	v63 =	vand.u32 $0xFFFF0000, v55;
	v18 =	vand.u32 $0xFFFF0000, v18  }
0xf6: {  	v18 =	vmul.f32 v18, v63;
	v19 =	vadd.f32 v20, v19;
	_ =	sdelay $0x1  }
0xf7: {  	v18 =	vadd.f32 v19, v18;
	_ =	sdelay $0x1  }
0xf8: {  	v18 =	vmul.f32 $1.767766920e-01, v18;
	_ =	sdelay $0x1  }
0xf9: {  	v18 =	vmul.f32 $1.442695020e+00, v18;
	_ =	sdelay $0x1  }
0xfa: {  	s22 =	sand.u32 $0xF, s17;
	(erf) = vpow2.f32 v18  }
0xfb: {  	s22 =	smul.u32 $0xA00, s22  }
0xfc: {  	s23 =	simm.s32 $0x2  }
0xfd: {  	s22 =	sshrl.u32 s22, $0x2;
	v19 =	vmov s23  }
0xfe: {  	s23 =	sadd.s32 $0xDD18, s22;
	s22 =	simm.s32 $0x3;
	v18 =	vshll.u32 v19, $0x7  }
.LBB2_5:
0xff: {  	p5 =	sne.s32 s22, $0x27;
	v18 =	vadd.s32 v15, v18  }
0x100: {  	v19 =	vor.u32 v0, v18;
	_ =	sdelay $0x2  }
0x101: {  	s12 =	sadd.s32 $0x10, s12;
	v20 =	vpop (erf)  }
0x102: {  	v21 =	vor.u32 v1, v18;
	[tilespmem:s12+$0x0] =	vst v20  }
0x103: {  	v20 =	vld.idx.msk [tilespmem:v19+s26+$0x0], $0xffff  }
0x104: {  	v19 =	vld.idx.msk [tilespmem:v19+s29+$0x0], $0xffff;
	_ =	sdelay $0x1  }
0x105: {  	v22 =	vor.u32 v2, v18  }
0x106: {  	v23 =	vld.idx.msk [tilespmem:v21+s26+$0x0], $0xffff  }
0x107: {  	v21 =	vld.idx.msk [tilespmem:v21+s29+$0x0], $0xffff;
	_ =	sdelay $0x1  }
0x108: {  	v26 =	vor.u32 v3, v18;
	v24 =	vshll.u32 v20, $0x10;
	v25 =	vshll.u32 v19, $0x10  }
0x109: {  	v24 =	vmul.f32 v25, v24;
	v25 =	vld.idx.msk [tilespmem:v22+s26+$0x0], $0xffff  }
0x10a: {  	v20 =	vand.u32 $0xFFFF0000, v20;
	v19 =	vand.u32 $0xFFFF0000, v19;
	v22 =	vld.idx.msk [tilespmem:v22+s29+$0x0], $0xffff  }
0x10b: {  	v19 =	vmul.f32 v19, v20;
	v24 =	vadd.f32 $0.0e+00, v24  }
0x10c: {  	v28 =	vor.u32 v4, v18;
	v20 =	vshll.u32 v23, $0x10;
	v27 =	vshll.u32 v21, $0x10  }
0x10d: {  	v19 =	vadd.f32 v24, v19;
	v20 =	vmul.f32 v27, v20;
	v24 =	vld.idx.msk [tilespmem:v26+s26+$0x0], $0xffff  }
0x10e: {  	v23 =	vand.u32 $0xFFFF0000, v23;
	v21 =	vand.u32 $0xFFFF0000, v21;
	v26 =	vld.idx.msk [tilespmem:v26+s29+$0x0], $0xffff  }
0x10f: {  	v19 =	vadd.f32 v20, v19;
	v20 =	vmul.f32 v21, v23  }
0x110: {  	v27 =	vor.u32 v5, v18;
	v21 =	vshll.u32 v25, $0x10;
	v23 =	vshll.u32 v22, $0x10  }
0x111: {  	v19 =	vadd.f32 v19, v20;
	v20 =	vmul.f32 v23, v21;
	v21 =	vld.idx.msk [tilespmem:v28+s26+$0x0], $0xffff  }
0x112: {  	v22 =	vand.u32 $0xFFFF0000, v22;
	v23 =	vand.u32 $0xFFFF0000, v25;
	v25 =	vld.idx.msk [tilespmem:v28+s29+$0x0], $0xffff  }
0x113: {  	v19 =	vadd.f32 v20, v19;
	v20 =	vmul.f32 v22, v23  }
0x114: {  	v22 =	vshll.u32 v24, $0x10;
	v28 =	vor.u32 v6, v18;
	v23 =	vshll.u32 v26, $0x10  }
0x115: {  	v19 =	vadd.f32 v19, v20;
	v20 =	vmul.f32 v23, v22;
	v22 =	vld.idx.msk [tilespmem:v27+s26+$0x0], $0xffff  }
0x116: {  	v23 =	vand.u32 $0xFFFF0000, v24;
	v24 =	vand.u32 $0xFFFF0000, v26;
	v26 =	vld.idx.msk [tilespmem:v27+s29+$0x0], $0xffff  }
0x117: {  	v19 =	vadd.f32 v20, v19;
	v20 =	vmul.f32 v24, v23  }
0x118: {  	v23 =	vshll.u32 v21, $0x10;
	v27 =	vor.u32 v7, v18;
	v24 =	vshll.u32 v25, $0x10  }
0x119: {  	v19 =	vadd.f32 v19, v20;
	v20 =	vmul.f32 v24, v23;
	v23 =	vld.idx.msk [tilespmem:v28+s26+$0x0], $0xffff  }
0x11a: {  	v21 =	vand.u32 $0xFFFF0000, v21;
	v24 =	vand.u32 $0xFFFF0000, v25;
	v25 =	vld.idx.msk [tilespmem:v28+s29+$0x0], $0xffff  }
0x11b: {  	v19 =	vadd.f32 v20, v19;
	v20 =	vmul.f32 v24, v21  }
0x11c: {  	v21 =	vshll.u32 v22, $0x10;
	v28 =	vor.u32 v9, v18;
	v24 =	vshll.u32 v26, $0x10  }
0x11d: {  	v19 =	vadd.f32 v19, v20;
	v20 =	vmul.f32 v24, v21;
	v21 =	vld.idx.msk [tilespmem:v27+s26+$0x0], $0xffff  }
0x11e: {  	v22 =	vand.u32 $0xFFFF0000, v22;
	v24 =	vand.u32 $0xFFFF0000, v26;
	v26 =	vld.idx.msk [tilespmem:v27+s29+$0x0], $0xffff  }
0x11f: {  	v19 =	vadd.f32 v20, v19;
	v20 =	vmul.f32 v24, v22  }
0x120: {  	v22 =	vshll.u32 v23, $0x10;
	v27 =	vor.u32 v10, v18;
	v24 =	vshll.u32 v25, $0x10  }
0x121: {  	v19 =	vadd.f32 v19, v20;
	v20 =	vmul.f32 v24, v22;
	v22 =	vld.idx.msk [tilespmem:v28+s26+$0x0], $0xffff  }
0x122: {  	v23 =	vand.u32 $0xFFFF0000, v23;
	v24 =	vand.u32 $0xFFFF0000, v25;
	v25 =	vld.idx.msk [tilespmem:v28+s29+$0x0], $0xffff  }
0x123: {  	v19 =	vadd.f32 v20, v19;
	v20 =	vmul.f32 v24, v23  }
0x124: {  	v23 =	vshll.u32 v21, $0x10;
	v28 =	vor.u32 v11, v18;
	v24 =	vshll.u32 v26, $0x10  }
0x125: {  	v19 =	vadd.f32 v19, v20;
	v20 =	vmul.f32 v24, v23;
	v23 =	vld.idx.msk [tilespmem:v27+s26+$0x0], $0xffff  }
0x126: {  	v21 =	vand.u32 $0xFFFF0000, v21;
	v24 =	vand.u32 $0xFFFF0000, v26;
	v26 =	vld.idx.msk [tilespmem:v27+s29+$0x0], $0xffff  }
0x127: {  	v19 =	vadd.f32 v20, v19;
	v20 =	vmul.f32 v24, v21  }
0x128: {  	v21 =	vshll.u32 v22, $0x10;
	v27 =	vor.u32 v12, v18;
	v24 =	vshll.u32 v25, $0x10  }
0x129: {  	v19 =	vadd.f32 v19, v20;
	v20 =	vmul.f32 v24, v21;
	v21 =	vld.idx.msk [tilespmem:v28+s26+$0x0], $0xffff  }
0x12a: {  	v22 =	vand.u32 $0xFFFF0000, v22;
	v24 =	vand.u32 $0xFFFF0000, v25;
	v25 =	vld.idx.msk [tilespmem:v28+s29+$0x0], $0xffff  }
0x12b: {  	v19 =	vadd.f32 v20, v19;
	v20 =	vmul.f32 v24, v22  }
0x12c: {  	v22 =	vshll.u32 v23, $0x10;
	v28 =	vor.u32 v13, v18;
	v24 =	vshll.u32 v26, $0x10  }
0x12d: {  	v19 =	vadd.f32 v19, v20;
	v20 =	vmul.f32 v24, v22;
	v22 =	vld.idx.msk [tilespmem:v27+s26+$0x0], $0xffff  }
0x12e: {  	v23 =	vand.u32 $0xFFFF0000, v23;
	v24 =	vand.u32 $0xFFFF0000, v26;
	v26 =	vld.idx.msk [tilespmem:v27+s29+$0x0], $0xffff  }
0x12f: {  	v19 =	vadd.f32 v20, v19;
	v20 =	vmul.f32 v24, v23  }
0x130: {  	v23 =	vshll.u32 v21, $0x10;
	v27 =	vor.u32 v14, v18;
	v24 =	vshll.u32 v25, $0x10  }
0x131: {  	v19 =	vadd.f32 v19, v20;
	v20 =	vmul.f32 v24, v23;
	v23 =	vld.idx.msk [tilespmem:v28+s26+$0x0], $0xffff  }
0x132: {  	v21 =	vand.u32 $0xFFFF0000, v21;
	v24 =	vand.u32 $0xFFFF0000, v25;
	v25 =	vld.idx.msk [tilespmem:v28+s29+$0x0], $0xffff  }
0x133: {  	v19 =	vadd.f32 v20, v19;
	v20 =	vmul.f32 v24, v21  }
0x134: {  	v21 =	vshll.u32 v22, $0x10;
	v28 =	vor.u32 v16, v18;
	v24 =	vshll.u32 v26, $0x10  }
0x135: {  	v19 =	vadd.f32 v19, v20;
	v20 =	vmul.f32 v24, v21;
	v21 =	vld.idx.msk [tilespmem:v27+s26+$0x0], $0xffff  }
0x136: {  	v22 =	vand.u32 $0xFFFF0000, v22;
	v24 =	vand.u32 $0xFFFF0000, v26;
	v26 =	vld.idx.msk [tilespmem:v27+s29+$0x0], $0xffff  }
0x137: {  	v19 =	vadd.f32 v20, v19;
	v20 =	vmul.f32 v24, v22  }
0x138: {  	v18 =	vor.u32 v17, v18;
	v22 =	vshll.u32 v23, $0x10;
	v24 =	vshll.u32 v25, $0x10  }
0x139: {  	v19 =	vadd.f32 v19, v20;
	v20 =	vmul.f32 v24, v22;
	v22 =	vld.idx.msk [tilespmem:v28+s26+$0x0], $0xffff  }
0x13a: {  	v23 =	vand.u32 $0xFFFF0000, v23;
	v24 =	vand.u32 $0xFFFF0000, v25;
	v25 =	vld.idx.msk [tilespmem:v28+s29+$0x0], $0xffff  }
0x13b: {  	v19 =	vadd.f32 v20, v19;
	v20 =	vmul.f32 v24, v23  }
0x13c: {  	v23 =	vshll.u32 v21, $0x10;
	v24 =	vshll.u32 v26, $0x10  }
0x13d: {  	v19 =	vadd.f32 v19, v20;
	v20 =	vmul.f32 v24, v23;
	v23 =	vld.idx.msk [tilespmem:v18+s26+$0x0], $0xffff  }
0x13e: {  	v21 =	vand.u32 $0xFFFF0000, v21;
	v24 =	vand.u32 $0xFFFF0000, v26;
	v18 =	vld.idx.msk [tilespmem:v18+s29+$0x0], $0xffff  }
0x13f: {  	v19 =	vadd.f32 v20, v19;
	v20 =	vmul.f32 v24, v21  }
0x140: {  	v21 =	vshll.u32 v22, $0x10;
	v24 =	vshll.u32 v25, $0x10  }
0x141: {  	v19 =	vadd.f32 v19, v20;
	v20 =	vmul.f32 v24, v21  }
0x142: {  	v21 =	vand.u32 $0xFFFF0000, v22;
	v22 =	vand.u32 $0xFFFF0000, v25  }
0x143: {  	v19 =	vadd.f32 v20, v19;
	v20 =	vmul.f32 v22, v21  }
0x144: {  	v21 =	vshll.u32 v23, $0x10;
	v22 =	vshll.u32 v18, $0x10  }
0x145: {  	v19 =	vadd.f32 v19, v20;
	v20 =	vmul.f32 v22, v21  }
0x146: {  	v18 =	vand.u32 $0xFFFF0000, v18;
	v21 =	vand.u32 $0xFFFF0000, v23  }
0x147: {  	v18 =	vmul.f32 v18, v21;
	v19 =	vadd.f32 v20, v19;
	_ =	sdelay $0x1  }
0x148: {  	v18 =	vadd.f32 v19, v18;
	_ =	sdelay $0x1  }
0x149: {  	v18 =	vmul.f32 $1.767766920e-01, v18;
	_ =	sdelay $0x1  }
0x14a: {  	v18 =	vmul.f32 $1.442695020e+00, v18;
	_ =	sdelay $0x1  }
.Ltmp3:
0x14b: {  	(erf) = vpow2.f32 v18;
	(pc) =	sbr.rel @p5 .LBB2_5-.Ltmp3, $3  }
0x14c: {  	_ =	sdelay $0x1  }
0x14d: {  	v18 =	vmov s22  }
0x14e: {  	s22 =	sadd.s32 $0x1, s22;
	v18 =	vshll.u32 v18, $0x7  }
0x14f: {  	v18 =	vadd.s32 v15, v18  }
0x150: {  	v19 =	vor.u32 v0, v18;
	_ =	sdelay $0x2  }
0x151: {  	s12 =	sadd.s32 $0x10, s12;
	v20 =	vpop (erf)  }
0x152: {  	v21 =	vor.u32 v1, v18;
	[tilespmem:s12+$0x0] =	vst v20  }
0x153: {  	v20 =	vld.idx.msk [tilespmem:v19+s26+$0x0], $0xffff  }
0x154: {  	v19 =	vld.idx.msk [tilespmem:v19+s29+$0x0], $0xffff;
	_ =	sdelay $0x1  }
0x155: {  	v22 =	vor.u32 v2, v18  }
0x156: {  	v23 =	vld.idx.msk [tilespmem:v21+s26+$0x0], $0xffff  }
0x157: {  	v21 =	vld.idx.msk [tilespmem:v21+s29+$0x0], $0xffff  }
0x158: {  	v24 =	vshll.u32 v20, $0x10;
	v25 =	vshll.u32 v19, $0x10  }
0x159: {  	v26 =	vor.u32 v3, v18;
	v24 =	vmul.f32 v25, v24  }
0x15a: {  	v39 =	vld.idx.msk [tilespmem:v22+s26+$0x0], $0xffff;
	v20 =	vand.u32 $0xFFFF0000, v20;
	v19 =	vand.u32 $0xFFFF0000, v19  }
0x15b: {  	v22 =	vld.idx.msk [tilespmem:v22+s29+$0x0], $0xffff;
	v19 =	vmul.f32 v19, v20;
	v24 =	vadd.f32 $0.0e+00, v24  }
0x15c: {  	v27 =	vshll.u32 v21, $0x10;
	v20 =	vshll.u32 v23, $0x10  }
0x15d: {  	v28 =	vor.u32 v4, v18;
	v20 =	vmul.f32 v27, v20;
	v19 =	vadd.f32 v24, v19  }
0x15e: {  	v40 =	vld.idx.msk [tilespmem:v26+s26+$0x0], $0xffff;
	v21 =	vand.u32 $0xFFFF0000, v21;
	v23 =	vand.u32 $0xFFFF0000, v23  }
0x15f: {  	v26 =	vld.idx.msk [tilespmem:v26+s29+$0x0], $0xffff;
	v19 =	vadd.f32 v20, v19;
	v20 =	vmul.f32 v21, v23  }
0x160: {  	v41 =	vshll.u32 v39, $0x10;
	v42 =	vshll.u32 v22, $0x10  }
0x161: {  	v43 =	vor.u32 v5, v18;
	v19 =	vadd.f32 v19, v20;
	v20 =	vmul.f32 v42, v41  }
0x162: {  	v44 =	vld.idx.msk [tilespmem:v28+s26+$0x0], $0xffff;
	v45 =	vand.u32 $0xFFFF0000, v39;
	v22 =	vand.u32 $0xFFFF0000, v22  }
0x163: {  	v46 =	vld.idx.msk [tilespmem:v28+s29+$0x0], $0xffff;
	v19 =	vadd.f32 v20, v19;
	v20 =	vmul.f32 v22, v45  }
0x164: {  	v47 =	vshll.u32 v40, $0x10;
	v48 =	vshll.u32 v26, $0x10  }
0x165: {  	v49 =	vor.u32 v6, v18;
	v19 =	vadd.f32 v19, v20;
	v20 =	vmul.f32 v48, v47  }
0x166: {  	v50 =	vld.idx.msk [tilespmem:v43+s26+$0x0], $0xffff;
	v51 =	vand.u32 $0xFFFF0000, v40;
	v52 =	vand.u32 $0xFFFF0000, v26  }
0x167: {  	v53 =	vld.idx.msk [tilespmem:v43+s29+$0x0], $0xffff;
	v19 =	vadd.f32 v20, v19;
	v20 =	vmul.f32 v52, v51  }
0x168: {  	v54 =	vshll.u32 v44, $0x10;
	v55 =	vshll.u32 v46, $0x10  }
0x169: {  	v56 =	vor.u32 v7, v18;
	v19 =	vadd.f32 v19, v20;
	v20 =	vmul.f32 v55, v54  }
0x16a: {  	v57 =	vld.idx.msk [tilespmem:v49+s26+$0x0], $0xffff;
	v58 =	vand.u32 $0xFFFF0000, v46;
	v21 =	vand.u32 $0xFFFF0000, v44  }
0x16b: {  	v59 =	vld.idx.msk [tilespmem:v49+s29+$0x0], $0xffff;
	v19 =	vadd.f32 v20, v19;
	v20 =	vmul.f32 v58, v21  }
0x16c: {  	v60 =	vshll.u32 v50, $0x10;
	v61 =	vshll.u32 v53, $0x10  }
0x16d: {  	v62 =	vor.u32 v9, v18;
	v19 =	vadd.f32 v19, v20;
	v20 =	vmul.f32 v61, v60  }
0x16e: {  	v63 =	vld.idx.msk [tilespmem:v56+s26+$0x0], $0xffff;
	v31 =	vand.u32 $0xFFFF0000, v53;
	v22 =	vand.u32 $0xFFFF0000, v50  }
0x16f: {  	v32 =	vld.idx.msk [tilespmem:v56+s29+$0x0], $0xffff;
	v19 =	vadd.f32 v20, v19;
	v20 =	vmul.f32 v31, v22  }
0x170: {  	v33 =	vshll.u32 v57, $0x10;
	v34 =	vshll.u32 v59, $0x10  }
0x171: {  	v35 =	vor.u32 v10, v18;
	v19 =	vadd.f32 v19, v20;
	v20 =	vmul.f32 v34, v33  }
0x172: {  	v36 =	vld.idx.msk [tilespmem:v62+s26+$0x0], $0xffff;
	v37 =	vand.u32 $0xFFFF0000, v59;
	v23 =	vand.u32 $0xFFFF0000, v57  }
0x173: {  	v38 =	vld.idx.msk [tilespmem:v62+s29+$0x0], $0xffff;
	v19 =	vadd.f32 v20, v19;
	v20 =	vmul.f32 v37, v23  }
0x174: {  	v39 =	vshll.u32 v63, $0x10;
	v40 =	vshll.u32 v32, $0x10  }
0x175: {  	v41 =	vor.u32 v11, v18;
	v19 =	vadd.f32 v19, v20;
	v20 =	vmul.f32 v40, v39  }
0x176: {  	v43 =	vand.u32 $0xFFFF0000, v32;
	v44 =	vld.idx.msk [tilespmem:v35+s29+$0x0], $0xffff;
	v21 =	vand.u32 $0xFFFF0000, v63  }
0x177: {  	v42 =	vld.idx.msk [tilespmem:v35+s26+$0x0], $0xffff;
	v19 =	vadd.f32 v20, v19;
	v20 =	vmul.f32 v43, v21  }
0x178: {  	v46 =	vshll.u32 v38, $0x10;
	v45 =	vshll.u32 v36, $0x10  }
0x179: {  	v47 =	vor.u32 v12, v18;
	v19 =	vadd.f32 v19, v20;
	v20 =	vmul.f32 v46, v45  }
0x17a: {  	v49 =	vand.u32 $0xFFFF0000, v38;
	v48 =	vld.idx.msk [tilespmem:v41+s26+$0x0], $0xffff;
	v22 =	vand.u32 $0xFFFF0000, v36  }
0x17b: {  	v50 =	vld.idx.msk [tilespmem:v41+s29+$0x0], $0xffff;
	v19 =	vadd.f32 v20, v19;
	v20 =	vmul.f32 v49, v22  }
0x17c: {  	v51 =	vshll.u32 v42, $0x10;
	v52 =	vshll.u32 v44, $0x10  }
0x17d: {  	v53 =	vor.u32 v13, v18;
	v19 =	vadd.f32 v19, v20;
	v20 =	vmul.f32 v52, v51  }
0x17e: {  	v55 =	vand.u32 $0xFFFF0000, v44;
	v54 =	vld.idx.msk [tilespmem:v47+s26+$0x0], $0xffff;
	v23 =	vand.u32 $0xFFFF0000, v42  }
0x17f: {  	v56 =	vld.idx.msk [tilespmem:v47+s29+$0x0], $0xffff;
	v19 =	vadd.f32 v20, v19;
	v20 =	vmul.f32 v55, v23  }
0x180: {  	v57 =	vshll.u32 v48, $0x10;
	v58 =	vshll.u32 v50, $0x10  }
0x181: {  	v59 =	vor.u32 v14, v18;
	v19 =	vadd.f32 v19, v20;
	v20 =	vmul.f32 v58, v57  }
0x182: {  	v62 =	vld.idx.msk [tilespmem:v53+s29+$0x0], $0xffff;
	v61 =	vand.u32 $0xFFFF0000, v50;
	v21 =	vand.u32 $0xFFFF0000, v48  }
0x183: {  	v60 =	vld.idx.msk [tilespmem:v53+s26+$0x0], $0xffff;
	v19 =	vadd.f32 v20, v19;
	v20 =	vmul.f32 v61, v21  }
0x184: {  	v63 =	vshll.u32 v54, $0x10;
	v32 =	vshll.u32 v56, $0x10  }
0x185: {  	v33 =	vor.u32 v16, v18;
	v19 =	vadd.f32 v19, v20;
	v20 =	vmul.f32 v32, v63  }
0x186: {  	v35 =	vand.u32 $0xFFFF0000, v56;
	v36 =	vld.idx.msk [tilespmem:v59+s29+$0x0], $0xffff;
	v22 =	vand.u32 $0xFFFF0000, v54  }
0x187: {  	v34 =	vld.idx.msk [tilespmem:v59+s26+$0x0], $0xffff;
	v19 =	vadd.f32 v20, v19;
	v20 =	vmul.f32 v35, v22  }
0x188: {  	v38 =	vshll.u32 v62, $0x10;
	v37 =	vshll.u32 v60, $0x10  }
0x189: {  	v18 =	vor.u32 v17, v18;
	v19 =	vadd.f32 v19, v20;
	v20 =	vmul.f32 v38, v37  }
0x18a: {  	v40 =	vand.u32 $0xFFFF0000, v62;
	v39 =	vld.idx.msk [tilespmem:v33+s26+$0x0], $0xffff;
	v23 =	vand.u32 $0xFFFF0000, v60  }
0x18b: {  	v41 =	vld.idx.msk [tilespmem:v33+s29+$0x0], $0xffff;
	v19 =	vadd.f32 v20, v19;
	v20 =	vmul.f32 v40, v23  }
0x18c: {  	v42 =	vshll.u32 v34, $0x10;
	v43 =	vshll.u32 v36, $0x10  }
0x18d: {  	v19 =	vadd.f32 v19, v20;
	v20 =	vmul.f32 v43, v42  }
0x18e: {  	v44 =	vld.idx.msk [tilespmem:v18+s26+$0x0], $0xffff;
	v45 =	vand.u32 $0xFFFF0000, v36;
	v21 =	vand.u32 $0xFFFF0000, v34  }
0x18f: {  	v18 =	vld.idx.msk [tilespmem:v18+s29+$0x0], $0xffff;
	v19 =	vadd.f32 v20, v19;
	v20 =	vmul.f32 v45, v21  }
0x190: {  	v46 =	vshll.u32 v39, $0x10;
	v47 =	vshll.u32 v41, $0x10  }
0x191: {  	v19 =	vadd.f32 v19, v20;
	v20 =	vmul.f32 v47, v46  }
0x192: {  	v48 =	vand.u32 $0xFFFF0000, v39;
	v49 =	vand.u32 $0xFFFF0000, v41  }
0x193: {  	v19 =	vadd.f32 v20, v19;
	v20 =	vmul.f32 v49, v48  }
0x194: {  	v50 =	vshll.u32 v44, $0x10;
	v51 =	vshll.u32 v18, $0x10  }
0x195: {  	v19 =	vadd.f32 v19, v20;
	v20 =	vmul.f32 v51, v50  }
0x196: {  	v52 =	vand.u32 $0xFFFF0000, v44;
	v18 =	vand.u32 $0xFFFF0000, v18  }
0x197: {  	v18 =	vmul.f32 v18, v52;
	v19 =	vadd.f32 v20, v19;
	_ =	sdelay $0x1  }
0x198: {  	v18 =	vadd.f32 v19, v18;
	_ =	sdelay $0x1  }
0x199: {  	v18 =	vmul.f32 $1.767766920e-01, v18;
	_ =	sdelay $0x1  }
0x19a: {  	v18 =	vmul.f32 $1.442695020e+00, v18;
	_ =	sdelay $0x1  }
0x19b: {  	(erf) = vpow2.f32 v18;
	_ =	sdelay $0x8  }
0x19c: {  	s12 =	sadd.s32 $0x10, s12;
	v18 =	vpop (erf)  }
0x19d: {  	[tilespmem:s12+$0x0] =	vst v18  }
0x19e: {  	_ =	swait.ge [sflag:s9], $0x1400  }
0x19f: {  	[sflag:s9] =	ssyncset.done $0x0  }
0x1a0: {  	[sflag:s9] =	ssyncadd.s32 $0xFFFFEC00  }
0x1a1: {  	_ =	swait.ge [sflag:s9], $0x1400  }
0x1a2: {  	[sflag:s9] =	ssyncset.done $0x0  }
0x1a3: {  	[sflag:s9] =	ssyncadd.s32 $0xFFFFEC00  }
0x1a4: {  	_ =	swait.ge [sflag:s9], $0x1400  }
0x1a5: {  	[sflag:s9] =	ssyncset.done $0x0  }
0x1a6: {  	[sflag:s9] =	ssyncadd.s32 $0xFFFFEC00  }
0x1a7: {  	s12 =	smul.u32 $0x50, s19;
	_ =	swait.ge [sflag:s9], $0x1400  }
0x1a8: {  	s22 =	simm.s32 $0x0;
	[sflag:s9] =	ssyncset.done $0x0  }
0x1a9: {  	v18 =	vmov s22;
	s22 =	sadd.s32 $0x50, s12;
	[sflag:s9] =	ssyncadd.s32 $0xFFFFEC00  }
0x1aa: {  	v18 =	vshll.u32 v18, $0x7;
	[tilespmem:s26], [sflag:$0x1] =	stream.indirect.gather [hbm4b:s0+s25], $0x80, s22, s25, $0xb8;
	[tilespmem:$0x129A8] =	vst v63  }
0x1ab: {  	v18 =	vadd.s32 v15, v18  }
0x1ac: {  	v19 =	vor.u32 v0, v18;
	[tilespmem:s28], [sflag:$0x1] =	stream.indirect.gather [hbm4b:s13+s25], $0x80, s22, s25, $0xb8;
	[tilespmem:$0x129A8] =	vst v63  }
0x1ad: {  	s22 =	sadd.s32 $0x13D8, s12  }
0x1ae: {  	[tilespmem:s29], [sflag:$0x1] =	stream.indirect.gather [hbm4b:s1+s25], $0x80, s22, s25, $0xb8;
	[tilespmem:$0x129A8] =	vst v63  }
0x1af: {  	_ = 	snop  }
0x1b0: {  	v20 =	vor.u32 v1, v18;
	[tilespmem:s30], [sflag:$0x1] =	stream.indirect.gather [hbm4b:s14+s25], $0x80, s22, s25, $0xb8;
	[tilespmem:$0x129A8] =	vst v63  }
0x1b1: {  	v53 =	vld.idx.msk [tilespmem:v19+s4+$0x0], $0xffff  }
0x1b2: {  	v19 =	vld.idx.msk [tilespmem:v19+s24+$0x0], $0xffff;
	_ =	sdelay $0x1  }
0x1b3: {  	v54 =	vor.u32 v2, v18  }
0x1b4: {  	v55 =	vld.idx.msk [tilespmem:v20+s4+$0x0], $0xffff  }
0x1b5: {  	v20 =	vld.idx.msk [tilespmem:v20+s24+$0x0], $0xffff  }
0x1b6: {  	v56 =	vshll.u32 v53, $0x10;
	v57 =	vshll.u32 v19, $0x10  }
0x1b7: {  	v58 =	vor.u32 v3, v18;
	v24 =	vmul.f32 v57, v56  }
0x1b8: {  	v59 =	vld.idx.msk [tilespmem:v54+s4+$0x0], $0xffff;
	v21 =	vand.u32 $0xFFFF0000, v53;
	v19 =	vand.u32 $0xFFFF0000, v19  }
0x1b9: {  	v22 =	vld.idx.msk [tilespmem:v54+s24+$0x0], $0xffff;
	v19 =	vmul.f32 v19, v21;
	v24 =	vadd.f32 $0.0e+00, v24  }
0x1ba: {  	v60 =	vshll.u32 v55, $0x10;
	v61 =	vshll.u32 v20, $0x10  }
0x1bb: {  	v62 =	vor.u32 v4, v18;
	v21 =	vmul.f32 v61, v60;
	v19 =	vadd.f32 v24, v19  }
0x1bc: {  	v63 =	vld.idx.msk [tilespmem:v58+s4+$0x0], $0xffff;
	v23 =	vand.u32 $0xFFFF0000, v55;
	v20 =	vand.u32 $0xFFFF0000, v20  }
0x1bd: {  	v26 =	vld.idx.msk [tilespmem:v58+s24+$0x0], $0xffff;
	v20 =	vmul.f32 v20, v23;
	v19 =	vadd.f32 v21, v19  }
0x1be: {  	v31 =	vshll.u32 v59, $0x10;
	v32 =	vshll.u32 v22, $0x10  }
0x1bf: {  	v33 =	vor.u32 v5, v18;
	v19 =	vadd.f32 v19, v20;
	v20 =	vmul.f32 v32, v31  }
0x1c0: {  	v34 =	vld.idx.msk [tilespmem:v62+s4+$0x0], $0xffff;
	v35 =	vand.u32 $0xFFFF0000, v59;
	v22 =	vand.u32 $0xFFFF0000, v22  }
0x1c1: {  	v36 =	vld.idx.msk [tilespmem:v62+s24+$0x0], $0xffff;
	v19 =	vadd.f32 v20, v19;
	v20 =	vmul.f32 v22, v35  }
0x1c2: {  	v37 =	vshll.u32 v63, $0x10;
	v38 =	vshll.u32 v26, $0x10  }
0x1c3: {  	v39 =	vor.u32 v6, v18;
	v19 =	vadd.f32 v19, v20;
	v20 =	vmul.f32 v38, v37  }
0x1c4: {  	v40 =	vld.idx.msk [tilespmem:v33+s4+$0x0], $0xffff;
	v41 =	vand.u32 $0xFFFF0000, v63;
	v42 =	vand.u32 $0xFFFF0000, v26  }
0x1c5: {  	v43 =	vld.idx.msk [tilespmem:v33+s24+$0x0], $0xffff;
	v19 =	vadd.f32 v20, v19;
	v20 =	vmul.f32 v42, v41  }
0x1c6: {  	v44 =	vshll.u32 v34, $0x10;
	v45 =	vshll.u32 v36, $0x10  }
0x1c7: {  	v46 =	vor.u32 v7, v18;
	v19 =	vadd.f32 v19, v20;
	v20 =	vmul.f32 v45, v44  }
0x1c8: {  	v47 =	vld.idx.msk [tilespmem:v39+s4+$0x0], $0xffff;
	v48 =	vand.u32 $0xFFFF0000, v36;
	v21 =	vand.u32 $0xFFFF0000, v34  }
0x1c9: {  	v49 =	vld.idx.msk [tilespmem:v39+s24+$0x0], $0xffff;
	v19 =	vadd.f32 v20, v19;
	v20 =	vmul.f32 v48, v21  }
0x1ca: {  	v50 =	vshll.u32 v40, $0x10;
	v51 =	vshll.u32 v43, $0x10  }
0x1cb: {  	v52 =	vor.u32 v9, v18;
	v19 =	vadd.f32 v19, v20;
	v20 =	vmul.f32 v51, v50  }
0x1cc: {  	v53 =	vld.idx.msk [tilespmem:v46+s4+$0x0], $0xffff;
	v54 =	vand.u32 $0xFFFF0000, v43;
	v22 =	vand.u32 $0xFFFF0000, v40  }
0x1cd: {  	v55 =	vld.idx.msk [tilespmem:v46+s24+$0x0], $0xffff;
	v19 =	vadd.f32 v20, v19;
	v20 =	vmul.f32 v54, v22  }
0x1ce: {  	v56 =	vshll.u32 v47, $0x10;
	v57 =	vshll.u32 v49, $0x10  }
0x1cf: {  	v58 =	vor.u32 v10, v18;
	v19 =	vadd.f32 v19, v20;
	v20 =	vmul.f32 v57, v56  }
0x1d0: {  	v59 =	vld.idx.msk [tilespmem:v52+s4+$0x0], $0xffff;
	v23 =	vand.u32 $0xFFFF0000, v47;
	v60 =	vand.u32 $0xFFFF0000, v49  }
0x1d1: {  	v61 =	vld.idx.msk [tilespmem:v52+s24+$0x0], $0xffff;
	v19 =	vadd.f32 v20, v19;
	v20 =	vmul.f32 v60, v23  }
0x1d2: {  	v62 =	vshll.u32 v53, $0x10;
	v63 =	vshll.u32 v55, $0x10  }
0x1d3: {  	v32 =	vor.u32 v11, v18;
	v19 =	vadd.f32 v19, v20;
	v20 =	vmul.f32 v63, v62  }
0x1d4: {  	v33 =	vld.idx.msk [tilespmem:v58+s4+$0x0], $0xffff;
	v34 =	vand.u32 $0xFFFF0000, v55;
	v21 =	vand.u32 $0xFFFF0000, v53  }
0x1d5: {  	v35 =	vld.idx.msk [tilespmem:v58+s24+$0x0], $0xffff;
	v19 =	vadd.f32 v20, v19;
	v20 =	vmul.f32 v34, v21  }
0x1d6: {  	v36 =	vshll.u32 v59, $0x10;
	v37 =	vshll.u32 v61, $0x10  }
0x1d7: {  	v38 =	vor.u32 v12, v18;
	v19 =	vadd.f32 v19, v20;
	v20 =	vmul.f32 v37, v36  }
0x1d8: {  	v40 =	vand.u32 $0xFFFF0000, v61;
	v39 =	vld.idx.msk [tilespmem:v32+s4+$0x0], $0xffff;
	v22 =	vand.u32 $0xFFFF0000, v59  }
0x1d9: {  	v41 =	vld.idx.msk [tilespmem:v32+s24+$0x0], $0xffff;
	v19 =	vadd.f32 v20, v19;
	v20 =	vmul.f32 v40, v22  }
0x1da: {  	v42 =	vshll.u32 v33, $0x10;
	v43 =	vshll.u32 v35, $0x10  }
0x1db: {  	v44 =	vor.u32 v13, v18;
	v19 =	vadd.f32 v19, v20;
	v20 =	vmul.f32 v43, v42  }
0x1dc: {  	v46 =	vand.u32 $0xFFFF0000, v35;
	v45 =	vld.idx.msk [tilespmem:v38+s4+$0x0], $0xffff;
	v23 =	vand.u32 $0xFFFF0000, v33  }
0x1dd: {  	v47 =	vld.idx.msk [tilespmem:v38+s24+$0x0], $0xffff;
	v19 =	vadd.f32 v20, v19;
	v20 =	vmul.f32 v46, v23  }
0x1de: {  	v48 =	vshll.u32 v39, $0x10;
	v49 =	vshll.u32 v41, $0x10  }
0x1df: {  	v50 =	vor.u32 v14, v18;
	v19 =	vadd.f32 v19, v20;
	v20 =	vmul.f32 v49, v48  }
0x1e0: {  	v52 =	vand.u32 $0xFFFF0000, v41;
	v51 =	vld.idx.msk [tilespmem:v44+s4+$0x0], $0xffff;
	v21 =	vand.u32 $0xFFFF0000, v39  }
0x1e1: {  	v53 =	vld.idx.msk [tilespmem:v44+s24+$0x0], $0xffff;
	v19 =	vadd.f32 v20, v19;
	v20 =	vmul.f32 v52, v21  }
0x1e2: {  	v54 =	vshll.u32 v45, $0x10;
	v55 =	vshll.u32 v47, $0x10  }
0x1e3: {  	v56 =	vor.u32 v16, v18;
	v19 =	vadd.f32 v19, v20;
	v20 =	vmul.f32 v55, v54  }
0x1e4: {  	v58 =	vand.u32 $0xFFFF0000, v47;
	v57 =	vld.idx.msk [tilespmem:v50+s4+$0x0], $0xffff;
	v22 =	vand.u32 $0xFFFF0000, v45  }
0x1e5: {  	v59 =	vld.idx.msk [tilespmem:v50+s24+$0x0], $0xffff;
	v19 =	vadd.f32 v20, v19;
	v20 =	vmul.f32 v58, v22  }
0x1e6: {  	v60 =	vshll.u32 v51, $0x10;
	v61 =	vshll.u32 v53, $0x10  }
0x1e7: {  	v18 =	vor.u32 v17, v18;
	v19 =	vadd.f32 v19, v20;
	v20 =	vmul.f32 v61, v60  }
0x1e8: {  	v63 =	vand.u32 $0xFFFF0000, v53;
	v62 =	vld.idx.msk [tilespmem:v56+s4+$0x0], $0xffff;
	v23 =	vand.u32 $0xFFFF0000, v51  }
0x1e9: {  	v29 =	vld.idx.msk [tilespmem:v56+s24+$0x0], $0xffff;
	v19 =	vadd.f32 v20, v19;
	v20 =	vmul.f32 v63, v23  }
0x1ea: {  	v30 =	vshll.u32 v57, $0x10;
	v31 =	vshll.u32 v59, $0x10  }
0x1eb: {  	v19 =	vadd.f32 v19, v20;
	v20 =	vmul.f32 v31, v30  }
0x1ec: {  	v32 =	vld.idx.msk [tilespmem:v18+s4+$0x0], $0xffff;
	v33 =	vand.u32 $0xFFFF0000, v59;
	v21 =	vand.u32 $0xFFFF0000, v57  }
0x1ed: {  	v18 =	vld.idx.msk [tilespmem:v18+s24+$0x0], $0xffff;
	v19 =	vadd.f32 v20, v19;
	v20 =	vmul.f32 v33, v21  }
0x1ee: {  	v34 =	vshll.u32 v62, $0x10;
	v35 =	vshll.u32 v29, $0x10  }
0x1ef: {  	v19 =	vadd.f32 v19, v20;
	v20 =	vmul.f32 v35, v34  }
0x1f0: {  	v36 =	vand.u32 $0xFFFF0000, v62;
	v37 =	vand.u32 $0xFFFF0000, v29  }
0x1f1: {  	v19 =	vadd.f32 v20, v19;
	v20 =	vmul.f32 v37, v36  }
0x1f2: {  	v38 =	vshll.u32 v32, $0x10;
	v39 =	vshll.u32 v18, $0x10  }
0x1f3: {  	v19 =	vadd.f32 v19, v20;
	v20 =	vmul.f32 v39, v38  }
0x1f4: {  	v40 =	vand.u32 $0xFFFF0000, v32;
	v18 =	vand.u32 $0xFFFF0000, v18  }
0x1f5: {  	v18 =	vmul.f32 v18, v40;
	v19 =	vadd.f32 v20, v19;
	_ =	sdelay $0x1  }
0x1f6: {  	v18 =	vadd.f32 v19, v18;
	_ =	sdelay $0x1  }
0x1f7: {  	v18 =	vmul.f32 $1.767766920e-01, v18;
	_ =	sdelay $0x1  }
0x1f8: {  	v18 =	vmul.f32 $1.442695020e+00, v18;
	_ =	sdelay $0x1  }
0x1f9: {  	(erf) = vpow2.f32 v18;
	_ =	sdelay $0x1  }
0x1fa: {  	s22 =	simm.s32 $0x1  }
0x1fb: {  	v18 =	vmov s22  }
0x1fc: {  	v18 =	vshll.u32 v18, $0x7  }
0x1fd: {  	v18 =	vadd.s32 v15, v18  }
0x1fe: {  	v19 =	vor.u32 v0, v18;
	_ =	sdelay $0x2  }
0x1ff: {  	v20 =	vpop (erf)  }
0x200: {  	v41 =	vor.u32 v1, v18;
	[tilespmem:s23+$0x0] =	vst v20  }
0x201: {  	v20 =	vld.idx.msk [tilespmem:v19+s4+$0x0], $0xffff  }
0x202: {  	v19 =	vld.idx.msk [tilespmem:v19+s24+$0x0], $0xffff;
	_ =	sdelay $0x1  }
0x203: {  	v42 =	vor.u32 v2, v18  }
0x204: {  	v43 =	vld.idx.msk [tilespmem:v41+s4+$0x0], $0xffff  }
0x205: {  	v21 =	vld.idx.msk [tilespmem:v41+s24+$0x0], $0xffff  }
0x206: {  	v44 =	vshll.u32 v20, $0x10;
	v45 =	vshll.u32 v19, $0x10  }
0x207: {  	v46 =	vor.u32 v3, v18;
	v24 =	vmul.f32 v45, v44  }
0x208: {  	v47 =	vld.idx.msk [tilespmem:v42+s4+$0x0], $0xffff;
	v20 =	vand.u32 $0xFFFF0000, v20;
	v19 =	vand.u32 $0xFFFF0000, v19  }
0x209: {  	v22 =	vld.idx.msk [tilespmem:v42+s24+$0x0], $0xffff;
	v19 =	vmul.f32 v19, v20;
	v24 =	vadd.f32 $0.0e+00, v24  }
0x20a: {  	v48 =	vshll.u32 v21, $0x10;
	v20 =	vshll.u32 v43, $0x10  }
0x20b: {  	v49 =	vor.u32 v4, v18;
	v20 =	vmul.f32 v48, v20;
	v19 =	vadd.f32 v24, v19  }
0x20c: {  	v50 =	vld.idx.msk [tilespmem:v46+s4+$0x0], $0xffff;
	v23 =	vand.u32 $0xFFFF0000, v43;
	v21 =	vand.u32 $0xFFFF0000, v21  }
0x20d: {  	v26 =	vld.idx.msk [tilespmem:v46+s24+$0x0], $0xffff;
	v19 =	vadd.f32 v20, v19;
	v20 =	vmul.f32 v21, v23  }
0x20e: {  	v51 =	vshll.u32 v47, $0x10;
	v52 =	vshll.u32 v22, $0x10  }
0x20f: {  	v53 =	vor.u32 v5, v18;
	v19 =	vadd.f32 v19, v20;
	v20 =	vmul.f32 v52, v51  }
0x210: {  	v54 =	vld.idx.msk [tilespmem:v49+s4+$0x0], $0xffff;
	v55 =	vand.u32 $0xFFFF0000, v47;
	v22 =	vand.u32 $0xFFFF0000, v22  }
0x211: {  	v56 =	vld.idx.msk [tilespmem:v49+s24+$0x0], $0xffff;
	v19 =	vadd.f32 v20, v19;
	v20 =	vmul.f32 v22, v55  }
0x212: {  	v57 =	vshll.u32 v50, $0x10;
	v58 =	vshll.u32 v26, $0x10  }
0x213: {  	v59 =	vor.u32 v6, v18;
	v19 =	vadd.f32 v19, v20;
	v20 =	vmul.f32 v58, v57  }
0x214: {  	v60 =	vld.idx.msk [tilespmem:v53+s4+$0x0], $0xffff;
	v61 =	vand.u32 $0xFFFF0000, v50;
	v62 =	vand.u32 $0xFFFF0000, v26  }
0x215: {  	v63 =	vld.idx.msk [tilespmem:v53+s24+$0x0], $0xffff;
	v19 =	vadd.f32 v20, v19;
	v20 =	vmul.f32 v62, v61  }
0x216: {  	v32 =	vshll.u32 v54, $0x10;
	v33 =	vshll.u32 v56, $0x10  }
0x217: {  	v34 =	vor.u32 v7, v18;
	v19 =	vadd.f32 v19, v20;
	v20 =	vmul.f32 v33, v32  }
0x218: {  	v35 =	vld.idx.msk [tilespmem:v59+s4+$0x0], $0xffff;
	v36 =	vand.u32 $0xFFFF0000, v56;
	v21 =	vand.u32 $0xFFFF0000, v54  }
0x219: {  	v37 =	vld.idx.msk [tilespmem:v59+s24+$0x0], $0xffff;
	v19 =	vadd.f32 v20, v19;
	v20 =	vmul.f32 v36, v21  }
0x21a: {  	v38 =	vshll.u32 v60, $0x10;
	v39 =	vshll.u32 v63, $0x10  }
0x21b: {  	v40 =	vor.u32 v9, v18;
	v19 =	vadd.f32 v19, v20;
	v20 =	vmul.f32 v39, v38  }
0x21c: {  	v41 =	vld.idx.msk [tilespmem:v34+s4+$0x0], $0xffff;
	v42 =	vand.u32 $0xFFFF0000, v63;
	v22 =	vand.u32 $0xFFFF0000, v60  }
0x21d: {  	v43 =	vld.idx.msk [tilespmem:v34+s24+$0x0], $0xffff;
	v19 =	vadd.f32 v20, v19;
	v20 =	vmul.f32 v42, v22  }
0x21e: {  	v44 =	vshll.u32 v35, $0x10;
	v45 =	vshll.u32 v37, $0x10  }
0x21f: {  	v46 =	vor.u32 v10, v18;
	v19 =	vadd.f32 v19, v20;
	v20 =	vmul.f32 v45, v44  }
0x220: {  	v49 =	vld.idx.msk [tilespmem:v40+s24+$0x0], $0xffff;
	v48 =	vand.u32 $0xFFFF0000, v37;
	v23 =	vand.u32 $0xFFFF0000, v35  }
0x221: {  	v47 =	vld.idx.msk [tilespmem:v40+s4+$0x0], $0xffff;
	v19 =	vadd.f32 v20, v19;
	v20 =	vmul.f32 v48, v23  }
0x222: {  	v50 =	vshll.u32 v41, $0x10;
	v51 =	vshll.u32 v43, $0x10  }
0x223: {  	v52 =	vor.u32 v11, v18;
	v19 =	vadd.f32 v19, v20;
	v20 =	vmul.f32 v51, v50  }
0x224: {  	v53 =	vld.idx.msk [tilespmem:v46+s4+$0x0], $0xffff;
	v54 =	vand.u32 $0xFFFF0000, v43;
	v21 =	vand.u32 $0xFFFF0000, v41  }
0x225: {  	v55 =	vld.idx.msk [tilespmem:v46+s24+$0x0], $0xffff;
	v19 =	vadd.f32 v20, v19;
	v20 =	vmul.f32 v54, v21  }
0x226: {  	v56 =	vshll.u32 v47, $0x10;
	v57 =	vshll.u32 v49, $0x10  }
0x227: {  	v58 =	vor.u32 v12, v18;
	v19 =	vadd.f32 v19, v20;
	v20 =	vmul.f32 v57, v56  }
0x228: {  	v60 =	vand.u32 $0xFFFF0000, v49;
	v59 =	vld.idx.msk [tilespmem:v52+s4+$0x0], $0xffff;
	v22 =	vand.u32 $0xFFFF0000, v47  }
0x229: {  	v61 =	vld.idx.msk [tilespmem:v52+s24+$0x0], $0xffff;
	v19 =	vadd.f32 v20, v19;
	v20 =	vmul.f32 v60, v22  }
0x22a: {  	v62 =	vshll.u32 v53, $0x10;
	v63 =	vshll.u32 v55, $0x10  }
0x22b: {  	v32 =	vor.u32 v13, v18;
	v19 =	vadd.f32 v19, v20;
	v20 =	vmul.f32 v63, v62  }
0x22c: {  	v34 =	vand.u32 $0xFFFF0000, v55;
	v33 =	vld.idx.msk [tilespmem:v58+s4+$0x0], $0xffff;
	v23 =	vand.u32 $0xFFFF0000, v53  }
0x22d: {  	v35 =	vld.idx.msk [tilespmem:v58+s24+$0x0], $0xffff;
	v19 =	vadd.f32 v20, v19;
	v20 =	vmul.f32 v34, v23  }
0x22e: {  	v36 =	vshll.u32 v59, $0x10;
	v37 =	vshll.u32 v61, $0x10  }
0x22f: {  	v38 =	vor.u32 v14, v18;
	v19 =	vadd.f32 v19, v20;
	v20 =	vmul.f32 v37, v36  }
0x230: {  	v40 =	vand.u32 $0xFFFF0000, v61;
	v39 =	vld.idx.msk [tilespmem:v32+s4+$0x0], $0xffff;
	v21 =	vand.u32 $0xFFFF0000, v59  }
0x231: {  	v41 =	vld.idx.msk [tilespmem:v32+s24+$0x0], $0xffff;
	v19 =	vadd.f32 v20, v19;
	v20 =	vmul.f32 v40, v21  }
0x232: {  	v42 =	vshll.u32 v33, $0x10;
	v43 =	vshll.u32 v35, $0x10  }
0x233: {  	v44 =	vor.u32 v16, v18;
	v19 =	vadd.f32 v19, v20;
	v20 =	vmul.f32 v43, v42  }
0x234: {  	v46 =	vand.u32 $0xFFFF0000, v35;
	v45 =	vld.idx.msk [tilespmem:v38+s4+$0x0], $0xffff;
	v22 =	vand.u32 $0xFFFF0000, v33  }
0x235: {  	v47 =	vld.idx.msk [tilespmem:v38+s24+$0x0], $0xffff;
	v19 =	vadd.f32 v20, v19;
	v20 =	vmul.f32 v46, v22  }
0x236: {  	v48 =	vshll.u32 v39, $0x10;
	v49 =	vshll.u32 v41, $0x10  }
0x237: {  	v18 =	vor.u32 v17, v18;
	v19 =	vadd.f32 v19, v20;
	v20 =	vmul.f32 v49, v48  }
0x238: {  	v51 =	vand.u32 $0xFFFF0000, v41;
	v50 =	vld.idx.msk [tilespmem:v44+s4+$0x0], $0xffff;
	v23 =	vand.u32 $0xFFFF0000, v39  }
0x239: {  	v52 =	vld.idx.msk [tilespmem:v44+s24+$0x0], $0xffff;
	v19 =	vadd.f32 v20, v19;
	v20 =	vmul.f32 v51, v23  }
0x23a: {  	v53 =	vshll.u32 v45, $0x10;
	v54 =	vshll.u32 v47, $0x10  }
0x23b: {  	v19 =	vadd.f32 v19, v20;
	v20 =	vmul.f32 v54, v53  }
0x23c: {  	v55 =	vld.idx.msk [tilespmem:v18+s4+$0x0], $0xffff;
	v56 =	vand.u32 $0xFFFF0000, v47;
	v21 =	vand.u32 $0xFFFF0000, v45  }
0x23d: {  	v18 =	vld.idx.msk [tilespmem:v18+s24+$0x0], $0xffff;
	v19 =	vadd.f32 v20, v19;
	v20 =	vmul.f32 v56, v21  }
0x23e: {  	v57 =	vshll.u32 v50, $0x10;
	v58 =	vshll.u32 v52, $0x10  }
0x23f: {  	v19 =	vadd.f32 v19, v20;
	v20 =	vmul.f32 v58, v57  }
0x240: {  	v59 =	vand.u32 $0xFFFF0000, v50;
	v60 =	vand.u32 $0xFFFF0000, v52  }
0x241: {  	v19 =	vadd.f32 v20, v19;
	v20 =	vmul.f32 v60, v59  }
0x242: {  	v61 =	vshll.u32 v55, $0x10;
	v62 =	vshll.u32 v18, $0x10  }
0x243: {  	v19 =	vadd.f32 v19, v20;
	v20 =	vmul.f32 v62, v61  }
0x244: {  	v63 =	vand.u32 $0xFFFF0000, v55;
	v18 =	vand.u32 $0xFFFF0000, v18  }
0x245: {  	v18 =	vmul.f32 v18, v63;
	v19 =	vadd.f32 v20, v19;
	_ =	sdelay $0x1  }
0x246: {  	v18 =	vadd.f32 v19, v18;
	_ =	sdelay $0x1  }
0x247: {  	v18 =	vmul.f32 $1.767766920e-01, v18;
	_ =	sdelay $0x1  }
0x248: {  	v18 =	vmul.f32 $1.442695020e+00, v18;
	_ =	sdelay $0x1  }
0x249: {  	(erf) = vpow2.f32 v18;
	_ =	sdelay $0x1  }
0x24a: {  	s22 =	simm.s32 $0x2  }
0x24b: {  	v19 =	vmov s22  }
0x24c: {  	s21 =	sand.u32 $0xF, s21;
	s22 =	simm.s32 $0x3;
	v18 =	vshll.u32 v19, $0x7  }
.LBB2_7:
0x24d: {  	p5 =	sne.s32 s22, $0x27;
	v18 =	vadd.s32 v15, v18  }
0x24e: {  	v19 =	vor.u32 v0, v18;
	_ =	sdelay $0x2  }
0x24f: {  	s23 =	sadd.s32 $0x10, s23;
	v20 =	vpop (erf)  }
0x250: {  	v21 =	vor.u32 v1, v18;
	[tilespmem:s23+$0x0] =	vst v20  }
0x251: {  	v20 =	vld.idx.msk [tilespmem:v19+s4+$0x0], $0xffff  }
0x252: {  	v19 =	vld.idx.msk [tilespmem:v19+s24+$0x0], $0xffff;
	_ =	sdelay $0x1  }
0x253: {  	v22 =	vor.u32 v2, v18  }
0x254: {  	v23 =	vld.idx.msk [tilespmem:v21+s4+$0x0], $0xffff  }
0x255: {  	v21 =	vld.idx.msk [tilespmem:v21+s24+$0x0], $0xffff;
	_ =	sdelay $0x1  }
0x256: {  	v26 =	vor.u32 v3, v18;
	v24 =	vshll.u32 v20, $0x10;
	v25 =	vshll.u32 v19, $0x10  }
0x257: {  	v24 =	vmul.f32 v25, v24;
	v25 =	vld.idx.msk [tilespmem:v22+s4+$0x0], $0xffff  }
0x258: {  	v20 =	vand.u32 $0xFFFF0000, v20;
	v19 =	vand.u32 $0xFFFF0000, v19;
	v22 =	vld.idx.msk [tilespmem:v22+s24+$0x0], $0xffff  }
0x259: {  	v19 =	vmul.f32 v19, v20;
	v24 =	vadd.f32 $0.0e+00, v24  }
0x25a: {  	v28 =	vor.u32 v4, v18;
	v20 =	vshll.u32 v23, $0x10;
	v27 =	vshll.u32 v21, $0x10  }
0x25b: {  	v19 =	vadd.f32 v24, v19;
	v20 =	vmul.f32 v27, v20;
	v24 =	vld.idx.msk [tilespmem:v26+s4+$0x0], $0xffff  }
0x25c: {  	v23 =	vand.u32 $0xFFFF0000, v23;
	v21 =	vand.u32 $0xFFFF0000, v21;
	v26 =	vld.idx.msk [tilespmem:v26+s24+$0x0], $0xffff  }
0x25d: {  	v19 =	vadd.f32 v20, v19;
	v20 =	vmul.f32 v21, v23  }
0x25e: {  	v27 =	vor.u32 v5, v18;
	v21 =	vshll.u32 v25, $0x10;
	v23 =	vshll.u32 v22, $0x10  }
0x25f: {  	v19 =	vadd.f32 v19, v20;
	v20 =	vmul.f32 v23, v21;
	v21 =	vld.idx.msk [tilespmem:v28+s4+$0x0], $0xffff  }
0x260: {  	v22 =	vand.u32 $0xFFFF0000, v22;
	v23 =	vand.u32 $0xFFFF0000, v25;
	v25 =	vld.idx.msk [tilespmem:v28+s24+$0x0], $0xffff  }
0x261: {  	v19 =	vadd.f32 v20, v19;
	v20 =	vmul.f32 v22, v23  }
0x262: {  	v22 =	vshll.u32 v24, $0x10;
	v28 =	vor.u32 v6, v18;
	v23 =	vshll.u32 v26, $0x10  }
0x263: {  	v19 =	vadd.f32 v19, v20;
	v20 =	vmul.f32 v23, v22;
	v22 =	vld.idx.msk [tilespmem:v27+s4+$0x0], $0xffff  }
0x264: {  	v23 =	vand.u32 $0xFFFF0000, v24;
	v24 =	vand.u32 $0xFFFF0000, v26;
	v26 =	vld.idx.msk [tilespmem:v27+s24+$0x0], $0xffff  }
0x265: {  	v19 =	vadd.f32 v20, v19;
	v20 =	vmul.f32 v24, v23  }
0x266: {  	v23 =	vshll.u32 v21, $0x10;
	v27 =	vor.u32 v7, v18;
	v24 =	vshll.u32 v25, $0x10  }
0x267: {  	v19 =	vadd.f32 v19, v20;
	v20 =	vmul.f32 v24, v23;
	v23 =	vld.idx.msk [tilespmem:v28+s4+$0x0], $0xffff  }
0x268: {  	v21 =	vand.u32 $0xFFFF0000, v21;
	v24 =	vand.u32 $0xFFFF0000, v25;
	v25 =	vld.idx.msk [tilespmem:v28+s24+$0x0], $0xffff  }
0x269: {  	v19 =	vadd.f32 v20, v19;
	v20 =	vmul.f32 v24, v21  }
0x26a: {  	v21 =	vshll.u32 v22, $0x10;
	v28 =	vor.u32 v9, v18;
	v24 =	vshll.u32 v26, $0x10  }
0x26b: {  	v19 =	vadd.f32 v19, v20;
	v20 =	vmul.f32 v24, v21;
	v21 =	vld.idx.msk [tilespmem:v27+s4+$0x0], $0xffff  }
0x26c: {  	v22 =	vand.u32 $0xFFFF0000, v22;
	v24 =	vand.u32 $0xFFFF0000, v26;
	v26 =	vld.idx.msk [tilespmem:v27+s24+$0x0], $0xffff  }
0x26d: {  	v19 =	vadd.f32 v20, v19;
	v20 =	vmul.f32 v24, v22  }
0x26e: {  	v22 =	vshll.u32 v23, $0x10;
	v27 =	vor.u32 v10, v18;
	v24 =	vshll.u32 v25, $0x10  }
0x26f: {  	v19 =	vadd.f32 v19, v20;
	v20 =	vmul.f32 v24, v22;
	v22 =	vld.idx.msk [tilespmem:v28+s4+$0x0], $0xffff  }
0x270: {  	v23 =	vand.u32 $0xFFFF0000, v23;
	v24 =	vand.u32 $0xFFFF0000, v25;
	v25 =	vld.idx.msk [tilespmem:v28+s24+$0x0], $0xffff  }
0x271: {  	v19 =	vadd.f32 v20, v19;
	v20 =	vmul.f32 v24, v23  }
0x272: {  	v23 =	vshll.u32 v21, $0x10;
	v28 =	vor.u32 v11, v18;
	v24 =	vshll.u32 v26, $0x10  }
0x273: {  	v19 =	vadd.f32 v19, v20;
	v20 =	vmul.f32 v24, v23;
	v23 =	vld.idx.msk [tilespmem:v27+s4+$0x0], $0xffff  }
0x274: {  	v21 =	vand.u32 $0xFFFF0000, v21;
	v24 =	vand.u32 $0xFFFF0000, v26;
	v26 =	vld.idx.msk [tilespmem:v27+s24+$0x0], $0xffff  }
0x275: {  	v19 =	vadd.f32 v20, v19;
	v20 =	vmul.f32 v24, v21  }
0x276: {  	v21 =	vshll.u32 v22, $0x10;
	v27 =	vor.u32 v12, v18;
	v24 =	vshll.u32 v25, $0x10  }
0x277: {  	v19 =	vadd.f32 v19, v20;
	v20 =	vmul.f32 v24, v21;
	v21 =	vld.idx.msk [tilespmem:v28+s4+$0x0], $0xffff  }
0x278: {  	v22 =	vand.u32 $0xFFFF0000, v22;
	v24 =	vand.u32 $0xFFFF0000, v25;
	v25 =	vld.idx.msk [tilespmem:v28+s24+$0x0], $0xffff  }
0x279: {  	v19 =	vadd.f32 v20, v19;
	v20 =	vmul.f32 v24, v22  }
0x27a: {  	v22 =	vshll.u32 v23, $0x10;
	v28 =	vor.u32 v13, v18;
	v24 =	vshll.u32 v26, $0x10  }
0x27b: {  	v19 =	vadd.f32 v19, v20;
	v20 =	vmul.f32 v24, v22;
	v22 =	vld.idx.msk [tilespmem:v27+s4+$0x0], $0xffff  }
0x27c: {  	v23 =	vand.u32 $0xFFFF0000, v23;
	v24 =	vand.u32 $0xFFFF0000, v26;
	v26 =	vld.idx.msk [tilespmem:v27+s24+$0x0], $0xffff  }
0x27d: {  	v19 =	vadd.f32 v20, v19;
	v20 =	vmul.f32 v24, v23  }
0x27e: {  	v23 =	vshll.u32 v21, $0x10;
	v27 =	vor.u32 v14, v18;
	v24 =	vshll.u32 v25, $0x10  }
0x27f: {  	v19 =	vadd.f32 v19, v20;
	v20 =	vmul.f32 v24, v23;
	v23 =	vld.idx.msk [tilespmem:v28+s4+$0x0], $0xffff  }
0x280: {  	v21 =	vand.u32 $0xFFFF0000, v21;
	v24 =	vand.u32 $0xFFFF0000, v25;
	v25 =	vld.idx.msk [tilespmem:v28+s24+$0x0], $0xffff  }
0x281: {  	v19 =	vadd.f32 v20, v19;
	v20 =	vmul.f32 v24, v21  }
0x282: {  	v21 =	vshll.u32 v22, $0x10;
	v28 =	vor.u32 v16, v18;
	v24 =	vshll.u32 v26, $0x10  }
0x283: {  	v19 =	vadd.f32 v19, v20;
	v20 =	vmul.f32 v24, v21;
	v21 =	vld.idx.msk [tilespmem:v27+s4+$0x0], $0xffff  }
0x284: {  	v22 =	vand.u32 $0xFFFF0000, v22;
	v24 =	vand.u32 $0xFFFF0000, v26;
	v26 =	vld.idx.msk [tilespmem:v27+s24+$0x0], $0xffff  }
0x285: {  	v19 =	vadd.f32 v20, v19;
	v20 =	vmul.f32 v24, v22  }
0x286: {  	v18 =	vor.u32 v17, v18;
	v22 =	vshll.u32 v23, $0x10;
	v24 =	vshll.u32 v25, $0x10  }
0x287: {  	v19 =	vadd.f32 v19, v20;
	v20 =	vmul.f32 v24, v22;
	v22 =	vld.idx.msk [tilespmem:v28+s4+$0x0], $0xffff  }
0x288: {  	v23 =	vand.u32 $0xFFFF0000, v23;
	v24 =	vand.u32 $0xFFFF0000, v25;
	v25 =	vld.idx.msk [tilespmem:v28+s24+$0x0], $0xffff  }
0x289: {  	v19 =	vadd.f32 v20, v19;
	v20 =	vmul.f32 v24, v23  }
0x28a: {  	v23 =	vshll.u32 v21, $0x10;
	v24 =	vshll.u32 v26, $0x10  }
0x28b: {  	v19 =	vadd.f32 v19, v20;
	v20 =	vmul.f32 v24, v23;
	v23 =	vld.idx.msk [tilespmem:v18+s4+$0x0], $0xffff  }
0x28c: {  	v21 =	vand.u32 $0xFFFF0000, v21;
	v24 =	vand.u32 $0xFFFF0000, v26;
	v18 =	vld.idx.msk [tilespmem:v18+s24+$0x0], $0xffff  }
0x28d: {  	v19 =	vadd.f32 v20, v19;
	v20 =	vmul.f32 v24, v21  }
0x28e: {  	v21 =	vshll.u32 v22, $0x10;
	v24 =	vshll.u32 v25, $0x10  }
0x28f: {  	v19 =	vadd.f32 v19, v20;
	v20 =	vmul.f32 v24, v21  }
0x290: {  	v21 =	vand.u32 $0xFFFF0000, v22;
	v22 =	vand.u32 $0xFFFF0000, v25  }
0x291: {  	v19 =	vadd.f32 v20, v19;
	v20 =	vmul.f32 v22, v21  }
0x292: {  	v21 =	vshll.u32 v23, $0x10;
	v22 =	vshll.u32 v18, $0x10  }
0x293: {  	v19 =	vadd.f32 v19, v20;
	v20 =	vmul.f32 v22, v21  }
0x294: {  	v18 =	vand.u32 $0xFFFF0000, v18;
	v21 =	vand.u32 $0xFFFF0000, v23  }
0x295: {  	v18 =	vmul.f32 v18, v21;
	v19 =	vadd.f32 v20, v19;
	_ =	sdelay $0x1  }
0x296: {  	v18 =	vadd.f32 v19, v18;
	_ =	sdelay $0x1  }
0x297: {  	v18 =	vmul.f32 $1.767766920e-01, v18;
	_ =	sdelay $0x1  }
0x298: {  	v18 =	vmul.f32 $1.442695020e+00, v18;
	_ =	sdelay $0x1  }
.Ltmp4:
0x299: {  	(erf) = vpow2.f32 v18;
	(pc) =	sbr.rel @p5 .LBB2_7-.Ltmp4, $3  }
0x29a: {  	_ =	sdelay $0x1  }
0x29b: {  	v18 =	vmov s22  }
0x29c: {  	s22 =	sadd.s32 $0x1, s22;
	v18 =	vshll.u32 v18, $0x7  }
0x29d: {  	v18 =	vadd.s32 v15, v18  }
0x29e: {  	v19 =	vor.u32 v0, v18;
	_ =	sdelay $0x2  }
0x29f: {  	s22 =	sadd.s32 $0x10, s23;
	v20 =	vpop (erf)  }
0x2a0: {  	v21 =	vor.u32 v1, v18;
	[tilespmem:s22+$0x0] =	vst v20  }
0x2a1: {  	v20 =	vld.idx.msk [tilespmem:v19+s4+$0x0], $0xffff  }
0x2a2: {  	v19 =	vld.idx.msk [tilespmem:v19+s24+$0x0], $0xffff;
	_ =	sdelay $0x1  }
0x2a3: {  	v22 =	vor.u32 v2, v18  }
0x2a4: {  	v23 =	vld.idx.msk [tilespmem:v21+s4+$0x0], $0xffff  }
0x2a5: {  	v21 =	vld.idx.msk [tilespmem:v21+s24+$0x0], $0xffff  }
0x2a6: {  	v24 =	vshll.u32 v20, $0x10;
	v25 =	vshll.u32 v19, $0x10  }
0x2a7: {  	v26 =	vor.u32 v3, v18;
	v24 =	vmul.f32 v25, v24  }
0x2a8: {  	v52 =	vld.idx.msk [tilespmem:v22+s4+$0x0], $0xffff;
	v20 =	vand.u32 $0xFFFF0000, v20;
	v19 =	vand.u32 $0xFFFF0000, v19  }
0x2a9: {  	v22 =	vld.idx.msk [tilespmem:v22+s24+$0x0], $0xffff;
	v19 =	vmul.f32 v19, v20;
	v24 =	vadd.f32 $0.0e+00, v24  }
0x2aa: {  	v53 =	vshll.u32 v23, $0x10;
	v27 =	vshll.u32 v21, $0x10  }
0x2ab: {  	v28 =	vor.u32 v4, v18;
	v20 =	vmul.f32 v27, v53;
	v19 =	vadd.f32 v24, v19  }
0x2ac: {  	v54 =	vld.idx.msk [tilespmem:v26+s4+$0x0], $0xffff;
	v23 =	vand.u32 $0xFFFF0000, v23;
	v21 =	vand.u32 $0xFFFF0000, v21  }
0x2ad: {  	v26 =	vld.idx.msk [tilespmem:v26+s24+$0x0], $0xffff;
	v55 =	vmul.f32 v21, v23;
	v19 =	vadd.f32 v20, v19  }
0x2ae: {  	v56 =	vshll.u32 v52, $0x10;
	v57 =	vshll.u32 v22, $0x10  }
0x2af: {  	v58 =	vor.u32 v5, v18;
	v59 =	vmul.f32 v57, v56;
	v19 =	vadd.f32 v19, v55  }
0x2b0: {  	v60 =	vld.idx.msk [tilespmem:v28+s4+$0x0], $0xffff;
	v61 =	vand.u32 $0xFFFF0000, v52;
	v22 =	vand.u32 $0xFFFF0000, v22  }
0x2b1: {  	v62 =	vld.idx.msk [tilespmem:v28+s24+$0x0], $0xffff;
	v63 =	vmul.f32 v22, v61;
	v19 =	vadd.f32 v59, v19  }
0x2b2: {  	v32 =	vshll.u32 v54, $0x10;
	v33 =	vshll.u32 v26, $0x10  }
0x2b3: {  	v34 =	vor.u32 v6, v18;
	v35 =	vmul.f32 v33, v32;
	v19 =	vadd.f32 v19, v63  }
0x2b4: {  	v36 =	vld.idx.msk [tilespmem:v58+s4+$0x0], $0xffff;
	v37 =	vand.u32 $0xFFFF0000, v54;
	v38 =	vand.u32 $0xFFFF0000, v26  }
0x2b5: {  	v39 =	vld.idx.msk [tilespmem:v58+s24+$0x0], $0xffff;
	v40 =	vmul.f32 v38, v37;
	v19 =	vadd.f32 v35, v19  }
0x2b6: {  	v41 =	vshll.u32 v60, $0x10;
	v42 =	vshll.u32 v62, $0x10  }
0x2b7: {  	v43 =	vor.u32 v7, v18;
	v44 =	vmul.f32 v42, v41;
	v19 =	vadd.f32 v19, v40  }
0x2b8: {  	v45 =	vld.idx.msk [tilespmem:v34+s4+$0x0], $0xffff;
	v46 =	vand.u32 $0xFFFF0000, v62;
	v21 =	vand.u32 $0xFFFF0000, v60  }
0x2b9: {  	v47 =	vld.idx.msk [tilespmem:v34+s24+$0x0], $0xffff;
	v48 =	vmul.f32 v46, v21;
	v19 =	vadd.f32 v44, v19  }
0x2ba: {  	v49 =	vshll.u32 v36, $0x10;
	v50 =	vshll.u32 v39, $0x10  }
0x2bb: {  	v51 =	vor.u32 v9, v18;
	v52 =	vmul.f32 v50, v49;
	v19 =	vadd.f32 v19, v48  }
0x2bc: {  	v54 =	vand.u32 $0xFFFF0000, v39;
	v53 =	vld.idx.msk [tilespmem:v43+s4+$0x0], $0xffff;
	v22 =	vand.u32 $0xFFFF0000, v36  }
0x2bd: {  	v56 =	vmul.f32 v54, v22;
	v55 =	vld.idx.msk [tilespmem:v43+s24+$0x0], $0xffff;
	v19 =	vadd.f32 v52, v19  }
0x2be: {  	v58 =	vshll.u32 v47, $0x10;
	v57 =	vshll.u32 v45, $0x10  }
0x2bf: {  	v60 =	vmul.f32 v58, v57;
	v59 =	vor.u32 v10, v18;
	v19 =	vadd.f32 v19, v56  }
0x2c0: {  	v62 =	vand.u32 $0xFFFF0000, v47;
	v61 =	vld.idx.msk [tilespmem:v51+s4+$0x0], $0xffff;
	v23 =	vand.u32 $0xFFFF0000, v45  }
0x2c1: {  	v32 =	vmul.f32 v62, v23;
	v63 =	vld.idx.msk [tilespmem:v51+s24+$0x0], $0xffff;
	v19 =	vadd.f32 v60, v19  }
0x2c2: {  	v33 =	vshll.u32 v53, $0x10;
	v34 =	vshll.u32 v55, $0x10  }
0x2c3: {  	v35 =	vor.u32 v11, v18;
	v36 =	vmul.f32 v34, v33;
	v19 =	vadd.f32 v19, v32  }
0x2c4: {  	v21 =	vand.u32 $0xFFFF0000, v53;
	v38 =	vand.u32 $0xFFFF0000, v55;
	v37 =	vld.idx.msk [tilespmem:v59+s4+$0x0], $0xffff  }
0x2c5: {  	v39 =	vld.idx.msk [tilespmem:v59+s24+$0x0], $0xffff;
	v40 =	vmul.f32 v38, v21;
	v19 =	vadd.f32 v36, v19  }
0x2c6: {  	v41 =	vshll.u32 v61, $0x10;
	v42 =	vshll.u32 v63, $0x10  }
0x2c7: {  	v43 =	vor.u32 v12, v18;
	v44 =	vmul.f32 v42, v41;
	v19 =	vadd.f32 v19, v40  }
0x2c8: {  	v22 =	vand.u32 $0xFFFF0000, v61;
	v46 =	vand.u32 $0xFFFF0000, v63;
	v45 =	vld.idx.msk [tilespmem:v35+s4+$0x0], $0xffff  }
0x2c9: {  	v47 =	vld.idx.msk [tilespmem:v35+s24+$0x0], $0xffff;
	v48 =	vmul.f32 v46, v22;
	v19 =	vadd.f32 v44, v19  }
0x2ca: {  	v49 =	vshll.u32 v37, $0x10;
	v50 =	vshll.u32 v39, $0x10  }
0x2cb: {  	v51 =	vor.u32 v13, v18;
	v52 =	vmul.f32 v50, v49;
	v19 =	vadd.f32 v19, v48  }
0x2cc: {  	v53 =	vld.idx.msk [tilespmem:v43+s4+$0x0], $0xffff;
	v23 =	vand.u32 $0xFFFF0000, v37;
	v54 =	vand.u32 $0xFFFF0000, v39  }
0x2cd: {  	v55 =	vld.idx.msk [tilespmem:v43+s24+$0x0], $0xffff;
	v56 =	vmul.f32 v54, v23;
	v19 =	vadd.f32 v52, v19  }
0x2ce: {  	v57 =	vshll.u32 v45, $0x10;
	v58 =	vshll.u32 v47, $0x10  }
0x2cf: {  	v59 =	vor.u32 v14, v18;
	v60 =	vmul.f32 v58, v57;
	v19 =	vadd.f32 v19, v56  }
0x2d0: {  	v61 =	vld.idx.msk [tilespmem:v51+s4+$0x0], $0xffff;
	v21 =	vand.u32 $0xFFFF0000, v45;
	v62 =	vand.u32 $0xFFFF0000, v47  }
0x2d1: {  	v63 =	vld.idx.msk [tilespmem:v51+s24+$0x0], $0xffff;
	v32 =	vmul.f32 v62, v21;
	v19 =	vadd.f32 v60, v19  }
0x2d2: {  	v33 =	vshll.u32 v53, $0x10;
	v34 =	vshll.u32 v55, $0x10  }
0x2d3: {  	v35 =	vor.u32 v16, v18;
	v36 =	vmul.f32 v34, v33;
	v19 =	vadd.f32 v19, v32  }
0x2d4: {  	v38 =	vand.u32 $0xFFFF0000, v55;
	v37 =	vld.idx.msk [tilespmem:v59+s4+$0x0], $0xffff;
	v22 =	vand.u32 $0xFFFF0000, v53  }
0x2d5: {  	v39 =	vld.idx.msk [tilespmem:v59+s24+$0x0], $0xffff;
	v40 =	vmul.f32 v38, v22;
	v19 =	vadd.f32 v36, v19  }
0x2d6: {  	v41 =	vshll.u32 v61, $0x10;
	v42 =	vshll.u32 v63, $0x10  }
0x2d7: {  	v18 =	vor.u32 v17, v18;
	v43 =	vmul.f32 v42, v41;
	v19 =	vadd.f32 v19, v40  }
0x2d8: {  	v23 =	vand.u32 $0xFFFF0000, v61;
	v45 =	vand.u32 $0xFFFF0000, v63;
	v46 =	vld.idx.msk [tilespmem:v35+s24+$0x0], $0xffff  }
0x2d9: {  	v47 =	vmul.f32 v45, v23;
	v44 =	vld.idx.msk [tilespmem:v35+s4+$0x0], $0xffff;
	v19 =	vadd.f32 v43, v19  }
0x2da: {  	v49 =	vshll.u32 v39, $0x10;
	v48 =	vshll.u32 v37, $0x10  }
0x2db: {  	v50 =	vmul.f32 v49, v48;
	v19 =	vadd.f32 v19, v47  }
0x2dc: {  	v51 =	vld.idx.msk [tilespmem:v18+s4+$0x0], $0xffff;
	v21 =	vand.u32 $0xFFFF0000, v37;
	v52 =	vand.u32 $0xFFFF0000, v39  }
0x2dd: {  	v18 =	vld.idx.msk [tilespmem:v18+s24+$0x0], $0xffff;
	v53 =	vmul.f32 v52, v21;
	v19 =	vadd.f32 v50, v19  }
0x2de: {  	v55 =	vshll.u32 v46, $0x10;
	v54 =	vshll.u32 v44, $0x10  }
0x2df: {  	v56 =	vmul.f32 v55, v54;
	v19 =	vadd.f32 v19, v53  }
0x2e0: {  	v58 =	vand.u32 $0xFFFF0000, v46;
	v57 =	vand.u32 $0xFFFF0000, v44  }
0x2e1: {  	v59 =	vmul.f32 v58, v57;
	v19 =	vadd.f32 v56, v19  }
0x2e2: {  	v61 =	vshll.u32 v18, $0x10;
	v60 =	vshll.u32 v51, $0x10  }
0x2e3: {  	v62 =	vmul.f32 v61, v60;
	v19 =	vadd.f32 v19, v59  }
0x2e4: {  	v63 =	vand.u32 $0xFFFF0000, v51;
	v18 =	vand.u32 $0xFFFF0000, v18  }
0x2e5: {  	v18 =	vmul.f32 v18, v63;
	v19 =	vadd.f32 v62, v19;
	_ =	sdelay $0x1  }
0x2e6: {  	v18 =	vadd.f32 v19, v18;
	_ =	sdelay $0x1  }
0x2e7: {  	v18 =	vmul.f32 $1.767766920e-01, v18;
	_ =	sdelay $0x1  }
0x2e8: {  	v18 =	vmul.f32 $1.442695020e+00, v18;
	_ =	sdelay $0x1  }
0x2e9: {  	(erf) = vpow2.f32 v18;
	_ =	sdelay $0x4  }
0x2ea: {  	p5 =	sne.s32 s21, $0xF  }
.Ltmp5:
0x2eb: {  	_ = 	snop;
	(pc) =	sbr.rel @p5 .LBB2_10-.Ltmp5, $3  }
0x2ec: {  	_ =	sdelay $0x1  }
0x2ed: {  	s22 =	sadd.s32 $0x10, s22;
	v18 =	vpop (erf)  }
0x2ee: {  	[tilespmem:s22+$0x0] =	vst v18  }
0x2ef: {  	s21 =	sadd.s32 s6, s12  }
0x2f0: {  	s21 =	sshll.u32 s21, $0x1  }
0x2f1: {  	s21 =	sadd.s32 $0xFFFFFBA0, s21  }
0x2f2: {  	s22 =	rddreg [dreg:$0x4];
	s21 =	sand.u32 $0x1FFFFFF0, s21  }
0x2f3: {  	s21 =	sadd.s32 s22, s21;
	s22 =	smul.u32 $0x140, s19  }
0x2f4: {  	[hbm4b:s21+s7] =	stream.linear.scatter [tilespmem:s10], [sflag:$0x4], $0x2800, $0x38;
	[tilespmem:$0x129A8] =	vst v63  }
0x2f5: {  	s21 =	sadd.s32 $0x24E0, s12;
	s12 =	sshra.s32 s22, $0x2  }
0x2f6: {  	[spmem:s5] =	stream.indirect.scatter.add.f32 [tilespmem:s10], [sflag:$0x3], $0x10, s21, s25, $0xb8;
	[tilespmem:$0x129A8] =	vst v63  }
0x2f7: {  	s23 =	simm.s32 $0xDD18;
	s21 =	sadd.s32 $0x2508, s12  }
0x2f8: {  	[spmem:s5] =	stream.indirect.scatter.add.f32 [tilespmem:s23], [sflag:$0x3], $0x10, s21, s25, $0xb8;
	[tilespmem:$0x129A8] =	vst v63  }
0x2f9: {  	s22 =	sadd.s32 $0x2530, s12;
	s23 =	simm.s32 $0xDF98  }
0x2fa: {  	[spmem:s5] =	stream.indirect.scatter.add.f32 [tilespmem:s23], [sflag:$0x3], $0x10, s22, s25, $0xb8;
	[tilespmem:$0x129A8] =	vst v63  }
0x2fb: {  	s22 =	sadd.s32 $0x2558, s12;
	s23 =	simm.s32 $0xE218  }
0x2fc: {  	[spmem:s5] =	stream.indirect.scatter.add.f32 [tilespmem:s23], [sflag:$0x3], $0x10, s22, s25, $0xb8;
	[tilespmem:$0x129A8] =	vst v63  }
0x2fd: {  	s22 =	sadd.s32 $0x2580, s12;
	s23 =	simm.s32 $0xE498  }
0x2fe: {  	[spmem:s5] =	stream.indirect.scatter.add.f32 [tilespmem:s23], [sflag:$0x3], $0x10, s22, s25, $0xb8;
	[tilespmem:$0x129A8] =	vst v63  }
0x2ff: {  	s22 =	sadd.s32 $0x25A8, s12;
	s23 =	simm.s32 $0xE718  }
0x300: {  	[spmem:s5] =	stream.indirect.scatter.add.f32 [tilespmem:s23], [sflag:$0x3], $0x10, s22, s25, $0xb8;
	[tilespmem:$0x129A8] =	vst v63  }
0x301: {  	s22 =	sadd.s32 $0x25D0, s12;
	s23 =	simm.s32 $0xE998  }
0x302: {  	[spmem:s5] =	stream.indirect.scatter.add.f32 [tilespmem:s23], [sflag:$0x3], $0x10, s22, s25, $0xb8;
	[tilespmem:$0x129A8] =	vst v63  }
0x303: {  	s22 =	sadd.s32 $0x25F8, s12;
	s23 =	simm.s32 $0xEC18  }
0x304: {  	[spmem:s5] =	stream.indirect.scatter.add.f32 [tilespmem:s23], [sflag:$0x3], $0x10, s22, s25, $0xb8;
	[tilespmem:$0x129A8] =	vst v63  }
0x305: {  	s22 =	sadd.s32 $0x2620, s12;
	s23 =	simm.s32 $0xEE98  }
0x306: {  	[spmem:s5] =	stream.indirect.scatter.add.f32 [tilespmem:s23], [sflag:$0x3], $0x10, s22, s25, $0xb8;
	[tilespmem:$0x129A8] =	vst v63  }
0x307: {  	s22 =	sadd.s32 $0x2648, s12;
	s23 =	simm.s32 $0xF118  }
0x308: {  	[spmem:s5] =	stream.indirect.scatter.add.f32 [tilespmem:s23], [sflag:$0x3], $0x10, s22, s25, $0xb8;
	[tilespmem:$0x129A8] =	vst v63  }
0x309: {  	s22 =	sadd.s32 $0x2670, s12;
	s23 =	simm.s32 $0xF398  }
0x30a: {  	[spmem:s5] =	stream.indirect.scatter.add.f32 [tilespmem:s23], [sflag:$0x3], $0x10, s22, s25, $0xb8;
	[tilespmem:$0x129A8] =	vst v63  }
0x30b: {  	s22 =	sadd.s32 $0x2698, s12;
	s23 =	simm.s32 $0xF618  }
0x30c: {  	[spmem:s5] =	stream.indirect.scatter.add.f32 [tilespmem:s23], [sflag:$0x3], $0x10, s22, s25, $0xb8;
	[tilespmem:$0x129A8] =	vst v63  }
0x30d: {  	s23 =	sadd.s32 $0x26C0, s12  }
0x30e: {  	[spmem:s5] =	stream.indirect.scatter.add.f32 [tilespmem:s3], [sflag:$0x3], $0x10, s23, s25, $0xb8;
	[tilespmem:$0x129A8] =	vst v63  }
0x30f: {  	s22 =	sadd.s32 $0x26E8, s12;
	s23 =	simm.s32 $0xFB18  }
0x310: {  	[spmem:s5] =	stream.indirect.scatter.add.f32 [tilespmem:s23], [sflag:$0x3], $0x10, s22, s25, $0xb8;
	[tilespmem:$0x129A8] =	vst v63  }
0x311: {  	s12 =	sadd.s32 $0x2710, s12;
	s23 =	simm.s32 $0xFD98  }
0x312: {  	[spmem:s5] =	stream.indirect.scatter.add.f32 [tilespmem:s23], [sflag:$0x3], $0x10, s12, s25, $0xb8;
	[tilespmem:$0x129A8] =	vst v63  }
0x313: {  	s22 =	sadd.s32 $0x2710, s20;
	s23 =	simm.s32 $0x10018  }
0x314: {  	[spmem:s5] =	stream.indirect.scatter.add.f32 [tilespmem:s23], [sflag:$0x3], $0x10, s22, s25, $0xb8;
	[tilespmem:$0x129A8] =	vst v63  }
0x315: {  	_ =	swait.ge [sflag:s11], $0x2800  }
0x316: {  	[sflag:s11] =	ssyncset.done $0x0  }
0x317: {  	[sflag:s11] =	ssyncadd.s32 $0xFFFFD800  }
0x318: {  	_ =	swait.ge [sflag:s15], $0x280  }
0x319: {  	[sflag:s15] =	ssyncset.done $0x0  }
0x31a: {  	[sflag:s15] =	ssyncadd.s32 $0xFFFFFD80  }
0x31b: {  	_ =	swait.ge [sflag:s15], $0x280  }
0x31c: {  	[sflag:s15] =	ssyncset.done $0x0  }
0x31d: {  	[sflag:s15] =	ssyncadd.s32 $0xFFFFFD80  }
0x31e: {  	_ =	swait.ge [sflag:s15], $0x280  }
0x31f: {  	[sflag:s15] =	ssyncset.done $0x0  }
0x320: {  	[sflag:s15] =	ssyncadd.s32 $0xFFFFFD80  }
0x321: {  	_ =	swait.ge [sflag:s15], $0x280  }
0x322: {  	[sflag:s15] =	ssyncset.done $0x0  }
0x323: {  	[sflag:s15] =	ssyncadd.s32 $0xFFFFFD80  }
0x324: {  	_ =	swait.ge [sflag:s15], $0x280  }
0x325: {  	[sflag:s15] =	ssyncset.done $0x0  }
0x326: {  	[sflag:s15] =	ssyncadd.s32 $0xFFFFFD80  }
0x327: {  	_ =	swait.ge [sflag:s15], $0x280  }
0x328: {  	[sflag:s15] =	ssyncset.done $0x0  }
0x329: {  	[sflag:s15] =	ssyncadd.s32 $0xFFFFFD80  }
0x32a: {  	_ =	swait.ge [sflag:s15], $0x280  }
0x32b: {  	[sflag:s15] =	ssyncset.done $0x0  }
0x32c: {  	[sflag:s15] =	ssyncadd.s32 $0xFFFFFD80  }
0x32d: {  	_ =	swait.ge [sflag:s15], $0x280  }
0x32e: {  	[sflag:s15] =	ssyncset.done $0x0  }
0x32f: {  	[sflag:s15] =	ssyncadd.s32 $0xFFFFFD80  }
0x330: {  	_ =	swait.ge [sflag:s15], $0x280  }
0x331: {  	[sflag:s15] =	ssyncset.done $0x0  }
0x332: {  	[sflag:s15] =	ssyncadd.s32 $0xFFFFFD80  }
0x333: {  	_ =	swait.ge [sflag:s15], $0x280  }
0x334: {  	[sflag:s15] =	ssyncset.done $0x0  }
0x335: {  	[sflag:s15] =	ssyncadd.s32 $0xFFFFFD80  }
0x336: {  	_ =	swait.ge [sflag:s15], $0x280  }
0x337: {  	[sflag:s15] =	ssyncset.done $0x0  }
0x338: {  	[sflag:s15] =	ssyncadd.s32 $0xFFFFFD80  }
0x339: {  	_ =	swait.ge [sflag:s15], $0x280  }
0x33a: {  	[sflag:s15] =	ssyncset.done $0x0  }
0x33b: {  	[sflag:s15] =	ssyncadd.s32 $0xFFFFFD80  }
0x33c: {  	_ =	swait.ge [sflag:s15], $0x280  }
0x33d: {  	[sflag:s15] =	ssyncset.done $0x0  }
0x33e: {  	[sflag:s15] =	ssyncadd.s32 $0xFFFFFD80  }
0x33f: {  	_ =	swait.ge [sflag:s15], $0x280  }
0x340: {  	[sflag:s15] =	ssyncset.done $0x0  }
0x341: {  	[sflag:s15] =	ssyncadd.s32 $0xFFFFFD80  }
0x342: {  	_ =	swait.ge [sflag:s15], $0x280  }
.Ltmp6:
0x343: {  	[sflag:s15] =	ssyncset.done $0x0;
	(pc) =	sbr.rel .LBB2_10-.Ltmp6, $4  }
0x344: {  	[sflag:s15] =	ssyncadd.s32 $0xFFFFFD80  }
0x345: {  	_ =	swait.ge [sflag:s15], $0x280  }
0x346: {  	[sflag:s15] =	ssyncset.done $0x0  }
0x347: {  	[sflag:s15] =	ssyncadd.s32 $0xFFFFFD80  }
.LBB2_11:
0x348: {  	_ =	swait.ge [sflag:s31], $0x1400  }
0x349: {  	[sflag:s31] =	ssyncset.done $0x0  }
0x34a: {  	[sflag:s31] =	ssyncadd.s32 $0xFFFFEC00  }
0x34b: {  	s12 =	simm.s32 $0x0;
	_ =	swait.ge [sflag:s31], $0x1400  }
0x34c: {  	v18 =	vmov s12;
	[sflag:s31] =	ssyncset.done $0x0  }
0x34d: {  	v18 =	vshll.u32 v18, $0x7;
	[sflag:s31] =	ssyncadd.s32 $0xFFFFEC00  }
0x34e: {  	v18 =	vadd.s32 v15, v18;
	_ =	swait.ge [sflag:s31], $0x1400  }
0x34f: {  	v19 =	vor.u32 v0, v18;
	[sflag:s31] =	ssyncset.done $0x0  }
0x350: {  	[sflag:s31] =	ssyncadd.s32 $0xFFFFEC00  }
0x351: {  	_ =	swait.ge [sflag:s31], $0x1400  }
0x352: {  	[sflag:s31] =	ssyncset.done $0x0  }
0x353: {  	v20 =	vor.u32 v1, v18;
	[sflag:s31] =	ssyncadd.s32 $0xFFFFEC00  }
0x354: {  	v21 =	vld.idx.msk [tilespmem:v19+s26+$0x0], $0xffff  }
0x355: {  	v19 =	vld.idx.msk [tilespmem:v19+s29+$0x0], $0xffff;
	_ =	sdelay $0x1  }
0x356: {  	v22 =	vor.u32 v2, v18  }
0x357: {  	v23 =	vld.idx.msk [tilespmem:v20+s26+$0x0], $0xffff  }
0x358: {  	v20 =	vld.idx.msk [tilespmem:v20+s29+$0x0], $0xffff  }
0x359: {  	v24 =	vshll.u32 v21, $0x10;
	v25 =	vshll.u32 v19, $0x10  }
0x35a: {  	v26 =	vor.u32 v3, v18;
	v24 =	vmul.f32 v25, v24  }
0x35b: {  	v61 =	vld.idx.msk [tilespmem:v22+s26+$0x0], $0xffff;
	v21 =	vand.u32 $0xFFFF0000, v21;
	v19 =	vand.u32 $0xFFFF0000, v19  }
0x35c: {  	v22 =	vld.idx.msk [tilespmem:v22+s29+$0x0], $0xffff;
	v19 =	vmul.f32 v19, v21;
	v24 =	vadd.f32 $0.0e+00, v24  }
0x35d: {  	v62 =	vshll.u32 v23, $0x10;
	v27 =	vshll.u32 v20, $0x10  }
0x35e: {  	v28 =	vor.u32 v4, v18;
	v21 =	vmul.f32 v27, v62;
	v19 =	vadd.f32 v24, v19  }
0x35f: {  	v63 =	vld.idx.msk [tilespmem:v26+s26+$0x0], $0xffff;
	v23 =	vand.u32 $0xFFFF0000, v23;
	v20 =	vand.u32 $0xFFFF0000, v20  }
0x360: {  	v26 =	vld.idx.msk [tilespmem:v26+s29+$0x0], $0xffff;
	v20 =	vmul.f32 v20, v23;
	v19 =	vadd.f32 v21, v19  }
0x361: {  	v31 =	vshll.u32 v61, $0x10;
	v32 =	vshll.u32 v22, $0x10  }
0x362: {  	v33 =	vor.u32 v5, v18;
	v19 =	vadd.f32 v19, v20;
	v20 =	vmul.f32 v32, v31  }
0x363: {  	v34 =	vld.idx.msk [tilespmem:v28+s26+$0x0], $0xffff;
	v35 =	vand.u32 $0xFFFF0000, v61;
	v22 =	vand.u32 $0xFFFF0000, v22  }
0x364: {  	v36 =	vld.idx.msk [tilespmem:v28+s29+$0x0], $0xffff;
	v19 =	vadd.f32 v20, v19;
	v20 =	vmul.f32 v22, v35  }
0x365: {  	v37 =	vshll.u32 v63, $0x10;
	v38 =	vshll.u32 v26, $0x10  }
0x366: {  	v39 =	vor.u32 v6, v18;
	v19 =	vadd.f32 v19, v20;
	v20 =	vmul.f32 v38, v37  }
0x367: {  	v40 =	vld.idx.msk [tilespmem:v33+s26+$0x0], $0xffff;
	v41 =	vand.u32 $0xFFFF0000, v63;
	v42 =	vand.u32 $0xFFFF0000, v26  }
0x368: {  	v43 =	vld.idx.msk [tilespmem:v33+s29+$0x0], $0xffff;
	v19 =	vadd.f32 v20, v19;
	v20 =	vmul.f32 v42, v41  }
0x369: {  	v44 =	vshll.u32 v34, $0x10;
	v45 =	vshll.u32 v36, $0x10  }
0x36a: {  	v46 =	vor.u32 v7, v18;
	v19 =	vadd.f32 v19, v20;
	v20 =	vmul.f32 v45, v44  }
0x36b: {  	v47 =	vld.idx.msk [tilespmem:v39+s26+$0x0], $0xffff;
	v48 =	vand.u32 $0xFFFF0000, v36;
	v21 =	vand.u32 $0xFFFF0000, v34  }
0x36c: {  	v49 =	vld.idx.msk [tilespmem:v39+s29+$0x0], $0xffff;
	v19 =	vadd.f32 v20, v19;
	v20 =	vmul.f32 v48, v21  }
0x36d: {  	v50 =	vshll.u32 v40, $0x10;
	v51 =	vshll.u32 v43, $0x10  }
0x36e: {  	v52 =	vor.u32 v9, v18;
	v19 =	vadd.f32 v19, v20;
	v20 =	vmul.f32 v51, v50  }
0x36f: {  	v53 =	vld.idx.msk [tilespmem:v46+s26+$0x0], $0xffff;
	v54 =	vand.u32 $0xFFFF0000, v43;
	v22 =	vand.u32 $0xFFFF0000, v40  }
0x370: {  	v55 =	vld.idx.msk [tilespmem:v46+s29+$0x0], $0xffff;
	v19 =	vadd.f32 v20, v19;
	v20 =	vmul.f32 v54, v22  }
0x371: {  	v56 =	vshll.u32 v47, $0x10;
	v57 =	vshll.u32 v49, $0x10  }
0x372: {  	v58 =	vor.u32 v10, v18;
	v19 =	vadd.f32 v19, v20;
	v20 =	vmul.f32 v57, v56  }
0x373: {  	v59 =	vld.idx.msk [tilespmem:v52+s26+$0x0], $0xffff;
	v60 =	vand.u32 $0xFFFF0000, v49;
	v23 =	vand.u32 $0xFFFF0000, v47  }
0x374: {  	v61 =	vld.idx.msk [tilespmem:v52+s29+$0x0], $0xffff;
	v19 =	vadd.f32 v20, v19;
	v20 =	vmul.f32 v60, v23  }
0x375: {  	v63 =	vshll.u32 v55, $0x10;
	v62 =	vshll.u32 v53, $0x10  }
0x376: {  	v32 =	vor.u32 v11, v18;
	v19 =	vadd.f32 v19, v20;
	v20 =	vmul.f32 v63, v62  }
0x377: {  	v33 =	vld.idx.msk [tilespmem:v58+s26+$0x0], $0xffff;
	v34 =	vand.u32 $0xFFFF0000, v55;
	v21 =	vand.u32 $0xFFFF0000, v53  }
0x378: {  	v35 =	vld.idx.msk [tilespmem:v58+s29+$0x0], $0xffff;
	v19 =	vadd.f32 v20, v19;
	v20 =	vmul.f32 v34, v21  }
0x379: {  	v36 =	vshll.u32 v59, $0x10;
	v37 =	vshll.u32 v61, $0x10  }
0x37a: {  	v38 =	vor.u32 v12, v18;
	v19 =	vadd.f32 v19, v20;
	v20 =	vmul.f32 v37, v36  }
0x37b: {  	v40 =	vand.u32 $0xFFFF0000, v61;
	v39 =	vld.idx.msk [tilespmem:v32+s26+$0x0], $0xffff;
	v22 =	vand.u32 $0xFFFF0000, v59  }
0x37c: {  	v41 =	vld.idx.msk [tilespmem:v32+s29+$0x0], $0xffff;
	v19 =	vadd.f32 v20, v19;
	v20 =	vmul.f32 v40, v22  }
0x37d: {  	v42 =	vshll.u32 v33, $0x10;
	v43 =	vshll.u32 v35, $0x10  }
0x37e: {  	v44 =	vor.u32 v13, v18;
	v19 =	vadd.f32 v19, v20;
	v20 =	vmul.f32 v43, v42  }
0x37f: {  	v46 =	vand.u32 $0xFFFF0000, v35;
	v45 =	vld.idx.msk [tilespmem:v38+s26+$0x0], $0xffff;
	v23 =	vand.u32 $0xFFFF0000, v33  }
0x380: {  	v47 =	vld.idx.msk [tilespmem:v38+s29+$0x0], $0xffff;
	v19 =	vadd.f32 v20, v19;
	v20 =	vmul.f32 v46, v23  }
0x381: {  	v48 =	vshll.u32 v39, $0x10;
	v49 =	vshll.u32 v41, $0x10  }
0x382: {  	v50 =	vor.u32 v14, v18;
	v19 =	vadd.f32 v19, v20;
	v20 =	vmul.f32 v49, v48  }
0x383: {  	v52 =	vand.u32 $0xFFFF0000, v41;
	v51 =	vld.idx.msk [tilespmem:v44+s26+$0x0], $0xffff;
	v21 =	vand.u32 $0xFFFF0000, v39  }
0x384: {  	v53 =	vld.idx.msk [tilespmem:v44+s29+$0x0], $0xffff;
	v19 =	vadd.f32 v20, v19;
	v20 =	vmul.f32 v52, v21  }
0x385: {  	v54 =	vshll.u32 v45, $0x10;
	v55 =	vshll.u32 v47, $0x10  }
0x386: {  	v56 =	vor.u32 v16, v18;
	v19 =	vadd.f32 v19, v20;
	v20 =	vmul.f32 v55, v54  }
0x387: {  	v58 =	vand.u32 $0xFFFF0000, v47;
	v57 =	vld.idx.msk [tilespmem:v50+s26+$0x0], $0xffff;
	v22 =	vand.u32 $0xFFFF0000, v45  }
0x388: {  	v59 =	vld.idx.msk [tilespmem:v50+s29+$0x0], $0xffff;
	v19 =	vadd.f32 v20, v19;
	v20 =	vmul.f32 v58, v22  }
0x389: {  	v60 =	vshll.u32 v51, $0x10;
	v61 =	vshll.u32 v53, $0x10  }
0x38a: {  	v18 =	vor.u32 v17, v18;
	v19 =	vadd.f32 v19, v20;
	v20 =	vmul.f32 v61, v60  }
0x38b: {  	v63 =	vand.u32 $0xFFFF0000, v53;
	v62 =	vld.idx.msk [tilespmem:v56+s26+$0x0], $0xffff;
	v23 =	vand.u32 $0xFFFF0000, v51  }
0x38c: {  	v29 =	vld.idx.msk [tilespmem:v56+s29+$0x0], $0xffff;
	v19 =	vadd.f32 v20, v19;
	v20 =	vmul.f32 v63, v23  }
0x38d: {  	v30 =	vshll.u32 v57, $0x10;
	v31 =	vshll.u32 v59, $0x10  }
0x38e: {  	v19 =	vadd.f32 v19, v20;
	v20 =	vmul.f32 v31, v30  }
0x38f: {  	v32 =	vld.idx.msk [tilespmem:v18+s26+$0x0], $0xffff;
	v33 =	vand.u32 $0xFFFF0000, v59;
	v21 =	vand.u32 $0xFFFF0000, v57  }
0x390: {  	v18 =	vld.idx.msk [tilespmem:v18+s29+$0x0], $0xffff;
	v19 =	vadd.f32 v20, v19;
	v20 =	vmul.f32 v33, v21  }
0x391: {  	v34 =	vshll.u32 v62, $0x10;
	v35 =	vshll.u32 v29, $0x10  }
0x392: {  	v19 =	vadd.f32 v19, v20;
	v20 =	vmul.f32 v35, v34  }
0x393: {  	v36 =	vand.u32 $0xFFFF0000, v62;
	v37 =	vand.u32 $0xFFFF0000, v29  }
0x394: {  	v19 =	vadd.f32 v20, v19;
	v20 =	vmul.f32 v37, v36  }
0x395: {  	v38 =	vshll.u32 v32, $0x10;
	v39 =	vshll.u32 v18, $0x10  }
0x396: {  	v19 =	vadd.f32 v19, v20;
	v20 =	vmul.f32 v39, v38  }
0x397: {  	v40 =	vand.u32 $0xFFFF0000, v32;
	v18 =	vand.u32 $0xFFFF0000, v18  }
0x398: {  	v18 =	vmul.f32 v18, v40;
	v19 =	vadd.f32 v20, v19;
	_ =	sdelay $0x1  }
0x399: {  	v18 =	vadd.f32 v19, v18;
	_ =	sdelay $0x1  }
0x39a: {  	v18 =	vmul.f32 $1.767766920e-01, v18;
	_ =	sdelay $0x1  }
0x39b: {  	v18 =	vmul.f32 $1.442695020e+00, v18;
	_ =	sdelay $0x1  }
0x39c: {  	(erf) = vpow2.f32 v18;
	_ =	sdelay $0x1  }
0x39d: {  	s23 =	simm.s32 $0x1  }
0x39e: {  	v18 =	vmov s23  }
0x39f: {  	v18 =	vshll.u32 v18, $0x7  }
0x3a0: {  	v18 =	vadd.s32 v15, v18  }
0x3a1: {  	v19 =	vor.u32 v0, v18;
	_ =	sdelay $0x2  }
0x3a2: {  	s12 =	simm.s32 $0xF898;
	v20 =	vpop (erf)  }
0x3a3: {  	v41 =	vor.u32 v1, v18;
	[tilespmem:s12+$0x0] =	vst v20  }
0x3a4: {  	v20 =	vld.idx.msk [tilespmem:v19+s26+$0x0], $0xffff  }
0x3a5: {  	v19 =	vld.idx.msk [tilespmem:v19+s29+$0x0], $0xffff;
	_ =	sdelay $0x1  }
0x3a6: {  	v42 =	vor.u32 v2, v18  }
0x3a7: {  	v43 =	vld.idx.msk [tilespmem:v41+s26+$0x0], $0xffff  }
0x3a8: {  	v21 =	vld.idx.msk [tilespmem:v41+s29+$0x0], $0xffff  }
0x3a9: {  	v44 =	vshll.u32 v20, $0x10;
	v45 =	vshll.u32 v19, $0x10  }
0x3aa: {  	v46 =	vor.u32 v3, v18;
	v24 =	vmul.f32 v45, v44  }
0x3ab: {  	v47 =	vld.idx.msk [tilespmem:v42+s26+$0x0], $0xffff;
	v20 =	vand.u32 $0xFFFF0000, v20;
	v19 =	vand.u32 $0xFFFF0000, v19  }
0x3ac: {  	v22 =	vld.idx.msk [tilespmem:v42+s29+$0x0], $0xffff;
	v19 =	vmul.f32 v19, v20;
	v24 =	vadd.f32 $0.0e+00, v24  }
0x3ad: {  	v48 =	vshll.u32 v21, $0x10;
	v20 =	vshll.u32 v43, $0x10  }
0x3ae: {  	v49 =	vor.u32 v4, v18;
	v20 =	vmul.f32 v48, v20;
	v19 =	vadd.f32 v24, v19  }
0x3af: {  	v50 =	vld.idx.msk [tilespmem:v46+s26+$0x0], $0xffff;
	v23 =	vand.u32 $0xFFFF0000, v43;
	v21 =	vand.u32 $0xFFFF0000, v21  }
0x3b0: {  	v26 =	vld.idx.msk [tilespmem:v46+s29+$0x0], $0xffff;
	v19 =	vadd.f32 v20, v19;
	v20 =	vmul.f32 v21, v23  }
0x3b1: {  	v51 =	vshll.u32 v47, $0x10;
	v52 =	vshll.u32 v22, $0x10  }
0x3b2: {  	v53 =	vor.u32 v5, v18;
	v19 =	vadd.f32 v19, v20;
	v20 =	vmul.f32 v52, v51  }
0x3b3: {  	v54 =	vld.idx.msk [tilespmem:v49+s26+$0x0], $0xffff;
	v55 =	vand.u32 $0xFFFF0000, v47;
	v22 =	vand.u32 $0xFFFF0000, v22  }
0x3b4: {  	v56 =	vld.idx.msk [tilespmem:v49+s29+$0x0], $0xffff;
	v19 =	vadd.f32 v20, v19;
	v20 =	vmul.f32 v22, v55  }
0x3b5: {  	v57 =	vshll.u32 v50, $0x10;
	v58 =	vshll.u32 v26, $0x10  }
0x3b6: {  	v59 =	vor.u32 v6, v18;
	v19 =	vadd.f32 v19, v20;
	v20 =	vmul.f32 v58, v57  }
0x3b7: {  	v60 =	vld.idx.msk [tilespmem:v53+s26+$0x0], $0xffff;
	v61 =	vand.u32 $0xFFFF0000, v50;
	v62 =	vand.u32 $0xFFFF0000, v26  }
0x3b8: {  	v63 =	vld.idx.msk [tilespmem:v53+s29+$0x0], $0xffff;
	v19 =	vadd.f32 v20, v19;
	v20 =	vmul.f32 v62, v61  }
0x3b9: {  	v32 =	vshll.u32 v54, $0x10;
	v33 =	vshll.u32 v56, $0x10  }
0x3ba: {  	v34 =	vor.u32 v7, v18;
	v19 =	vadd.f32 v19, v20;
	v20 =	vmul.f32 v33, v32  }
0x3bb: {  	v35 =	vld.idx.msk [tilespmem:v59+s26+$0x0], $0xffff;
	v36 =	vand.u32 $0xFFFF0000, v56;
	v21 =	vand.u32 $0xFFFF0000, v54  }
0x3bc: {  	v37 =	vld.idx.msk [tilespmem:v59+s29+$0x0], $0xffff;
	v19 =	vadd.f32 v20, v19;
	v20 =	vmul.f32 v36, v21  }
0x3bd: {  	v38 =	vshll.u32 v60, $0x10;
	v39 =	vshll.u32 v63, $0x10  }
0x3be: {  	v40 =	vor.u32 v9, v18;
	v19 =	vadd.f32 v19, v20;
	v20 =	vmul.f32 v39, v38  }
0x3bf: {  	v41 =	vld.idx.msk [tilespmem:v34+s26+$0x0], $0xffff;
	v42 =	vand.u32 $0xFFFF0000, v63;
	v22 =	vand.u32 $0xFFFF0000, v60  }
0x3c0: {  	v43 =	vld.idx.msk [tilespmem:v34+s29+$0x0], $0xffff;
	v19 =	vadd.f32 v20, v19;
	v20 =	vmul.f32 v42, v22  }
0x3c1: {  	v44 =	vshll.u32 v35, $0x10;
	v45 =	vshll.u32 v37, $0x10  }
0x3c2: {  	v46 =	vor.u32 v10, v18;
	v19 =	vadd.f32 v19, v20;
	v20 =	vmul.f32 v45, v44  }
0x3c3: {  	v49 =	vld.idx.msk [tilespmem:v40+s29+$0x0], $0xffff;
	v48 =	vand.u32 $0xFFFF0000, v37;
	v23 =	vand.u32 $0xFFFF0000, v35  }
0x3c4: {  	v47 =	vld.idx.msk [tilespmem:v40+s26+$0x0], $0xffff;
	v19 =	vadd.f32 v20, v19;
	v20 =	vmul.f32 v48, v23  }
0x3c5: {  	v50 =	vshll.u32 v41, $0x10;
	v51 =	vshll.u32 v43, $0x10  }
0x3c6: {  	v52 =	vor.u32 v11, v18;
	v19 =	vadd.f32 v19, v20;
	v20 =	vmul.f32 v51, v50  }
0x3c7: {  	v53 =	vld.idx.msk [tilespmem:v46+s26+$0x0], $0xffff;
	v54 =	vand.u32 $0xFFFF0000, v43;
	v21 =	vand.u32 $0xFFFF0000, v41  }
0x3c8: {  	v55 =	vld.idx.msk [tilespmem:v46+s29+$0x0], $0xffff;
	v19 =	vadd.f32 v20, v19;
	v20 =	vmul.f32 v54, v21  }
0x3c9: {  	v56 =	vshll.u32 v47, $0x10;
	v57 =	vshll.u32 v49, $0x10  }
0x3ca: {  	v58 =	vor.u32 v12, v18;
	v19 =	vadd.f32 v19, v20;
	v20 =	vmul.f32 v57, v56  }
0x3cb: {  	v60 =	vand.u32 $0xFFFF0000, v49;
	v59 =	vld.idx.msk [tilespmem:v52+s26+$0x0], $0xffff;
	v22 =	vand.u32 $0xFFFF0000, v47  }
0x3cc: {  	v61 =	vld.idx.msk [tilespmem:v52+s29+$0x0], $0xffff;
	v19 =	vadd.f32 v20, v19;
	v20 =	vmul.f32 v60, v22  }
0x3cd: {  	v62 =	vshll.u32 v53, $0x10;
	v63 =	vshll.u32 v55, $0x10  }
0x3ce: {  	v32 =	vor.u32 v13, v18;
	v19 =	vadd.f32 v19, v20;
	v20 =	vmul.f32 v63, v62  }
0x3cf: {  	v34 =	vand.u32 $0xFFFF0000, v55;
	v33 =	vld.idx.msk [tilespmem:v58+s26+$0x0], $0xffff;
	v23 =	vand.u32 $0xFFFF0000, v53  }
0x3d0: {  	v35 =	vld.idx.msk [tilespmem:v58+s29+$0x0], $0xffff;
	v19 =	vadd.f32 v20, v19;
	v20 =	vmul.f32 v34, v23  }
0x3d1: {  	v36 =	vshll.u32 v59, $0x10;
	v37 =	vshll.u32 v61, $0x10  }
0x3d2: {  	v38 =	vor.u32 v14, v18;
	v19 =	vadd.f32 v19, v20;
	v20 =	vmul.f32 v37, v36  }
0x3d3: {  	v40 =	vand.u32 $0xFFFF0000, v61;
	v39 =	vld.idx.msk [tilespmem:v32+s26+$0x0], $0xffff;
	v21 =	vand.u32 $0xFFFF0000, v59  }
0x3d4: {  	v41 =	vld.idx.msk [tilespmem:v32+s29+$0x0], $0xffff;
	v19 =	vadd.f32 v20, v19;
	v20 =	vmul.f32 v40, v21  }
0x3d5: {  	v42 =	vshll.u32 v33, $0x10;
	v43 =	vshll.u32 v35, $0x10  }
0x3d6: {  	v44 =	vor.u32 v16, v18;
	v19 =	vadd.f32 v19, v20;
	v20 =	vmul.f32 v43, v42  }
0x3d7: {  	v46 =	vand.u32 $0xFFFF0000, v35;
	v45 =	vld.idx.msk [tilespmem:v38+s26+$0x0], $0xffff;
	v22 =	vand.u32 $0xFFFF0000, v33  }
0x3d8: {  	v47 =	vld.idx.msk [tilespmem:v38+s29+$0x0], $0xffff;
	v19 =	vadd.f32 v20, v19;
	v20 =	vmul.f32 v46, v22  }
0x3d9: {  	v48 =	vshll.u32 v39, $0x10;
	v49 =	vshll.u32 v41, $0x10  }
0x3da: {  	v18 =	vor.u32 v17, v18;
	v19 =	vadd.f32 v19, v20;
	v20 =	vmul.f32 v49, v48  }
0x3db: {  	v51 =	vand.u32 $0xFFFF0000, v41;
	v50 =	vld.idx.msk [tilespmem:v44+s26+$0x0], $0xffff;
	v23 =	vand.u32 $0xFFFF0000, v39  }
0x3dc: {  	v52 =	vld.idx.msk [tilespmem:v44+s29+$0x0], $0xffff;
	v19 =	vadd.f32 v20, v19;
	v20 =	vmul.f32 v51, v23  }
0x3dd: {  	v53 =	vshll.u32 v45, $0x10;
	v54 =	vshll.u32 v47, $0x10  }
0x3de: {  	v19 =	vadd.f32 v19, v20;
	v20 =	vmul.f32 v54, v53  }
0x3df: {  	v55 =	vld.idx.msk [tilespmem:v18+s26+$0x0], $0xffff;
	v56 =	vand.u32 $0xFFFF0000, v47;
	v21 =	vand.u32 $0xFFFF0000, v45  }
0x3e0: {  	v18 =	vld.idx.msk [tilespmem:v18+s29+$0x0], $0xffff;
	v19 =	vadd.f32 v20, v19;
	v20 =	vmul.f32 v56, v21  }
0x3e1: {  	v57 =	vshll.u32 v50, $0x10;
	v58 =	vshll.u32 v52, $0x10  }
0x3e2: {  	v19 =	vadd.f32 v19, v20;
	v20 =	vmul.f32 v58, v57  }
0x3e3: {  	v59 =	vand.u32 $0xFFFF0000, v50;
	v60 =	vand.u32 $0xFFFF0000, v52  }
0x3e4: {  	v19 =	vadd.f32 v20, v19;
	v20 =	vmul.f32 v60, v59  }
0x3e5: {  	v61 =	vshll.u32 v55, $0x10;
	v62 =	vshll.u32 v18, $0x10  }
0x3e6: {  	v19 =	vadd.f32 v19, v20;
	v20 =	vmul.f32 v62, v61  }
0x3e7: {  	v63 =	vand.u32 $0xFFFF0000, v55;
	v18 =	vand.u32 $0xFFFF0000, v18  }
0x3e8: {  	v18 =	vmul.f32 v18, v63;
	v19 =	vadd.f32 v20, v19;
	_ =	sdelay $0x1  }
0x3e9: {  	v18 =	vadd.f32 v19, v18;
	_ =	sdelay $0x1  }
0x3ea: {  	v18 =	vmul.f32 $1.767766920e-01, v18;
	_ =	sdelay $0x1  }
0x3eb: {  	v18 =	vmul.f32 $1.442695020e+00, v18;
	_ =	sdelay $0x1  }
0x3ec: {  	(erf) = vpow2.f32 v18;
	_ =	sdelay $0x1  }
0x3ed: {  	s16 =	simm.s32 $0x2  }
0x3ee: {  	v19 =	vmov s16  }
0x3ef: {  	s16 =	simm.s32 $0x3;
	v18 =	vshll.u32 v19, $0x7  }
.LBB2_12:
0x3f0: {  	p5 =	sne.s32 s16, $0x27;
	v18 =	vadd.s32 v15, v18  }
0x3f1: {  	v19 =	vor.u32 v0, v18;
	_ =	sdelay $0x2  }
0x3f2: {  	s12 =	sadd.s32 $0x10, s12;
	v20 =	vpop (erf)  }
0x3f3: {  	v21 =	vor.u32 v1, v18;
	[tilespmem:s12+$0x0] =	vst v20  }
0x3f4: {  	v20 =	vld.idx.msk [tilespmem:v19+s26+$0x0], $0xffff  }
0x3f5: {  	v19 =	vld.idx.msk [tilespmem:v19+s29+$0x0], $0xffff;
	_ =	sdelay $0x1  }
0x3f6: {  	v22 =	vor.u32 v2, v18  }
0x3f7: {  	v23 =	vld.idx.msk [tilespmem:v21+s26+$0x0], $0xffff  }
0x3f8: {  	v21 =	vld.idx.msk [tilespmem:v21+s29+$0x0], $0xffff;
	_ =	sdelay $0x1  }
0x3f9: {  	v26 =	vor.u32 v3, v18;
	v24 =	vshll.u32 v20, $0x10;
	v25 =	vshll.u32 v19, $0x10  }
0x3fa: {  	v24 =	vmul.f32 v25, v24;
	v25 =	vld.idx.msk [tilespmem:v22+s26+$0x0], $0xffff  }
0x3fb: {  	v20 =	vand.u32 $0xFFFF0000, v20;
	v19 =	vand.u32 $0xFFFF0000, v19;
	v22 =	vld.idx.msk [tilespmem:v22+s29+$0x0], $0xffff  }
0x3fc: {  	v19 =	vmul.f32 v19, v20;
	v24 =	vadd.f32 $0.0e+00, v24  }
0x3fd: {  	v28 =	vor.u32 v4, v18;
	v20 =	vshll.u32 v23, $0x10;
	v27 =	vshll.u32 v21, $0x10  }
0x3fe: {  	v19 =	vadd.f32 v24, v19;
	v20 =	vmul.f32 v27, v20;
	v24 =	vld.idx.msk [tilespmem:v26+s26+$0x0], $0xffff  }
0x3ff: {  	v23 =	vand.u32 $0xFFFF0000, v23;
	v21 =	vand.u32 $0xFFFF0000, v21;
	v26 =	vld.idx.msk [tilespmem:v26+s29+$0x0], $0xffff  }
0x400: {  	v19 =	vadd.f32 v20, v19;
	v20 =	vmul.f32 v21, v23  }
0x401: {  	v27 =	vor.u32 v5, v18;
	v21 =	vshll.u32 v25, $0x10;
	v23 =	vshll.u32 v22, $0x10  }
0x402: {  	v19 =	vadd.f32 v19, v20;
	v20 =	vmul.f32 v23, v21;
	v21 =	vld.idx.msk [tilespmem:v28+s26+$0x0], $0xffff  }
0x403: {  	v22 =	vand.u32 $0xFFFF0000, v22;
	v23 =	vand.u32 $0xFFFF0000, v25;
	v25 =	vld.idx.msk [tilespmem:v28+s29+$0x0], $0xffff  }
0x404: {  	v19 =	vadd.f32 v20, v19;
	v20 =	vmul.f32 v22, v23  }
0x405: {  	v22 =	vshll.u32 v24, $0x10;
	v28 =	vor.u32 v6, v18;
	v23 =	vshll.u32 v26, $0x10  }
0x406: {  	v19 =	vadd.f32 v19, v20;
	v20 =	vmul.f32 v23, v22;
	v22 =	vld.idx.msk [tilespmem:v27+s26+$0x0], $0xffff  }
0x407: {  	v23 =	vand.u32 $0xFFFF0000, v24;
	v24 =	vand.u32 $0xFFFF0000, v26;
	v26 =	vld.idx.msk [tilespmem:v27+s29+$0x0], $0xffff  }
0x408: {  	v19 =	vadd.f32 v20, v19;
	v20 =	vmul.f32 v24, v23  }
0x409: {  	v23 =	vshll.u32 v21, $0x10;
	v27 =	vor.u32 v7, v18;
	v24 =	vshll.u32 v25, $0x10  }
0x40a: {  	v19 =	vadd.f32 v19, v20;
	v20 =	vmul.f32 v24, v23;
	v23 =	vld.idx.msk [tilespmem:v28+s26+$0x0], $0xffff  }
0x40b: {  	v21 =	vand.u32 $0xFFFF0000, v21;
	v24 =	vand.u32 $0xFFFF0000, v25;
	v25 =	vld.idx.msk [tilespmem:v28+s29+$0x0], $0xffff  }
0x40c: {  	v19 =	vadd.f32 v20, v19;
	v20 =	vmul.f32 v24, v21  }
0x40d: {  	v21 =	vshll.u32 v22, $0x10;
	v28 =	vor.u32 v9, v18;
	v24 =	vshll.u32 v26, $0x10  }
0x40e: {  	v19 =	vadd.f32 v19, v20;
	v20 =	vmul.f32 v24, v21;
	v21 =	vld.idx.msk [tilespmem:v27+s26+$0x0], $0xffff  }
0x40f: {  	v22 =	vand.u32 $0xFFFF0000, v22;
	v24 =	vand.u32 $0xFFFF0000, v26;
	v26 =	vld.idx.msk [tilespmem:v27+s29+$0x0], $0xffff  }
0x410: {  	v19 =	vadd.f32 v20, v19;
	v20 =	vmul.f32 v24, v22  }
0x411: {  	v22 =	vshll.u32 v23, $0x10;
	v27 =	vor.u32 v10, v18;
	v24 =	vshll.u32 v25, $0x10  }
0x412: {  	v19 =	vadd.f32 v19, v20;
	v20 =	vmul.f32 v24, v22;
	v22 =	vld.idx.msk [tilespmem:v28+s26+$0x0], $0xffff  }
0x413: {  	v23 =	vand.u32 $0xFFFF0000, v23;
	v24 =	vand.u32 $0xFFFF0000, v25;
	v25 =	vld.idx.msk [tilespmem:v28+s29+$0x0], $0xffff  }
0x414: {  	v19 =	vadd.f32 v20, v19;
	v20 =	vmul.f32 v24, v23  }
0x415: {  	v23 =	vshll.u32 v21, $0x10;
	v28 =	vor.u32 v11, v18;
	v24 =	vshll.u32 v26, $0x10  }
0x416: {  	v19 =	vadd.f32 v19, v20;
	v20 =	vmul.f32 v24, v23;
	v23 =	vld.idx.msk [tilespmem:v27+s26+$0x0], $0xffff  }
0x417: {  	v21 =	vand.u32 $0xFFFF0000, v21;
	v24 =	vand.u32 $0xFFFF0000, v26;
	v26 =	vld.idx.msk [tilespmem:v27+s29+$0x0], $0xffff  }
0x418: {  	v19 =	vadd.f32 v20, v19;
	v20 =	vmul.f32 v24, v21  }
0x419: {  	v21 =	vshll.u32 v22, $0x10;
	v27 =	vor.u32 v12, v18;
	v24 =	vshll.u32 v25, $0x10  }
0x41a: {  	v19 =	vadd.f32 v19, v20;
	v20 =	vmul.f32 v24, v21;
	v21 =	vld.idx.msk [tilespmem:v28+s26+$0x0], $0xffff  }
0x41b: {  	v22 =	vand.u32 $0xFFFF0000, v22;
	v24 =	vand.u32 $0xFFFF0000, v25;
	v25 =	vld.idx.msk [tilespmem:v28+s29+$0x0], $0xffff  }
0x41c: {  	v19 =	vadd.f32 v20, v19;
	v20 =	vmul.f32 v24, v22  }
0x41d: {  	v22 =	vshll.u32 v23, $0x10;
	v28 =	vor.u32 v13, v18;
	v24 =	vshll.u32 v26, $0x10  }
0x41e: {  	v19 =	vadd.f32 v19, v20;
	v20 =	vmul.f32 v24, v22;
	v22 =	vld.idx.msk [tilespmem:v27+s26+$0x0], $0xffff  }
0x41f: {  	v23 =	vand.u32 $0xFFFF0000, v23;
	v24 =	vand.u32 $0xFFFF0000, v26;
	v26 =	vld.idx.msk [tilespmem:v27+s29+$0x0], $0xffff  }
0x420: {  	v19 =	vadd.f32 v20, v19;
	v20 =	vmul.f32 v24, v23  }
0x421: {  	v23 =	vshll.u32 v21, $0x10;
	v27 =	vor.u32 v14, v18;
	v24 =	vshll.u32 v25, $0x10  }
0x422: {  	v19 =	vadd.f32 v19, v20;
	v20 =	vmul.f32 v24, v23;
	v23 =	vld.idx.msk [tilespmem:v28+s26+$0x0], $0xffff  }
0x423: {  	v21 =	vand.u32 $0xFFFF0000, v21;
	v24 =	vand.u32 $0xFFFF0000, v25;
	v25 =	vld.idx.msk [tilespmem:v28+s29+$0x0], $0xffff  }
0x424: {  	v19 =	vadd.f32 v20, v19;
	v20 =	vmul.f32 v24, v21  }
0x425: {  	v21 =	vshll.u32 v22, $0x10;
	v28 =	vor.u32 v16, v18;
	v24 =	vshll.u32 v26, $0x10  }
0x426: {  	v19 =	vadd.f32 v19, v20;
	v20 =	vmul.f32 v24, v21;
	v21 =	vld.idx.msk [tilespmem:v27+s26+$0x0], $0xffff  }
0x427: {  	v22 =	vand.u32 $0xFFFF0000, v22;
	v24 =	vand.u32 $0xFFFF0000, v26;
	v26 =	vld.idx.msk [tilespmem:v27+s29+$0x0], $0xffff  }
0x428: {  	v19 =	vadd.f32 v20, v19;
	v20 =	vmul.f32 v24, v22  }
0x429: {  	v18 =	vor.u32 v17, v18;
	v22 =	vshll.u32 v23, $0x10;
	v24 =	vshll.u32 v25, $0x10  }
0x42a: {  	v19 =	vadd.f32 v19, v20;
	v20 =	vmul.f32 v24, v22;
	v22 =	vld.idx.msk [tilespmem:v28+s26+$0x0], $0xffff  }
0x42b: {  	v23 =	vand.u32 $0xFFFF0000, v23;
	v24 =	vand.u32 $0xFFFF0000, v25;
	v25 =	vld.idx.msk [tilespmem:v28+s29+$0x0], $0xffff  }
0x42c: {  	v19 =	vadd.f32 v20, v19;
	v20 =	vmul.f32 v24, v23  }
0x42d: {  	v23 =	vshll.u32 v21, $0x10;
	v24 =	vshll.u32 v26, $0x10  }
0x42e: {  	v19 =	vadd.f32 v19, v20;
	v20 =	vmul.f32 v24, v23;
	v23 =	vld.idx.msk [tilespmem:v18+s26+$0x0], $0xffff  }
0x42f: {  	v21 =	vand.u32 $0xFFFF0000, v21;
	v24 =	vand.u32 $0xFFFF0000, v26;
	v18 =	vld.idx.msk [tilespmem:v18+s29+$0x0], $0xffff  }
0x430: {  	v19 =	vadd.f32 v20, v19;
	v20 =	vmul.f32 v24, v21  }
0x431: {  	v21 =	vshll.u32 v22, $0x10;
	v24 =	vshll.u32 v25, $0x10  }
0x432: {  	v19 =	vadd.f32 v19, v20;
	v20 =	vmul.f32 v24, v21  }
0x433: {  	v21 =	vand.u32 $0xFFFF0000, v22;
	v22 =	vand.u32 $0xFFFF0000, v25  }
0x434: {  	v19 =	vadd.f32 v20, v19;
	v20 =	vmul.f32 v22, v21  }
0x435: {  	v21 =	vshll.u32 v23, $0x10;
	v22 =	vshll.u32 v18, $0x10  }
0x436: {  	v19 =	vadd.f32 v19, v20;
	v20 =	vmul.f32 v22, v21  }
0x437: {  	v18 =	vand.u32 $0xFFFF0000, v18;
	v21 =	vand.u32 $0xFFFF0000, v23  }
0x438: {  	v18 =	vmul.f32 v18, v21;
	v19 =	vadd.f32 v20, v19;
	_ =	sdelay $0x1  }
0x439: {  	v18 =	vadd.f32 v19, v18;
	_ =	sdelay $0x1  }
0x43a: {  	v18 =	vmul.f32 $1.767766920e-01, v18;
	_ =	sdelay $0x1  }
0x43b: {  	v18 =	vmul.f32 $1.442695020e+00, v18;
	_ =	sdelay $0x1  }
.Ltmp7:
0x43c: {  	(erf) = vpow2.f32 v18;
	(pc) =	sbr.rel @p5 .LBB2_12-.Ltmp7, $3  }
0x43d: {  	_ =	sdelay $0x1  }
0x43e: {  	v18 =	vmov s16  }
0x43f: {  	s16 =	sadd.s32 $0x1, s16;
	v18 =	vshll.u32 v18, $0x7  }
0x440: {  	v18 =	vadd.s32 v15, v18  }
0x441: {  	v19 =	vor.u32 v0, v18;
	_ =	sdelay $0x2  }
0x442: {  	s12 =	sadd.s32 $0x10, s12;
	v20 =	vpop (erf)  }
0x443: {  	v21 =	vor.u32 v1, v18;
	[tilespmem:s12+$0x0] =	vst v20  }
0x444: {  	v20 =	vld.idx.msk [tilespmem:v19+s26+$0x0], $0xffff  }
0x445: {  	v19 =	vld.idx.msk [tilespmem:v19+s29+$0x0], $0xffff;
	_ =	sdelay $0x1  }
0x446: {  	v22 =	vor.u32 v2, v18  }
0x447: {  	v23 =	vld.idx.msk [tilespmem:v21+s26+$0x0], $0xffff  }
0x448: {  	v21 =	vld.idx.msk [tilespmem:v21+s29+$0x0], $0xffff  }
0x449: {  	v24 =	vshll.u32 v20, $0x10;
	v25 =	vshll.u32 v19, $0x10  }
0x44a: {  	v26 =	vor.u32 v3, v18;
	v24 =	vmul.f32 v25, v24  }
0x44b: {  	v52 =	vld.idx.msk [tilespmem:v22+s26+$0x0], $0xffff;
	v20 =	vand.u32 $0xFFFF0000, v20;
	v19 =	vand.u32 $0xFFFF0000, v19  }
0x44c: {  	v22 =	vld.idx.msk [tilespmem:v22+s29+$0x0], $0xffff;
	v19 =	vmul.f32 v19, v20;
	v24 =	vadd.f32 $0.0e+00, v24  }
0x44d: {  	v53 =	vshll.u32 v23, $0x10;
	v27 =	vshll.u32 v21, $0x10  }
0x44e: {  	v28 =	vor.u32 v4, v18;
	v20 =	vmul.f32 v27, v53;
	v19 =	vadd.f32 v24, v19  }
0x44f: {  	v54 =	vld.idx.msk [tilespmem:v26+s26+$0x0], $0xffff;
	v23 =	vand.u32 $0xFFFF0000, v23;
	v21 =	vand.u32 $0xFFFF0000, v21  }
0x450: {  	v26 =	vld.idx.msk [tilespmem:v26+s29+$0x0], $0xffff;
	v55 =	vmul.f32 v21, v23;
	v19 =	vadd.f32 v20, v19  }
0x451: {  	v56 =	vshll.u32 v52, $0x10;
	v57 =	vshll.u32 v22, $0x10  }
0x452: {  	v58 =	vor.u32 v5, v18;
	v59 =	vmul.f32 v57, v56;
	v19 =	vadd.f32 v19, v55  }
0x453: {  	v60 =	vld.idx.msk [tilespmem:v28+s26+$0x0], $0xffff;
	v61 =	vand.u32 $0xFFFF0000, v52;
	v22 =	vand.u32 $0xFFFF0000, v22  }
0x454: {  	v62 =	vld.idx.msk [tilespmem:v28+s29+$0x0], $0xffff;
	v63 =	vmul.f32 v22, v61;
	v19 =	vadd.f32 v59, v19  }
0x455: {  	v32 =	vshll.u32 v54, $0x10;
	v33 =	vshll.u32 v26, $0x10  }
0x456: {  	v34 =	vor.u32 v6, v18;
	v35 =	vmul.f32 v33, v32;
	v19 =	vadd.f32 v19, v63  }
0x457: {  	v36 =	vld.idx.msk [tilespmem:v58+s26+$0x0], $0xffff;
	v37 =	vand.u32 $0xFFFF0000, v54;
	v38 =	vand.u32 $0xFFFF0000, v26  }
0x458: {  	v39 =	vld.idx.msk [tilespmem:v58+s29+$0x0], $0xffff;
	v40 =	vmul.f32 v38, v37;
	v19 =	vadd.f32 v35, v19  }
0x459: {  	v41 =	vshll.u32 v60, $0x10;
	v42 =	vshll.u32 v62, $0x10  }
0x45a: {  	v43 =	vor.u32 v7, v18;
	v44 =	vmul.f32 v42, v41;
	v19 =	vadd.f32 v19, v40  }
0x45b: {  	v45 =	vld.idx.msk [tilespmem:v34+s26+$0x0], $0xffff;
	v46 =	vand.u32 $0xFFFF0000, v62;
	v21 =	vand.u32 $0xFFFF0000, v60  }
0x45c: {  	v47 =	vld.idx.msk [tilespmem:v34+s29+$0x0], $0xffff;
	v48 =	vmul.f32 v46, v21;
	v19 =	vadd.f32 v44, v19  }
0x45d: {  	v49 =	vshll.u32 v36, $0x10;
	v50 =	vshll.u32 v39, $0x10  }
0x45e: {  	v51 =	vor.u32 v9, v18;
	v52 =	vmul.f32 v50, v49;
	v19 =	vadd.f32 v19, v48  }
0x45f: {  	v54 =	vand.u32 $0xFFFF0000, v39;
	v53 =	vld.idx.msk [tilespmem:v43+s26+$0x0], $0xffff;
	v22 =	vand.u32 $0xFFFF0000, v36  }
0x460: {  	v56 =	vmul.f32 v54, v22;
	v55 =	vld.idx.msk [tilespmem:v43+s29+$0x0], $0xffff;
	v19 =	vadd.f32 v52, v19  }
0x461: {  	v58 =	vshll.u32 v47, $0x10;
	v57 =	vshll.u32 v45, $0x10  }
0x462: {  	v60 =	vmul.f32 v58, v57;
	v59 =	vor.u32 v10, v18;
	v19 =	vadd.f32 v19, v56  }
0x463: {  	v62 =	vand.u32 $0xFFFF0000, v47;
	v61 =	vld.idx.msk [tilespmem:v51+s26+$0x0], $0xffff;
	v23 =	vand.u32 $0xFFFF0000, v45  }
0x464: {  	v32 =	vmul.f32 v62, v23;
	v63 =	vld.idx.msk [tilespmem:v51+s29+$0x0], $0xffff;
	v19 =	vadd.f32 v60, v19  }
0x465: {  	v33 =	vshll.u32 v53, $0x10;
	v34 =	vshll.u32 v55, $0x10  }
0x466: {  	v35 =	vor.u32 v11, v18;
	v36 =	vmul.f32 v34, v33;
	v19 =	vadd.f32 v19, v32  }
0x467: {  	v21 =	vand.u32 $0xFFFF0000, v53;
	v38 =	vand.u32 $0xFFFF0000, v55;
	v37 =	vld.idx.msk [tilespmem:v59+s26+$0x0], $0xffff  }
0x468: {  	v39 =	vld.idx.msk [tilespmem:v59+s29+$0x0], $0xffff;
	v40 =	vmul.f32 v38, v21;
	v19 =	vadd.f32 v36, v19  }
0x469: {  	v41 =	vshll.u32 v61, $0x10;
	v42 =	vshll.u32 v63, $0x10  }
0x46a: {  	v43 =	vor.u32 v12, v18;
	v44 =	vmul.f32 v42, v41;
	v19 =	vadd.f32 v19, v40  }
0x46b: {  	v22 =	vand.u32 $0xFFFF0000, v61;
	v46 =	vand.u32 $0xFFFF0000, v63;
	v45 =	vld.idx.msk [tilespmem:v35+s26+$0x0], $0xffff  }
0x46c: {  	v47 =	vld.idx.msk [tilespmem:v35+s29+$0x0], $0xffff;
	v48 =	vmul.f32 v46, v22;
	v19 =	vadd.f32 v44, v19  }
0x46d: {  	v49 =	vshll.u32 v37, $0x10;
	v50 =	vshll.u32 v39, $0x10  }
0x46e: {  	v51 =	vor.u32 v13, v18;
	v52 =	vmul.f32 v50, v49;
	v19 =	vadd.f32 v19, v48  }
0x46f: {  	v53 =	vld.idx.msk [tilespmem:v43+s26+$0x0], $0xffff;
	v23 =	vand.u32 $0xFFFF0000, v37;
	v54 =	vand.u32 $0xFFFF0000, v39  }
0x470: {  	v55 =	vld.idx.msk [tilespmem:v43+s29+$0x0], $0xffff;
	v56 =	vmul.f32 v54, v23;
	v19 =	vadd.f32 v52, v19  }
0x471: {  	v57 =	vshll.u32 v45, $0x10;
	v58 =	vshll.u32 v47, $0x10  }
0x472: {  	v59 =	vor.u32 v14, v18;
	v60 =	vmul.f32 v58, v57;
	v19 =	vadd.f32 v19, v56  }
0x473: {  	v61 =	vld.idx.msk [tilespmem:v51+s26+$0x0], $0xffff;
	v21 =	vand.u32 $0xFFFF0000, v45;
	v62 =	vand.u32 $0xFFFF0000, v47  }
0x474: {  	v63 =	vld.idx.msk [tilespmem:v51+s29+$0x0], $0xffff;
	v32 =	vmul.f32 v62, v21;
	v19 =	vadd.f32 v60, v19  }
0x475: {  	v33 =	vshll.u32 v53, $0x10;
	v34 =	vshll.u32 v55, $0x10  }
0x476: {  	v35 =	vor.u32 v16, v18;
	v36 =	vmul.f32 v34, v33;
	v19 =	vadd.f32 v19, v32  }
0x477: {  	v38 =	vand.u32 $0xFFFF0000, v55;
	v37 =	vld.idx.msk [tilespmem:v59+s26+$0x0], $0xffff;
	v22 =	vand.u32 $0xFFFF0000, v53  }
0x478: {  	v39 =	vld.idx.msk [tilespmem:v59+s29+$0x0], $0xffff;
	v40 =	vmul.f32 v38, v22;
	v19 =	vadd.f32 v36, v19  }
0x479: {  	v41 =	vshll.u32 v61, $0x10;
	v42 =	vshll.u32 v63, $0x10  }
0x47a: {  	v18 =	vor.u32 v17, v18;
	v43 =	vmul.f32 v42, v41;
	v19 =	vadd.f32 v19, v40  }
0x47b: {  	v23 =	vand.u32 $0xFFFF0000, v61;
	v45 =	vand.u32 $0xFFFF0000, v63;
	v46 =	vld.idx.msk [tilespmem:v35+s29+$0x0], $0xffff  }
0x47c: {  	v47 =	vmul.f32 v45, v23;
	v44 =	vld.idx.msk [tilespmem:v35+s26+$0x0], $0xffff;
	v19 =	vadd.f32 v43, v19  }
0x47d: {  	v49 =	vshll.u32 v39, $0x10;
	v48 =	vshll.u32 v37, $0x10  }
0x47e: {  	v50 =	vmul.f32 v49, v48;
	v19 =	vadd.f32 v19, v47  }
0x47f: {  	v51 =	vld.idx.msk [tilespmem:v18+s26+$0x0], $0xffff;
	v21 =	vand.u32 $0xFFFF0000, v37;
	v52 =	vand.u32 $0xFFFF0000, v39  }
0x480: {  	v18 =	vld.idx.msk [tilespmem:v18+s29+$0x0], $0xffff;
	v53 =	vmul.f32 v52, v21;
	v19 =	vadd.f32 v50, v19  }
0x481: {  	v55 =	vshll.u32 v46, $0x10;
	v54 =	vshll.u32 v44, $0x10  }
0x482: {  	v56 =	vmul.f32 v55, v54;
	v19 =	vadd.f32 v19, v53  }
0x483: {  	v58 =	vand.u32 $0xFFFF0000, v46;
	v57 =	vand.u32 $0xFFFF0000, v44  }
0x484: {  	v59 =	vmul.f32 v58, v57;
	v19 =	vadd.f32 v56, v19  }
0x485: {  	v61 =	vshll.u32 v18, $0x10;
	v60 =	vshll.u32 v51, $0x10  }
0x486: {  	v62 =	vmul.f32 v61, v60;
	v19 =	vadd.f32 v19, v59  }
0x487: {  	v63 =	vand.u32 $0xFFFF0000, v51;
	v18 =	vand.u32 $0xFFFF0000, v18  }
0x488: {  	v18 =	vmul.f32 v18, v63;
	v19 =	vadd.f32 v62, v19;
	_ =	sdelay $0x1  }
0x489: {  	v18 =	vadd.f32 v19, v18;
	_ =	sdelay $0x1  }
0x48a: {  	v18 =	vmul.f32 $1.767766920e-01, v18;
	_ =	sdelay $0x1  }
0x48b: {  	v18 =	vmul.f32 $1.442695020e+00, v18;
	_ =	sdelay $0x1  }
0x48c: {  	(erf) = vpow2.f32 v18;
	_ =	sdelay $0x8  }
0x48d: {  	s12 =	sadd.s32 $0x10, s12;
	v18 =	vpop (erf)  }
0x48e: {  	s23 =	rddreg [dreg:$0xd];
	[tilespmem:s12+$0x0] =	vst v18  }
0x48f: {  	[hbm4b:s23+s7] =	stream.linear.scatter [tilespmem:s10], [sflag:$0x4], $0x2080, $0x38;
	[tilespmem:$0x129A8] =	vst v63  }
0x490: {  	s16 =	simm.s32 $0x3890  }
0x491: {  	[spmem:s5] =	stream.indirect.scatter.add.f32 [tilespmem:s10], [sflag:$0x3], $0x10, s16, s25, $0xb8;
	[tilespmem:$0x129A8] =	vst v63  }
0x492: {  	s17 =	simm.s32 $0xDD18;
	s16 =	simm.s32 $0x38B8  }
0x493: {  	[spmem:s5] =	stream.indirect.scatter.add.f32 [tilespmem:s17], [sflag:$0x3], $0x10, s16, s25, $0xb8;
	[tilespmem:$0x129A8] =	vst v63  }
0x494: {  	s18 =	simm.s32 $0xDF98;
	s19 =	simm.s32 $0x38E0  }
0x495: {  	[spmem:s5] =	stream.indirect.scatter.add.f32 [tilespmem:s18], [sflag:$0x3], $0x10, s19, s25, $0xb8;
	[tilespmem:$0x129A8] =	vst v63  }
0x496: {  	s20 =	simm.s32 $0xE218;
	s21 =	simm.s32 $0x3908  }
0x497: {  	[spmem:s5] =	stream.indirect.scatter.add.f32 [tilespmem:s20], [sflag:$0x3], $0x10, s21, s25, $0xb8;
	[tilespmem:$0x129A8] =	vst v63  }
0x498: {  	s22 =	simm.s32 $0xE498;
	s23 =	simm.s32 $0x3930  }
0x499: {  	[spmem:s5] =	stream.indirect.scatter.add.f32 [tilespmem:s22], [sflag:$0x3], $0x10, s23, s25, $0xb8;
	[tilespmem:$0x129A8] =	vst v63  }
0x49a: {  	s16 =	simm.s32 $0xE718;
	s17 =	simm.s32 $0x3958  }
0x49b: {  	[spmem:s5] =	stream.indirect.scatter.add.f32 [tilespmem:s16], [sflag:$0x3], $0x10, s17, s25, $0xb8;
	[tilespmem:$0x129A8] =	vst v63  }
0x49c: {  	s18 =	simm.s32 $0xE998;
	s19 =	simm.s32 $0x3980  }
0x49d: {  	[spmem:s5] =	stream.indirect.scatter.add.f32 [tilespmem:s18], [sflag:$0x3], $0x10, s19, s25, $0xb8;
	[tilespmem:$0x129A8] =	vst v63  }
0x49e: {  	s20 =	simm.s32 $0xEC18;
	s21 =	simm.s32 $0x39A8  }
0x49f: {  	[spmem:s5] =	stream.indirect.scatter.add.f32 [tilespmem:s20], [sflag:$0x3], $0x10, s21, s25, $0xb8;
	[tilespmem:$0x129A8] =	vst v63  }
0x4a0: {  	s22 =	simm.s32 $0xEE98;
	s23 =	simm.s32 $0x39D0  }
0x4a1: {  	[spmem:s5] =	stream.indirect.scatter.add.f32 [tilespmem:s22], [sflag:$0x3], $0x10, s23, s25, $0xb8;
	[tilespmem:$0x129A8] =	vst v63  }
0x4a2: {  	s16 =	simm.s32 $0xF118;
	s17 =	simm.s32 $0x39F8  }
0x4a3: {  	[spmem:s5] =	stream.indirect.scatter.add.f32 [tilespmem:s16], [sflag:$0x3], $0x10, s17, s25, $0xb8;
	[tilespmem:$0x129A8] =	vst v63  }
0x4a4: {  	s18 =	simm.s32 $0xF398;
	s19 =	simm.s32 $0x3A20  }
0x4a5: {  	[spmem:s5] =	stream.indirect.scatter.add.f32 [tilespmem:s18], [sflag:$0x3], $0x10, s19, s25, $0xb8;
	[tilespmem:$0x129A8] =	vst v63  }
0x4a6: {  	s20 =	simm.s32 $0xF618;
	s21 =	simm.s32 $0x3A48  }
0x4a7: {  	[spmem:s5] =	stream.indirect.scatter.add.f32 [tilespmem:s20], [sflag:$0x3], $0x10, s21, s25, $0xb8;
	[tilespmem:$0x129A8] =	vst v63  }
0x4a8: {  	s22 =	simm.s32 $0x3A70  }
0x4a9: {  	[spmem:s5] =	stream.indirect.scatter.add.f32 [tilespmem:s3], [sflag:$0x3], $0x10, s22, s25, $0xb8;
	[tilespmem:$0x129A8] =	vst v63  }
0x4aa: {  	_ =	swait.ge [sflag:s11], $0x2080  }
0x4ab: {  	[sflag:s11] =	ssyncset.done $0x0  }
0x4ac: {  	[sflag:s11] =	ssyncadd.s32 $0xFFFFDF80  }
0x4ad: {  	_ =	swait.ge [sflag:s15], $0x280  }
0x4ae: {  	[sflag:s15] =	ssyncset.done $0x0  }
0x4af: {  	[sflag:s15] =	ssyncadd.s32 $0xFFFFFD80  }
0x4b0: {  	_ =	swait.ge [sflag:s15], $0x280  }
0x4b1: {  	[sflag:s15] =	ssyncset.done $0x0  }
0x4b2: {  	[sflag:s15] =	ssyncadd.s32 $0xFFFFFD80  }
0x4b3: {  	_ =	swait.ge [sflag:s15], $0x280  }
0x4b4: {  	[sflag:s15] =	ssyncset.done $0x0  }
0x4b5: {  	[sflag:s15] =	ssyncadd.s32 $0xFFFFFD80  }
0x4b6: {  	_ =	swait.ge [sflag:s15], $0x280  }
0x4b7: {  	[sflag:s15] =	ssyncset.done $0x0  }
0x4b8: {  	[sflag:s15] =	ssyncadd.s32 $0xFFFFFD80  }
0x4b9: {  	_ =	swait.ge [sflag:s15], $0x280  }
0x4ba: {  	[sflag:s15] =	ssyncset.done $0x0  }
0x4bb: {  	[sflag:s15] =	ssyncadd.s32 $0xFFFFFD80  }
0x4bc: {  	_ =	swait.ge [sflag:s15], $0x280  }
0x4bd: {  	[sflag:s15] =	ssyncset.done $0x0  }
0x4be: {  	[sflag:s15] =	ssyncadd.s32 $0xFFFFFD80  }
0x4bf: {  	_ =	swait.ge [sflag:s15], $0x280  }
0x4c0: {  	[sflag:s15] =	ssyncset.done $0x0  }
0x4c1: {  	[sflag:s15] =	ssyncadd.s32 $0xFFFFFD80  }
0x4c2: {  	_ =	swait.ge [sflag:s15], $0x280  }
0x4c3: {  	[sflag:s15] =	ssyncset.done $0x0  }
0x4c4: {  	[sflag:s15] =	ssyncadd.s32 $0xFFFFFD80  }
0x4c5: {  	_ =	swait.ge [sflag:s15], $0x280  }
0x4c6: {  	[sflag:s15] =	ssyncset.done $0x0  }
0x4c7: {  	[sflag:s15] =	ssyncadd.s32 $0xFFFFFD80  }
0x4c8: {  	_ =	swait.ge [sflag:s15], $0x280  }
0x4c9: {  	[sflag:s15] =	ssyncset.done $0x0  }
0x4ca: {  	[sflag:s15] =	ssyncadd.s32 $0xFFFFFD80  }
0x4cb: {  	_ =	swait.ge [sflag:s15], $0x280  }
0x4cc: {  	[sflag:s15] =	ssyncset.done $0x0  }
0x4cd: {  	[sflag:s15] =	ssyncadd.s32 $0xFFFFFD80  }
0x4ce: {  	_ =	swait.ge [sflag:s15], $0x280  }
0x4cf: {  	[sflag:s15] =	ssyncset.done $0x0  }
0x4d0: {  	[sflag:s15] =	ssyncadd.s32 $0xFFFFFD80  }
0x4d1: {  	_ =	swait.ge [sflag:s15], $0x280  }
0x4d2: {  	[sflag:s15] =	ssyncset.done $0x0  }
0x4d3: {  	[sflag:s15] =	ssyncadd.s32 $0xFFFFFD80  }
0x4d4: {  	[bflag:$0x0] =	sbarrier.arrive $0xFFFF  }
0x4d5: {  	s12 =	simm.s32 @p0 $0xDA98;
	s21 =	rddreg [dreg:$0xc]  }
0x4d6: {  	[tilespmem:s12], [sflag:$0x5] =	stream.linear.gather @p0 [spmem:s21], $0x2800, $0x38;
	[tilespmem:$0x129A8] =	vst v63  }
0x4d7: {  	s12 =	simm.s32 @p0 $0x5  }
0x4d8: {  	_ =	swait.ge @p0 [sflag:s12], $0x2800  }
0x4d9: {  	s16 =	simm.s32 @!p1 $0xDA98;
	[sflag:s12] =	ssyncset.done @p0 $0x0  }
0x4da: {  	s17 =	rddreg [dreg:$0x12];
	[sflag:s12] =	ssyncadd.s32 @p0 $0xFFFFD800;
	s12 =	simm.s32 @!p1 $0x0  }
0x4db: {  	[hbm4b:s17+s12] =	stream.linear.scatter @!p1 [tilespmem:s16], [sflag:$0x5], $0x2800, $0x38;
	[tilespmem:$0x129A8] =	vst v63  }
0x4dc: {  	s12 =	simm.s32 @!p1 $0x5  }
0x4dd: {  	_ =	swait.ge @!p1 [sflag:s12], $0x2800  }
0x4de: {  	s16 =	simm.s32 @!p2 $0xDA98;
	[sflag:s12] =	ssyncset.done @!p1 $0x0  }
0x4df: {  	s17 =	rddreg [dreg:$0x11];
	[sflag:s12] =	ssyncadd.s32 @!p1 $0xFFFFD800;
	s12 =	simm.s32 @!p2 $0x0  }
0x4e0: {  	[hbm4b:s17+s12] =	stream.linear.scatter @!p2 [tilespmem:s16], [sflag:$0x5], $0x2800, $0x38;
	[tilespmem:$0x129A8] =	vst v63  }
0x4e1: {  	s12 =	simm.s32 @!p2 $0x5  }
0x4e2: {  	_ =	swait.ge @!p2 [sflag:s12], $0x2800  }
0x4e3: {  	[sflag:s12] =	ssyncset.done @!p2 $0x0  }
0x4e4: {  	s16 =	rddreg [dreg:$0xe];
	[sflag:s12] =	ssyncadd.s32 @!p2 $0xFFFFD800;
	s12 =	simm.s32 @!p0 $0xDA98  }
0x4e5: {  	[tilespmem:s12], [sflag:$0x5] =	stream.linear.gather @!p0 [spmem:s16], $0x2700, $0x38;
	[tilespmem:$0x129A8] =	vst v63  }
0x4e6: {  	s12 =	simm.s32 @!p0 $0x5  }
0x4e7: {  	_ =	swait.ge @!p0 [sflag:s12], $0x2700  }
0x4e8: {  	s16 =	simm.s32 @!p3 $0xDA98;
	[sflag:s12] =	ssyncset.done @!p0 $0x0  }
0x4e9: {  	s17 =	rddreg [dreg:$0x10];
	[sflag:s12] =	ssyncadd.s32 @!p0 $0xFFFFD900;
	s12 =	simm.s32 @!p3 $0x0  }
0x4ea: {  	[hbm4b:s17+s12] =	stream.linear.scatter @!p3 [tilespmem:s16], [sflag:$0x5], $0x2700, $0x38;
	[tilespmem:$0x129A8] =	vst v63  }
0x4eb: {  	s12 =	simm.s32 @!p3 $0x5  }
0x4ec: {  	_ =	swait.ge @!p3 [sflag:s12], $0x2700  }
0x4ed: {  	s16 =	simm.s32 @!p4 $0xDA98;
	[sflag:s12] =	ssyncset.done @!p3 $0x0  }
0x4ee: {  	s17 =	rddreg [dreg:$0xf];
	[sflag:s12] =	ssyncadd.s32 @!p3 $0xFFFFD900;
	s12 =	simm.s32 @!p4 $0x0  }
0x4ef: {  	[hbm4b:s17+s12] =	stream.linear.scatter @!p4 [tilespmem:s16], [sflag:$0x5], $0x2700, $0x38;
	[tilespmem:$0x129A8] =	vst v63  }
0x4f0: {  	s12 =	simm.s32 @!p4 $0x5  }
0x4f1: {  	_ =	swait.ge @!p4 [sflag:s12], $0x2700  }
0x4f2: {  	s18 =	rddreg [dreg:$0x14]  }
0x4f3: {  	s23 =	rddreg [dreg:$0x13];
	s18 =	sadd.s32 $0x1, s18  }
0x4f4: {  	p5 =	sne.s32 s18, s23  }
.Ltmp8:
0x4f5: {  	_ = 	snop;
	(pc) =	sbr.rel @p5 .LBB2_1-.Ltmp8, $3  }
0x4f6: {  	_ =	sdelay $0x1  }
0x4f7: {  	[sflag:s12] =	ssyncset.done @!p4 $0x0  }
0x4f8: {  	s17 =	simm.s32 $0x1388;
	[sflag:s12] =	ssyncadd.s32 @!p4 $0xFFFFD900  }
0x4f9: {  	_ =	sfence.sel $0x180000  }
0x4fa: {  	[bflag:$0x0] =	sbarrier.arrive $0xFFFF  }
0x4fb: {  	_ =	strace $0x90000047  }
0x4fc: {  	s0 =	stileid.u32;
	[bflag:$0x2] =	sbarrier.arrive $0xFFFF  }
0x4fd: {  	p0 =	sne.s32 s0, $0x0;
	s0 =	rddreg [dreg:$0x7]  }
0x4fe: {  	s0 =	sadd.s32 @!p0 $0x100000, s0  }
0x4ff: {  	[sflag:s0] =	ssyncadd.tile.s32 @!p0 $0x1;
	_ =	shalt  }
.Lfunc_end2:
_tile_overlayer_lowered:
.L_overlay_start_2:
0x500: {  	(tag) =	ssettag $0x2  }
0x501: {  	s0 =	rddreg [dreg:$0x0];
	s2 =	stileid.u32  }
0x502: {  	s1 =	rddreg [dreg:$0x1];
	p0 =	sne.s32 s2, $0x0  }
0x503: {  	s3 =	rddreg [dreg:$0x2];
	[bflag:$0x3] =	sbarrier.arrive $0xFFFF;
	s2 =	simm.s32 @!p0 $0x1C05  }
0x504: {  	[timem:s3], [sflag:s2] =	dma.local @!p0 [hbm:s0], s1  }
0x505: {  	s0 =	simm.s32 @!p0 $0x5  }
0x506: {  	_ =	swait.ge @!p0 [sflag:s0], s1  }
0x507: {  	s1 =	ssub.s32 @!p0 $0x0, s1;
	[sflag:s0] =	ssyncset.done @!p0 $0x0  }
0x508: {  	[sflag:s0] =	ssyncadd.s32 @!p0 s1  }
0x509: {  	[bflag:$0x3] =	sbarrier.arrive $0xFFFF  }
0x50a: {  	_ =	shalt  }

</sc_bundles>
